<compile_context>
chip_gen: v7x
topology: tpu7x:2x2x1
jax: 0.10.2.dev20260603
libtpu: 0.0.44.dev20260713+nightly
codegen_flags: <defaults>
</compile_context>

<pallas_src>
import functools

import jax
import jax.numpy as jnp
from jax import lax
from jax.experimental import pallas as pl
from jax.experimental.pallas import tpu as pltpu
from jax.experimental.pallas import tpu_sc as plsc




def _enc_body(x_ref, w_ref, o_ref):
    r = jnp.dot(x_ref[...], w_ref[...], preferred_element_type=jnp.float32)
    r = jnp.maximum(r, 0.0)
    n = jnp.sqrt(jnp.sum(r * r, axis=1, keepdims=True))
    o_ref[...] = r / jnp.maximum(n, 1e-12)


def _encode(x, w, blk):
    n, d = x.shape
    emb = w.shape[1]
    return pl.pallas_call(
        _enc_body,
        grid=(n // blk,),
        in_specs=[
            pl.BlockSpec((blk, d), lambda i: (i, 0)),
            pl.BlockSpec((d, emb), lambda i: (0, 0)),
        ],
        out_specs=pl.BlockSpec((blk, emb), lambda i: (i, 0)),
        out_shape=jax.ShapeDtypeStruct((n, emb), jnp.float32),
    )(x, w)


def _xform(hv, agg, w2, w3, wl, bl):
    emb = w2.shape[0]
    dn = (((1,), (1,)), ((), ()))
    t1 = jnp.dot(hv, w2, preferred_element_type=jnp.float32)
    t2 = jnp.dot(agg, w3, preferred_element_type=jnp.float32)
    y = lax.dot_general(t1, wl[:, :emb], dn,
                        preferred_element_type=jnp.float32)
    y = y + lax.dot_general(t2, wl[:, emb:], dn,
                            preferred_element_type=jnp.float32)
    y = jnp.maximum(y + bl, 0.0)
    n = jnp.sqrt(jnp.sum(y * y, axis=1, keepdims=True))
    return y / jnp.maximum(n, 1e-12)


def _layer_body(h_ref, p0_ref, p1_ref, w2_ref, w3_ref, wl_ref, bl_ref,
                o_ref):
    o_ref[...] = _xform(h_ref[...], p0_ref[...] + p1_ref[...],
                        w2_ref[...], w3_ref[...], wl_ref[...], bl_ref[...])


def _layer(h, p0, p1, w2, w3, wl, bl2, blk):
    n, emb = h.shape
    return pl.pallas_call(
        _layer_body,
        grid=(n // blk,),
        in_specs=[
            pl.BlockSpec((blk, emb), lambda i: (i, 0)),
            pl.BlockSpec((blk, emb), lambda i: (i, 0)),
            pl.BlockSpec((blk, emb), lambda i: (i, 0)),
            pl.BlockSpec((emb, emb), lambda i: (0, 0)),
            pl.BlockSpec((emb, emb), lambda i: (0, 0)),
            pl.BlockSpec((emb, 2 * emb), lambda i: (0, 0)),
            pl.BlockSpec((1, emb), lambda i: (0, 0)),
        ],
        out_specs=pl.BlockSpec((blk, emb), lambda i: (i, 0)),
        out_shape=jax.ShapeDtypeStruct((n, emb), jnp.float32),
    )(h, p0, p1, w2, w3, wl, bl2)


def _dec_body(ah_ref, ap0_ref, ap1_ref, hs_ref, ps0_ref, ps1_ref,
              w2_ref, w3_ref, wl_ref, bl_ref, w4_ref, w5_ref, q_ref):
    w2 = w2_ref[...]
    w3 = w3_ref[...]
    wl = wl_ref[...]
    bl = bl_ref[...]

    za = _xform(ah_ref[...], ap0_ref[...] + ap1_ref[...], w2, w3, wl, bl)
    zs = _xform(hs_ref[...], ps0_ref[...] + ps1_ref[...], w2, w3, wl, bl)

    blk, emb = za.shape
    outer = za[:, :, None] * zs[:, None, :]
    t = jnp.dot(outer.reshape(blk * emb, emb), w4_ref[...],
                preferred_element_type=jnp.float32).reshape(blk, emb)
    q_ref[...] = jnp.dot(jnp.maximum(t, 0.0), w5_ref[...],
                         preferred_element_type=jnp.float32)


def _decode(ah, ap0, ap1, hs, ps0, ps1, w2, w3, wl, bl2, w4, w5):
    b, emb = ah.shape
    blk = 32
    bs = pl.BlockSpec((blk, emb), lambda i: (i, 0))
    ws = pl.BlockSpec((emb, emb), lambda i: (0, 0))
    return pl.pallas_call(
        _dec_body,
        grid=(b // blk,),
        in_specs=[bs, bs, bs, bs, bs, bs, ws, ws,
                  pl.BlockSpec((emb, 2 * emb), lambda i: (0, 0)),
                  pl.BlockSpec((1, emb), lambda i: (0, 0)),
                  pl.BlockSpec((emb, 1), lambda i: (0, 0)),
                  pl.BlockSpec((emb, 1), lambda i: (0, 0))],
        out_specs=pl.BlockSpec((blk, 1), lambda i: (i, 0)),
        out_shape=jax.ShapeDtypeStruct((b, 1), jnp.float32),
    )(ah, ap0, ap1, hs, ps0, ps1, w2, w3, wl, bl2, w4, w5)



_K = 80
_NBUF = 3


@functools.lru_cache(maxsize=None)
def _make_sc_agg(n, emb, e, b, m):
    info = plsc.get_sparse_core_info()
    nc, ns = info.num_cores, info.num_subcores
    nw = nc * ns
    epw = e // nw
    mpw = m // nw
    bpw = b // nw
    bps = b // ns
    nec = epw // _K
    nmc = mpw // _K
    rpt = 8 * _K
    np_ = ns * rpt
    assert epw % _K == 0 and mpw % _K == 0 and np_ >= n
    assert b % (8 * nw) == 0 and bps % 8 == 0
    assert nec > 2 * _NBUF

    mesh = plsc.VectorSubcoreMesh(core_axis_name="c", subcore_axis_name="s")

    @functools.partial(
        pl.kernel,
        out_type=[
            jax.ShapeDtypeStruct((np_, emb), jnp.float32),
            jax.ShapeDtypeStruct((np_, emb), jnp.float32),
            jax.ShapeDtypeStruct((b, emb), jnp.float32),
            jax.ShapeDtypeStruct((b, emb), jnp.float32),
            jax.ShapeDtypeStruct((b, emb), jnp.float32),
            jax.ShapeDtypeStruct((b, emb), jnp.float32),
            jax.ShapeDtypeStruct((b, emb), jnp.float32),
        ],
        mesh=mesh,
        scratch_types=[
            pltpu.VMEM_SHARED((np_, emb), jnp.float32),
            pltpu.VMEM_SHARED((b, emb), jnp.float32),
            pltpu.VMEM((16, emb), jnp.float32),
            pltpu.VMEM((epw,), jnp.int32),
            [pltpu.VMEM((_K,), jnp.int32)] * _NBUF,
            [pltpu.VMEM((_K,), jnp.int32)] * _NBUF,
            [pltpu.VMEM((_K, emb), jnp.float32)] * _NBUF,
            pltpu.VMEM((bpw,), jnp.int32),
            pltpu.VMEM((bps,), jnp.int32),
            [pltpu.SemaphoreType.DMA] * _NBUF,
            pltpu.SemaphoreType.DMA,
        ],
    )
    def sc_agg(h, row, col, bnr, bnc, act,
               p0, p1, ps0, ps1, act_h, act_p0, act_p1,
               acc, acc_s, zbuf, cidx, cbuf, idxr, rows, aidx, aidx2,
               gsem, sem):
        c = lax.axis_index("c")
        s = lax.axis_index("s")
        wid = s * nc + c

        pltpu.sync_copy(col.at[pl.ds(wid * epw, epw)], cidx)

        def fill_cbuf(ch, bidx):
            for j in range(_K // 16):
                off = pl.multiple_of(ch * _K, 16) + j * 16
                cbuf[bidx][pl.ds(j * 16, 16)] = cidx[pl.ds(off, 16)]

        def wait_slot(bidx):
            pltpu.make_async_copy(h.at[cbuf[bidx]], rows[bidx],
                                  gsem[bidx]).wait()
            pltpu.make_async_copy(row.at[pl.ds(0, _K)], idxr[bidx],
                                  gsem[bidx]).wait()

        ebase = wid * epw

        def issue_edge(ch, bidx):
            base = pl.multiple_of(ebase + ch * _K, 8)
            fill_cbuf(ch, bidx)
            pltpu.async_copy(row.at[pl.ds(base, _K)], idxr[bidx], gsem[bidx])
            pltpu.async_copy(h.at[cbuf[bidx]], rows[bidx], gsem[bidx])

        for bidx in range(_NBUF):
            issue_edge(bidx, bidx)

        def zb(i, carry):
            for j in range(emb // 16):
                zbuf[i, pl.ds(j * 16, 16)] = jnp.zeros((16,), jnp.float32)
            return carry
        lax.fori_loop(0, 16, zb, 0)

        def zcp(j, carry):
            pltpu.sync_copy(zbuf, acc.at[pl.ds(s * rpt + j * 16, 16)])
            return carry
        lax.fori_loop(0, rpt // 16, zcp, 0)
        pltpu.sync_copy(zbuf, acc_s.at[pl.ds(s * (b // ns), b // ns)])
        plsc.subcore_barrier()

        nfull = (nec - _NBUF) // _NBUF

        def edge_turn(j, carry):
            for bidx in range(_NBUF):
                ch = j * _NBUF + bidx
                wait_slot(bidx)
                pltpu.sync_copy(rows[bidx], acc.at[idxr[bidx]], add=True)
                issue_edge(ch + _NBUF, bidx)
            return carry
        lax.fori_loop(0, nfull, edge_turn, 0)

        for ch in range(nfull * _NBUF, nec):
            bidx = ch % _NBUF
            wait_slot(bidx)
            pltpu.sync_copy(rows[bidx], acc.at[idxr[bidx]], add=True)
            if ch + _NBUF < nec:
                issue_edge(ch + _NBUF, bidx)

        pltpu.sync_copy(bnc.at[pl.ds(wid * mpw, mpw)],
                        cidx.at[pl.ds(0, mpw)])
        mbase = wid * mpw

        def issue_bn(ch, bidx):
            base = pl.multiple_of(mbase + ch * _K, 8)
            fill_cbuf(ch, bidx)
            pltpu.async_copy(bnr.at[pl.ds(base, _K)], idxr[bidx], gsem[bidx])
            pltpu.async_copy(h.at[cbuf[bidx]], rows[bidx], gsem[bidx])

        for ch in range(min(nmc, _NBUF)):
            issue_bn(ch, ch)
        for ch in range(nmc):
            bidx = ch % _NBUF
            wait_slot(bidx)
            pltpu.sync_copy(rows[bidx], acc_s.at[idxr[bidx]], add=True)
            if ch + _NBUF < nmc:
                issue_bn(ch + _NBUF, bidx)

        abase = wid * bpw
        abuf = rows[1].at[pl.ds(0, bpw)]
        pltpu.sync_copy(act.at[pl.ds(abase, bpw)], aidx)
        pltpu.async_copy(h.at[aidx], abuf, sem).wait()
        pltpu.sync_copy(abuf, act_h.at[pl.ds(abase, bpw)])

        plsc.subcore_barrier()

        @pl.when(c == 0)
        def _():
            pltpu.sync_copy(acc.at[pl.ds(s * rpt, rpt)],
                            p0.at[pl.ds(s * rpt, rpt)])
            pltpu.sync_copy(acc_s.at[pl.ds(s * (b // ns), b // ns)],
                            ps0.at[pl.ds(s * (b // ns), b // ns)])

        @pl.when(c == 1)
        def _():
            pltpu.sync_copy(acc.at[pl.ds(s * rpt, rpt)],
                            p1.at[pl.ds(s * rpt, rpt)])
            pltpu.sync_copy(acc_s.at[pl.ds(s * (b // ns), b // ns)],
                            ps1.at[pl.ds(s * (b // ns), b // ns)])

        plsc.subcore_barrier()

        b2 = s * bps
        abuf2 = rows[2].at[pl.ds(0, bps)]
        pltpu.sync_copy(act.at[pl.ds(b2, bps)], aidx2)

        @pl.when(c == 0)
        def _():
            pltpu.async_copy(p0.at[aidx2], abuf2, sem).wait()
            pltpu.sync_copy(abuf2, act_p0.at[pl.ds(b2, bps)])

        @pl.when(c == 1)
        def _():
            pltpu.async_copy(p1.at[aidx2], abuf2, sem).wait()
            pltpu.sync_copy(abuf2, act_p1.at[pl.ds(b2, bps)])

    return sc_agg




def kernel(action_idx, edge_index, bn_row, bn_col, need_q_for_all,
           input_features, input_feature_s,
           W1, W2, W3, Wl, bl, W4, W5):
    n, d = input_features.shape
    emb = W1.shape[1]
    e = edge_index.shape[1]
    b = input_feature_s.shape[0]
    m = bn_row.shape[0]

    row = edge_index[0]
    col = edge_index[1]
    bl2 = bl.reshape(1, emb)

    sc_agg = _make_sc_agg(n, emb, e, b, m)

    h0 = _encode(input_features, W1, 400)
    h0s = _encode(input_feature_s, W1, b)

    p0, p1, ps0, ps1, _, _, _ = sc_agg(h0, row, col, bn_row, bn_col,
                                       action_idx)
    h1 = _layer(h0, p0, p1, W2, W3, Wl, bl2, 400)
    h1s = _layer(h0s, ps0, ps1, W2, W3, Wl, bl2, b)

    _, _, qs0, qs1, ah, ap0, ap1 = sc_agg(h1, row, col, bn_row, bn_col,
                                          action_idx)
    return _decode(ah, ap0, ap1, h1s, qs0, qs1, W2, W3, Wl, bl2, W4, W5)

# --- scband reference (transcript-rebuilt; emitter-appended) ---
"""Pipeline reference for scband-qnetwork-43404939493632 (READ-ONLY COPY).

The authoritative reference and input builder live on the scoring server;
editing this copy changes nothing except your own understanding.
"""

import jax, jax.numpy as jnp
import numpy as np

N = 10000
D = 128
EMB = 128
E = 320000
B = 256
M = 12800
DEPTH = 2


def _normalize(x):
    # torch.nn.functional.normalize default: p=2, dim=1, eps=1e-12
    n = jnp.linalg.norm(x, axis=1, keepdims=True)
    return x / jnp.maximum(n, 1e-12)


def setup_inputs(seed: int = 0) -> dict:
    key = jax.random.key(seed)
    ks = jax.random.split(key, 16)
    inp = {}
    # forward args (sparse tensors represented as index arrays)
    inp["action_idx"] = jax.random.randint(ks[0], (B,), 0, N)
    inp["edge_index"] = jax.random.randint(ks[1], (2, E), 0, N)
    inp["bn_row"] = jnp.sort(jax.random.randint(ks[2], (M,), 0, B))
    inp["bn_col"] = jax.random.randint(ks[3], (M,), 0, N)
    inp["need_q_for_all"] = 0
    inp["input_features"] = jax.random.normal(ks[4], (N, D), jnp.float32)
    inp["input_feature_s"] = jax.random.normal(ks[5], (B, D), jnp.float32)
    # learned parameters
    inp["W1"] = jax.random.normal(ks[6], (D, EMB), jnp.float32) * 0.05
    inp["W2"] = jax.random.normal(ks[7], (EMB, EMB), jnp.float32) * 0.05
    inp["W3"] = jax.random.normal(ks[8], (EMB, EMB), jnp.float32) * 0.05
    inp["Wl"] = jax.random.normal(ks[9], (EMB, 2 * EMB), jnp.float32) * 0.05  # nn.Linear weight [out, in]
    inp["bl"] = jnp.zeros((EMB,), jnp.float32)
    inp["W4"] = jax.random.normal(ks[10], (EMB, 1), jnp.float32) * 0.05
    inp["W5"] = jax.random.normal(ks[11], (EMB, 1), jnp.float32) * 0.05
    return inp


def reference(action_idx, edge_index, bn_row, bn_col, need_q_for_all,
              input_features, input_feature_s,
              W1, W2, W3, Wl, bl, W4, W5):
    row = edge_index[0]
    col = edge_index[1]
    # Encoding
    h = _normalize(jax.nn.relu(input_features @ W1))
    h_s = _normalize(jax.nn.relu(input_feature_s @ W1))
    for _ in range(DEPTH):
        h_v = h
        h_v_s = h_s
        # sparse.mm(node_node, h_v): row i sums h_v over its neighbor columns
        h_nv = jax.ops.segment_sum(h_v[col], row, num_segments=N)
        # sparse.mm(batch_node, h_v): aggregate NODE embeddings per state row
        h_nv_s = jax.ops.segment_sum(h_v[bn_col], bn_row, num_segments=B)
        h = jax.nn.relu(jnp.concatenate([h_v @ W2, h_nv @ W3], axis=1) @ Wl.T + bl)
        h_s = jax.nn.relu(jnp.concatenate([h_v_s @ W2, h_nv_s @ W3], axis=1) @ Wl.T + bl)
        h = _normalize(h)
        h_s = _normalize(h_s)
    # Decoding, q_for_all == False branch
    Z_a = h[action_idx][:, :, None]        # [B, EMB, 1]  (sparse.mm(actions, node_embedding))
    Z_s = h_s[:, None, :]                  # [B, 1, EMB]
    outer = jnp.matmul(Z_a, Z_s)           # [B, EMB, EMB]
    t = jnp.matmul(outer, W4).reshape(B, EMB)
    Q = jax.nn.relu(t) @ W5                # [B, 1]
    return Q

if __name__ == "__main__":
    import jax
    _d = setup_inputs()
    print(jax.jit(kernel)(*tuple(_d.values())))

</pallas_src>

<mosaic_0001>
#map = affine_map<(d0, d1) -> (0, 0)>
#map1 = affine_map<(d0, d1) -> (0)>
module attributes {stable_mosaic.version = 14 : i64} {
  func.func @sc_agg(%arg0: i32, %arg1: i32, %arg2: memref<10000x128xf32, #tpu.memory_space<hbm>>, %arg3: memref<320000xi32, #tpu.memory_space<hbm>>, %arg4: memref<320000xi32, #tpu.memory_space<hbm>>, %arg5: memref<12800xi32, #tpu.memory_space<hbm>>, %arg6: memref<12800xi32, #tpu.memory_space<hbm>>, %arg7: memref<256xi32, #tpu.memory_space<hbm>>, %arg8: memref<10240x128xf32, #tpu.memory_space<hbm>>, %arg9: memref<10240x128xf32, #tpu.memory_space<hbm>>, %arg10: memref<256x128xf32, #tpu.memory_space<hbm>>, %arg11: memref<256x128xf32, #tpu.memory_space<hbm>>, %arg12: memref<256x128xf32, #tpu.memory_space<hbm>>, %arg13: memref<256x128xf32, #tpu.memory_space<hbm>>, %arg14: memref<256x128xf32, #tpu.memory_space<hbm>>, %arg15: memref<10240x128xf32, #tpu.memory_space<vmem_shared>>, %arg16: memref<256x128xf32, #tpu.memory_space<vmem_shared>>, %arg17: memref<16x128xf32, #tpu.memory_space<vmem>>, %arg18: memref<10000xi32, #tpu.memory_space<vmem>>, %arg19: memref<80xi32, #tpu.memory_space<vmem>>, %arg20: memref<80xi32, #tpu.memory_space<vmem>>, %arg21: memref<80xi32, #tpu.memory_space<vmem>>, %arg22: memref<80xi32, #tpu.memory_space<vmem>>, %arg23: memref<80xi32, #tpu.memory_space<vmem>>, %arg24: memref<80xi32, #tpu.memory_space<vmem>>, %arg25: memref<80x128xf32, #tpu.memory_space<vmem>>, %arg26: memref<80x128xf32, #tpu.memory_space<vmem>>, %arg27: memref<80x128xf32, #tpu.memory_space<vmem>>, %arg28: memref<8xi32, #tpu.memory_space<vmem>>, %arg29: memref<16xi32, #tpu.memory_space<vmem>>, %arg30: memref<!tpu.dma_semaphore, #tpu.memory_space<semaphore_mem>>, %arg31: memref<!tpu.dma_semaphore, #tpu.memory_space<semaphore_mem>>, %arg32: memref<!tpu.dma_semaphore, #tpu.memory_space<semaphore_mem>>, %arg33: memref<!tpu.dma_semaphore, #tpu.memory_space<semaphore_mem>>) attributes {dimension_semantics = [#tpu.dimension_semantics<core_parallel>, #tpu.dimension_semantics<subcore_parallel>], iteration_bounds = array<i64: 2, 16>, scalar_prefetch = 0 : i64, scratch_operands = 19 : i64, tpu.core_type = #tpu.core_type<sc_vector_subcore>, window_params = [{transform_indices = #map}, {transform_indices = #map1}, {transform_indices = #map1}, {transform_indices = #map1}, {transform_indices = #map1}, {transform_indices = #map1}, {transform_indices = #map}, {transform_indices = #map}, {transform_indices = #map}, {transform_indices = #map}, {transform_indices = #map}, {transform_indices = #map}, {transform_indices = #map}]} {
    %mul3A = arith.constant 2 : i32
    %mul3A_0 = arith.muli %arg1, %mul3A : i32
    %add3A = arith.addi %mul3A_0, %arg0 : i32
    %mul3A_1 = arith.constant 10000 : i32
    %mul3A_2 = arith.muli %add3A, %mul3A_1 : i32
    "tpu.region"() ({
      %run_scoped3A = tpu.sem_alloc : memref<!tpu.dma_semaphore, #tpu.memory_space<semaphore_mem>>
      %dma_start3A_758 = tpu.memref_slice %arg4[%mul3A_2] : memref<320000xi32, #tpu.memory_space<hbm>> -> memref<10000xi32, #tpu.memory_space<hbm>>
      %dma_start3A_759 = tpu.memref_slice %arg4[%mul3A_2] : memref<320000xi32, #tpu.memory_space<hbm>> -> memref<10000xi32, #tpu.memory_space<hbm>>
      tpu.enqueue_dma source(%dma_start3A_759 : memref<10000xi32, #tpu.memory_space<hbm>>) target(%arg18 : memref<10000xi32, #tpu.memory_space<vmem>>) target_semaphore(%run_scoped3A : memref<!tpu.dma_semaphore, #tpu.memory_space<semaphore_mem>>)
      %dma_wait3A_760 = tpu.memref_slice %arg4[%mul3A_2] : memref<320000xi32, #tpu.memory_space<hbm>> -> memref<10000xi32, #tpu.memory_space<hbm>>
      %dma_wait3A_761 = tpu.memref_slice %arg4[%mul3A_2] : memref<320000xi32, #tpu.memory_space<hbm>> -> memref<10000xi32, #tpu.memory_space<hbm>>
      tpu.wait_dma2 semaphore(%run_scoped3A : memref<!tpu.dma_semaphore, #tpu.memory_space<semaphore_mem>>) src(%dma_wait3A_761 : memref<10000xi32, #tpu.memory_space<hbm>>) dst(%arg18 : memref<10000xi32, #tpu.memory_space<vmem>>)
      tpu.yield
    }) : () -> ()
    %mul3A_3 = arith.constant 10000 : i32
    %mul3A_4 = arith.muli %add3A, %mul3A_3 : i32
    %add3A_5 = arith.constant 0 : i32
    %add3A_6 = arith.addi %mul3A_4, %add3A_5 : i32
    %multiple_of3A = tpu.assume_multiple %add3A_6, 8 : i32
    %multiple_of3A_7 = arith.constant 0 : i32
    %multiple_of3A_8 = tpu.assume_multiple %multiple_of3A_7, 16 : i32
    %add3A_9 = arith.constant 0 : i32
    %add3A_10 = arith.addi %multiple_of3A_8, %add3A_9 : i32
    %get3A = arith.index_cast %add3A_10 : i32 to index
    %get3A_11 = tpu.vector_load %arg18[%get3A] {strides = array<i32>} : memref<10000xi32, #tpu.memory_space<vmem>>, vector<16xi32>,
    %get3A_12 = vector.shape_cast %get3A_11 : vector<16xi32> to vector<16xi32>
    %swap3A = arith.constant 0 : index
    %swap3A_13 = tpu.vector_load %arg19[%swap3A] {strides = array<i32>} : memref<80xi32, #tpu.memory_space<vmem>>, vector<16xi32>,
    %swap3A_14 = vector.shape_cast %swap3A_13 : vector<16xi32> to vector<16xi32>
    %swap3A_15 = vector.shape_cast %get3A_12 : vector<16xi32> to vector<16xi32>
    tpu.vector_store %arg19[%swap3A], %swap3A_15 {strides = array<i32>} : memref<80xi32, #tpu.memory_space<vmem>>, vector<16xi32>,
    %multiple_of3A_16 = arith.constant 0 : i32
    %multiple_of3A_17 = tpu.assume_multiple %multiple_of3A_16, 16 : i32
    %add3A_18 = arith.constant 16 : i32
    %add3A_19 = arith.addi %multiple_of3A_17, %add3A_18 : i32
    %get3A_20 = arith.index_cast %add3A_19 : i32 to index
    %get3A_21 = tpu.vector_load %arg18[%get3A_20] {strides = array<i32>} : memref<10000xi32, #tpu.memory_space<vmem>>, vector<16xi32>,
    %get3A_22 = vector.shape_cast %get3A_21 : vector<16xi32> to vector<16xi32>
    %swap3A_23 = arith.constant 16 : index
    %swap3A_24 = tpu.vector_load %arg19[%swap3A_23] {strides = array<i32>} : memref<80xi32, #tpu.memory_space<vmem>>, vector<16xi32>,
    %swap3A_25 = vector.shape_cast %swap3A_24 : vector<16xi32> to vector<16xi32>
    %swap3A_26 = vector.shape_cast %get3A_22 : vector<16xi32> to vector<16xi32>
    tpu.vector_store %arg19[%swap3A_23], %swap3A_26 {strides = array<i32>} : memref<80xi32, #tpu.memory_space<vmem>>, vector<16xi32>,
    %multiple_of3A_27 = arith.constant 0 : i32
    %multiple_of3A_28 = tpu.assume_multiple %multiple_of3A_27, 16 : i32
    %add3A_29 = arith.constant 32 : i32
    %add3A_30 = arith.addi %multiple_of3A_28, %add3A_29 : i32
    %get3A_31 = arith.index_cast %add3A_30 : i32 to index
    %get3A_32 = tpu.vector_load %arg18[%get3A_31] {strides = array<i32>} : memref<10000xi32, #tpu.memory_space<vmem>>, vector<16xi32>,
    %get3A_33 = vector.shape_cast %get3A_32 : vector<16xi32> to vector<16xi32>
    %swap3A_34 = arith.constant 32 : index
    %swap3A_35 = tpu.vector_load %arg19[%swap3A_34] {strides = array<i32>} : memref<80xi32, #tpu.memory_space<vmem>>, vector<16xi32>,
    %swap3A_36 = vector.shape_cast %swap3A_35 : vector<16xi32> to vector<16xi32>
    %swap3A_37 = vector.shape_cast %get3A_33 : vector<16xi32> to vector<16xi32>
    tpu.vector_store %arg19[%swap3A_34], %swap3A_37 {strides = array<i32>} : memref<80xi32, #tpu.memory_space<vmem>>, vector<16xi32>,
    %multiple_of3A_38 = arith.constant 0 : i32
    %multiple_of3A_39 = tpu.assume_multiple %multiple_of3A_38, 16 : i32
    %add3A_40 = arith.constant 48 : i32
    %add3A_41 = arith.addi %multiple_of3A_39, %add3A_40 : i32
    %get3A_42 = arith.index_cast %add3A_41 : i32 to index
    %get3A_43 = tpu.vector_load %arg18[%get3A_42] {strides = array<i32>} : memref<10000xi32, #tpu.memory_space<vmem>>, vector<16xi32>,
    %get3A_44 = vector.shape_cast %get3A_43 : vector<16xi32> to vector<16xi32>
    %swap3A_45 = arith.constant 48 : index
    %swap3A_46 = tpu.vector_load %arg19[%swap3A_45] {strides = array<i32>} : memref<80xi32, #tpu.memory_space<vmem>>, vector<16xi32>,
    %swap3A_47 = vector.shape_cast %swap3A_46 : vector<16xi32> to vector<16xi32>
    %swap3A_48 = vector.shape_cast %get3A_44 : vector<16xi32> to vector<16xi32>
    tpu.vector_store %arg19[%swap3A_45], %swap3A_48 {strides = array<i32>} : memref<80xi32, #tpu.memory_space<vmem>>, vector<16xi32>,
    %multiple_of3A_49 = arith.constant 0 : i32
    %multiple_of3A_50 = tpu.assume_multiple %multiple_of3A_49, 16 : i32
    %add3A_51 = arith.constant 64 : i32
    %add3A_52 = arith.addi %multiple_of3A_50, %add3A_51 : i32
    %get3A_53 = arith.index_cast %add3A_52 : i32 to index
    %get3A_54 = tpu.vector_load %arg18[%get3A_53] {strides = array<i32>} : memref<10000xi32, #tpu.memory_space<vmem>>, vector<16xi32>,
    %get3A_55 = vector.shape_cast %get3A_54 : vector<16xi32> to vector<16xi32>
    %swap3A_56 = arith.constant 64 : index
    %swap3A_57 = tpu.vector_load %arg19[%swap3A_56] {strides = array<i32>} : memref<80xi32, #tpu.memory_space<vmem>>, vector<16xi32>,
    %swap3A_58 = vector.shape_cast %swap3A_57 : vector<16xi32> to vector<16xi32>
    %swap3A_59 = vector.shape_cast %get3A_55 : vector<16xi32> to vector<16xi32>
    tpu.vector_store %arg19[%swap3A_56], %swap3A_59 {strides = array<i32>} : memref<80xi32, #tpu.memory_space<vmem>>, vector<16xi32>,
    %dma_start3A = tpu.memref_slice %arg3[%multiple_of3A] : memref<320000xi32, #tpu.memory_space<hbm>> -> memref<80xi32, #tpu.memory_space<hbm>>
    %dma_start3A_60 = tpu.memref_slice %arg3[%multiple_of3A] : memref<320000xi32, #tpu.memory_space<hbm>> -> memref<80xi32, #tpu.memory_space<hbm>>
    tpu.enqueue_dma source(%dma_start3A_60 : memref<80xi32, #tpu.memory_space<hbm>>) target(%arg22 : memref<80xi32, #tpu.memory_space<vmem>>) target_semaphore(%arg30 : memref<!tpu.dma_semaphore, #tpu.memory_space<semaphore_mem>>)
    %dma_start3A_61 = arith.constant 0 : i32
    %dma_start3A_62 = arith.constant 0 : i32
    %dma_start3A_63 = tpu.memref_slice %arg2[%dma_start3A_61, %dma_start3A_62] : memref<10000x128xf32, #tpu.memory_space<hbm>> -> memref<10000x128xf32, #tpu.memory_space<hbm>>
    tpu.enqueue_indirect_dma source(%dma_start3A_63 : memref<10000x128xf32, #tpu.memory_space<hbm>>) target(%arg25 : memref<80x128xf32, #tpu.memory_space<vmem>>) offsets(%arg19 : memref<80xi32, #tpu.memory_space<vmem>>) semaphore(%arg30 : memref<!tpu.dma_semaphore, #tpu.memory_space<semaphore_mem>>)
    %add3A_64 = arith.constant 80 : i32
    %add3A_65 = arith.addi %mul3A_4, %add3A_64 : i32
    %multiple_of3A_66 = tpu.assume_multiple %add3A_65, 8 : i32
    %multiple_of3A_67 = arith.constant 80 : i32
    %multiple_of3A_68 = tpu.assume_multiple %multiple_of3A_67, 16 : i32
    %add3A_69 = arith.constant 0 : i32
    %add3A_70 = arith.addi %multiple_of3A_68, %add3A_69 : i32
    %get3A_71 = arith.index_cast %add3A_70 : i32 to index
    %get3A_72 = tpu.vector_load %arg18[%get3A_71] {strides = array<i32>} : memref<10000xi32, #tpu.memory_space<vmem>>, vector<16xi32>,
    %get3A_73 = vector.shape_cast %get3A_72 : vector<16xi32> to vector<16xi32>
    %swap3A_74 = arith.constant 0 : index
    %swap3A_75 = tpu.vector_load %arg20[%swap3A_74] {strides = array<i32>} : memref<80xi32, #tpu.memory_space<vmem>>, vector<16xi32>,
    %swap3A_76 = vector.shape_cast %swap3A_75 : vector<16xi32> to vector<16xi32>
    %swap3A_77 = vector.shape_cast %get3A_73 : vector<16xi32> to vector<16xi32>
    tpu.vector_store %arg20[%swap3A_74], %swap3A_77 {strides = array<i32>} : memref<80xi32, #tpu.memory_space<vmem>>, vector<16xi32>,
    %multiple_of3A_78 = arith.constant 80 : i32
    %multiple_of3A_79 = tpu.assume_multiple %multiple_of3A_78, 16 : i32
    %add3A_80 = arith.constant 16 : i32
    %add3A_81 = arith.addi %multiple_of3A_79, %add3A_80 : i32
    %get3A_82 = arith.index_cast %add3A_81 : i32 to index
    %get3A_83 = tpu.vector_load %arg18[%get3A_82] {strides = array<i32>} : memref<10000xi32, #tpu.memory_space<vmem>>, vector<16xi32>,
    %get3A_84 = vector.shape_cast %get3A_83 : vector<16xi32> to vector<16xi32>
    %swap3A_85 = arith.constant 16 : index
    %swap3A_86 = tpu.vector_load %arg20[%swap3A_85] {strides = array<i32>} : memref<80xi32, #tpu.memory_space<vmem>>, vector<16xi32>,
    %swap3A_87 = vector.shape_cast %swap3A_86 : vector<16xi32> to vector<16xi32>
    %swap3A_88 = vector.shape_cast %get3A_84 : vector<16xi32> to vector<16xi32>
    tpu.vector_store %arg20[%swap3A_85], %swap3A_88 {strides = array<i32>} : memref<80xi32, #tpu.memory_space<vmem>>, vector<16xi32>,
    %multiple_of3A_89 = arith.constant 80 : i32
    %multiple_of3A_90 = tpu.assume_multiple %multiple_of3A_89, 16 : i32
    %add3A_91 = arith.constant 32 : i32
    %add3A_92 = arith.addi %multiple_of3A_90, %add3A_91 : i32
    %get3A_93 = arith.index_cast %add3A_92 : i32 to index
    %get3A_94 = tpu.vector_load %arg18[%get3A_93] {strides = array<i32>} : memref<10000xi32, #tpu.memory_space<vmem>>, vector<16xi32>,
    %get3A_95 = vector.shape_cast %get3A_94 : vector<16xi32> to vector<16xi32>
    %swap3A_96 = arith.constant 32 : index
    %swap3A_97 = tpu.vector_load %arg20[%swap3A_96] {strides = array<i32>} : memref<80xi32, #tpu.memory_space<vmem>>, vector<16xi32>,
    %swap3A_98 = vector.shape_cast %swap3A_97 : vector<16xi32> to vector<16xi32>
    %swap3A_99 = vector.shape_cast %get3A_95 : vector<16xi32> to vector<16xi32>
    tpu.vector_store %arg20[%swap3A_96], %swap3A_99 {strides = array<i32>} : memref<80xi32, #tpu.memory_space<vmem>>, vector<16xi32>,
    %multiple_of3A_100 = arith.constant 80 : i32
    %multiple_of3A_101 = tpu.assume_multiple %multiple_of3A_100, 16 : i32
    %add3A_102 = arith.constant 48 : i32
    %add3A_103 = arith.addi %multiple_of3A_101, %add3A_102 : i32
    %get3A_104 = arith.index_cast %add3A_103 : i32 to index
    %get3A_105 = tpu.vector_load %arg18[%get3A_104] {strides = array<i32>} : memref<10000xi32, #tpu.memory_space<vmem>>, vector<16xi32>,
    %get3A_106 = vector.shape_cast %get3A_105 : vector<16xi32> to vector<16xi32>
    %swap3A_107 = arith.constant 48 : index
    %swap3A_108 = tpu.vector_load %arg20[%swap3A_107] {strides = array<i32>} : memref<80xi32, #tpu.memory_space<vmem>>, vector<16xi32>,
    %swap3A_109 = vector.shape_cast %swap3A_108 : vector<16xi32> to vector<16xi32>
    %swap3A_110 = vector.shape_cast %get3A_106 : vector<16xi32> to vector<16xi32>
    tpu.vector_store %arg20[%swap3A_107], %swap3A_110 {strides = array<i32>} : memref<80xi32, #tpu.memory_space<vmem>>, vector<16xi32>,
    %multiple_of3A_111 = arith.constant 80 : i32
    %multiple_of3A_112 = tpu.assume_multiple %multiple_of3A_111, 16 : i32
    %add3A_113 = arith.constant 64 : i32
    %add3A_114 = arith.addi %multiple_of3A_112, %add3A_113 : i32
    %get3A_115 = arith.index_cast %add3A_114 : i32 to index
    %get3A_116 = tpu.vector_load %arg18[%get3A_115] {strides = array<i32>} : memref<10000xi32, #tpu.memory_space<vmem>>, vector<16xi32>,
    %get3A_117 = vector.shape_cast %get3A_116 : vector<16xi32> to vector<16xi32>
    %swap3A_118 = arith.constant 64 : index
    %swap3A_119 = tpu.vector_load %arg20[%swap3A_118] {strides = array<i32>} : memref<80xi32, #tpu.memory_space<vmem>>, vector<16xi32>,
    %swap3A_120 = vector.shape_cast %swap3A_119 : vector<16xi32> to vector<16xi32>
    %swap3A_121 = vector.shape_cast %get3A_117 : vector<16xi32> to vector<16xi32>
    tpu.vector_store %arg20[%swap3A_118], %swap3A_121 {strides = array<i32>} : memref<80xi32, #tpu.memory_space<vmem>>, vector<16xi32>,
    %dma_start3A_122 = tpu.memref_slice %arg3[%multiple_of3A_66] : memref<320000xi32, #tpu.memory_space<hbm>> -> memref<80xi32, #tpu.memory_space<hbm>>
    %dma_start3A_123 = tpu.memref_slice %arg3[%multiple_of3A_66] : memref<320000xi32, #tpu.memory_space<hbm>> -> memref<80xi32, #tpu.memory_space<hbm>>
    tpu.enqueue_dma source(%dma_start3A_123 : memref<80xi32, #tpu.memory_space<hbm>>) target(%arg23 : memref<80xi32, #tpu.memory_space<vmem>>) target_semaphore(%arg31 : memref<!tpu.dma_semaphore, #tpu.memory_space<semaphore_mem>>)
    %dma_start3A_124 = arith.constant 0 : i32
    %dma_start3A_125 = arith.constant 0 : i32
    %dma_start3A_126 = tpu.memref_slice %arg2[%dma_start3A_124, %dma_start3A_125] : memref<10000x128xf32, #tpu.memory_space<hbm>> -> memref<10000x128xf32, #tpu.memory_space<hbm>>
    tpu.enqueue_indirect_dma source(%dma_start3A_126 : memref<10000x128xf32, #tpu.memory_space<hbm>>) target(%arg26 : memref<80x128xf32, #tpu.memory_space<vmem>>) offsets(%arg20 : memref<80xi32, #tpu.memory_space<vmem>>) semaphore(%arg31 : memref<!tpu.dma_semaphore, #tpu.memory_space<semaphore_mem>>)
    %add3A_127 = arith.constant 160 : i32
    %add3A_128 = arith.addi %mul3A_4, %add3A_127 : i32
    %multiple_of3A_129 = tpu.assume_multiple %add3A_128, 8 : i32
    %multiple_of3A_130 = arith.constant 160 : i32
    %multiple_of3A_131 = tpu.assume_multiple %multiple_of3A_130, 16 : i32
    %add3A_132 = arith.constant 0 : i32
    %add3A_133 = arith.addi %multiple_of3A_131, %add3A_132 : i32
    %get3A_134 = arith.index_cast %add3A_133 : i32 to index
    %get3A_135 = tpu.vector_load %arg18[%get3A_134] {strides = array<i32>} : memref<10000xi32, #tpu.memory_space<vmem>>, vector<16xi32>,
    %get3A_136 = vector.shape_cast %get3A_135 : vector<16xi32> to vector<16xi32>
    %swap3A_137 = arith.constant 0 : index
    %swap3A_138 = tpu.vector_load %arg21[%swap3A_137] {strides = array<i32>} : memref<80xi32, #tpu.memory_space<vmem>>, vector<16xi32>,
    %swap3A_139 = vector.shape_cast %swap3A_138 : vector<16xi32> to vector<16xi32>
    %swap3A_140 = vector.shape_cast %get3A_136 : vector<16xi32> to vector<16xi32>
    tpu.vector_store %arg21[%swap3A_137], %swap3A_140 {strides = array<i32>} : memref<80xi32, #tpu.memory_space<vmem>>, vector<16xi32>,
    %multiple_of3A_141 = arith.constant 160 : i32
    %multiple_of3A_142 = tpu.assume_multiple %multiple_of3A_141, 16 : i32
    %add3A_143 = arith.constant 16 : i32
    %add3A_144 = arith.addi %multiple_of3A_142, %add3A_143 : i32
    %get3A_145 = arith.index_cast %add3A_144 : i32 to index
    %get3A_146 = tpu.vector_load %arg18[%get3A_145] {strides = array<i32>} : memref<10000xi32, #tpu.memory_space<vmem>>, vector<16xi32>,
    %get3A_147 = vector.shape_cast %get3A_146 : vector<16xi32> to vector<16xi32>
    %swap3A_148 = arith.constant 16 : index
    %swap3A_149 = tpu.vector_load %arg21[%swap3A_148] {strides = array<i32>} : memref<80xi32, #tpu.memory_space<vmem>>, vector<16xi32>,
    %swap3A_150 = vector.shape_cast %swap3A_149 : vector<16xi32> to vector<16xi32>
    %swap3A_151 = vector.shape_cast %get3A_147 : vector<16xi32> to vector<16xi32>
    tpu.vector_store %arg21[%swap3A_148], %swap3A_151 {strides = array<i32>} : memref<80xi32, #tpu.memory_space<vmem>>, vector<16xi32>,
    %multiple_of3A_152 = arith.constant 160 : i32
    %multiple_of3A_153 = tpu.assume_multiple %multiple_of3A_152, 16 : i32
    %add3A_154 = arith.constant 32 : i32
    %add3A_155 = arith.addi %multiple_of3A_153, %add3A_154 : i32
    %get3A_156 = arith.index_cast %add3A_155 : i32 to index
    %get3A_157 = tpu.vector_load %arg18[%get3A_156] {strides = array<i32>} : memref<10000xi32, #tpu.memory_space<vmem>>, vector<16xi32>,
    %get3A_158 = vector.shape_cast %get3A_157 : vector<16xi32> to vector<16xi32>
    %swap3A_159 = arith.constant 32 : index
    %swap3A_160 = tpu.vector_load %arg21[%swap3A_159] {strides = array<i32>} : memref<80xi32, #tpu.memory_space<vmem>>, vector<16xi32>,
    %swap3A_161 = vector.shape_cast %swap3A_160 : vector<16xi32> to vector<16xi32>
    %swap3A_162 = vector.shape_cast %get3A_158 : vector<16xi32> to vector<16xi32>
    tpu.vector_store %arg21[%swap3A_159], %swap3A_162 {strides = array<i32>} : memref<80xi32, #tpu.memory_space<vmem>>, vector<16xi32>,
    %multiple_of3A_163 = arith.constant 160 : i32
    %multiple_of3A_164 = tpu.assume_multiple %multiple_of3A_163, 16 : i32
    %add3A_165 = arith.constant 48 : i32
    %add3A_166 = arith.addi %multiple_of3A_164, %add3A_165 : i32
    %get3A_167 = arith.index_cast %add3A_166 : i32 to index
    %get3A_168 = tpu.vector_load %arg18[%get3A_167] {strides = array<i32>} : memref<10000xi32, #tpu.memory_space<vmem>>, vector<16xi32>,
    %get3A_169 = vector.shape_cast %get3A_168 : vector<16xi32> to vector<16xi32>
    %swap3A_170 = arith.constant 48 : index
    %swap3A_171 = tpu.vector_load %arg21[%swap3A_170] {strides = array<i32>} : memref<80xi32, #tpu.memory_space<vmem>>, vector<16xi32>,
    %swap3A_172 = vector.shape_cast %swap3A_171 : vector<16xi32> to vector<16xi32>
    %swap3A_173 = vector.shape_cast %get3A_169 : vector<16xi32> to vector<16xi32>
    tpu.vector_store %arg21[%swap3A_170], %swap3A_173 {strides = array<i32>} : memref<80xi32, #tpu.memory_space<vmem>>, vector<16xi32>,
    %multiple_of3A_174 = arith.constant 160 : i32
    %multiple_of3A_175 = tpu.assume_multiple %multiple_of3A_174, 16 : i32
    %add3A_176 = arith.constant 64 : i32
    %add3A_177 = arith.addi %multiple_of3A_175, %add3A_176 : i32
    %get3A_178 = arith.index_cast %add3A_177 : i32 to index
    %get3A_179 = tpu.vector_load %arg18[%get3A_178] {strides = array<i32>} : memref<10000xi32, #tpu.memory_space<vmem>>, vector<16xi32>,
    %get3A_180 = vector.shape_cast %get3A_179 : vector<16xi32> to vector<16xi32>
    %swap3A_181 = arith.constant 64 : index
    %swap3A_182 = tpu.vector_load %arg21[%swap3A_181] {strides = array<i32>} : memref<80xi32, #tpu.memory_space<vmem>>, vector<16xi32>,
    %swap3A_183 = vector.shape_cast %swap3A_182 : vector<16xi32> to vector<16xi32>
    %swap3A_184 = vector.shape_cast %get3A_180 : vector<16xi32> to vector<16xi32>
    tpu.vector_store %arg21[%swap3A_181], %swap3A_184 {strides = array<i32>} : memref<80xi32, #tpu.memory_space<vmem>>, vector<16xi32>,
    %dma_start3A_185 = tpu.memref_slice %arg3[%multiple_of3A_129] : memref<320000xi32, #tpu.memory_space<hbm>> -> memref<80xi32, #tpu.memory_space<hbm>>
    %dma_start3A_186 = tpu.memref_slice %arg3[%multiple_of3A_129] : memref<320000xi32, #tpu.memory_space<hbm>> -> memref<80xi32, #tpu.memory_space<hbm>>
    tpu.enqueue_dma source(%dma_start3A_186 : memref<80xi32, #tpu.memory_space<hbm>>) target(%arg24 : memref<80xi32, #tpu.memory_space<vmem>>) target_semaphore(%arg32 : memref<!tpu.dma_semaphore, #tpu.memory_space<semaphore_mem>>)
    %dma_start3A_187 = arith.constant 0 : i32
    %dma_start3A_188 = arith.constant 0 : i32
    %dma_start3A_189 = tpu.memref_slice %arg2[%dma_start3A_187, %dma_start3A_188] : memref<10000x128xf32, #tpu.memory_space<hbm>> -> memref<10000x128xf32, #tpu.memory_space<hbm>>
    tpu.enqueue_indirect_dma source(%dma_start3A_189 : memref<10000x128xf32, #tpu.memory_space<hbm>>) target(%arg27 : memref<80x128xf32, #tpu.memory_space<vmem>>) offsets(%arg21 : memref<80xi32, #tpu.memory_space<vmem>>) semaphore(%arg32 : memref<!tpu.dma_semaphore, #tpu.memory_space<semaphore_mem>>)
    %scan3A = arith.constant 0 : i32
    %scan3A_190 = arith.constant 0 : i32
    %scan3A_191 = arith.constant 16 : i32
    %scan3A_192 = arith.addi %scan3A_190, %scan3A_191 : i32
    %scan3A_193 = arith.constant 1 : i32
    scf.for %scan3A_758 = %scan3A_190 to %scan3A_192 step %scan3A_193  : i32 {
      %broadcast_in_dim3A = arith.constant 0.000000e+00 : f32
      %broadcast_in_dim3A_759 = vector.broadcast %broadcast_in_dim3A : f32 to vector<16xf32>
      %swap3A_760 = arith.index_cast %scan3A_758 : i32 to index
      %swap3A_761 = arith.constant 0 : index
      %swap3A_762 = tpu.vector_load %arg17[%swap3A_760, %swap3A_761] {strides = array<i32>} : memref<16x128xf32, #tpu.memory_space<vmem>>, vector<1x16xf32>,
      %swap3A_763 = vector.shape_cast %swap3A_762 : vector<1x16xf32> to vector<16xf32>
      %swap3A_764 = vector.shape_cast %broadcast_in_dim3A_759 : vector<16xf32> to vector<1x16xf32>
      tpu.vector_store %arg17[%swap3A_760, %swap3A_761], %swap3A_764 {strides = array<i32>} : memref<16x128xf32, #tpu.memory_space<vmem>>, vector<1x16xf32>,
      %broadcast_in_dim3A_765 = arith.constant 0.000000e+00 : f32
      %broadcast_in_dim3A_766 = vector.broadcast %broadcast_in_dim3A_765 : f32 to vector<16xf32>
      %swap3A_767 = arith.index_cast %scan3A_758 : i32 to index
      %swap3A_768 = arith.constant 16 : index
      %swap3A_769 = tpu.vector_load %arg17[%swap3A_767, %swap3A_768] {strides = array<i32>} : memref<16x128xf32, #tpu.memory_space<vmem>>, vector<1x16xf32>,
      %swap3A_770 = vector.shape_cast %swap3A_769 : vector<1x16xf32> to vector<16xf32>
      %swap3A_771 = vector.shape_cast %broadcast_in_dim3A_766 : vector<16xf32> to vector<1x16xf32>
      tpu.vector_store %arg17[%swap3A_767, %swap3A_768], %swap3A_771 {strides = array<i32>} : memref<16x128xf32, #tpu.memory_space<vmem>>, vector<1x16xf32>,
      %broadcast_in_dim3A_772 = arith.constant 0.000000e+00 : f32
      %broadcast_in_dim3A_773 = vector.broadcast %broadcast_in_dim3A_772 : f32 to vector<16xf32>
      %swap3A_774 = arith.index_cast %scan3A_758 : i32 to index
      %swap3A_775 = arith.constant 32 : index
      %swap3A_776 = tpu.vector_load %arg17[%swap3A_774, %swap3A_775] {strides = array<i32>} : memref<16x128xf32, #tpu.memory_space<vmem>>, vector<1x16xf32>,
      %swap3A_777 = vector.shape_cast %swap3A_776 : vector<1x16xf32> to vector<16xf32>
      %swap3A_778 = vector.shape_cast %broadcast_in_dim3A_773 : vector<16xf32> to vector<1x16xf32>
      tpu.vector_store %arg17[%swap3A_774, %swap3A_775], %swap3A_778 {strides = array<i32>} : memref<16x128xf32, #tpu.memory_space<vmem>>, vector<1x16xf32>,
      %broadcast_in_dim3A_779 = arith.constant 0.000000e+00 : f32
      %broadcast_in_dim3A_780 = vector.broadcast %broadcast_in_dim3A_779 : f32 to vector<16xf32>
      %swap3A_781 = arith.index_cast %scan3A_758 : i32 to index
      %swap3A_782 = arith.constant 48 : index
      %swap3A_783 = tpu.vector_load %arg17[%swap3A_781, %swap3A_782] {strides = array<i32>} : memref<16x128xf32, #tpu.memory_space<vmem>>, vector<1x16xf32>,
      %swap3A_784 = vector.shape_cast %swap3A_783 : vector<1x16xf32> to vector<16xf32>
      %swap3A_785 = vector.shape_cast %broadcast_in_dim3A_780 : vector<16xf32> to vector<1x16xf32>
      tpu.vector_store %arg17[%swap3A_781, %swap3A_782], %swap3A_785 {strides = array<i32>} : memref<16x128xf32, #tpu.memory_space<vmem>>, vector<1x16xf32>,
      %broadcast_in_dim3A_786 = arith.constant 0.000000e+00 : f32
      %broadcast_in_dim3A_787 = vector.broadcast %broadcast_in_dim3A_786 : f32 to vector<16xf32>
      %swap3A_788 = arith.index_cast %scan3A_758 : i32 to index
      %swap3A_789 = arith.constant 64 : index
      %swap3A_790 = tpu.vector_load %arg17[%swap3A_788, %swap3A_789] {strides = array<i32>} : memref<16x128xf32, #tpu.memory_space<vmem>>, vector<1x16xf32>,
      %swap3A_791 = vector.shape_cast %swap3A_790 : vector<1x16xf32> to vector<16xf32>
      %swap3A_792 = vector.shape_cast %broadcast_in_dim3A_787 : vector<16xf32> to vector<1x16xf32>
      tpu.vector_store %arg17[%swap3A_788, %swap3A_789], %swap3A_792 {strides = array<i32>} : memref<16x128xf32, #tpu.memory_space<vmem>>, vector<1x16xf32>,
      %broadcast_in_dim3A_793 = arith.constant 0.000000e+00 : f32
      %broadcast_in_dim3A_794 = vector.broadcast %broadcast_in_dim3A_793 : f32 to vector<16xf32>
      %swap3A_795 = arith.index_cast %scan3A_758 : i32 to index
      %swap3A_796 = arith.constant 80 : index
      %swap3A_797 = tpu.vector_load %arg17[%swap3A_795, %swap3A_796] {strides = array<i32>} : memref<16x128xf32, #tpu.memory_space<vmem>>, vector<1x16xf32>,
      %swap3A_798 = vector.shape_cast %swap3A_797 : vector<1x16xf32> to vector<16xf32>
      %swap3A_799 = vector.shape_cast %broadcast_in_dim3A_794 : vector<16xf32> to vector<1x16xf32>
      tpu.vector_store %arg17[%swap3A_795, %swap3A_796], %swap3A_799 {strides = array<i32>} : memref<16x128xf32, #tpu.memory_space<vmem>>, vector<1x16xf32>,
      %broadcast_in_dim3A_800 = arith.constant 0.000000e+00 : f32
      %broadcast_in_dim3A_801 = vector.broadcast %broadcast_in_dim3A_800 : f32 to vector<16xf32>
      %swap3A_802 = arith.index_cast %scan3A_758 : i32 to index
      %swap3A_803 = arith.constant 96 : index
      %swap3A_804 = tpu.vector_load %arg17[%swap3A_802, %swap3A_803] {strides = array<i32>} : memref<16x128xf32, #tpu.memory_space<vmem>>, vector<1x16xf32>,
      %swap3A_805 = vector.shape_cast %swap3A_804 : vector<1x16xf32> to vector<16xf32>
      %swap3A_806 = vector.shape_cast %broadcast_in_dim3A_801 : vector<16xf32> to vector<1x16xf32>
      tpu.vector_store %arg17[%swap3A_802, %swap3A_803], %swap3A_806 {strides = array<i32>} : memref<16x128xf32, #tpu.memory_space<vmem>>, vector<1x16xf32>,
      %broadcast_in_dim3A_807 = arith.constant 0.000000e+00 : f32
      %broadcast_in_dim3A_808 = vector.broadcast %broadcast_in_dim3A_807 : f32 to vector<16xf32>
      %swap3A_809 = arith.index_cast %scan3A_758 : i32 to index
      %swap3A_810 = arith.constant 112 : index
      %swap3A_811 = tpu.vector_load %arg17[%swap3A_809, %swap3A_810] {strides = array<i32>} : memref<16x128xf32, #tpu.memory_space<vmem>>, vector<1x16xf32>,
      %swap3A_812 = vector.shape_cast %swap3A_811 : vector<1x16xf32> to vector<16xf32>
      %swap3A_813 = vector.shape_cast %broadcast_in_dim3A_808 : vector<16xf32> to vector<1x16xf32>
      tpu.vector_store %arg17[%swap3A_809, %swap3A_810], %swap3A_813 {strides = array<i32>} : memref<16x128xf32, #tpu.memory_space<vmem>>, vector<1x16xf32>,
    }
    %scan3A_194 = arith.constant 16 : i32
    %scan3A_195 = arith.constant 0 : i32
    %scan3A_196 = arith.constant 0 : i32
    %scan3A_197 = arith.constant 40 : i32
    %scan3A_198 = arith.addi %scan3A_196, %scan3A_197 : i32
    %scan3A_199 = arith.constant 1 : i32
    scf.for %scan3A_758 = %scan3A_196 to %scan3A_198 step %scan3A_199  : i32 {
      %mul3A_759 = arith.constant 640 : i32
      %mul3A_760 = arith.muli %arg1, %mul3A_759 : i32
      %mul3A_761 = arith.constant 16 : i32
      %mul3A_762 = arith.muli %scan3A_758, %mul3A_761 : i32
      %add3A_763 = arith.addi %mul3A_760, %mul3A_762 : i32
      "tpu.region"() ({
        %run_scoped3A = tpu.sem_alloc : memref<!tpu.dma_semaphore, #tpu.memory_space<semaphore_mem>>
        %dma_start3A_764 = arith.constant 0 : i32
        %dma_start3A_765 = tpu.memref_slice %arg15[%add3A_763, %dma_start3A_764] : memref<10240x128xf32, #tpu.memory_space<vmem_shared>> -> memref<16x128xf32, #tpu.memory_space<vmem_shared>>
        %dma_start3A_766 = arith.constant 0 : i32
        %dma_start3A_767 = tpu.memref_slice %arg15[%add3A_763, %dma_start3A_766] : memref<10240x128xf32, #tpu.memory_space<vmem_shared>> -> memref<16x128xf32, #tpu.memory_space<vmem_shared>>
        tpu.enqueue_dma source(%arg17 : memref<16x128xf32, #tpu.memory_space<vmem>>) target(%dma_start3A_767 : memref<16x128xf32, #tpu.memory_space<vmem_shared>>) target_semaphore(%run_scoped3A : memref<!tpu.dma_semaphore, #tpu.memory_space<semaphore_mem>>)
        %dma_wait3A_768 = arith.constant 0 : i32
        %dma_wait3A_769 = tpu.memref_slice %arg15[%add3A_763, %dma_wait3A_768] : memref<10240x128xf32, #tpu.memory_space<vmem_shared>> -> memref<16x128xf32, #tpu.memory_space<vmem_shared>>
        %dma_wait3A_770 = arith.constant 0 : i32
        %dma_wait3A_771 = tpu.memref_slice %arg15[%add3A_763, %dma_wait3A_770] : memref<10240x128xf32, #tpu.memory_space<vmem_shared>> -> memref<16x128xf32, #tpu.memory_space<vmem_shared>>
        tpu.wait_dma2 semaphore(%run_scoped3A : memref<!tpu.dma_semaphore, #tpu.memory_space<semaphore_mem>>) src(%arg17 : memref<16x128xf32, #tpu.memory_space<vmem>>) dst(%dma_wait3A_771 : memref<16x128xf32, #tpu.memory_space<vmem_shared>>)
        tpu.yield
      }) : () -> ()
    }
    %scan3A_200 = arith.constant 40 : i32
    %mul3A_201 = arith.constant 16 : i32
    %mul3A_202 = arith.muli %arg1, %mul3A_201 : i32
    "tpu.region"() ({
      %run_scoped3A = tpu.sem_alloc : memref<!tpu.dma_semaphore, #tpu.memory_space<semaphore_mem>>
      %dma_start3A_758 = arith.constant 0 : i32
      %dma_start3A_759 = tpu.memref_slice %arg16[%mul3A_202, %dma_start3A_758] : memref<256x128xf32, #tpu.memory_space<vmem_shared>> -> memref<16x128xf32, #tpu.memory_space<vmem_shared>>
      %dma_start3A_760 = arith.constant 0 : i32
      %dma_start3A_761 = tpu.memref_slice %arg16[%mul3A_202, %dma_start3A_760] : memref<256x128xf32, #tpu.memory_space<vmem_shared>> -> memref<16x128xf32, #tpu.memory_space<vmem_shared>>
      tpu.enqueue_dma source(%arg17 : memref<16x128xf32, #tpu.memory_space<vmem>>) target(%dma_start3A_761 : memref<16x128xf32, #tpu.memory_space<vmem_shared>>) target_semaphore(%run_scoped3A : memref<!tpu.dma_semaphore, #tpu.memory_space<semaphore_mem>>)
      %dma_wait3A_762 = arith.constant 0 : i32
      %dma_wait3A_763 = tpu.memref_slice %arg16[%mul3A_202, %dma_wait3A_762] : memref<256x128xf32, #tpu.memory_space<vmem_shared>> -> memref<16x128xf32, #tpu.memory_space<vmem_shared>>
      %dma_wait3A_764 = arith.constant 0 : i32
      %dma_wait3A_765 = tpu.memref_slice %arg16[%mul3A_202, %dma_wait3A_764] : memref<256x128xf32, #tpu.memory_space<vmem_shared>> -> memref<16x128xf32, #tpu.memory_space<vmem_shared>>
      tpu.wait_dma2 semaphore(%run_scoped3A : memref<!tpu.dma_semaphore, #tpu.memory_space<semaphore_mem>>) src(%arg17 : memref<16x128xf32, #tpu.memory_space<vmem>>) dst(%dma_wait3A_765 : memref<16x128xf32, #tpu.memory_space<vmem_shared>>)
      tpu.yield
    }) : () -> ()
    %barrier3A = arith.constant 0 : index
    tpu.barrier barrier_id(%barrier3A)
    %scan3A_203 = arith.constant 0 : i32
    %scan3A_204 = arith.constant 0 : i32
    %scan3A_205 = arith.constant 40 : i32
    %scan3A_206 = arith.addi %scan3A_204, %scan3A_205 : i32
    %scan3A_207 = arith.constant 1 : i32
    scf.for %scan3A_758 = %scan3A_204 to %scan3A_206 step %scan3A_207  : i32 {
      %mul3A_759 = arith.constant 3 : i32
      %mul3A_760 = arith.muli %scan3A_758, %mul3A_759 : i32
      %add3A_761 = arith.constant 0 : i32
      %add3A_762 = arith.addi %mul3A_760, %add3A_761 : i32
      %dma_wait3A_763 = arith.constant 0 : i32
      %dma_wait3A_764 = arith.constant 0 : i32
      %dma_wait3A_765 = tpu.memref_slice %arg2[%dma_wait3A_763, %dma_wait3A_764] : memref<10000x128xf32, #tpu.memory_space<hbm>> -> memref<10000x128xf32, #tpu.memory_space<hbm>>
      tpu.wait_indirect_dma semaphore(%arg30 : memref<!tpu.dma_semaphore, #tpu.memory_space<semaphore_mem>>) src(%dma_wait3A_765 : memref<10000x128xf32, #tpu.memory_space<hbm>>) dst(%arg25 : memref<80x128xf32, #tpu.memory_space<vmem>>)
      %dma_wait3A_766 = arith.constant 0 : i32
      %dma_wait3A_767 = tpu.memref_slice %arg3[%dma_wait3A_766] : memref<320000xi32, #tpu.memory_space<hbm>> -> memref<80xi32, #tpu.memory_space<hbm>>
      %dma_wait3A_768 = arith.constant 0 : i32
      %dma_wait3A_769 = tpu.memref_slice %arg3[%dma_wait3A_768] : memref<320000xi32, #tpu.memory_space<hbm>> -> memref<80xi32, #tpu.memory_space<hbm>>
      tpu.wait_dma2 semaphore(%arg30 : memref<!tpu.dma_semaphore, #tpu.memory_space<semaphore_mem>>) src(%dma_wait3A_769 : memref<80xi32, #tpu.memory_space<hbm>>) dst(%arg22 : memref<80xi32, #tpu.memory_space<vmem>>)
      "tpu.region"() ({
        %run_scoped3A = tpu.sem_alloc : memref<!tpu.dma_semaphore, #tpu.memory_space<semaphore_mem>>
        %dma_start3A_1005 = arith.constant 0 : i32
        %dma_start3A_1006 = arith.constant 0 : i32
        %dma_start3A_1007 = tpu.memref_slice %arg15[%dma_start3A_1005, %dma_start3A_1006] : memref<10240x128xf32, #tpu.memory_space<vmem_shared>> -> memref<10240x128xf32, #tpu.memory_space<vmem_shared>>
        tpu.enqueue_indirect_dma source(%arg25 : memref<80x128xf32, #tpu.memory_space<vmem>>) target(%dma_start3A_1007 : memref<10240x128xf32, #tpu.memory_space<vmem_shared>>) offsets(%arg22 : memref<80xi32, #tpu.memory_space<vmem>>) semaphore(%run_scoped3A : memref<!tpu.dma_semaphore, #tpu.memory_space<semaphore_mem>>) {add = true}
        %dma_wait3A_1008 = arith.constant 0 : i32
        %dma_wait3A_1009 = arith.constant 0 : i32
        %dma_wait3A_1010 = tpu.memref_slice %arg15[%dma_wait3A_1008, %dma_wait3A_1009] : memref<10240x128xf32, #tpu.memory_space<vmem_shared>> -> memref<10240x128xf32, #tpu.memory_space<vmem_shared>>
        tpu.wait_indirect_dma semaphore(%run_scoped3A : memref<!tpu.dma_semaphore, #tpu.memory_space<semaphore_mem>>) src(%arg25 : memref<80x128xf32, #tpu.memory_space<vmem>>) dst(%dma_wait3A_1010 : memref<10240x128xf32, #tpu.memory_space<vmem_shared>>)
        tpu.yield
      }) : () -> ()
      %add3A_770 = arith.constant 3 : i32
      %add3A_771 = arith.addi %add3A_762, %add3A_770 : i32
      %mul3A_772 = arith.constant 80 : i32
      %mul3A_773 = arith.muli %add3A_771, %mul3A_772 : i32
      %add3A_774 = arith.addi %mul3A_4, %mul3A_773 : i32
      %multiple_of3A_775 = tpu.assume_multiple %add3A_774, 8 : i32
      %mul3A_776 = arith.constant 80 : i32
      %mul3A_777 = arith.muli %add3A_771, %mul3A_776 : i32
      %multiple_of3A_778 = tpu.assume_multiple %mul3A_777, 16 : i32
      %add3A_779 = arith.constant 0 : i32
      %add3A_780 = arith.addi %multiple_of3A_778, %add3A_779 : i32
      %get3A_781 = arith.index_cast %add3A_780 : i32 to index
      %get3A_782 = tpu.vector_load %arg18[%get3A_781] {strides = array<i32>} : memref<10000xi32, #tpu.memory_space<vmem>>, vector<16xi32>,
      %get3A_783 = vector.shape_cast %get3A_782 : vector<16xi32> to vector<16xi32>
      %swap3A_784 = arith.constant 0 : index
      %swap3A_785 = tpu.vector_load %arg19[%swap3A_784] {strides = array<i32>} : memref<80xi32, #tpu.memory_space<vmem>>, vector<16xi32>,
      %swap3A_786 = vector.shape_cast %swap3A_785 : vector<16xi32> to vector<16xi32>
      %swap3A_787 = vector.shape_cast %get3A_783 : vector<16xi32> to vector<16xi32>
      tpu.vector_store %arg19[%swap3A_784], %swap3A_787 {strides = array<i32>} : memref<80xi32, #tpu.memory_space<vmem>>, vector<16xi32>,
      %mul3A_788 = arith.constant 80 : i32
      %mul3A_789 = arith.muli %add3A_771, %mul3A_788 : i32
      %multiple_of3A_790 = tpu.assume_multiple %mul3A_789, 16 : i32
      %add3A_791 = arith.constant 16 : i32
      %add3A_792 = arith.addi %multiple_of3A_790, %add3A_791 : i32
      %get3A_793 = arith.index_cast %add3A_792 : i32 to index
      %get3A_794 = tpu.vector_load %arg18[%get3A_793] {strides = array<i32>} : memref<10000xi32, #tpu.memory_space<vmem>>, vector<16xi32>,
      %get3A_795 = vector.shape_cast %get3A_794 : vector<16xi32> to vector<16xi32>
      %swap3A_796 = arith.constant 16 : index
      %swap3A_797 = tpu.vector_load %arg19[%swap3A_796] {strides = array<i32>} : memref<80xi32, #tpu.memory_space<vmem>>, vector<16xi32>,
      %swap3A_798 = vector.shape_cast %swap3A_797 : vector<16xi32> to vector<16xi32>
      %swap3A_799 = vector.shape_cast %get3A_795 : vector<16xi32> to vector<16xi32>
      tpu.vector_store %arg19[%swap3A_796], %swap3A_799 {strides = array<i32>} : memref<80xi32, #tpu.memory_space<vmem>>, vector<16xi32>,
      %mul3A_800 = arith.constant 80 : i32
      %mul3A_801 = arith.muli %add3A_771, %mul3A_800 : i32
      %multiple_of3A_802 = tpu.assume_multiple %mul3A_801, 16 : i32
      %add3A_803 = arith.constant 32 : i32
      %add3A_804 = arith.addi %multiple_of3A_802, %add3A_803 : i32
      %get3A_805 = arith.index_cast %add3A_804 : i32 to index
      %get3A_806 = tpu.vector_load %arg18[%get3A_805] {strides = array<i32>} : memref<10000xi32, #tpu.memory_space<vmem>>, vector<16xi32>,
      %get3A_807 = vector.shape_cast %get3A_806 : vector<16xi32> to vector<16xi32>
      %swap3A_808 = arith.constant 32 : index
      %swap3A_809 = tpu.vector_load %arg19[%swap3A_808] {strides = array<i32>} : memref<80xi32, #tpu.memory_space<vmem>>, vector<16xi32>,
      %swap3A_810 = vector.shape_cast %swap3A_809 : vector<16xi32> to vector<16xi32>
      %swap3A_811 = vector.shape_cast %get3A_807 : vector<16xi32> to vector<16xi32>
      tpu.vector_store %arg19[%swap3A_808], %swap3A_811 {strides = array<i32>} : memref<80xi32, #tpu.memory_space<vmem>>, vector<16xi32>,
      %mul3A_812 = arith.constant 80 : i32
      %mul3A_813 = arith.muli %add3A_771, %mul3A_812 : i32
      %multiple_of3A_814 = tpu.assume_multiple %mul3A_813, 16 : i32
      %add3A_815 = arith.constant 48 : i32
      %add3A_816 = arith.addi %multiple_of3A_814, %add3A_815 : i32
      %get3A_817 = arith.index_cast %add3A_816 : i32 to index
      %get3A_818 = tpu.vector_load %arg18[%get3A_817] {strides = array<i32>} : memref<10000xi32, #tpu.memory_space<vmem>>, vector<16xi32>,
      %get3A_819 = vector.shape_cast %get3A_818 : vector<16xi32> to vector<16xi32>
      %swap3A_820 = arith.constant 48 : index
      %swap3A_821 = tpu.vector_load %arg19[%swap3A_820] {strides = array<i32>} : memref<80xi32, #tpu.memory_space<vmem>>, vector<16xi32>,
      %swap3A_822 = vector.shape_cast %swap3A_821 : vector<16xi32> to vector<16xi32>
      %swap3A_823 = vector.shape_cast %get3A_819 : vector<16xi32> to vector<16xi32>
      tpu.vector_store %arg19[%swap3A_820], %swap3A_823 {strides = array<i32>} : memref<80xi32, #tpu.memory_space<vmem>>, vector<16xi32>,
      %mul3A_824 = arith.constant 80 : i32
      %mul3A_825 = arith.muli %add3A_771, %mul3A_824 : i32
      %multiple_of3A_826 = tpu.assume_multiple %mul3A_825, 16 : i32
      %add3A_827 = arith.constant 64 : i32
      %add3A_828 = arith.addi %multiple_of3A_826, %add3A_827 : i32
      %get3A_829 = arith.index_cast %add3A_828 : i32 to index
      %get3A_830 = tpu.vector_load %arg18[%get3A_829] {strides = array<i32>} : memref<10000xi32, #tpu.memory_space<vmem>>, vector<16xi32>,
      %get3A_831 = vector.shape_cast %get3A_830 : vector<16xi32> to vector<16xi32>
      %swap3A_832 = arith.constant 64 : index
      %swap3A_833 = tpu.vector_load %arg19[%swap3A_832] {strides = array<i32>} : memref<80xi32, #tpu.memory_space<vmem>>, vector<16xi32>,
      %swap3A_834 = vector.shape_cast %swap3A_833 : vector<16xi32> to vector<16xi32>
      %swap3A_835 = vector.shape_cast %get3A_831 : vector<16xi32> to vector<16xi32>
      tpu.vector_store %arg19[%swap3A_832], %swap3A_835 {strides = array<i32>} : memref<80xi32, #tpu.memory_space<vmem>>, vector<16xi32>,
      %dma_start3A_836 = tpu.memref_slice %arg3[%multiple_of3A_775] : memref<320000xi32, #tpu.memory_space<hbm>> -> memref<80xi32, #tpu.memory_space<hbm>>
      %dma_start3A_837 = tpu.memref_slice %arg3[%multiple_of3A_775] : memref<320000xi32, #tpu.memory_space<hbm>> -> memref<80xi32, #tpu.memory_space<hbm>>
      tpu.enqueue_dma source(%dma_start3A_837 : memref<80xi32, #tpu.memory_space<hbm>>) target(%arg22 : memref<80xi32, #tpu.memory_space<vmem>>) target_semaphore(%arg30 : memref<!tpu.dma_semaphore, #tpu.memory_space<semaphore_mem>>)
      %dma_start3A_838 = arith.constant 0 : i32
      %dma_start3A_839 = arith.constant 0 : i32
      %dma_start3A_840 = tpu.memref_slice %arg2[%dma_start3A_838, %dma_start3A_839] : memref<10000x128xf32, #tpu.memory_space<hbm>> -> memref<10000x128xf32, #tpu.memory_space<hbm>>
      tpu.enqueue_indirect_dma source(%dma_start3A_840 : memref<10000x128xf32, #tpu.memory_space<hbm>>) target(%arg25 : memref<80x128xf32, #tpu.memory_space<vmem>>) offsets(%arg19 : memref<80xi32, #tpu.memory_space<vmem>>) semaphore(%arg30 : memref<!tpu.dma_semaphore, #tpu.memory_space<semaphore_mem>>)
      %mul3A_841 = arith.constant 3 : i32
      %mul3A_842 = arith.muli %scan3A_758, %mul3A_841 : i32
      %add3A_843 = arith.constant 1 : i32
      %add3A_844 = arith.addi %mul3A_842, %add3A_843 : i32
      %dma_wait3A_845 = arith.constant 0 : i32
      %dma_wait3A_846 = arith.constant 0 : i32
      %dma_wait3A_847 = tpu.memref_slice %arg2[%dma_wait3A_845, %dma_wait3A_846] : memref<10000x128xf32, #tpu.memory_space<hbm>> -> memref<10000x128xf32, #tpu.memory_space<hbm>>
      tpu.wait_indirect_dma semaphore(%arg31 : memref<!tpu.dma_semaphore, #tpu.memory_space<semaphore_mem>>) src(%dma_wait3A_847 : memref<10000x128xf32, #tpu.memory_space<hbm>>) dst(%arg26 : memref<80x128xf32, #tpu.memory_space<vmem>>)
      %dma_wait3A_848 = arith.constant 0 : i32
      %dma_wait3A_849 = tpu.memref_slice %arg3[%dma_wait3A_848] : memref<320000xi32, #tpu.memory_space<hbm>> -> memref<80xi32, #tpu.memory_space<hbm>>
      %dma_wait3A_850 = arith.constant 0 : i32
      %dma_wait3A_851 = tpu.memref_slice %arg3[%dma_wait3A_850] : memref<320000xi32, #tpu.memory_space<hbm>> -> memref<80xi32, #tpu.memory_space<hbm>>
      tpu.wait_dma2 semaphore(%arg31 : memref<!tpu.dma_semaphore, #tpu.memory_space<semaphore_mem>>) src(%dma_wait3A_851 : memref<80xi32, #tpu.memory_space<hbm>>) dst(%arg23 : memref<80xi32, #tpu.memory_space<vmem>>)
      "tpu.region"() ({
        %run_scoped3A = tpu.sem_alloc : memref<!tpu.dma_semaphore, #tpu.memory_space<semaphore_mem>>
        %dma_start3A_1005 = arith.constant 0 : i32
        %dma_start3A_1006 = arith.constant 0 : i32
        %dma_start3A_1007 = tpu.memref_slice %arg15[%dma_start3A_1005, %dma_start3A_1006] : memref<10240x128xf32, #tpu.memory_space<vmem_shared>> -> memref<10240x128xf32, #tpu.memory_space<vmem_shared>>
        tpu.enqueue_indirect_dma source(%arg26 : memref<80x128xf32, #tpu.memory_space<vmem>>) target(%dma_start3A_1007 : memref<10240x128xf32, #tpu.memory_space<vmem_shared>>) offsets(%arg23 : memref<80xi32, #tpu.memory_space<vmem>>) semaphore(%run_scoped3A : memref<!tpu.dma_semaphore, #tpu.memory_space<semaphore_mem>>) {add = true}
        %dma_wait3A_1008 = arith.constant 0 : i32
        %dma_wait3A_1009 = arith.constant 0 : i32
        %dma_wait3A_1010 = tpu.memref_slice %arg15[%dma_wait3A_1008, %dma_wait3A_1009] : memref<10240x128xf32, #tpu.memory_space<vmem_shared>> -> memref<10240x128xf32, #tpu.memory_space<vmem_shared>>
        tpu.wait_indirect_dma semaphore(%run_scoped3A : memref<!tpu.dma_semaphore, #tpu.memory_space<semaphore_mem>>) src(%arg26 : memref<80x128xf32, #tpu.memory_space<vmem>>) dst(%dma_wait3A_1010 : memref<10240x128xf32, #tpu.memory_space<vmem_shared>>)
        tpu.yield
      }) : () -> ()
      %add3A_852 = arith.constant 3 : i32
      %add3A_853 = arith.addi %add3A_844, %add3A_852 : i32
      %mul3A_854 = arith.constant 80 : i32
      %mul3A_855 = arith.muli %add3A_853, %mul3A_854 : i32
      %add3A_856 = arith.addi %mul3A_4, %mul3A_855 : i32
      %multiple_of3A_857 = tpu.assume_multiple %add3A_856, 8 : i32
      %mul3A_858 = arith.constant 80 : i32
      %mul3A_859 = arith.muli %add3A_853, %mul3A_858 : i32
      %multiple_of3A_860 = tpu.assume_multiple %mul3A_859, 16 : i32
      %add3A_861 = arith.constant 0 : i32
      %add3A_862 = arith.addi %multiple_of3A_860, %add3A_861 : i32
      %get3A_863 = arith.index_cast %add3A_862 : i32 to index
      %get3A_864 = tpu.vector_load %arg18[%get3A_863] {strides = array<i32>} : memref<10000xi32, #tpu.memory_space<vmem>>, vector<16xi32>,
      %get3A_865 = vector.shape_cast %get3A_864 : vector<16xi32> to vector<16xi32>
      %swap3A_866 = arith.constant 0 : index
      %swap3A_867 = tpu.vector_load %arg20[%swap3A_866] {strides = array<i32>} : memref<80xi32, #tpu.memory_space<vmem>>, vector<16xi32>,
      %swap3A_868 = vector.shape_cast %swap3A_867 : vector<16xi32> to vector<16xi32>
      %swap3A_869 = vector.shape_cast %get3A_865 : vector<16xi32> to vector<16xi32>
      tpu.vector_store %arg20[%swap3A_866], %swap3A_869 {strides = array<i32>} : memref<80xi32, #tpu.memory_space<vmem>>, vector<16xi32>,
      %mul3A_870 = arith.constant 80 : i32
      %mul3A_871 = arith.muli %add3A_853, %mul3A_870 : i32
      %multiple_of3A_872 = tpu.assume_multiple %mul3A_871, 16 : i32
      %add3A_873 = arith.constant 16 : i32
      %add3A_874 = arith.addi %multiple_of3A_872, %add3A_873 : i32
      %get3A_875 = arith.index_cast %add3A_874 : i32 to index
      %get3A_876 = tpu.vector_load %arg18[%get3A_875] {strides = array<i32>} : memref<10000xi32, #tpu.memory_space<vmem>>, vector<16xi32>,
      %get3A_877 = vector.shape_cast %get3A_876 : vector<16xi32> to vector<16xi32>
      %swap3A_878 = arith.constant 16 : index
      %swap3A_879 = tpu.vector_load %arg20[%swap3A_878] {strides = array<i32>} : memref<80xi32, #tpu.memory_space<vmem>>, vector<16xi32>,
      %swap3A_880 = vector.shape_cast %swap3A_879 : vector<16xi32> to vector<16xi32>
      %swap3A_881 = vector.shape_cast %get3A_877 : vector<16xi32> to vector<16xi32>
      tpu.vector_store %arg20[%swap3A_878], %swap3A_881 {strides = array<i32>} : memref<80xi32, #tpu.memory_space<vmem>>, vector<16xi32>,
      %mul3A_882 = arith.constant 80 : i32
      %mul3A_883 = arith.muli %add3A_853, %mul3A_882 : i32
      %multiple_of3A_884 = tpu.assume_multiple %mul3A_883, 16 : i32
      %add3A_885 = arith.constant 32 : i32
      %add3A_886 = arith.addi %multiple_of3A_884, %add3A_885 : i32
      %get3A_887 = arith.index_cast %add3A_886 : i32 to index
      %get3A_888 = tpu.vector_load %arg18[%get3A_887] {strides = array<i32>} : memref<10000xi32, #tpu.memory_space<vmem>>, vector<16xi32>,
      %get3A_889 = vector.shape_cast %get3A_888 : vector<16xi32> to vector<16xi32>
      %swap3A_890 = arith.constant 32 : index
      %swap3A_891 = tpu.vector_load %arg20[%swap3A_890] {strides = array<i32>} : memref<80xi32, #tpu.memory_space<vmem>>, vector<16xi32>,
      %swap3A_892 = vector.shape_cast %swap3A_891 : vector<16xi32> to vector<16xi32>
      %swap3A_893 = vector.shape_cast %get3A_889 : vector<16xi32> to vector<16xi32>
      tpu.vector_store %arg20[%swap3A_890], %swap3A_893 {strides = array<i32>} : memref<80xi32, #tpu.memory_space<vmem>>, vector<16xi32>,
      %mul3A_894 = arith.constant 80 : i32
      %mul3A_895 = arith.muli %add3A_853, %mul3A_894 : i32
      %multiple_of3A_896 = tpu.assume_multiple %mul3A_895, 16 : i32
      %add3A_897 = arith.constant 48 : i32
      %add3A_898 = arith.addi %multiple_of3A_896, %add3A_897 : i32
      %get3A_899 = arith.index_cast %add3A_898 : i32 to index
      %get3A_900 = tpu.vector_load %arg18[%get3A_899] {strides = array<i32>} : memref<10000xi32, #tpu.memory_space<vmem>>, vector<16xi32>,
      %get3A_901 = vector.shape_cast %get3A_900 : vector<16xi32> to vector<16xi32>
      %swap3A_902 = arith.constant 48 : index
      %swap3A_903 = tpu.vector_load %arg20[%swap3A_902] {strides = array<i32>} : memref<80xi32, #tpu.memory_space<vmem>>, vector<16xi32>,
      %swap3A_904 = vector.shape_cast %swap3A_903 : vector<16xi32> to vector<16xi32>
      %swap3A_905 = vector.shape_cast %get3A_901 : vector<16xi32> to vector<16xi32>
      tpu.vector_store %arg20[%swap3A_902], %swap3A_905 {strides = array<i32>} : memref<80xi32, #tpu.memory_space<vmem>>, vector<16xi32>,
      %mul3A_906 = arith.constant 80 : i32
      %mul3A_907 = arith.muli %add3A_853, %mul3A_906 : i32
      %multiple_of3A_908 = tpu.assume_multiple %mul3A_907, 16 : i32
      %add3A_909 = arith.constant 64 : i32
      %add3A_910 = arith.addi %multiple_of3A_908, %add3A_909 : i32
      %get3A_911 = arith.index_cast %add3A_910 : i32 to index
      %get3A_912 = tpu.vector_load %arg18[%get3A_911] {strides = array<i32>} : memref<10000xi32, #tpu.memory_space<vmem>>, vector<16xi32>,
      %get3A_913 = vector.shape_cast %get3A_912 : vector<16xi32> to vector<16xi32>
      %swap3A_914 = arith.constant 64 : index
      %swap3A_915 = tpu.vector_load %arg20[%swap3A_914] {strides = array<i32>} : memref<80xi32, #tpu.memory_space<vmem>>, vector<16xi32>,
      %swap3A_916 = vector.shape_cast %swap3A_915 : vector<16xi32> to vector<16xi32>
      %swap3A_917 = vector.shape_cast %get3A_913 : vector<16xi32> to vector<16xi32>
      tpu.vector_store %arg20[%swap3A_914], %swap3A_917 {strides = array<i32>} : memref<80xi32, #tpu.memory_space<vmem>>, vector<16xi32>,
      %dma_start3A_918 = tpu.memref_slice %arg3[%multiple_of3A_857] : memref<320000xi32, #tpu.memory_space<hbm>> -> memref<80xi32, #tpu.memory_space<hbm>>
      %dma_start3A_919 = tpu.memref_slice %arg3[%multiple_of3A_857] : memref<320000xi32, #tpu.memory_space<hbm>> -> memref<80xi32, #tpu.memory_space<hbm>>
      tpu.enqueue_dma source(%dma_start3A_919 : memref<80xi32, #tpu.memory_space<hbm>>) target(%arg23 : memref<80xi32, #tpu.memory_space<vmem>>) target_semaphore(%arg31 : memref<!tpu.dma_semaphore, #tpu.memory_space<semaphore_mem>>)
      %dma_start3A_920 = arith.constant 0 : i32
      %dma_start3A_921 = arith.constant 0 : i32
      %dma_start3A_922 = tpu.memref_slice %arg2[%dma_start3A_920, %dma_start3A_921] : memref<10000x128xf32, #tpu.memory_space<hbm>> -> memref<10000x128xf32, #tpu.memory_space<hbm>>
      tpu.enqueue_indirect_dma source(%dma_start3A_922 : memref<10000x128xf32, #tpu.memory_space<hbm>>) target(%arg26 : memref<80x128xf32, #tpu.memory_space<vmem>>) offsets(%arg20 : memref<80xi32, #tpu.memory_space<vmem>>) semaphore(%arg31 : memref<!tpu.dma_semaphore, #tpu.memory_space<semaphore_mem>>)
      %mul3A_923 = arith.constant 3 : i32
      %mul3A_924 = arith.muli %scan3A_758, %mul3A_923 : i32
      %add3A_925 = arith.constant 2 : i32
      %add3A_926 = arith.addi %mul3A_924, %add3A_925 : i32
      %dma_wait3A_927 = arith.constant 0 : i32
      %dma_wait3A_928 = arith.constant 0 : i32
      %dma_wait3A_929 = tpu.memref_slice %arg2[%dma_wait3A_927, %dma_wait3A_928] : memref<10000x128xf32, #tpu.memory_space<hbm>> -> memref<10000x128xf32, #tpu.memory_space<hbm>>
      tpu.wait_indirect_dma semaphore(%arg32 : memref<!tpu.dma_semaphore, #tpu.memory_space<semaphore_mem>>) src(%dma_wait3A_929 : memref<10000x128xf32, #tpu.memory_space<hbm>>) dst(%arg27 : memref<80x128xf32, #tpu.memory_space<vmem>>)
      %dma_wait3A_930 = arith.constant 0 : i32
      %dma_wait3A_931 = tpu.memref_slice %arg3[%dma_wait3A_930] : memref<320000xi32, #tpu.memory_space<hbm>> -> memref<80xi32, #tpu.memory_space<hbm>>
      %dma_wait3A_932 = arith.constant 0 : i32
      %dma_wait3A_933 = tpu.memref_slice %arg3[%dma_wait3A_932] : memref<320000xi32, #tpu.memory_space<hbm>> -> memref<80xi32, #tpu.memory_space<hbm>>
      tpu.wait_dma2 semaphore(%arg32 : memref<!tpu.dma_semaphore, #tpu.memory_space<semaphore_mem>>) src(%dma_wait3A_933 : memref<80xi32, #tpu.memory_space<hbm>>) dst(%arg24 : memref<80xi32, #tpu.memory_space<vmem>>)
      "tpu.region"() ({
        %run_scoped3A = tpu.sem_alloc : memref<!tpu.dma_semaphore, #tpu.memory_space<semaphore_mem>>
        %dma_start3A_1005 = arith.constant 0 : i32
        %dma_start3A_1006 = arith.constant 0 : i32
        %dma_start3A_1007 = tpu.memref_slice %arg15[%dma_start3A_1005, %dma_start3A_1006] : memref<10240x128xf32, #tpu.memory_space<vmem_shared>> -> memref<10240x128xf32, #tpu.memory_space<vmem_shared>>
        tpu.enqueue_indirect_dma source(%arg27 : memref<80x128xf32, #tpu.memory_space<vmem>>) target(%dma_start3A_1007 : memref<10240x128xf32, #tpu.memory_space<vmem_shared>>) offsets(%arg24 : memref<80xi32, #tpu.memory_space<vmem>>) semaphore(%run_scoped3A : memref<!tpu.dma_semaphore, #tpu.memory_space<semaphore_mem>>) {add = true}
        %dma_wait3A_1008 = arith.constant 0 : i32
        %dma_wait3A_1009 = arith.constant 0 : i32
        %dma_wait3A_1010 = tpu.memref_slice %arg15[%dma_wait3A_1008, %dma_wait3A_1009] : memref<10240x128xf32, #tpu.memory_space<vmem_shared>> -> memref<10240x128xf32, #tpu.memory_space<vmem_shared>>
        tpu.wait_indirect_dma semaphore(%run_scoped3A : memref<!tpu.dma_semaphore, #tpu.memory_space<semaphore_mem>>) src(%arg27 : memref<80x128xf32, #tpu.memory_space<vmem>>) dst(%dma_wait3A_1010 : memref<10240x128xf32, #tpu.memory_space<vmem_shared>>)
        tpu.yield
      }) : () -> ()
      %add3A_934 = arith.constant 3 : i32
      %add3A_935 = arith.addi %add3A_926, %add3A_934 : i32
      %mul3A_936 = arith.constant 80 : i32
      %mul3A_937 = arith.muli %add3A_935, %mul3A_936 : i32
      %add3A_938 = arith.addi %mul3A_4, %mul3A_937 : i32
      %multiple_of3A_939 = tpu.assume_multiple %add3A_938, 8 : i32
      %mul3A_940 = arith.constant 80 : i32
      %mul3A_941 = arith.muli %add3A_935, %mul3A_940 : i32
      %multiple_of3A_942 = tpu.assume_multiple %mul3A_941, 16 : i32
      %add3A_943 = arith.constant 0 : i32
      %add3A_944 = arith.addi %multiple_of3A_942, %add3A_943 : i32
      %get3A_945 = arith.index_cast %add3A_944 : i32 to index
      %get3A_946 = tpu.vector_load %arg18[%get3A_945] {strides = array<i32>} : memref<10000xi32, #tpu.memory_space<vmem>>, vector<16xi32>,
      %get3A_947 = vector.shape_cast %get3A_946 : vector<16xi32> to vector<16xi32>
      %swap3A_948 = arith.constant 0 : index
      %swap3A_949 = tpu.vector_load %arg21[%swap3A_948] {strides = array<i32>} : memref<80xi32, #tpu.memory_space<vmem>>, vector<16xi32>,
      %swap3A_950 = vector.shape_cast %swap3A_949 : vector<16xi32> to vector<16xi32>
      %swap3A_951 = vector.shape_cast %get3A_947 : vector<16xi32> to vector<16xi32>
      tpu.vector_store %arg21[%swap3A_948], %swap3A_951 {strides = array<i32>} : memref<80xi32, #tpu.memory_space<vmem>>, vector<16xi32>,
      %mul3A_952 = arith.constant 80 : i32
      %mul3A_953 = arith.muli %add3A_935, %mul3A_952 : i32
      %multiple_of3A_954 = tpu.assume_multiple %mul3A_953, 16 : i32
      %add3A_955 = arith.constant 16 : i32
      %add3A_956 = arith.addi %multiple_of3A_954, %add3A_955 : i32
      %get3A_957 = arith.index_cast %add3A_956 : i32 to index
      %get3A_958 = tpu.vector_load %arg18[%get3A_957] {strides = array<i32>} : memref<10000xi32, #tpu.memory_space<vmem>>, vector<16xi32>,
      %get3A_959 = vector.shape_cast %get3A_958 : vector<16xi32> to vector<16xi32>
      %swap3A_960 = arith.constant 16 : index
      %swap3A_961 = tpu.vector_load %arg21[%swap3A_960] {strides = array<i32>} : memref<80xi32, #tpu.memory_space<vmem>>, vector<16xi32>,
      %swap3A_962 = vector.shape_cast %swap3A_961 : vector<16xi32> to vector<16xi32>
      %swap3A_963 = vector.shape_cast %get3A_959 : vector<16xi32> to vector<16xi32>
      tpu.vector_store %arg21[%swap3A_960], %swap3A_963 {strides = array<i32>} : memref<80xi32, #tpu.memory_space<vmem>>, vector<16xi32>,
      %mul3A_964 = arith.constant 80 : i32
      %mul3A_965 = arith.muli %add3A_935, %mul3A_964 : i32
      %multiple_of3A_966 = tpu.assume_multiple %mul3A_965, 16 : i32
      %add3A_967 = arith.constant 32 : i32
      %add3A_968 = arith.addi %multiple_of3A_966, %add3A_967 : i32
      %get3A_969 = arith.index_cast %add3A_968 : i32 to index
      %get3A_970 = tpu.vector_load %arg18[%get3A_969] {strides = array<i32>} : memref<10000xi32, #tpu.memory_space<vmem>>, vector<16xi32>,
      %get3A_971 = vector.shape_cast %get3A_970 : vector<16xi32> to vector<16xi32>
      %swap3A_972 = arith.constant 32 : index
      %swap3A_973 = tpu.vector_load %arg21[%swap3A_972] {strides = array<i32>} : memref<80xi32, #tpu.memory_space<vmem>>, vector<16xi32>,
      %swap3A_974 = vector.shape_cast %swap3A_973 : vector<16xi32> to vector<16xi32>
      %swap3A_975 = vector.shape_cast %get3A_971 : vector<16xi32> to vector<16xi32>
      tpu.vector_store %arg21[%swap3A_972], %swap3A_975 {strides = array<i32>} : memref<80xi32, #tpu.memory_space<vmem>>, vector<16xi32>,
      %mul3A_976 = arith.constant 80 : i32
      %mul3A_977 = arith.muli %add3A_935, %mul3A_976 : i32
      %multiple_of3A_978 = tpu.assume_multiple %mul3A_977, 16 : i32
      %add3A_979 = arith.constant 48 : i32
      %add3A_980 = arith.addi %multiple_of3A_978, %add3A_979 : i32
      %get3A_981 = arith.index_cast %add3A_980 : i32 to index
      %get3A_982 = tpu.vector_load %arg18[%get3A_981] {strides = array<i32>} : memref<10000xi32, #tpu.memory_space<vmem>>, vector<16xi32>,
      %get3A_983 = vector.shape_cast %get3A_982 : vector<16xi32> to vector<16xi32>
      %swap3A_984 = arith.constant 48 : index
      %swap3A_985 = tpu.vector_load %arg21[%swap3A_984] {strides = array<i32>} : memref<80xi32, #tpu.memory_space<vmem>>, vector<16xi32>,
      %swap3A_986 = vector.shape_cast %swap3A_985 : vector<16xi32> to vector<16xi32>
      %swap3A_987 = vector.shape_cast %get3A_983 : vector<16xi32> to vector<16xi32>
      tpu.vector_store %arg21[%swap3A_984], %swap3A_987 {strides = array<i32>} : memref<80xi32, #tpu.memory_space<vmem>>, vector<16xi32>,
      %mul3A_988 = arith.constant 80 : i32
      %mul3A_989 = arith.muli %add3A_935, %mul3A_988 : i32
      %multiple_of3A_990 = tpu.assume_multiple %mul3A_989, 16 : i32
      %add3A_991 = arith.constant 64 : i32
      %add3A_992 = arith.addi %multiple_of3A_990, %add3A_991 : i32
      %get3A_993 = arith.index_cast %add3A_992 : i32 to index
      %get3A_994 = tpu.vector_load %arg18[%get3A_993] {strides = array<i32>} : memref<10000xi32, #tpu.memory_space<vmem>>, vector<16xi32>,
      %get3A_995 = vector.shape_cast %get3A_994 : vector<16xi32> to vector<16xi32>
      %swap3A_996 = arith.constant 64 : index
      %swap3A_997 = tpu.vector_load %arg21[%swap3A_996] {strides = array<i32>} : memref<80xi32, #tpu.memory_space<vmem>>, vector<16xi32>,
      %swap3A_998 = vector.shape_cast %swap3A_997 : vector<16xi32> to vector<16xi32>
      %swap3A_999 = vector.shape_cast %get3A_995 : vector<16xi32> to vector<16xi32>
      tpu.vector_store %arg21[%swap3A_996], %swap3A_999 {strides = array<i32>} : memref<80xi32, #tpu.memory_space<vmem>>, vector<16xi32>,
      %dma_start3A_1000 = tpu.memref_slice %arg3[%multiple_of3A_939] : memref<320000xi32, #tpu.memory_space<hbm>> -> memref<80xi32, #tpu.memory_space<hbm>>
      %dma_start3A_1001 = tpu.memref_slice %arg3[%multiple_of3A_939] : memref<320000xi32, #tpu.memory_space<hbm>> -> memref<80xi32, #tpu.memory_space<hbm>>
      tpu.enqueue_dma source(%dma_start3A_1001 : memref<80xi32, #tpu.memory_space<hbm>>) target(%arg24 : memref<80xi32, #tpu.memory_space<vmem>>) target_semaphore(%arg32 : memref<!tpu.dma_semaphore, #tpu.memory_space<semaphore_mem>>)
      %dma_start3A_1002 = arith.constant 0 : i32
      %dma_start3A_1003 = arith.constant 0 : i32
      %dma_start3A_1004 = tpu.memref_slice %arg2[%dma_start3A_1002, %dma_start3A_1003] : memref<10000x128xf32, #tpu.memory_space<hbm>> -> memref<10000x128xf32, #tpu.memory_space<hbm>>
      tpu.enqueue_indirect_dma source(%dma_start3A_1004 : memref<10000x128xf32, #tpu.memory_space<hbm>>) target(%arg27 : memref<80x128xf32, #tpu.memory_space<vmem>>) offsets(%arg21 : memref<80xi32, #tpu.memory_space<vmem>>) semaphore(%arg32 : memref<!tpu.dma_semaphore, #tpu.memory_space<semaphore_mem>>)
    }
    %scan3A_208 = arith.constant 40 : i32
    %dma_wait3A = arith.constant 0 : i32
    %dma_wait3A_209 = arith.constant 0 : i32
    %dma_wait3A_210 = tpu.memref_slice %arg2[%dma_wait3A, %dma_wait3A_209] : memref<10000x128xf32, #tpu.memory_space<hbm>> -> memref<10000x128xf32, #tpu.memory_space<hbm>>
    tpu.wait_indirect_dma semaphore(%arg30 : memref<!tpu.dma_semaphore, #tpu.memory_space<semaphore_mem>>) src(%dma_wait3A_210 : memref<10000x128xf32, #tpu.memory_space<hbm>>) dst(%arg25 : memref<80x128xf32, #tpu.memory_space<vmem>>)
    %dma_wait3A_211 = arith.constant 0 : i32
    %dma_wait3A_212 = tpu.memref_slice %arg3[%dma_wait3A_211] : memref<320000xi32, #tpu.memory_space<hbm>> -> memref<80xi32, #tpu.memory_space<hbm>>
    %dma_wait3A_213 = arith.constant 0 : i32
    %dma_wait3A_214 = tpu.memref_slice %arg3[%dma_wait3A_213] : memref<320000xi32, #tpu.memory_space<hbm>> -> memref<80xi32, #tpu.memory_space<hbm>>
    tpu.wait_dma2 semaphore(%arg30 : memref<!tpu.dma_semaphore, #tpu.memory_space<semaphore_mem>>) src(%dma_wait3A_214 : memref<80xi32, #tpu.memory_space<hbm>>) dst(%arg22 : memref<80xi32, #tpu.memory_space<vmem>>)
    "tpu.region"() ({
      %run_scoped3A = tpu.sem_alloc : memref<!tpu.dma_semaphore, #tpu.memory_space<semaphore_mem>>
      %dma_start3A_758 = arith.constant 0 : i32
      %dma_start3A_759 = arith.constant 0 : i32
      %dma_start3A_760 = tpu.memref_slice %arg15[%dma_start3A_758, %dma_start3A_759] : memref<10240x128xf32, #tpu.memory_space<vmem_shared>> -> memref<10240x128xf32, #tpu.memory_space<vmem_shared>>
      tpu.enqueue_indirect_dma source(%arg25 : memref<80x128xf32, #tpu.memory_space<vmem>>) target(%dma_start3A_760 : memref<10240x128xf32, #tpu.memory_space<vmem_shared>>) offsets(%arg22 : memref<80xi32, #tpu.memory_space<vmem>>) semaphore(%run_scoped3A : memref<!tpu.dma_semaphore, #tpu.memory_space<semaphore_mem>>) {add = true}
      %dma_wait3A_761 = arith.constant 0 : i32
      %dma_wait3A_762 = arith.constant 0 : i32
      %dma_wait3A_763 = tpu.memref_slice %arg15[%dma_wait3A_761, %dma_wait3A_762] : memref<10240x128xf32, #tpu.memory_space<vmem_shared>> -> memref<10240x128xf32, #tpu.memory_space<vmem_shared>>
      tpu.wait_indirect_dma semaphore(%run_scoped3A : memref<!tpu.dma_semaphore, #tpu.memory_space<semaphore_mem>>) src(%arg25 : memref<80x128xf32, #tpu.memory_space<vmem>>) dst(%dma_wait3A_763 : memref<10240x128xf32, #tpu.memory_space<vmem_shared>>)
      tpu.yield
    }) : () -> ()
    %add3A_215 = arith.constant 9840 : i32
    %add3A_216 = arith.addi %mul3A_4, %add3A_215 : i32
    %multiple_of3A_217 = tpu.assume_multiple %add3A_216, 8 : i32
    %multiple_of3A_218 = arith.constant 9840 : i32
    %multiple_of3A_219 = tpu.assume_multiple %multiple_of3A_218, 16 : i32
    %add3A_220 = arith.constant 0 : i32
    %add3A_221 = arith.addi %multiple_of3A_219, %add3A_220 : i32
    %get3A_222 = arith.index_cast %add3A_221 : i32 to index
    %get3A_223 = tpu.vector_load %arg18[%get3A_222] {strides = array<i32>} : memref<10000xi32, #tpu.memory_space<vmem>>, vector<16xi32>,
    %get3A_224 = vector.shape_cast %get3A_223 : vector<16xi32> to vector<16xi32>
    %swap3A_225 = arith.constant 0 : index
    %swap3A_226 = tpu.vector_load %arg19[%swap3A_225] {strides = array<i32>} : memref<80xi32, #tpu.memory_space<vmem>>, vector<16xi32>,
    %swap3A_227 = vector.shape_cast %swap3A_226 : vector<16xi32> to vector<16xi32>
    %swap3A_228 = vector.shape_cast %get3A_224 : vector<16xi32> to vector<16xi32>
    tpu.vector_store %arg19[%swap3A_225], %swap3A_228 {strides = array<i32>} : memref<80xi32, #tpu.memory_space<vmem>>, vector<16xi32>,
    %multiple_of3A_229 = arith.constant 9840 : i32
    %multiple_of3A_230 = tpu.assume_multiple %multiple_of3A_229, 16 : i32
    %add3A_231 = arith.constant 16 : i32
    %add3A_232 = arith.addi %multiple_of3A_230, %add3A_231 : i32
    %get3A_233 = arith.index_cast %add3A_232 : i32 to index
    %get3A_234 = tpu.vector_load %arg18[%get3A_233] {strides = array<i32>} : memref<10000xi32, #tpu.memory_space<vmem>>, vector<16xi32>,
    %get3A_235 = vector.shape_cast %get3A_234 : vector<16xi32> to vector<16xi32>
    %swap3A_236 = arith.constant 16 : index
    %swap3A_237 = tpu.vector_load %arg19[%swap3A_236] {strides = array<i32>} : memref<80xi32, #tpu.memory_space<vmem>>, vector<16xi32>,
    %swap3A_238 = vector.shape_cast %swap3A_237 : vector<16xi32> to vector<16xi32>
    %swap3A_239 = vector.shape_cast %get3A_235 : vector<16xi32> to vector<16xi32>
    tpu.vector_store %arg19[%swap3A_236], %swap3A_239 {strides = array<i32>} : memref<80xi32, #tpu.memory_space<vmem>>, vector<16xi32>,
    %multiple_of3A_240 = arith.constant 9840 : i32
    %multiple_of3A_241 = tpu.assume_multiple %multiple_of3A_240, 16 : i32
    %add3A_242 = arith.constant 32 : i32
    %add3A_243 = arith.addi %multiple_of3A_241, %add3A_242 : i32
    %get3A_244 = arith.index_cast %add3A_243 : i32 to index
    %get3A_245 = tpu.vector_load %arg18[%get3A_244] {strides = array<i32>} : memref<10000xi32, #tpu.memory_space<vmem>>, vector<16xi32>,
    %get3A_246 = vector.shape_cast %get3A_245 : vector<16xi32> to vector<16xi32>
    %swap3A_247 = arith.constant 32 : index
    %swap3A_248 = tpu.vector_load %arg19[%swap3A_247] {strides = array<i32>} : memref<80xi32, #tpu.memory_space<vmem>>, vector<16xi32>,
    %swap3A_249 = vector.shape_cast %swap3A_248 : vector<16xi32> to vector<16xi32>
    %swap3A_250 = vector.shape_cast %get3A_246 : vector<16xi32> to vector<16xi32>
    tpu.vector_store %arg19[%swap3A_247], %swap3A_250 {strides = array<i32>} : memref<80xi32, #tpu.memory_space<vmem>>, vector<16xi32>,
    %multiple_of3A_251 = arith.constant 9840 : i32
    %multiple_of3A_252 = tpu.assume_multiple %multiple_of3A_251, 16 : i32
    %add3A_253 = arith.constant 48 : i32
    %add3A_254 = arith.addi %multiple_of3A_252, %add3A_253 : i32
    %get3A_255 = arith.index_cast %add3A_254 : i32 to index
    %get3A_256 = tpu.vector_load %arg18[%get3A_255] {strides = array<i32>} : memref<10000xi32, #tpu.memory_space<vmem>>, vector<16xi32>,
    %get3A_257 = vector.shape_cast %get3A_256 : vector<16xi32> to vector<16xi32>
    %swap3A_258 = arith.constant 48 : index
    %swap3A_259 = tpu.vector_load %arg19[%swap3A_258] {strides = array<i32>} : memref<80xi32, #tpu.memory_space<vmem>>, vector<16xi32>,
    %swap3A_260 = vector.shape_cast %swap3A_259 : vector<16xi32> to vector<16xi32>
    %swap3A_261 = vector.shape_cast %get3A_257 : vector<16xi32> to vector<16xi32>
    tpu.vector_store %arg19[%swap3A_258], %swap3A_261 {strides = array<i32>} : memref<80xi32, #tpu.memory_space<vmem>>, vector<16xi32>,
    %multiple_of3A_262 = arith.constant 9840 : i32
    %multiple_of3A_263 = tpu.assume_multiple %multiple_of3A_262, 16 : i32
    %add3A_264 = arith.constant 64 : i32
    %add3A_265 = arith.addi %multiple_of3A_263, %add3A_264 : i32
    %get3A_266 = arith.index_cast %add3A_265 : i32 to index
    %get3A_267 = tpu.vector_load %arg18[%get3A_266] {strides = array<i32>} : memref<10000xi32, #tpu.memory_space<vmem>>, vector<16xi32>,
    %get3A_268 = vector.shape_cast %get3A_267 : vector<16xi32> to vector<16xi32>
    %swap3A_269 = arith.constant 64 : index
    %swap3A_270 = tpu.vector_load %arg19[%swap3A_269] {strides = array<i32>} : memref<80xi32, #tpu.memory_space<vmem>>, vector<16xi32>,
    %swap3A_271 = vector.shape_cast %swap3A_270 : vector<16xi32> to vector<16xi32>
    %swap3A_272 = vector.shape_cast %get3A_268 : vector<16xi32> to vector<16xi32>
    tpu.vector_store %arg19[%swap3A_269], %swap3A_272 {strides = array<i32>} : memref<80xi32, #tpu.memory_space<vmem>>, vector<16xi32>,
    %dma_start3A_273 = tpu.memref_slice %arg3[%multiple_of3A_217] : memref<320000xi32, #tpu.memory_space<hbm>> -> memref<80xi32, #tpu.memory_space<hbm>>
    %dma_start3A_274 = tpu.memref_slice %arg3[%multiple_of3A_217] : memref<320000xi32, #tpu.memory_space<hbm>> -> memref<80xi32, #tpu.memory_space<hbm>>
    tpu.enqueue_dma source(%dma_start3A_274 : memref<80xi32, #tpu.memory_space<hbm>>) target(%arg22 : memref<80xi32, #tpu.memory_space<vmem>>) target_semaphore(%arg30 : memref<!tpu.dma_semaphore, #tpu.memory_space<semaphore_mem>>)
    %dma_start3A_275 = arith.constant 0 : i32
    %dma_start3A_276 = arith.constant 0 : i32
    %dma_start3A_277 = tpu.memref_slice %arg2[%dma_start3A_275, %dma_start3A_276] : memref<10000x128xf32, #tpu.memory_space<hbm>> -> memref<10000x128xf32, #tpu.memory_space<hbm>>
    tpu.enqueue_indirect_dma source(%dma_start3A_277 : memref<10000x128xf32, #tpu.memory_space<hbm>>) target(%arg25 : memref<80x128xf32, #tpu.memory_space<vmem>>) offsets(%arg19 : memref<80xi32, #tpu.memory_space<vmem>>) semaphore(%arg30 : memref<!tpu.dma_semaphore, #tpu.memory_space<semaphore_mem>>)
    %dma_wait3A_278 = arith.constant 0 : i32
    %dma_wait3A_279 = arith.constant 0 : i32
    %dma_wait3A_280 = tpu.memref_slice %arg2[%dma_wait3A_278, %dma_wait3A_279] : memref<10000x128xf32, #tpu.memory_space<hbm>> -> memref<10000x128xf32, #tpu.memory_space<hbm>>
    tpu.wait_indirect_dma semaphore(%arg31 : memref<!tpu.dma_semaphore, #tpu.memory_space<semaphore_mem>>) src(%dma_wait3A_280 : memref<10000x128xf32, #tpu.memory_space<hbm>>) dst(%arg26 : memref<80x128xf32, #tpu.memory_space<vmem>>)
    %dma_wait3A_281 = arith.constant 0 : i32
    %dma_wait3A_282 = tpu.memref_slice %arg3[%dma_wait3A_281] : memref<320000xi32, #tpu.memory_space<hbm>> -> memref<80xi32, #tpu.memory_space<hbm>>
    %dma_wait3A_283 = arith.constant 0 : i32
    %dma_wait3A_284 = tpu.memref_slice %arg3[%dma_wait3A_283] : memref<320000xi32, #tpu.memory_space<hbm>> -> memref<80xi32, #tpu.memory_space<hbm>>
    tpu.wait_dma2 semaphore(%arg31 : memref<!tpu.dma_semaphore, #tpu.memory_space<semaphore_mem>>) src(%dma_wait3A_284 : memref<80xi32, #tpu.memory_space<hbm>>) dst(%arg23 : memref<80xi32, #tpu.memory_space<vmem>>)
    "tpu.region"() ({
      %run_scoped3A = tpu.sem_alloc : memref<!tpu.dma_semaphore, #tpu.memory_space<semaphore_mem>>
      %dma_start3A_758 = arith.constant 0 : i32
      %dma_start3A_759 = arith.constant 0 : i32
      %dma_start3A_760 = tpu.memref_slice %arg15[%dma_start3A_758, %dma_start3A_759] : memref<10240x128xf32, #tpu.memory_space<vmem_shared>> -> memref<10240x128xf32, #tpu.memory_space<vmem_shared>>
      tpu.enqueue_indirect_dma source(%arg26 : memref<80x128xf32, #tpu.memory_space<vmem>>) target(%dma_start3A_760 : memref<10240x128xf32, #tpu.memory_space<vmem_shared>>) offsets(%arg23 : memref<80xi32, #tpu.memory_space<vmem>>) semaphore(%run_scoped3A : memref<!tpu.dma_semaphore, #tpu.memory_space<semaphore_mem>>) {add = true}
      %dma_wait3A_761 = arith.constant 0 : i32
      %dma_wait3A_762 = arith.constant 0 : i32
      %dma_wait3A_763 = tpu.memref_slice %arg15[%dma_wait3A_761, %dma_wait3A_762] : memref<10240x128xf32, #tpu.memory_space<vmem_shared>> -> memref<10240x128xf32, #tpu.memory_space<vmem_shared>>
      tpu.wait_indirect_dma semaphore(%run_scoped3A : memref<!tpu.dma_semaphore, #tpu.memory_space<semaphore_mem>>) src(%arg26 : memref<80x128xf32, #tpu.memory_space<vmem>>) dst(%dma_wait3A_763 : memref<10240x128xf32, #tpu.memory_space<vmem_shared>>)
      tpu.yield
    }) : () -> ()
    %add3A_285 = arith.constant 9920 : i32
    %add3A_286 = arith.addi %mul3A_4, %add3A_285 : i32
    %multiple_of3A_287 = tpu.assume_multiple %add3A_286, 8 : i32
    %multiple_of3A_288 = arith.constant 9920 : i32
    %multiple_of3A_289 = tpu.assume_multiple %multiple_of3A_288, 16 : i32
    %add3A_290 = arith.constant 0 : i32
    %add3A_291 = arith.addi %multiple_of3A_289, %add3A_290 : i32
    %get3A_292 = arith.index_cast %add3A_291 : i32 to index
    %get3A_293 = tpu.vector_load %arg18[%get3A_292] {strides = array<i32>} : memref<10000xi32, #tpu.memory_space<vmem>>, vector<16xi32>,
    %get3A_294 = vector.shape_cast %get3A_293 : vector<16xi32> to vector<16xi32>
    %swap3A_295 = arith.constant 0 : index
    %swap3A_296 = tpu.vector_load %arg20[%swap3A_295] {strides = array<i32>} : memref<80xi32, #tpu.memory_space<vmem>>, vector<16xi32>,
    %swap3A_297 = vector.shape_cast %swap3A_296 : vector<16xi32> to vector<16xi32>
    %swap3A_298 = vector.shape_cast %get3A_294 : vector<16xi32> to vector<16xi32>
    tpu.vector_store %arg20[%swap3A_295], %swap3A_298 {strides = array<i32>} : memref<80xi32, #tpu.memory_space<vmem>>, vector<16xi32>,
    %multiple_of3A_299 = arith.constant 9920 : i32
    %multiple_of3A_300 = tpu.assume_multiple %multiple_of3A_299, 16 : i32
    %add3A_301 = arith.constant 16 : i32
    %add3A_302 = arith.addi %multiple_of3A_300, %add3A_301 : i32
    %get3A_303 = arith.index_cast %add3A_302 : i32 to index
    %get3A_304 = tpu.vector_load %arg18[%get3A_303] {strides = array<i32>} : memref<10000xi32, #tpu.memory_space<vmem>>, vector<16xi32>,
    %get3A_305 = vector.shape_cast %get3A_304 : vector<16xi32> to vector<16xi32>
    %swap3A_306 = arith.constant 16 : index
    %swap3A_307 = tpu.vector_load %arg20[%swap3A_306] {strides = array<i32>} : memref<80xi32, #tpu.memory_space<vmem>>, vector<16xi32>,
    %swap3A_308 = vector.shape_cast %swap3A_307 : vector<16xi32> to vector<16xi32>
    %swap3A_309 = vector.shape_cast %get3A_305 : vector<16xi32> to vector<16xi32>
    tpu.vector_store %arg20[%swap3A_306], %swap3A_309 {strides = array<i32>} : memref<80xi32, #tpu.memory_space<vmem>>, vector<16xi32>,
    %multiple_of3A_310 = arith.constant 9920 : i32
    %multiple_of3A_311 = tpu.assume_multiple %multiple_of3A_310, 16 : i32
    %add3A_312 = arith.constant 32 : i32
    %add3A_313 = arith.addi %multiple_of3A_311, %add3A_312 : i32
    %get3A_314 = arith.index_cast %add3A_313 : i32 to index
    %get3A_315 = tpu.vector_load %arg18[%get3A_314] {strides = array<i32>} : memref<10000xi32, #tpu.memory_space<vmem>>, vector<16xi32>,
    %get3A_316 = vector.shape_cast %get3A_315 : vector<16xi32> to vector<16xi32>
    %swap3A_317 = arith.constant 32 : index
    %swap3A_318 = tpu.vector_load %arg20[%swap3A_317] {strides = array<i32>} : memref<80xi32, #tpu.memory_space<vmem>>, vector<16xi32>,
    %swap3A_319 = vector.shape_cast %swap3A_318 : vector<16xi32> to vector<16xi32>
    %swap3A_320 = vector.shape_cast %get3A_316 : vector<16xi32> to vector<16xi32>
    tpu.vector_store %arg20[%swap3A_317], %swap3A_320 {strides = array<i32>} : memref<80xi32, #tpu.memory_space<vmem>>, vector<16xi32>,
    %multiple_of3A_321 = arith.constant 9920 : i32
    %multiple_of3A_322 = tpu.assume_multiple %multiple_of3A_321, 16 : i32
    %add3A_323 = arith.constant 48 : i32
    %add3A_324 = arith.addi %multiple_of3A_322, %add3A_323 : i32
    %get3A_325 = arith.index_cast %add3A_324 : i32 to index
    %get3A_326 = tpu.vector_load %arg18[%get3A_325] {strides = array<i32>} : memref<10000xi32, #tpu.memory_space<vmem>>, vector<16xi32>,
    %get3A_327 = vector.shape_cast %get3A_326 : vector<16xi32> to vector<16xi32>
    %swap3A_328 = arith.constant 48 : index
    %swap3A_329 = tpu.vector_load %arg20[%swap3A_328] {strides = array<i32>} : memref<80xi32, #tpu.memory_space<vmem>>, vector<16xi32>,
    %swap3A_330 = vector.shape_cast %swap3A_329 : vector<16xi32> to vector<16xi32>
    %swap3A_331 = vector.shape_cast %get3A_327 : vector<16xi32> to vector<16xi32>
    tpu.vector_store %arg20[%swap3A_328], %swap3A_331 {strides = array<i32>} : memref<80xi32, #tpu.memory_space<vmem>>, vector<16xi32>,
    %multiple_of3A_332 = arith.constant 9920 : i32
    %multiple_of3A_333 = tpu.assume_multiple %multiple_of3A_332, 16 : i32
    %add3A_334 = arith.constant 64 : i32
    %add3A_335 = arith.addi %multiple_of3A_333, %add3A_334 : i32
    %get3A_336 = arith.index_cast %add3A_335 : i32 to index
    %get3A_337 = tpu.vector_load %arg18[%get3A_336] {strides = array<i32>} : memref<10000xi32, #tpu.memory_space<vmem>>, vector<16xi32>,
    %get3A_338 = vector.shape_cast %get3A_337 : vector<16xi32> to vector<16xi32>
    %swap3A_339 = arith.constant 64 : index
    %swap3A_340 = tpu.vector_load %arg20[%swap3A_339] {strides = array<i32>} : memref<80xi32, #tpu.memory_space<vmem>>, vector<16xi32>,
    %swap3A_341 = vector.shape_cast %swap3A_340 : vector<16xi32> to vector<16xi32>
    %swap3A_342 = vector.shape_cast %get3A_338 : vector<16xi32> to vector<16xi32>
    tpu.vector_store %arg20[%swap3A_339], %swap3A_342 {strides = array<i32>} : memref<80xi32, #tpu.memory_space<vmem>>, vector<16xi32>,
    %dma_start3A_343 = tpu.memref_slice %arg3[%multiple_of3A_287] : memref<320000xi32, #tpu.memory_space<hbm>> -> memref<80xi32, #tpu.memory_space<hbm>>
    %dma_start3A_344 = tpu.memref_slice %arg3[%multiple_of3A_287] : memref<320000xi32, #tpu.memory_space<hbm>> -> memref<80xi32, #tpu.memory_space<hbm>>
    tpu.enqueue_dma source(%dma_start3A_344 : memref<80xi32, #tpu.memory_space<hbm>>) target(%arg23 : memref<80xi32, #tpu.memory_space<vmem>>) target_semaphore(%arg31 : memref<!tpu.dma_semaphore, #tpu.memory_space<semaphore_mem>>)
    %dma_start3A_345 = arith.constant 0 : i32
    %dma_start3A_346 = arith.constant 0 : i32
    %dma_start3A_347 = tpu.memref_slice %arg2[%dma_start3A_345, %dma_start3A_346] : memref<10000x128xf32, #tpu.memory_space<hbm>> -> memref<10000x128xf32, #tpu.memory_space<hbm>>
    tpu.enqueue_indirect_dma source(%dma_start3A_347 : memref<10000x128xf32, #tpu.memory_space<hbm>>) target(%arg26 : memref<80x128xf32, #tpu.memory_space<vmem>>) offsets(%arg20 : memref<80xi32, #tpu.memory_space<vmem>>) semaphore(%arg31 : memref<!tpu.dma_semaphore, #tpu.memory_space<semaphore_mem>>)
    %dma_wait3A_348 = arith.constant 0 : i32
    %dma_wait3A_349 = arith.constant 0 : i32
    %dma_wait3A_350 = tpu.memref_slice %arg2[%dma_wait3A_348, %dma_wait3A_349] : memref<10000x128xf32, #tpu.memory_space<hbm>> -> memref<10000x128xf32, #tpu.memory_space<hbm>>
    tpu.wait_indirect_dma semaphore(%arg32 : memref<!tpu.dma_semaphore, #tpu.memory_space<semaphore_mem>>) src(%dma_wait3A_350 : memref<10000x128xf32, #tpu.memory_space<hbm>>) dst(%arg27 : memref<80x128xf32, #tpu.memory_space<vmem>>)
    %dma_wait3A_351 = arith.constant 0 : i32
    %dma_wait3A_352 = tpu.memref_slice %arg3[%dma_wait3A_351] : memref<320000xi32, #tpu.memory_space<hbm>> -> memref<80xi32, #tpu.memory_space<hbm>>
    %dma_wait3A_353 = arith.constant 0 : i32
    %dma_wait3A_354 = tpu.memref_slice %arg3[%dma_wait3A_353] : memref<320000xi32, #tpu.memory_space<hbm>> -> memref<80xi32, #tpu.memory_space<hbm>>
    tpu.wait_dma2 semaphore(%arg32 : memref<!tpu.dma_semaphore, #tpu.memory_space<semaphore_mem>>) src(%dma_wait3A_354 : memref<80xi32, #tpu.memory_space<hbm>>) dst(%arg24 : memref<80xi32, #tpu.memory_space<vmem>>)
    "tpu.region"() ({
      %run_scoped3A = tpu.sem_alloc : memref<!tpu.dma_semaphore, #tpu.memory_space<semaphore_mem>>
      %dma_start3A_758 = arith.constant 0 : i32
      %dma_start3A_759 = arith.constant 0 : i32
      %dma_start3A_760 = tpu.memref_slice %arg15[%dma_start3A_758, %dma_start3A_759] : memref<10240x128xf32, #tpu.memory_space<vmem_shared>> -> memref<10240x128xf32, #tpu.memory_space<vmem_shared>>
      tpu.enqueue_indirect_dma source(%arg27 : memref<80x128xf32, #tpu.memory_space<vmem>>) target(%dma_start3A_760 : memref<10240x128xf32, #tpu.memory_space<vmem_shared>>) offsets(%arg24 : memref<80xi32, #tpu.memory_space<vmem>>) semaphore(%run_scoped3A : memref<!tpu.dma_semaphore, #tpu.memory_space<semaphore_mem>>) {add = true}
      %dma_wait3A_761 = arith.constant 0 : i32
      %dma_wait3A_762 = arith.constant 0 : i32
      %dma_wait3A_763 = tpu.memref_slice %arg15[%dma_wait3A_761, %dma_wait3A_762] : memref<10240x128xf32, #tpu.memory_space<vmem_shared>> -> memref<10240x128xf32, #tpu.memory_space<vmem_shared>>
      tpu.wait_indirect_dma semaphore(%run_scoped3A : memref<!tpu.dma_semaphore, #tpu.memory_space<semaphore_mem>>) src(%arg27 : memref<80x128xf32, #tpu.memory_space<vmem>>) dst(%dma_wait3A_763 : memref<10240x128xf32, #tpu.memory_space<vmem_shared>>)
      tpu.yield
    }) : () -> ()
    %dma_wait3A_355 = arith.constant 0 : i32
    %dma_wait3A_356 = arith.constant 0 : i32
    %dma_wait3A_357 = tpu.memref_slice %arg2[%dma_wait3A_355, %dma_wait3A_356] : memref<10000x128xf32, #tpu.memory_space<hbm>> -> memref<10000x128xf32, #tpu.memory_space<hbm>>
    tpu.wait_indirect_dma semaphore(%arg30 : memref<!tpu.dma_semaphore, #tpu.memory_space<semaphore_mem>>) src(%dma_wait3A_357 : memref<10000x128xf32, #tpu.memory_space<hbm>>) dst(%arg25 : memref<80x128xf32, #tpu.memory_space<vmem>>)
    %dma_wait3A_358 = arith.constant 0 : i32
    %dma_wait3A_359 = tpu.memref_slice %arg3[%dma_wait3A_358] : memref<320000xi32, #tpu.memory_space<hbm>> -> memref<80xi32, #tpu.memory_space<hbm>>
    %dma_wait3A_360 = arith.constant 0 : i32
    %dma_wait3A_361 = tpu.memref_slice %arg3[%dma_wait3A_360] : memref<320000xi32, #tpu.memory_space<hbm>> -> memref<80xi32, #tpu.memory_space<hbm>>
    tpu.wait_dma2 semaphore(%arg30 : memref<!tpu.dma_semaphore, #tpu.memory_space<semaphore_mem>>) src(%dma_wait3A_361 : memref<80xi32, #tpu.memory_space<hbm>>) dst(%arg22 : memref<80xi32, #tpu.memory_space<vmem>>)
    "tpu.region"() ({
      %run_scoped3A = tpu.sem_alloc : memref<!tpu.dma_semaphore, #tpu.memory_space<semaphore_mem>>
      %dma_start3A_758 = arith.constant 0 : i32
      %dma_start3A_759 = arith.constant 0 : i32
      %dma_start3A_760 = tpu.memref_slice %arg15[%dma_start3A_758, %dma_start3A_759] : memref<10240x128xf32, #tpu.memory_space<vmem_shared>> -> memref<10240x128xf32, #tpu.memory_space<vmem_shared>>
      tpu.enqueue_indirect_dma source(%arg25 : memref<80x128xf32, #tpu.memory_space<vmem>>) target(%dma_start3A_760 : memref<10240x128xf32, #tpu.memory_space<vmem_shared>>) offsets(%arg22 : memref<80xi32, #tpu.memory_space<vmem>>) semaphore(%run_scoped3A : memref<!tpu.dma_semaphore, #tpu.memory_space<semaphore_mem>>) {add = true}
      %dma_wait3A_761 = arith.constant 0 : i32
      %dma_wait3A_762 = arith.constant 0 : i32
      %dma_wait3A_763 = tpu.memref_slice %arg15[%dma_wait3A_761, %dma_wait3A_762] : memref<10240x128xf32, #tpu.memory_space<vmem_shared>> -> memref<10240x128xf32, #tpu.memory_space<vmem_shared>>
      tpu.wait_indirect_dma semaphore(%run_scoped3A : memref<!tpu.dma_semaphore, #tpu.memory_space<semaphore_mem>>) src(%arg25 : memref<80x128xf32, #tpu.memory_space<vmem>>) dst(%dma_wait3A_763 : memref<10240x128xf32, #tpu.memory_space<vmem_shared>>)
      tpu.yield
    }) : () -> ()
    %dma_wait3A_362 = arith.constant 0 : i32
    %dma_wait3A_363 = arith.constant 0 : i32
    %dma_wait3A_364 = tpu.memref_slice %arg2[%dma_wait3A_362, %dma_wait3A_363] : memref<10000x128xf32, #tpu.memory_space<hbm>> -> memref<10000x128xf32, #tpu.memory_space<hbm>>
    tpu.wait_indirect_dma semaphore(%arg31 : memref<!tpu.dma_semaphore, #tpu.memory_space<semaphore_mem>>) src(%dma_wait3A_364 : memref<10000x128xf32, #tpu.memory_space<hbm>>) dst(%arg26 : memref<80x128xf32, #tpu.memory_space<vmem>>)
    %dma_wait3A_365 = arith.constant 0 : i32
    %dma_wait3A_366 = tpu.memref_slice %arg3[%dma_wait3A_365] : memref<320000xi32, #tpu.memory_space<hbm>> -> memref<80xi32, #tpu.memory_space<hbm>>
    %dma_wait3A_367 = arith.constant 0 : i32
    %dma_wait3A_368 = tpu.memref_slice %arg3[%dma_wait3A_367] : memref<320000xi32, #tpu.memory_space<hbm>> -> memref<80xi32, #tpu.memory_space<hbm>>
    tpu.wait_dma2 semaphore(%arg31 : memref<!tpu.dma_semaphore, #tpu.memory_space<semaphore_mem>>) src(%dma_wait3A_368 : memref<80xi32, #tpu.memory_space<hbm>>) dst(%arg23 : memref<80xi32, #tpu.memory_space<vmem>>)
    "tpu.region"() ({
      %run_scoped3A = tpu.sem_alloc : memref<!tpu.dma_semaphore, #tpu.memory_space<semaphore_mem>>
      %dma_start3A_758 = arith.constant 0 : i32
      %dma_start3A_759 = arith.constant 0 : i32
      %dma_start3A_760 = tpu.memref_slice %arg15[%dma_start3A_758, %dma_start3A_759] : memref<10240x128xf32, #tpu.memory_space<vmem_shared>> -> memref<10240x128xf32, #tpu.memory_space<vmem_shared>>
      tpu.enqueue_indirect_dma source(%arg26 : memref<80x128xf32, #tpu.memory_space<vmem>>) target(%dma_start3A_760 : memref<10240x128xf32, #tpu.memory_space<vmem_shared>>) offsets(%arg23 : memref<80xi32, #tpu.memory_space<vmem>>) semaphore(%run_scoped3A : memref<!tpu.dma_semaphore, #tpu.memory_space<semaphore_mem>>) {add = true}
      %dma_wait3A_761 = arith.constant 0 : i32
      %dma_wait3A_762 = arith.constant 0 : i32
      %dma_wait3A_763 = tpu.memref_slice %arg15[%dma_wait3A_761, %dma_wait3A_762] : memref<10240x128xf32, #tpu.memory_space<vmem_shared>> -> memref<10240x128xf32, #tpu.memory_space<vmem_shared>>
      tpu.wait_indirect_dma semaphore(%run_scoped3A : memref<!tpu.dma_semaphore, #tpu.memory_space<semaphore_mem>>) src(%arg26 : memref<80x128xf32, #tpu.memory_space<vmem>>) dst(%dma_wait3A_763 : memref<10240x128xf32, #tpu.memory_space<vmem_shared>>)
      tpu.yield
    }) : () -> ()
    %mul3A_369 = arith.constant 400 : i32
    %mul3A_370 = arith.muli %add3A, %mul3A_369 : i32
    "tpu.region"() ({
      %run_scoped3A = tpu.sem_alloc : memref<!tpu.dma_semaphore, #tpu.memory_space<semaphore_mem>>
      %dma_start3A_758 = arith.constant 0 : i32
      %dma_start3A_759 = tpu.memref_slice %arg18[%dma_start3A_758] : memref<10000xi32, #tpu.memory_space<vmem>> -> memref<400xi32, #tpu.memory_space<vmem>>
      %dma_start3A_760 = tpu.memref_slice %arg6[%mul3A_370] : memref<12800xi32, #tpu.memory_space<hbm>> -> memref<400xi32, #tpu.memory_space<hbm>>
      %dma_start3A_761 = arith.constant 0 : i32
      %dma_start3A_762 = tpu.memref_slice %arg18[%dma_start3A_761] : memref<10000xi32, #tpu.memory_space<vmem>> -> memref<400xi32, #tpu.memory_space<vmem>>
      %dma_start3A_763 = tpu.memref_slice %arg6[%mul3A_370] : memref<12800xi32, #tpu.memory_space<hbm>> -> memref<400xi32, #tpu.memory_space<hbm>>
      tpu.enqueue_dma source(%dma_start3A_763 : memref<400xi32, #tpu.memory_space<hbm>>) target(%dma_start3A_762 : memref<400xi32, #tpu.memory_space<vmem>>) target_semaphore(%run_scoped3A : memref<!tpu.dma_semaphore, #tpu.memory_space<semaphore_mem>>)
      %dma_wait3A_764 = arith.constant 0 : i32
      %dma_wait3A_765 = tpu.memref_slice %arg18[%dma_wait3A_764] : memref<10000xi32, #tpu.memory_space<vmem>> -> memref<400xi32, #tpu.memory_space<vmem>>
      %dma_wait3A_766 = tpu.memref_slice %arg6[%mul3A_370] : memref<12800xi32, #tpu.memory_space<hbm>> -> memref<400xi32, #tpu.memory_space<hbm>>
      %dma_wait3A_767 = arith.constant 0 : i32
      %dma_wait3A_768 = tpu.memref_slice %arg18[%dma_wait3A_767] : memref<10000xi32, #tpu.memory_space<vmem>> -> memref<400xi32, #tpu.memory_space<vmem>>
      %dma_wait3A_769 = tpu.memref_slice %arg6[%mul3A_370] : memref<12800xi32, #tpu.memory_space<hbm>> -> memref<400xi32, #tpu.memory_space<hbm>>
      tpu.wait_dma2 semaphore(%run_scoped3A : memref<!tpu.dma_semaphore, #tpu.memory_space<semaphore_mem>>) src(%dma_wait3A_769 : memref<400xi32, #tpu.memory_space<hbm>>) dst(%dma_wait3A_768 : memref<400xi32, #tpu.memory_space<vmem>>)
      tpu.yield
    }) : () -> ()
    %mul3A_371 = arith.constant 400 : i32
    %mul3A_372 = arith.muli %add3A, %mul3A_371 : i32
    %add3A_373 = arith.constant 0 : i32
    %add3A_374 = arith.addi %mul3A_372, %add3A_373 : i32
    %multiple_of3A_375 = tpu.assume_multiple %add3A_374, 8 : i32
    %multiple_of3A_376 = arith.constant 0 : i32
    %multiple_of3A_377 = tpu.assume_multiple %multiple_of3A_376, 16 : i32
    %add3A_378 = arith.constant 0 : i32
    %add3A_379 = arith.addi %multiple_of3A_377, %add3A_378 : i32
    %get3A_380 = arith.index_cast %add3A_379 : i32 to index
    %get3A_381 = tpu.vector_load %arg18[%get3A_380] {strides = array<i32>} : memref<10000xi32, #tpu.memory_space<vmem>>, vector<16xi32>,
    %get3A_382 = vector.shape_cast %get3A_381 : vector<16xi32> to vector<16xi32>
    %swap3A_383 = arith.constant 0 : index
    %swap3A_384 = tpu.vector_load %arg19[%swap3A_383] {strides = array<i32>} : memref<80xi32, #tpu.memory_space<vmem>>, vector<16xi32>,
    %swap3A_385 = vector.shape_cast %swap3A_384 : vector<16xi32> to vector<16xi32>
    %swap3A_386 = vector.shape_cast %get3A_382 : vector<16xi32> to vector<16xi32>
    tpu.vector_store %arg19[%swap3A_383], %swap3A_386 {strides = array<i32>} : memref<80xi32, #tpu.memory_space<vmem>>, vector<16xi32>,
    %multiple_of3A_387 = arith.constant 0 : i32
    %multiple_of3A_388 = tpu.assume_multiple %multiple_of3A_387, 16 : i32
    %add3A_389 = arith.constant 16 : i32
    %add3A_390 = arith.addi %multiple_of3A_388, %add3A_389 : i32
    %get3A_391 = arith.index_cast %add3A_390 : i32 to index
    %get3A_392 = tpu.vector_load %arg18[%get3A_391] {strides = array<i32>} : memref<10000xi32, #tpu.memory_space<vmem>>, vector<16xi32>,
    %get3A_393 = vector.shape_cast %get3A_392 : vector<16xi32> to vector<16xi32>
    %swap3A_394 = arith.constant 16 : index
    %swap3A_395 = tpu.vector_load %arg19[%swap3A_394] {strides = array<i32>} : memref<80xi32, #tpu.memory_space<vmem>>, vector<16xi32>,
    %swap3A_396 = vector.shape_cast %swap3A_395 : vector<16xi32> to vector<16xi32>
    %swap3A_397 = vector.shape_cast %get3A_393 : vector<16xi32> to vector<16xi32>
    tpu.vector_store %arg19[%swap3A_394], %swap3A_397 {strides = array<i32>} : memref<80xi32, #tpu.memory_space<vmem>>, vector<16xi32>,
    %multiple_of3A_398 = arith.constant 0 : i32
    %multiple_of3A_399 = tpu.assume_multiple %multiple_of3A_398, 16 : i32
    %add3A_400 = arith.constant 32 : i32
    %add3A_401 = arith.addi %multiple_of3A_399, %add3A_400 : i32
    %get3A_402 = arith.index_cast %add3A_401 : i32 to index
    %get3A_403 = tpu.vector_load %arg18[%get3A_402] {strides = array<i32>} : memref<10000xi32, #tpu.memory_space<vmem>>, vector<16xi32>,
    %get3A_404 = vector.shape_cast %get3A_403 : vector<16xi32> to vector<16xi32>
    %swap3A_405 = arith.constant 32 : index
    %swap3A_406 = tpu.vector_load %arg19[%swap3A_405] {strides = array<i32>} : memref<80xi32, #tpu.memory_space<vmem>>, vector<16xi32>,
    %swap3A_407 = vector.shape_cast %swap3A_406 : vector<16xi32> to vector<16xi32>
    %swap3A_408 = vector.shape_cast %get3A_404 : vector<16xi32> to vector<16xi32>
    tpu.vector_store %arg19[%swap3A_405], %swap3A_408 {strides = array<i32>} : memref<80xi32, #tpu.memory_space<vmem>>, vector<16xi32>,
    %multiple_of3A_409 = arith.constant 0 : i32
    %multiple_of3A_410 = tpu.assume_multiple %multiple_of3A_409, 16 : i32
    %add3A_411 = arith.constant 48 : i32
    %add3A_412 = arith.addi %multiple_of3A_410, %add3A_411 : i32
    %get3A_413 = arith.index_cast %add3A_412 : i32 to index
    %get3A_414 = tpu.vector_load %arg18[%get3A_413] {strides = array<i32>} : memref<10000xi32, #tpu.memory_space<vmem>>, vector<16xi32>,
    %get3A_415 = vector.shape_cast %get3A_414 : vector<16xi32> to vector<16xi32>
    %swap3A_416 = arith.constant 48 : index
    %swap3A_417 = tpu.vector_load %arg19[%swap3A_416] {strides = array<i32>} : memref<80xi32, #tpu.memory_space<vmem>>, vector<16xi32>,
    %swap3A_418 = vector.shape_cast %swap3A_417 : vector<16xi32> to vector<16xi32>
    %swap3A_419 = vector.shape_cast %get3A_415 : vector<16xi32> to vector<16xi32>
    tpu.vector_store %arg19[%swap3A_416], %swap3A_419 {strides = array<i32>} : memref<80xi32, #tpu.memory_space<vmem>>, vector<16xi32>,
    %multiple_of3A_420 = arith.constant 0 : i32
    %multiple_of3A_421 = tpu.assume_multiple %multiple_of3A_420, 16 : i32
    %add3A_422 = arith.constant 64 : i32
    %add3A_423 = arith.addi %multiple_of3A_421, %add3A_422 : i32
    %get3A_424 = arith.index_cast %add3A_423 : i32 to index
    %get3A_425 = tpu.vector_load %arg18[%get3A_424] {strides = array<i32>} : memref<10000xi32, #tpu.memory_space<vmem>>, vector<16xi32>,
    %get3A_426 = vector.shape_cast %get3A_425 : vector<16xi32> to vector<16xi32>
    %swap3A_427 = arith.constant 64 : index
    %swap3A_428 = tpu.vector_load %arg19[%swap3A_427] {strides = array<i32>} : memref<80xi32, #tpu.memory_space<vmem>>, vector<16xi32>,
    %swap3A_429 = vector.shape_cast %swap3A_428 : vector<16xi32> to vector<16xi32>
    %swap3A_430 = vector.shape_cast %get3A_426 : vector<16xi32> to vector<16xi32>
    tpu.vector_store %arg19[%swap3A_427], %swap3A_430 {strides = array<i32>} : memref<80xi32, #tpu.memory_space<vmem>>, vector<16xi32>,
    %dma_start3A_431 = tpu.memref_slice %arg5[%multiple_of3A_375] : memref<12800xi32, #tpu.memory_space<hbm>> -> memref<80xi32, #tpu.memory_space<hbm>>
    %dma_start3A_432 = tpu.memref_slice %arg5[%multiple_of3A_375] : memref<12800xi32, #tpu.memory_space<hbm>> -> memref<80xi32, #tpu.memory_space<hbm>>
    tpu.enqueue_dma source(%dma_start3A_432 : memref<80xi32, #tpu.memory_space<hbm>>) target(%arg22 : memref<80xi32, #tpu.memory_space<vmem>>) target_semaphore(%arg30 : memref<!tpu.dma_semaphore, #tpu.memory_space<semaphore_mem>>)
    %dma_start3A_433 = arith.constant 0 : i32
    %dma_start3A_434 = arith.constant 0 : i32
    %dma_start3A_435 = tpu.memref_slice %arg2[%dma_start3A_433, %dma_start3A_434] : memref<10000x128xf32, #tpu.memory_space<hbm>> -> memref<10000x128xf32, #tpu.memory_space<hbm>>
    tpu.enqueue_indirect_dma source(%dma_start3A_435 : memref<10000x128xf32, #tpu.memory_space<hbm>>) target(%arg25 : memref<80x128xf32, #tpu.memory_space<vmem>>) offsets(%arg19 : memref<80xi32, #tpu.memory_space<vmem>>) semaphore(%arg30 : memref<!tpu.dma_semaphore, #tpu.memory_space<semaphore_mem>>)
    %add3A_436 = arith.constant 80 : i32
    %add3A_437 = arith.addi %mul3A_372, %add3A_436 : i32
    %multiple_of3A_438 = tpu.assume_multiple %add3A_437, 8 : i32
    %multiple_of3A_439 = arith.constant 80 : i32
    %multiple_of3A_440 = tpu.assume_multiple %multiple_of3A_439, 16 : i32
    %add3A_441 = arith.constant 0 : i32
    %add3A_442 = arith.addi %multiple_of3A_440, %add3A_441 : i32
    %get3A_443 = arith.index_cast %add3A_442 : i32 to index
    %get3A_444 = tpu.vector_load %arg18[%get3A_443] {strides = array<i32>} : memref<10000xi32, #tpu.memory_space<vmem>>, vector<16xi32>,
    %get3A_445 = vector.shape_cast %get3A_444 : vector<16xi32> to vector<16xi32>
    %swap3A_446 = arith.constant 0 : index
    %swap3A_447 = tpu.vector_load %arg20[%swap3A_446] {strides = array<i32>} : memref<80xi32, #tpu.memory_space<vmem>>, vector<16xi32>,
    %swap3A_448 = vector.shape_cast %swap3A_447 : vector<16xi32> to vector<16xi32>
    %swap3A_449 = vector.shape_cast %get3A_445 : vector<16xi32> to vector<16xi32>
    tpu.vector_store %arg20[%swap3A_446], %swap3A_449 {strides = array<i32>} : memref<80xi32, #tpu.memory_space<vmem>>, vector<16xi32>,
    %multiple_of3A_450 = arith.constant 80 : i32
    %multiple_of3A_451 = tpu.assume_multiple %multiple_of3A_450, 16 : i32
    %add3A_452 = arith.constant 16 : i32
    %add3A_453 = arith.addi %multiple_of3A_451, %add3A_452 : i32
    %get3A_454 = arith.index_cast %add3A_453 : i32 to index
    %get3A_455 = tpu.vector_load %arg18[%get3A_454] {strides = array<i32>} : memref<10000xi32, #tpu.memory_space<vmem>>, vector<16xi32>,
    %get3A_456 = vector.shape_cast %get3A_455 : vector<16xi32> to vector<16xi32>
    %swap3A_457 = arith.constant 16 : index
    %swap3A_458 = tpu.vector_load %arg20[%swap3A_457] {strides = array<i32>} : memref<80xi32, #tpu.memory_space<vmem>>, vector<16xi32>,
    %swap3A_459 = vector.shape_cast %swap3A_458 : vector<16xi32> to vector<16xi32>
    %swap3A_460 = vector.shape_cast %get3A_456 : vector<16xi32> to vector<16xi32>
    tpu.vector_store %arg20[%swap3A_457], %swap3A_460 {strides = array<i32>} : memref<80xi32, #tpu.memory_space<vmem>>, vector<16xi32>,
    %multiple_of3A_461 = arith.constant 80 : i32
    %multiple_of3A_462 = tpu.assume_multiple %multiple_of3A_461, 16 : i32
    %add3A_463 = arith.constant 32 : i32
    %add3A_464 = arith.addi %multiple_of3A_462, %add3A_463 : i32
    %get3A_465 = arith.index_cast %add3A_464 : i32 to index
    %get3A_466 = tpu.vector_load %arg18[%get3A_465] {strides = array<i32>} : memref<10000xi32, #tpu.memory_space<vmem>>, vector<16xi32>,
    %get3A_467 = vector.shape_cast %get3A_466 : vector<16xi32> to vector<16xi32>
    %swap3A_468 = arith.constant 32 : index
    %swap3A_469 = tpu.vector_load %arg20[%swap3A_468] {strides = array<i32>} : memref<80xi32, #tpu.memory_space<vmem>>, vector<16xi32>,
    %swap3A_470 = vector.shape_cast %swap3A_469 : vector<16xi32> to vector<16xi32>
    %swap3A_471 = vector.shape_cast %get3A_467 : vector<16xi32> to vector<16xi32>
    tpu.vector_store %arg20[%swap3A_468], %swap3A_471 {strides = array<i32>} : memref<80xi32, #tpu.memory_space<vmem>>, vector<16xi32>,
    %multiple_of3A_472 = arith.constant 80 : i32
    %multiple_of3A_473 = tpu.assume_multiple %multiple_of3A_472, 16 : i32
    %add3A_474 = arith.constant 48 : i32
    %add3A_475 = arith.addi %multiple_of3A_473, %add3A_474 : i32
    %get3A_476 = arith.index_cast %add3A_475 : i32 to index
    %get3A_477 = tpu.vector_load %arg18[%get3A_476] {strides = array<i32>} : memref<10000xi32, #tpu.memory_space<vmem>>, vector<16xi32>,
    %get3A_478 = vector.shape_cast %get3A_477 : vector<16xi32> to vector<16xi32>
    %swap3A_479 = arith.constant 48 : index
    %swap3A_480 = tpu.vector_load %arg20[%swap3A_479] {strides = array<i32>} : memref<80xi32, #tpu.memory_space<vmem>>, vector<16xi32>,
    %swap3A_481 = vector.shape_cast %swap3A_480 : vector<16xi32> to vector<16xi32>
    %swap3A_482 = vector.shape_cast %get3A_478 : vector<16xi32> to vector<16xi32>
    tpu.vector_store %arg20[%swap3A_479], %swap3A_482 {strides = array<i32>} : memref<80xi32, #tpu.memory_space<vmem>>, vector<16xi32>,
    %multiple_of3A_483 = arith.constant 80 : i32
    %multiple_of3A_484 = tpu.assume_multiple %multiple_of3A_483, 16 : i32
    %add3A_485 = arith.constant 64 : i32
    %add3A_486 = arith.addi %multiple_of3A_484, %add3A_485 : i32
    %get3A_487 = arith.index_cast %add3A_486 : i32 to index
    %get3A_488 = tpu.vector_load %arg18[%get3A_487] {strides = array<i32>} : memref<10000xi32, #tpu.memory_space<vmem>>, vector<16xi32>,
    %get3A_489 = vector.shape_cast %get3A_488 : vector<16xi32> to vector<16xi32>
    %swap3A_490 = arith.constant 64 : index
    %swap3A_491 = tpu.vector_load %arg20[%swap3A_490] {strides = array<i32>} : memref<80xi32, #tpu.memory_space<vmem>>, vector<16xi32>,
    %swap3A_492 = vector.shape_cast %swap3A_491 : vector<16xi32> to vector<16xi32>
    %swap3A_493 = vector.shape_cast %get3A_489 : vector<16xi32> to vector<16xi32>
    tpu.vector_store %arg20[%swap3A_490], %swap3A_493 {strides = array<i32>} : memref<80xi32, #tpu.memory_space<vmem>>, vector<16xi32>,
    %dma_start3A_494 = tpu.memref_slice %arg5[%multiple_of3A_438] : memref<12800xi32, #tpu.memory_space<hbm>> -> memref<80xi32, #tpu.memory_space<hbm>>
    %dma_start3A_495 = tpu.memref_slice %arg5[%multiple_of3A_438] : memref<12800xi32, #tpu.memory_space<hbm>> -> memref<80xi32, #tpu.memory_space<hbm>>
    tpu.enqueue_dma source(%dma_start3A_495 : memref<80xi32, #tpu.memory_space<hbm>>) target(%arg23 : memref<80xi32, #tpu.memory_space<vmem>>) target_semaphore(%arg31 : memref<!tpu.dma_semaphore, #tpu.memory_space<semaphore_mem>>)
    %dma_start3A_496 = arith.constant 0 : i32
    %dma_start3A_497 = arith.constant 0 : i32
    %dma_start3A_498 = tpu.memref_slice %arg2[%dma_start3A_496, %dma_start3A_497] : memref<10000x128xf32, #tpu.memory_space<hbm>> -> memref<10000x128xf32, #tpu.memory_space<hbm>>
    tpu.enqueue_indirect_dma source(%dma_start3A_498 : memref<10000x128xf32, #tpu.memory_space<hbm>>) target(%arg26 : memref<80x128xf32, #tpu.memory_space<vmem>>) offsets(%arg20 : memref<80xi32, #tpu.memory_space<vmem>>) semaphore(%arg31 : memref<!tpu.dma_semaphore, #tpu.memory_space<semaphore_mem>>)
    %add3A_499 = arith.constant 160 : i32
    %add3A_500 = arith.addi %mul3A_372, %add3A_499 : i32
    %multiple_of3A_501 = tpu.assume_multiple %add3A_500, 8 : i32
    %multiple_of3A_502 = arith.constant 160 : i32
    %multiple_of3A_503 = tpu.assume_multiple %multiple_of3A_502, 16 : i32
    %add3A_504 = arith.constant 0 : i32
    %add3A_505 = arith.addi %multiple_of3A_503, %add3A_504 : i32
    %get3A_506 = arith.index_cast %add3A_505 : i32 to index
    %get3A_507 = tpu.vector_load %arg18[%get3A_506] {strides = array<i32>} : memref<10000xi32, #tpu.memory_space<vmem>>, vector<16xi32>,
    %get3A_508 = vector.shape_cast %get3A_507 : vector<16xi32> to vector<16xi32>
    %swap3A_509 = arith.constant 0 : index
    %swap3A_510 = tpu.vector_load %arg21[%swap3A_509] {strides = array<i32>} : memref<80xi32, #tpu.memory_space<vmem>>, vector<16xi32>,
    %swap3A_511 = vector.shape_cast %swap3A_510 : vector<16xi32> to vector<16xi32>
    %swap3A_512 = vector.shape_cast %get3A_508 : vector<16xi32> to vector<16xi32>
    tpu.vector_store %arg21[%swap3A_509], %swap3A_512 {strides = array<i32>} : memref<80xi32, #tpu.memory_space<vmem>>, vector<16xi32>,
    %multiple_of3A_513 = arith.constant 160 : i32
    %multiple_of3A_514 = tpu.assume_multiple %multiple_of3A_513, 16 : i32
    %add3A_515 = arith.constant 16 : i32
    %add3A_516 = arith.addi %multiple_of3A_514, %add3A_515 : i32
    %get3A_517 = arith.index_cast %add3A_516 : i32 to index
    %get3A_518 = tpu.vector_load %arg18[%get3A_517] {strides = array<i32>} : memref<10000xi32, #tpu.memory_space<vmem>>, vector<16xi32>,
    %get3A_519 = vector.shape_cast %get3A_518 : vector<16xi32> to vector<16xi32>
    %swap3A_520 = arith.constant 16 : index
    %swap3A_521 = tpu.vector_load %arg21[%swap3A_520] {strides = array<i32>} : memref<80xi32, #tpu.memory_space<vmem>>, vector<16xi32>,
    %swap3A_522 = vector.shape_cast %swap3A_521 : vector<16xi32> to vector<16xi32>
    %swap3A_523 = vector.shape_cast %get3A_519 : vector<16xi32> to vector<16xi32>
    tpu.vector_store %arg21[%swap3A_520], %swap3A_523 {strides = array<i32>} : memref<80xi32, #tpu.memory_space<vmem>>, vector<16xi32>,
    %multiple_of3A_524 = arith.constant 160 : i32
    %multiple_of3A_525 = tpu.assume_multiple %multiple_of3A_524, 16 : i32
    %add3A_526 = arith.constant 32 : i32
    %add3A_527 = arith.addi %multiple_of3A_525, %add3A_526 : i32
    %get3A_528 = arith.index_cast %add3A_527 : i32 to index
    %get3A_529 = tpu.vector_load %arg18[%get3A_528] {strides = array<i32>} : memref<10000xi32, #tpu.memory_space<vmem>>, vector<16xi32>,
    %get3A_530 = vector.shape_cast %get3A_529 : vector<16xi32> to vector<16xi32>
    %swap3A_531 = arith.constant 32 : index
    %swap3A_532 = tpu.vector_load %arg21[%swap3A_531] {strides = array<i32>} : memref<80xi32, #tpu.memory_space<vmem>>, vector<16xi32>,
    %swap3A_533 = vector.shape_cast %swap3A_532 : vector<16xi32> to vector<16xi32>
    %swap3A_534 = vector.shape_cast %get3A_530 : vector<16xi32> to vector<16xi32>
    tpu.vector_store %arg21[%swap3A_531], %swap3A_534 {strides = array<i32>} : memref<80xi32, #tpu.memory_space<vmem>>, vector<16xi32>,
    %multiple_of3A_535 = arith.constant 160 : i32
    %multiple_of3A_536 = tpu.assume_multiple %multiple_of3A_535, 16 : i32
    %add3A_537 = arith.constant 48 : i32
    %add3A_538 = arith.addi %multiple_of3A_536, %add3A_537 : i32
    %get3A_539 = arith.index_cast %add3A_538 : i32 to index
    %get3A_540 = tpu.vector_load %arg18[%get3A_539] {strides = array<i32>} : memref<10000xi32, #tpu.memory_space<vmem>>, vector<16xi32>,
    %get3A_541 = vector.shape_cast %get3A_540 : vector<16xi32> to vector<16xi32>
    %swap3A_542 = arith.constant 48 : index
    %swap3A_543 = tpu.vector_load %arg21[%swap3A_542] {strides = array<i32>} : memref<80xi32, #tpu.memory_space<vmem>>, vector<16xi32>,
    %swap3A_544 = vector.shape_cast %swap3A_543 : vector<16xi32> to vector<16xi32>
    %swap3A_545 = vector.shape_cast %get3A_541 : vector<16xi32> to vector<16xi32>
    tpu.vector_store %arg21[%swap3A_542], %swap3A_545 {strides = array<i32>} : memref<80xi32, #tpu.memory_space<vmem>>, vector<16xi32>,
    %multiple_of3A_546 = arith.constant 160 : i32
    %multiple_of3A_547 = tpu.assume_multiple %multiple_of3A_546, 16 : i32
    %add3A_548 = arith.constant 64 : i32
    %add3A_549 = arith.addi %multiple_of3A_547, %add3A_548 : i32
    %get3A_550 = arith.index_cast %add3A_549 : i32 to index
    %get3A_551 = tpu.vector_load %arg18[%get3A_550] {strides = array<i32>} : memref<10000xi32, #tpu.memory_space<vmem>>, vector<16xi32>,
    %get3A_552 = vector.shape_cast %get3A_551 : vector<16xi32> to vector<16xi32>
    %swap3A_553 = arith.constant 64 : index
    %swap3A_554 = tpu.vector_load %arg21[%swap3A_553] {strides = array<i32>} : memref<80xi32, #tpu.memory_space<vmem>>, vector<16xi32>,
    %swap3A_555 = vector.shape_cast %swap3A_554 : vector<16xi32> to vector<16xi32>
    %swap3A_556 = vector.shape_cast %get3A_552 : vector<16xi32> to vector<16xi32>
    tpu.vector_store %arg21[%swap3A_553], %swap3A_556 {strides = array<i32>} : memref<80xi32, #tpu.memory_space<vmem>>, vector<16xi32>,
    %dma_start3A_557 = tpu.memref_slice %arg5[%multiple_of3A_501] : memref<12800xi32, #tpu.memory_space<hbm>> -> memref<80xi32, #tpu.memory_space<hbm>>
    %dma_start3A_558 = tpu.memref_slice %arg5[%multiple_of3A_501] : memref<12800xi32, #tpu.memory_space<hbm>> -> memref<80xi32, #tpu.memory_space<hbm>>
    tpu.enqueue_dma source(%dma_start3A_558 : memref<80xi32, #tpu.memory_space<hbm>>) target(%arg24 : memref<80xi32, #tpu.memory_space<vmem>>) target_semaphore(%arg32 : memref<!tpu.dma_semaphore, #tpu.memory_space<semaphore_mem>>)
    %dma_start3A_559 = arith.constant 0 : i32
    %dma_start3A_560 = arith.constant 0 : i32
    %dma_start3A_561 = tpu.memref_slice %arg2[%dma_start3A_559, %dma_start3A_560] : memref<10000x128xf32, #tpu.memory_space<hbm>> -> memref<10000x128xf32, #tpu.memory_space<hbm>>
    tpu.enqueue_indirect_dma source(%dma_start3A_561 : memref<10000x128xf32, #tpu.memory_space<hbm>>) target(%arg27 : memref<80x128xf32, #tpu.memory_space<vmem>>) offsets(%arg21 : memref<80xi32, #tpu.memory_space<vmem>>) semaphore(%arg32 : memref<!tpu.dma_semaphore, #tpu.memory_space<semaphore_mem>>)
    %dma_wait3A_562 = arith.constant 0 : i32
    %dma_wait3A_563 = arith.constant 0 : i32
    %dma_wait3A_564 = tpu.memref_slice %arg2[%dma_wait3A_562, %dma_wait3A_563] : memref<10000x128xf32, #tpu.memory_space<hbm>> -> memref<10000x128xf32, #tpu.memory_space<hbm>>
    tpu.wait_indirect_dma semaphore(%arg30 : memref<!tpu.dma_semaphore, #tpu.memory_space<semaphore_mem>>) src(%dma_wait3A_564 : memref<10000x128xf32, #tpu.memory_space<hbm>>) dst(%arg25 : memref<80x128xf32, #tpu.memory_space<vmem>>)
    %dma_wait3A_565 = arith.constant 0 : i32
    %dma_wait3A_566 = tpu.memref_slice %arg3[%dma_wait3A_565] : memref<320000xi32, #tpu.memory_space<hbm>> -> memref<80xi32, #tpu.memory_space<hbm>>
    %dma_wait3A_567 = arith.constant 0 : i32
    %dma_wait3A_568 = tpu.memref_slice %arg3[%dma_wait3A_567] : memref<320000xi32, #tpu.memory_space<hbm>> -> memref<80xi32, #tpu.memory_space<hbm>>
    tpu.wait_dma2 semaphore(%arg30 : memref<!tpu.dma_semaphore, #tpu.memory_space<semaphore_mem>>) src(%dma_wait3A_568 : memref<80xi32, #tpu.memory_space<hbm>>) dst(%arg22 : memref<80xi32, #tpu.memory_space<vmem>>)
    "tpu.region"() ({
      %run_scoped3A = tpu.sem_alloc : memref<!tpu.dma_semaphore, #tpu.memory_space<semaphore_mem>>
      %dma_start3A_758 = arith.constant 0 : i32
      %dma_start3A_759 = arith.constant 0 : i32
      %dma_start3A_760 = tpu.memref_slice %arg16[%dma_start3A_758, %dma_start3A_759] : memref<256x128xf32, #tpu.memory_space<vmem_shared>> -> memref<256x128xf32, #tpu.memory_space<vmem_shared>>
      tpu.enqueue_indirect_dma source(%arg25 : memref<80x128xf32, #tpu.memory_space<vmem>>) target(%dma_start3A_760 : memref<256x128xf32, #tpu.memory_space<vmem_shared>>) offsets(%arg22 : memref<80xi32, #tpu.memory_space<vmem>>) semaphore(%run_scoped3A : memref<!tpu.dma_semaphore, #tpu.memory_space<semaphore_mem>>) {add = true}
      %dma_wait3A_761 = arith.constant 0 : i32
      %dma_wait3A_762 = arith.constant 0 : i32
      %dma_wait3A_763 = tpu.memref_slice %arg16[%dma_wait3A_761, %dma_wait3A_762] : memref<256x128xf32, #tpu.memory_space<vmem_shared>> -> memref<256x128xf32, #tpu.memory_space<vmem_shared>>
      tpu.wait_indirect_dma semaphore(%run_scoped3A : memref<!tpu.dma_semaphore, #tpu.memory_space<semaphore_mem>>) src(%arg25 : memref<80x128xf32, #tpu.memory_space<vmem>>) dst(%dma_wait3A_763 : memref<256x128xf32, #tpu.memory_space<vmem_shared>>)
      tpu.yield
    }) : () -> ()
    %add3A_569 = arith.constant 240 : i32
    %add3A_570 = arith.addi %mul3A_372, %add3A_569 : i32
    %multiple_of3A_571 = tpu.assume_multiple %add3A_570, 8 : i32
    %multiple_of3A_572 = arith.constant 240 : i32
    %multiple_of3A_573 = tpu.assume_multiple %multiple_of3A_572, 16 : i32
    %add3A_574 = arith.constant 0 : i32
    %add3A_575 = arith.addi %multiple_of3A_573, %add3A_574 : i32
    %get3A_576 = arith.index_cast %add3A_575 : i32 to index
    %get3A_577 = tpu.vector_load %arg18[%get3A_576] {strides = array<i32>} : memref<10000xi32, #tpu.memory_space<vmem>>, vector<16xi32>,
    %get3A_578 = vector.shape_cast %get3A_577 : vector<16xi32> to vector<16xi32>
    %swap3A_579 = arith.constant 0 : index
    %swap3A_580 = tpu.vector_load %arg19[%swap3A_579] {strides = array<i32>} : memref<80xi32, #tpu.memory_space<vmem>>, vector<16xi32>,
    %swap3A_581 = vector.shape_cast %swap3A_580 : vector<16xi32> to vector<16xi32>
    %swap3A_582 = vector.shape_cast %get3A_578 : vector<16xi32> to vector<16xi32>
    tpu.vector_store %arg19[%swap3A_579], %swap3A_582 {strides = array<i32>} : memref<80xi32, #tpu.memory_space<vmem>>, vector<16xi32>,
    %multiple_of3A_583 = arith.constant 240 : i32
    %multiple_of3A_584 = tpu.assume_multiple %multiple_of3A_583, 16 : i32
    %add3A_585 = arith.constant 16 : i32
    %add3A_586 = arith.addi %multiple_of3A_584, %add3A_585 : i32
    %get3A_587 = arith.index_cast %add3A_586 : i32 to index
    %get3A_588 = tpu.vector_load %arg18[%get3A_587] {strides = array<i32>} : memref<10000xi32, #tpu.memory_space<vmem>>, vector<16xi32>,
    %get3A_589 = vector.shape_cast %get3A_588 : vector<16xi32> to vector<16xi32>
    %swap3A_590 = arith.constant 16 : index
    %swap3A_591 = tpu.vector_load %arg19[%swap3A_590] {strides = array<i32>} : memref<80xi32, #tpu.memory_space<vmem>>, vector<16xi32>,
    %swap3A_592 = vector.shape_cast %swap3A_591 : vector<16xi32> to vector<16xi32>
    %swap3A_593 = vector.shape_cast %get3A_589 : vector<16xi32> to vector<16xi32>
    tpu.vector_store %arg19[%swap3A_590], %swap3A_593 {strides = array<i32>} : memref<80xi32, #tpu.memory_space<vmem>>, vector<16xi32>,
    %multiple_of3A_594 = arith.constant 240 : i32
    %multiple_of3A_595 = tpu.assume_multiple %multiple_of3A_594, 16 : i32
    %add3A_596 = arith.constant 32 : i32
    %add3A_597 = arith.addi %multiple_of3A_595, %add3A_596 : i32
    %get3A_598 = arith.index_cast %add3A_597 : i32 to index
    %get3A_599 = tpu.vector_load %arg18[%get3A_598] {strides = array<i32>} : memref<10000xi32, #tpu.memory_space<vmem>>, vector<16xi32>,
    %get3A_600 = vector.shape_cast %get3A_599 : vector<16xi32> to vector<16xi32>
    %swap3A_601 = arith.constant 32 : index
    %swap3A_602 = tpu.vector_load %arg19[%swap3A_601] {strides = array<i32>} : memref<80xi32, #tpu.memory_space<vmem>>, vector<16xi32>,
    %swap3A_603 = vector.shape_cast %swap3A_602 : vector<16xi32> to vector<16xi32>
    %swap3A_604 = vector.shape_cast %get3A_600 : vector<16xi32> to vector<16xi32>
    tpu.vector_store %arg19[%swap3A_601], %swap3A_604 {strides = array<i32>} : memref<80xi32, #tpu.memory_space<vmem>>, vector<16xi32>,
    %multiple_of3A_605 = arith.constant 240 : i32
    %multiple_of3A_606 = tpu.assume_multiple %multiple_of3A_605, 16 : i32
    %add3A_607 = arith.constant 48 : i32
    %add3A_608 = arith.addi %multiple_of3A_606, %add3A_607 : i32
    %get3A_609 = arith.index_cast %add3A_608 : i32 to index
    %get3A_610 = tpu.vector_load %arg18[%get3A_609] {strides = array<i32>} : memref<10000xi32, #tpu.memory_space<vmem>>, vector<16xi32>,
    %get3A_611 = vector.shape_cast %get3A_610 : vector<16xi32> to vector<16xi32>
    %swap3A_612 = arith.constant 48 : index
    %swap3A_613 = tpu.vector_load %arg19[%swap3A_612] {strides = array<i32>} : memref<80xi32, #tpu.memory_space<vmem>>, vector<16xi32>,
    %swap3A_614 = vector.shape_cast %swap3A_613 : vector<16xi32> to vector<16xi32>
    %swap3A_615 = vector.shape_cast %get3A_611 : vector<16xi32> to vector<16xi32>
    tpu.vector_store %arg19[%swap3A_612], %swap3A_615 {strides = array<i32>} : memref<80xi32, #tpu.memory_space<vmem>>, vector<16xi32>,
    %multiple_of3A_616 = arith.constant 240 : i32
    %multiple_of3A_617 = tpu.assume_multiple %multiple_of3A_616, 16 : i32
    %add3A_618 = arith.constant 64 : i32
    %add3A_619 = arith.addi %multiple_of3A_617, %add3A_618 : i32
    %get3A_620 = arith.index_cast %add3A_619 : i32 to index
    %get3A_621 = tpu.vector_load %arg18[%get3A_620] {strides = array<i32>} : memref<10000xi32, #tpu.memory_space<vmem>>, vector<16xi32>,
    %get3A_622 = vector.shape_cast %get3A_621 : vector<16xi32> to vector<16xi32>
    %swap3A_623 = arith.constant 64 : index
    %swap3A_624 = tpu.vector_load %arg19[%swap3A_623] {strides = array<i32>} : memref<80xi32, #tpu.memory_space<vmem>>, vector<16xi32>,
    %swap3A_625 = vector.shape_cast %swap3A_624 : vector<16xi32> to vector<16xi32>
    %swap3A_626 = vector.shape_cast %get3A_622 : vector<16xi32> to vector<16xi32>
    tpu.vector_store %arg19[%swap3A_623], %swap3A_626 {strides = array<i32>} : memref<80xi32, #tpu.memory_space<vmem>>, vector<16xi32>,
    %dma_start3A_627 = tpu.memref_slice %arg5[%multiple_of3A_571] : memref<12800xi32, #tpu.memory_space<hbm>> -> memref<80xi32, #tpu.memory_space<hbm>>
    %dma_start3A_628 = tpu.memref_slice %arg5[%multiple_of3A_571] : memref<12800xi32, #tpu.memory_space<hbm>> -> memref<80xi32, #tpu.memory_space<hbm>>
    tpu.enqueue_dma source(%dma_start3A_628 : memref<80xi32, #tpu.memory_space<hbm>>) target(%arg22 : memref<80xi32, #tpu.memory_space<vmem>>) target_semaphore(%arg30 : memref<!tpu.dma_semaphore, #tpu.memory_space<semaphore_mem>>)
    %dma_start3A_629 = arith.constant 0 : i32
    %dma_start3A_630 = arith.constant 0 : i32
    %dma_start3A_631 = tpu.memref_slice %arg2[%dma_start3A_629, %dma_start3A_630] : memref<10000x128xf32, #tpu.memory_space<hbm>> -> memref<10000x128xf32, #tpu.memory_space<hbm>>
    tpu.enqueue_indirect_dma source(%dma_start3A_631 : memref<10000x128xf32, #tpu.memory_space<hbm>>) target(%arg25 : memref<80x128xf32, #tpu.memory_space<vmem>>) offsets(%arg19 : memref<80xi32, #tpu.memory_space<vmem>>) semaphore(%arg30 : memref<!tpu.dma_semaphore, #tpu.memory_space<semaphore_mem>>)
    %dma_wait3A_632 = arith.constant 0 : i32
    %dma_wait3A_633 = arith.constant 0 : i32
    %dma_wait3A_634 = tpu.memref_slice %arg2[%dma_wait3A_632, %dma_wait3A_633] : memref<10000x128xf32, #tpu.memory_space<hbm>> -> memref<10000x128xf32, #tpu.memory_space<hbm>>
    tpu.wait_indirect_dma semaphore(%arg31 : memref<!tpu.dma_semaphore, #tpu.memory_space<semaphore_mem>>) src(%dma_wait3A_634 : memref<10000x128xf32, #tpu.memory_space<hbm>>) dst(%arg26 : memref<80x128xf32, #tpu.memory_space<vmem>>)
    %dma_wait3A_635 = arith.constant 0 : i32
    %dma_wait3A_636 = tpu.memref_slice %arg3[%dma_wait3A_635] : memref<320000xi32, #tpu.memory_space<hbm>> -> memref<80xi32, #tpu.memory_space<hbm>>
    %dma_wait3A_637 = arith.constant 0 : i32
    %dma_wait3A_638 = tpu.memref_slice %arg3[%dma_wait3A_637] : memref<320000xi32, #tpu.memory_space<hbm>> -> memref<80xi32, #tpu.memory_space<hbm>>
    tpu.wait_dma2 semaphore(%arg31 : memref<!tpu.dma_semaphore, #tpu.memory_space<semaphore_mem>>) src(%dma_wait3A_638 : memref<80xi32, #tpu.memory_space<hbm>>) dst(%arg23 : memref<80xi32, #tpu.memory_space<vmem>>)
    "tpu.region"() ({
      %run_scoped3A = tpu.sem_alloc : memref<!tpu.dma_semaphore, #tpu.memory_space<semaphore_mem>>
      %dma_start3A_758 = arith.constant 0 : i32
      %dma_start3A_759 = arith.constant 0 : i32
      %dma_start3A_760 = tpu.memref_slice %arg16[%dma_start3A_758, %dma_start3A_759] : memref<256x128xf32, #tpu.memory_space<vmem_shared>> -> memref<256x128xf32, #tpu.memory_space<vmem_shared>>
      tpu.enqueue_indirect_dma source(%arg26 : memref<80x128xf32, #tpu.memory_space<vmem>>) target(%dma_start3A_760 : memref<256x128xf32, #tpu.memory_space<vmem_shared>>) offsets(%arg23 : memref<80xi32, #tpu.memory_space<vmem>>) semaphore(%run_scoped3A : memref<!tpu.dma_semaphore, #tpu.memory_space<semaphore_mem>>) {add = true}
      %dma_wait3A_761 = arith.constant 0 : i32
      %dma_wait3A_762 = arith.constant 0 : i32
      %dma_wait3A_763 = tpu.memref_slice %arg16[%dma_wait3A_761, %dma_wait3A_762] : memref<256x128xf32, #tpu.memory_space<vmem_shared>> -> memref<256x128xf32, #tpu.memory_space<vmem_shared>>
      tpu.wait_indirect_dma semaphore(%run_scoped3A : memref<!tpu.dma_semaphore, #tpu.memory_space<semaphore_mem>>) src(%arg26 : memref<80x128xf32, #tpu.memory_space<vmem>>) dst(%dma_wait3A_763 : memref<256x128xf32, #tpu.memory_space<vmem_shared>>)
      tpu.yield
    }) : () -> ()
    %add3A_639 = arith.constant 320 : i32
    %add3A_640 = arith.addi %mul3A_372, %add3A_639 : i32
    %multiple_of3A_641 = tpu.assume_multiple %add3A_640, 8 : i32
    %multiple_of3A_642 = arith.constant 320 : i32
    %multiple_of3A_643 = tpu.assume_multiple %multiple_of3A_642, 16 : i32
    %add3A_644 = arith.constant 0 : i32
    %add3A_645 = arith.addi %multiple_of3A_643, %add3A_644 : i32
    %get3A_646 = arith.index_cast %add3A_645 : i32 to index
    %get3A_647 = tpu.vector_load %arg18[%get3A_646] {strides = array<i32>} : memref<10000xi32, #tpu.memory_space<vmem>>, vector<16xi32>,
    %get3A_648 = vector.shape_cast %get3A_647 : vector<16xi32> to vector<16xi32>
    %swap3A_649 = arith.constant 0 : index
    %swap3A_650 = tpu.vector_load %arg20[%swap3A_649] {strides = array<i32>} : memref<80xi32, #tpu.memory_space<vmem>>, vector<16xi32>,
    %swap3A_651 = vector.shape_cast %swap3A_650 : vector<16xi32> to vector<16xi32>
    %swap3A_652 = vector.shape_cast %get3A_648 : vector<16xi32> to vector<16xi32>
    tpu.vector_store %arg20[%swap3A_649], %swap3A_652 {strides = array<i32>} : memref<80xi32, #tpu.memory_space<vmem>>, vector<16xi32>,
    %multiple_of3A_653 = arith.constant 320 : i32
    %multiple_of3A_654 = tpu.assume_multiple %multiple_of3A_653, 16 : i32
    %add3A_655 = arith.constant 16 : i32
    %add3A_656 = arith.addi %multiple_of3A_654, %add3A_655 : i32
    %get3A_657 = arith.index_cast %add3A_656 : i32 to index
    %get3A_658 = tpu.vector_load %arg18[%get3A_657] {strides = array<i32>} : memref<10000xi32, #tpu.memory_space<vmem>>, vector<16xi32>,
    %get3A_659 = vector.shape_cast %get3A_658 : vector<16xi32> to vector<16xi32>
    %swap3A_660 = arith.constant 16 : index
    %swap3A_661 = tpu.vector_load %arg20[%swap3A_660] {strides = array<i32>} : memref<80xi32, #tpu.memory_space<vmem>>, vector<16xi32>,
    %swap3A_662 = vector.shape_cast %swap3A_661 : vector<16xi32> to vector<16xi32>
    %swap3A_663 = vector.shape_cast %get3A_659 : vector<16xi32> to vector<16xi32>
    tpu.vector_store %arg20[%swap3A_660], %swap3A_663 {strides = array<i32>} : memref<80xi32, #tpu.memory_space<vmem>>, vector<16xi32>,
    %multiple_of3A_664 = arith.constant 320 : i32
    %multiple_of3A_665 = tpu.assume_multiple %multiple_of3A_664, 16 : i32
    %add3A_666 = arith.constant 32 : i32
    %add3A_667 = arith.addi %multiple_of3A_665, %add3A_666 : i32
    %get3A_668 = arith.index_cast %add3A_667 : i32 to index
    %get3A_669 = tpu.vector_load %arg18[%get3A_668] {strides = array<i32>} : memref<10000xi32, #tpu.memory_space<vmem>>, vector<16xi32>,
    %get3A_670 = vector.shape_cast %get3A_669 : vector<16xi32> to vector<16xi32>
    %swap3A_671 = arith.constant 32 : index
    %swap3A_672 = tpu.vector_load %arg20[%swap3A_671] {strides = array<i32>} : memref<80xi32, #tpu.memory_space<vmem>>, vector<16xi32>,
    %swap3A_673 = vector.shape_cast %swap3A_672 : vector<16xi32> to vector<16xi32>
    %swap3A_674 = vector.shape_cast %get3A_670 : vector<16xi32> to vector<16xi32>
    tpu.vector_store %arg20[%swap3A_671], %swap3A_674 {strides = array<i32>} : memref<80xi32, #tpu.memory_space<vmem>>, vector<16xi32>,
    %multiple_of3A_675 = arith.constant 320 : i32
    %multiple_of3A_676 = tpu.assume_multiple %multiple_of3A_675, 16 : i32
    %add3A_677 = arith.constant 48 : i32
    %add3A_678 = arith.addi %multiple_of3A_676, %add3A_677 : i32
    %get3A_679 = arith.index_cast %add3A_678 : i32 to index
    %get3A_680 = tpu.vector_load %arg18[%get3A_679] {strides = array<i32>} : memref<10000xi32, #tpu.memory_space<vmem>>, vector<16xi32>,
    %get3A_681 = vector.shape_cast %get3A_680 : vector<16xi32> to vector<16xi32>
    %swap3A_682 = arith.constant 48 : index
    %swap3A_683 = tpu.vector_load %arg20[%swap3A_682] {strides = array<i32>} : memref<80xi32, #tpu.memory_space<vmem>>, vector<16xi32>,
    %swap3A_684 = vector.shape_cast %swap3A_683 : vector<16xi32> to vector<16xi32>
    %swap3A_685 = vector.shape_cast %get3A_681 : vector<16xi32> to vector<16xi32>
    tpu.vector_store %arg20[%swap3A_682], %swap3A_685 {strides = array<i32>} : memref<80xi32, #tpu.memory_space<vmem>>, vector<16xi32>,
    %multiple_of3A_686 = arith.constant 320 : i32
    %multiple_of3A_687 = tpu.assume_multiple %multiple_of3A_686, 16 : i32
    %add3A_688 = arith.constant 64 : i32
    %add3A_689 = arith.addi %multiple_of3A_687, %add3A_688 : i32
    %get3A_690 = arith.index_cast %add3A_689 : i32 to index
    %get3A_691 = tpu.vector_load %arg18[%get3A_690] {strides = array<i32>} : memref<10000xi32, #tpu.memory_space<vmem>>, vector<16xi32>,
    %get3A_692 = vector.shape_cast %get3A_691 : vector<16xi32> to vector<16xi32>
    %swap3A_693 = arith.constant 64 : index
    %swap3A_694 = tpu.vector_load %arg20[%swap3A_693] {strides = array<i32>} : memref<80xi32, #tpu.memory_space<vmem>>, vector<16xi32>,
    %swap3A_695 = vector.shape_cast %swap3A_694 : vector<16xi32> to vector<16xi32>
    %swap3A_696 = vector.shape_cast %get3A_692 : vector<16xi32> to vector<16xi32>
    tpu.vector_store %arg20[%swap3A_693], %swap3A_696 {strides = array<i32>} : memref<80xi32, #tpu.memory_space<vmem>>, vector<16xi32>,
    %dma_start3A_697 = tpu.memref_slice %arg5[%multiple_of3A_641] : memref<12800xi32, #tpu.memory_space<hbm>> -> memref<80xi32, #tpu.memory_space<hbm>>
    %dma_start3A_698 = tpu.memref_slice %arg5[%multiple_of3A_641] : memref<12800xi32, #tpu.memory_space<hbm>> -> memref<80xi32, #tpu.memory_space<hbm>>
    tpu.enqueue_dma source(%dma_start3A_698 : memref<80xi32, #tpu.memory_space<hbm>>) target(%arg23 : memref<80xi32, #tpu.memory_space<vmem>>) target_semaphore(%arg31 : memref<!tpu.dma_semaphore, #tpu.memory_space<semaphore_mem>>)
    %dma_start3A_699 = arith.constant 0 : i32
    %dma_start3A_700 = arith.constant 0 : i32
    %dma_start3A_701 = tpu.memref_slice %arg2[%dma_start3A_699, %dma_start3A_700] : memref<10000x128xf32, #tpu.memory_space<hbm>> -> memref<10000x128xf32, #tpu.memory_space<hbm>>
    tpu.enqueue_indirect_dma source(%dma_start3A_701 : memref<10000x128xf32, #tpu.memory_space<hbm>>) target(%arg26 : memref<80x128xf32, #tpu.memory_space<vmem>>) offsets(%arg20 : memref<80xi32, #tpu.memory_space<vmem>>) semaphore(%arg31 : memref<!tpu.dma_semaphore, #tpu.memory_space<semaphore_mem>>)
    %dma_wait3A_702 = arith.constant 0 : i32
    %dma_wait3A_703 = arith.constant 0 : i32
    %dma_wait3A_704 = tpu.memref_slice %arg2[%dma_wait3A_702, %dma_wait3A_703] : memref<10000x128xf32, #tpu.memory_space<hbm>> -> memref<10000x128xf32, #tpu.memory_space<hbm>>
    tpu.wait_indirect_dma semaphore(%arg32 : memref<!tpu.dma_semaphore, #tpu.memory_space<semaphore_mem>>) src(%dma_wait3A_704 : memref<10000x128xf32, #tpu.memory_space<hbm>>) dst(%arg27 : memref<80x128xf32, #tpu.memory_space<vmem>>)
    %dma_wait3A_705 = arith.constant 0 : i32
    %dma_wait3A_706 = tpu.memref_slice %arg3[%dma_wait3A_705] : memref<320000xi32, #tpu.memory_space<hbm>> -> memref<80xi32, #tpu.memory_space<hbm>>
    %dma_wait3A_707 = arith.constant 0 : i32
    %dma_wait3A_708 = tpu.memref_slice %arg3[%dma_wait3A_707] : memref<320000xi32, #tpu.memory_space<hbm>> -> memref<80xi32, #tpu.memory_space<hbm>>
    tpu.wait_dma2 semaphore(%arg32 : memref<!tpu.dma_semaphore, #tpu.memory_space<semaphore_mem>>) src(%dma_wait3A_708 : memref<80xi32, #tpu.memory_space<hbm>>) dst(%arg24 : memref<80xi32, #tpu.memory_space<vmem>>)
    "tpu.region"() ({
      %run_scoped3A = tpu.sem_alloc : memref<!tpu.dma_semaphore, #tpu.memory_space<semaphore_mem>>
      %dma_start3A_758 = arith.constant 0 : i32
      %dma_start3A_759 = arith.constant 0 : i32
      %dma_start3A_760 = tpu.memref_slice %arg16[%dma_start3A_758, %dma_start3A_759] : memref<256x128xf32, #tpu.memory_space<vmem_shared>> -> memref<256x128xf32, #tpu.memory_space<vmem_shared>>
      tpu.enqueue_indirect_dma source(%arg27 : memref<80x128xf32, #tpu.memory_space<vmem>>) target(%dma_start3A_760 : memref<256x128xf32, #tpu.memory_space<vmem_shared>>) offsets(%arg24 : memref<80xi32, #tpu.memory_space<vmem>>) semaphore(%run_scoped3A : memref<!tpu.dma_semaphore, #tpu.memory_space<semaphore_mem>>) {add = true}
      %dma_wait3A_761 = arith.constant 0 : i32
      %dma_wait3A_762 = arith.constant 0 : i32
      %dma_wait3A_763 = tpu.memref_slice %arg16[%dma_wait3A_761, %dma_wait3A_762] : memref<256x128xf32, #tpu.memory_space<vmem_shared>> -> memref<256x128xf32, #tpu.memory_space<vmem_shared>>
      tpu.wait_indirect_dma semaphore(%run_scoped3A : memref<!tpu.dma_semaphore, #tpu.memory_space<semaphore_mem>>) src(%arg27 : memref<80x128xf32, #tpu.memory_space<vmem>>) dst(%dma_wait3A_763 : memref<256x128xf32, #tpu.memory_space<vmem_shared>>)
      tpu.yield
    }) : () -> ()
    %dma_wait3A_709 = arith.constant 0 : i32
    %dma_wait3A_710 = arith.constant 0 : i32
    %dma_wait3A_711 = tpu.memref_slice %arg2[%dma_wait3A_709, %dma_wait3A_710] : memref<10000x128xf32, #tpu.memory_space<hbm>> -> memref<10000x128xf32, #tpu.memory_space<hbm>>
    tpu.wait_indirect_dma semaphore(%arg30 : memref<!tpu.dma_semaphore, #tpu.memory_space<semaphore_mem>>) src(%dma_wait3A_711 : memref<10000x128xf32, #tpu.memory_space<hbm>>) dst(%arg25 : memref<80x128xf32, #tpu.memory_space<vmem>>)
    %dma_wait3A_712 = arith.constant 0 : i32
    %dma_wait3A_713 = tpu.memref_slice %arg3[%dma_wait3A_712] : memref<320000xi32, #tpu.memory_space<hbm>> -> memref<80xi32, #tpu.memory_space<hbm>>
    %dma_wait3A_714 = arith.constant 0 : i32
    %dma_wait3A_715 = tpu.memref_slice %arg3[%dma_wait3A_714] : memref<320000xi32, #tpu.memory_space<hbm>> -> memref<80xi32, #tpu.memory_space<hbm>>
    tpu.wait_dma2 semaphore(%arg30 : memref<!tpu.dma_semaphore, #tpu.memory_space<semaphore_mem>>) src(%dma_wait3A_715 : memref<80xi32, #tpu.memory_space<hbm>>) dst(%arg22 : memref<80xi32, #tpu.memory_space<vmem>>)
    "tpu.region"() ({
      %run_scoped3A = tpu.sem_alloc : memref<!tpu.dma_semaphore, #tpu.memory_space<semaphore_mem>>
      %dma_start3A_758 = arith.constant 0 : i32
      %dma_start3A_759 = arith.constant 0 : i32
      %dma_start3A_760 = tpu.memref_slice %arg16[%dma_start3A_758, %dma_start3A_759] : memref<256x128xf32, #tpu.memory_space<vmem_shared>> -> memref<256x128xf32, #tpu.memory_space<vmem_shared>>
      tpu.enqueue_indirect_dma source(%arg25 : memref<80x128xf32, #tpu.memory_space<vmem>>) target(%dma_start3A_760 : memref<256x128xf32, #tpu.memory_space<vmem_shared>>) offsets(%arg22 : memref<80xi32, #tpu.memory_space<vmem>>) semaphore(%run_scoped3A : memref<!tpu.dma_semaphore, #tpu.memory_space<semaphore_mem>>) {add = true}
      %dma_wait3A_761 = arith.constant 0 : i32
      %dma_wait3A_762 = arith.constant 0 : i32
      %dma_wait3A_763 = tpu.memref_slice %arg16[%dma_wait3A_761, %dma_wait3A_762] : memref<256x128xf32, #tpu.memory_space<vmem_shared>> -> memref<256x128xf32, #tpu.memory_space<vmem_shared>>
      tpu.wait_indirect_dma semaphore(%run_scoped3A : memref<!tpu.dma_semaphore, #tpu.memory_space<semaphore_mem>>) src(%arg25 : memref<80x128xf32, #tpu.memory_space<vmem>>) dst(%dma_wait3A_763 : memref<256x128xf32, #tpu.memory_space<vmem_shared>>)
      tpu.yield
    }) : () -> ()
    %dma_wait3A_716 = arith.constant 0 : i32
    %dma_wait3A_717 = arith.constant 0 : i32
    %dma_wait3A_718 = tpu.memref_slice %arg2[%dma_wait3A_716, %dma_wait3A_717] : memref<10000x128xf32, #tpu.memory_space<hbm>> -> memref<10000x128xf32, #tpu.memory_space<hbm>>
    tpu.wait_indirect_dma semaphore(%arg31 : memref<!tpu.dma_semaphore, #tpu.memory_space<semaphore_mem>>) src(%dma_wait3A_718 : memref<10000x128xf32, #tpu.memory_space<hbm>>) dst(%arg26 : memref<80x128xf32, #tpu.memory_space<vmem>>)
    %dma_wait3A_719 = arith.constant 0 : i32
    %dma_wait3A_720 = tpu.memref_slice %arg3[%dma_wait3A_719] : memref<320000xi32, #tpu.memory_space<hbm>> -> memref<80xi32, #tpu.memory_space<hbm>>
    %dma_wait3A_721 = arith.constant 0 : i32
    %dma_wait3A_722 = tpu.memref_slice %arg3[%dma_wait3A_721] : memref<320000xi32, #tpu.memory_space<hbm>> -> memref<80xi32, #tpu.memory_space<hbm>>
    tpu.wait_dma2 semaphore(%arg31 : memref<!tpu.dma_semaphore, #tpu.memory_space<semaphore_mem>>) src(%dma_wait3A_722 : memref<80xi32, #tpu.memory_space<hbm>>) dst(%arg23 : memref<80xi32, #tpu.memory_space<vmem>>)
    "tpu.region"() ({
      %run_scoped3A = tpu.sem_alloc : memref<!tpu.dma_semaphore, #tpu.memory_space<semaphore_mem>>
      %dma_start3A_758 = arith.constant 0 : i32
      %dma_start3A_759 = arith.constant 0 : i32
      %dma_start3A_760 = tpu.memref_slice %arg16[%dma_start3A_758, %dma_start3A_759] : memref<256x128xf32, #tpu.memory_space<vmem_shared>> -> memref<256x128xf32, #tpu.memory_space<vmem_shared>>
      tpu.enqueue_indirect_dma source(%arg26 : memref<80x128xf32, #tpu.memory_space<vmem>>) target(%dma_start3A_760 : memref<256x128xf32, #tpu.memory_space<vmem_shared>>) offsets(%arg23 : memref<80xi32, #tpu.memory_space<vmem>>) semaphore(%run_scoped3A : memref<!tpu.dma_semaphore, #tpu.memory_space<semaphore_mem>>) {add = true}
      %dma_wait3A_761 = arith.constant 0 : i32
      %dma_wait3A_762 = arith.constant 0 : i32
      %dma_wait3A_763 = tpu.memref_slice %arg16[%dma_wait3A_761, %dma_wait3A_762] : memref<256x128xf32, #tpu.memory_space<vmem_shared>> -> memref<256x128xf32, #tpu.memory_space<vmem_shared>>
      tpu.wait_indirect_dma semaphore(%run_scoped3A : memref<!tpu.dma_semaphore, #tpu.memory_space<semaphore_mem>>) src(%arg26 : memref<80x128xf32, #tpu.memory_space<vmem>>) dst(%dma_wait3A_763 : memref<256x128xf32, #tpu.memory_space<vmem_shared>>)
      tpu.yield
    }) : () -> ()
    %mul3A_723 = arith.constant 8 : i32
    %mul3A_724 = arith.muli %add3A, %mul3A_723 : i32
    "tpu.region"() ({
      %run_scoped3A = tpu.sem_alloc : memref<!tpu.dma_semaphore, #tpu.memory_space<semaphore_mem>>
      %dma_start3A_758 = tpu.memref_slice %arg7[%mul3A_724] : memref<256xi32, #tpu.memory_space<hbm>> -> memref<8xi32, #tpu.memory_space<hbm>>
      %dma_start3A_759 = tpu.memref_slice %arg7[%mul3A_724] : memref<256xi32, #tpu.memory_space<hbm>> -> memref<8xi32, #tpu.memory_space<hbm>>
      tpu.enqueue_dma source(%dma_start3A_759 : memref<8xi32, #tpu.memory_space<hbm>>) target(%arg28 : memref<8xi32, #tpu.memory_space<vmem>>) target_semaphore(%run_scoped3A : memref<!tpu.dma_semaphore, #tpu.memory_space<semaphore_mem>>)
      %dma_wait3A_760 = tpu.memref_slice %arg7[%mul3A_724] : memref<256xi32, #tpu.memory_space<hbm>> -> memref<8xi32, #tpu.memory_space<hbm>>
      %dma_wait3A_761 = tpu.memref_slice %arg7[%mul3A_724] : memref<256xi32, #tpu.memory_space<hbm>> -> memref<8xi32, #tpu.memory_space<hbm>>
      tpu.wait_dma2 semaphore(%run_scoped3A : memref<!tpu.dma_semaphore, #tpu.memory_space<semaphore_mem>>) src(%dma_wait3A_761 : memref<8xi32, #tpu.memory_space<hbm>>) dst(%arg28 : memref<8xi32, #tpu.memory_space<vmem>>)
      tpu.yield
    }) : () -> ()
    %dma_start3A_725 = arith.constant 0 : i32
    %dma_start3A_726 = arith.constant 0 : i32
    %dma_start3A_727 = tpu.memref_slice %arg26[%dma_start3A_725, %dma_start3A_726] : memref<80x128xf32, #tpu.memory_space<vmem>> -> memref<8x128xf32, #tpu.memory_space<vmem>>
    %dma_start3A_728 = arith.constant 0 : i32
    %dma_start3A_729 = arith.constant 0 : i32
    %dma_start3A_730 = tpu.memref_slice %arg2[%dma_start3A_728, %dma_start3A_729] : memref<10000x128xf32, #tpu.memory_space<hbm>> -> memref<10000x128xf32, #tpu.memory_space<hbm>>
    tpu.enqueue_indirect_dma source(%dma_start3A_730 : memref<10000x128xf32, #tpu.memory_space<hbm>>) target(%dma_start3A_727 : memref<8x128xf32, #tpu.memory_space<vmem>>) offsets(%arg28 : memref<8xi32, #tpu.memory_space<vmem>>) semaphore(%arg33 : memref<!tpu.dma_semaphore, #tpu.memory_space<semaphore_mem>>)
    %dma_wait3A_731 = arith.constant 0 : i32
    %dma_wait3A_732 = arith.constant 0 : i32
    %dma_wait3A_733 = tpu.memref_slice %arg26[%dma_wait3A_731, %dma_wait3A_732] : memref<80x128xf32, #tpu.memory_space<vmem>> -> memref<8x128xf32, #tpu.memory_space<vmem>>
    %dma_wait3A_734 = arith.constant 0 : i32
    %dma_wait3A_735 = arith.constant 0 : i32
    %dma_wait3A_736 = tpu.memref_slice %arg2[%dma_wait3A_734, %dma_wait3A_735] : memref<10000x128xf32, #tpu.memory_space<hbm>> -> memref<10000x128xf32, #tpu.memory_space<hbm>>
    tpu.wait_indirect_dma semaphore(%arg33 : memref<!tpu.dma_semaphore, #tpu.memory_space<semaphore_mem>>) src(%dma_wait3A_736 : memref<10000x128xf32, #tpu.memory_space<hbm>>) dst(%dma_wait3A_733 : memref<8x128xf32, #tpu.memory_space<vmem>>)
    "tpu.region"() ({
      %run_scoped3A = tpu.sem_alloc : memref<!tpu.dma_semaphore, #tpu.memory_space<semaphore_mem>>
      %dma_start3A_758 = arith.constant 0 : i32
      %dma_start3A_759 = arith.constant 0 : i32
      %dma_start3A_760 = tpu.memref_slice %arg26[%dma_start3A_758, %dma_start3A_759] : memref<80x128xf32, #tpu.memory_space<vmem>> -> memref<8x128xf32, #tpu.memory_space<vmem>>
      %dma_start3A_761 = arith.constant 0 : i32
      %dma_start3A_762 = tpu.memref_slice %arg12[%mul3A_724, %dma_start3A_761] : memref<256x128xf32, #tpu.memory_space<hbm>> -> memref<8x128xf32, #tpu.memory_space<hbm>>
      %dma_start3A_763 = arith.constant 0 : i32
      %dma_start3A_764 = tpu.memref_slice %arg12[%mul3A_724, %dma_start3A_763] : memref<256x128xf32, #tpu.memory_space<hbm>> -> memref<8x128xf32, #tpu.memory_space<hbm>>
      %dma_start3A_765 = arith.constant 0 : i32
      %dma_start3A_766 = arith.constant 0 : i32
      %dma_start3A_767 = tpu.memref_slice %arg26[%dma_start3A_765, %dma_start3A_766] : memref<80x128xf32, #tpu.memory_space<vmem>> -> memref<8x128xf32, #tpu.memory_space<vmem>>
      tpu.enqueue_dma source(%dma_start3A_767 : memref<8x128xf32, #tpu.memory_space<vmem>>) target(%dma_start3A_764 : memref<8x128xf32, #tpu.memory_space<hbm>>) target_semaphore(%run_scoped3A : memref<!tpu.dma_semaphore, #tpu.memory_space<semaphore_mem>>)
      %dma_wait3A_768 = arith.constant 0 : i32
      %dma_wait3A_769 = arith.constant 0 : i32
      %dma_wait3A_770 = tpu.memref_slice %arg26[%dma_wait3A_768, %dma_wait3A_769] : memref<80x128xf32, #tpu.memory_space<vmem>> -> memref<8x128xf32, #tpu.memory_space<vmem>>
      %dma_wait3A_771 = arith.constant 0 : i32
      %dma_wait3A_772 = tpu.memref_slice %arg12[%mul3A_724, %dma_wait3A_771] : memref<256x128xf32, #tpu.memory_space<hbm>> -> memref<8x128xf32, #tpu.memory_space<hbm>>
      %dma_wait3A_773 = arith.constant 0 : i32
      %dma_wait3A_774 = tpu.memref_slice %arg12[%mul3A_724, %dma_wait3A_773] : memref<256x128xf32, #tpu.memory_space<hbm>> -> memref<8x128xf32, #tpu.memory_space<hbm>>
      %dma_wait3A_775 = arith.constant 0 : i32
      %dma_wait3A_776 = arith.constant 0 : i32
      %dma_wait3A_777 = tpu.memref_slice %arg26[%dma_wait3A_775, %dma_wait3A_776] : memref<80x128xf32, #tpu.memory_space<vmem>> -> memref<8x128xf32, #tpu.memory_space<vmem>>
      tpu.wait_dma2 semaphore(%run_scoped3A : memref<!tpu.dma_semaphore, #tpu.memory_space<semaphore_mem>>) src(%dma_wait3A_777 : memref<8x128xf32, #tpu.memory_space<vmem>>) dst(%dma_wait3A_774 : memref<8x128xf32, #tpu.memory_space<hbm>>)
      tpu.yield
    }) : () -> ()
    %barrier3A_737 = arith.constant 0 : index
    tpu.barrier barrier_id(%barrier3A_737)
    %eq3A = arith.constant 0 : i32
    %eq3A_738 = arith.cmpi eq, %arg0, %eq3A : i32
    %convert_element_type3A = arith.extui %eq3A_738 : i1 to i32
    %cond3A = arith.constant 0 : i32
    %cond3A_739 = arith.cmpi ne, %convert_element_type3A, %cond3A : i32
    scf.if %cond3A_739 {
      %mul3A_758 = arith.constant 640 : i32
      %mul3A_759 = arith.muli %arg1, %mul3A_758 : i32
      %mul3A_760 = arith.constant 640 : i32
      %mul3A_761 = arith.muli %arg1, %mul3A_760 : i32
      "tpu.region"() ({
        %run_scoped3A = tpu.sem_alloc : memref<!tpu.dma_semaphore, #tpu.memory_space<semaphore_mem>>
        %dma_start3A_766 = arith.constant 0 : i32
        %dma_start3A_767 = tpu.memref_slice %arg8[%mul3A_761, %dma_start3A_766] : memref<10240x128xf32, #tpu.memory_space<hbm>> -> memref<640x128xf32, #tpu.memory_space<hbm>>
        %dma_start3A_768 = arith.constant 0 : i32
        %dma_start3A_769 = tpu.memref_slice %arg15[%mul3A_759, %dma_start3A_768] : memref<10240x128xf32, #tpu.memory_space<vmem_shared>> -> memref<640x128xf32, #tpu.memory_space<vmem_shared>>
        tpu.enqueue_dma source(%dma_start3A_769 : memref<640x128xf32, #tpu.memory_space<vmem_shared>>) target(%dma_start3A_767 : memref<640x128xf32, #tpu.memory_space<hbm>>) target_semaphore(%run_scoped3A : memref<!tpu.dma_semaphore, #tpu.memory_space<semaphore_mem>>)
        %dma_wait3A_770 = arith.constant 0 : i32
        %dma_wait3A_771 = tpu.memref_slice %arg8[%mul3A_761, %dma_wait3A_770] : memref<10240x128xf32, #tpu.memory_space<hbm>> -> memref<640x128xf32, #tpu.memory_space<hbm>>
        %dma_wait3A_772 = arith.constant 0 : i32
        %dma_wait3A_773 = tpu.memref_slice %arg15[%mul3A_759, %dma_wait3A_772] : memref<10240x128xf32, #tpu.memory_space<vmem_shared>> -> memref<640x128xf32, #tpu.memory_space<vmem_shared>>
        tpu.wait_dma2 semaphore(%run_scoped3A : memref<!tpu.dma_semaphore, #tpu.memory_space<semaphore_mem>>) src(%dma_wait3A_773 : memref<640x128xf32, #tpu.memory_space<vmem_shared>>) dst(%dma_wait3A_771 : memref<640x128xf32, #tpu.memory_space<hbm>>)
        tpu.yield
      }) : () -> ()
      %mul3A_762 = arith.constant 16 : i32
      %mul3A_763 = arith.muli %arg1, %mul3A_762 : i32
      %mul3A_764 = arith.constant 16 : i32
      %mul3A_765 = arith.muli %arg1, %mul3A_764 : i32
      "tpu.region"() ({
        %run_scoped3A = tpu.sem_alloc : memref<!tpu.dma_semaphore, #tpu.memory_space<semaphore_mem>>
        %dma_start3A_766 = arith.constant 0 : i32
        %dma_start3A_767 = tpu.memref_slice %arg10[%mul3A_765, %dma_start3A_766] : memref<256x128xf32, #tpu.memory_space<hbm>> -> memref<16x128xf32, #tpu.memory_space<hbm>>
        %dma_start3A_768 = arith.constant 0 : i32
        %dma_start3A_769 = tpu.memref_slice %arg16[%mul3A_763, %dma_start3A_768] : memref<256x128xf32, #tpu.memory_space<vmem_shared>> -> memref<16x128xf32, #tpu.memory_space<vmem_shared>>
        tpu.enqueue_dma source(%dma_start3A_769 : memref<16x128xf32, #tpu.memory_space<vmem_shared>>) target(%dma_start3A_767 : memref<16x128xf32, #tpu.memory_space<hbm>>) target_semaphore(%run_scoped3A : memref<!tpu.dma_semaphore, #tpu.memory_space<semaphore_mem>>)
        %dma_wait3A_770 = arith.constant 0 : i32
        %dma_wait3A_771 = tpu.memref_slice %arg10[%mul3A_765, %dma_wait3A_770] : memref<256x128xf32, #tpu.memory_space<hbm>> -> memref<16x128xf32, #tpu.memory_space<hbm>>
        %dma_wait3A_772 = arith.constant 0 : i32
        %dma_wait3A_773 = tpu.memref_slice %arg16[%mul3A_763, %dma_wait3A_772] : memref<256x128xf32, #tpu.memory_space<vmem_shared>> -> memref<16x128xf32, #tpu.memory_space<vmem_shared>>
        tpu.wait_dma2 semaphore(%run_scoped3A : memref<!tpu.dma_semaphore, #tpu.memory_space<semaphore_mem>>) src(%dma_wait3A_773 : memref<16x128xf32, #tpu.memory_space<vmem_shared>>) dst(%dma_wait3A_771 : memref<16x128xf32, #tpu.memory_space<hbm>>)
        tpu.yield
      }) : () -> ()
    } else {
    }
    %eq3A_740 = arith.constant 1 : i32
    %eq3A_741 = arith.cmpi eq, %arg0, %eq3A_740 : i32
    %convert_element_type3A_742 = arith.extui %eq3A_741 : i1 to i32
    %cond3A_743 = arith.constant 0 : i32
    %cond3A_744 = arith.cmpi ne, %convert_element_type3A_742, %cond3A_743 : i32
    scf.if %cond3A_744 {
      %mul3A_758 = arith.constant 640 : i32
      %mul3A_759 = arith.muli %arg1, %mul3A_758 : i32
      %mul3A_760 = arith.constant 640 : i32
      %mul3A_761 = arith.muli %arg1, %mul3A_760 : i32
      "tpu.region"() ({
        %run_scoped3A = tpu.sem_alloc : memref<!tpu.dma_semaphore, #tpu.memory_space<semaphore_mem>>
        %dma_start3A_766 = arith.constant 0 : i32
        %dma_start3A_767 = tpu.memref_slice %arg9[%mul3A_761, %dma_start3A_766] : memref<10240x128xf32, #tpu.memory_space<hbm>> -> memref<640x128xf32, #tpu.memory_space<hbm>>
        %dma_start3A_768 = arith.constant 0 : i32
        %dma_start3A_769 = tpu.memref_slice %arg15[%mul3A_759, %dma_start3A_768] : memref<10240x128xf32, #tpu.memory_space<vmem_shared>> -> memref<640x128xf32, #tpu.memory_space<vmem_shared>>
        tpu.enqueue_dma source(%dma_start3A_769 : memref<640x128xf32, #tpu.memory_space<vmem_shared>>) target(%dma_start3A_767 : memref<640x128xf32, #tpu.memory_space<hbm>>) target_semaphore(%run_scoped3A : memref<!tpu.dma_semaphore, #tpu.memory_space<semaphore_mem>>)
        %dma_wait3A_770 = arith.constant 0 : i32
        %dma_wait3A_771 = tpu.memref_slice %arg9[%mul3A_761, %dma_wait3A_770] : memref<10240x128xf32, #tpu.memory_space<hbm>> -> memref<640x128xf32, #tpu.memory_space<hbm>>
        %dma_wait3A_772 = arith.constant 0 : i32
        %dma_wait3A_773 = tpu.memref_slice %arg15[%mul3A_759, %dma_wait3A_772] : memref<10240x128xf32, #tpu.memory_space<vmem_shared>> -> memref<640x128xf32, #tpu.memory_space<vmem_shared>>
        tpu.wait_dma2 semaphore(%run_scoped3A : memref<!tpu.dma_semaphore, #tpu.memory_space<semaphore_mem>>) src(%dma_wait3A_773 : memref<640x128xf32, #tpu.memory_space<vmem_shared>>) dst(%dma_wait3A_771 : memref<640x128xf32, #tpu.memory_space<hbm>>)
        tpu.yield
      }) : () -> ()
      %mul3A_762 = arith.constant 16 : i32
      %mul3A_763 = arith.muli %arg1, %mul3A_762 : i32
      %mul3A_764 = arith.constant 16 : i32
      %mul3A_765 = arith.muli %arg1, %mul3A_764 : i32
      "tpu.region"() ({
        %run_scoped3A = tpu.sem_alloc : memref<!tpu.dma_semaphore, #tpu.memory_space<semaphore_mem>>
        %dma_start3A_766 = arith.constant 0 : i32
        %dma_start3A_767 = tpu.memref_slice %arg11[%mul3A_765, %dma_start3A_766] : memref<256x128xf32, #tpu.memory_space<hbm>> -> memref<16x128xf32, #tpu.memory_space<hbm>>
        %dma_start3A_768 = arith.constant 0 : i32
        %dma_start3A_769 = tpu.memref_slice %arg16[%mul3A_763, %dma_start3A_768] : memref<256x128xf32, #tpu.memory_space<vmem_shared>> -> memref<16x128xf32, #tpu.memory_space<vmem_shared>>
        tpu.enqueue_dma source(%dma_start3A_769 : memref<16x128xf32, #tpu.memory_space<vmem_shared>>) target(%dma_start3A_767 : memref<16x128xf32, #tpu.memory_space<hbm>>) target_semaphore(%run_scoped3A : memref<!tpu.dma_semaphore, #tpu.memory_space<semaphore_mem>>)
        %dma_wait3A_770 = arith.constant 0 : i32
        %dma_wait3A_771 = tpu.memref_slice %arg11[%mul3A_765, %dma_wait3A_770] : memref<256x128xf32, #tpu.memory_space<hbm>> -> memref<16x128xf32, #tpu.memory_space<hbm>>
        %dma_wait3A_772 = arith.constant 0 : i32
        %dma_wait3A_773 = tpu.memref_slice %arg16[%mul3A_763, %dma_wait3A_772] : memref<256x128xf32, #tpu.memory_space<vmem_shared>> -> memref<16x128xf32, #tpu.memory_space<vmem_shared>>
        tpu.wait_dma2 semaphore(%run_scoped3A : memref<!tpu.dma_semaphore, #tpu.memory_space<semaphore_mem>>) src(%dma_wait3A_773 : memref<16x128xf32, #tpu.memory_space<vmem_shared>>) dst(%dma_wait3A_771 : memref<16x128xf32, #tpu.memory_space<hbm>>)
        tpu.yield
      }) : () -> ()
    } else {
    }
    %barrier3A_745 = arith.constant 0 : index
    tpu.barrier barrier_id(%barrier3A_745)
    %mul3A_746 = arith.constant 16 : i32
    %mul3A_747 = arith.muli %arg1, %mul3A_746 : i32
    "tpu.region"() ({
      %run_scoped3A = tpu.sem_alloc : memref<!tpu.dma_semaphore, #tpu.memory_space<semaphore_mem>>
      %dma_start3A_758 = tpu.memref_slice %arg7[%mul3A_747] : memref<256xi32, #tpu.memory_space<hbm>> -> memref<16xi32, #tpu.memory_space<hbm>>
      %dma_start3A_759 = tpu.memref_slice %arg7[%mul3A_747] : memref<256xi32, #tpu.memory_space<hbm>> -> memref<16xi32, #tpu.memory_space<hbm>>
      tpu.enqueue_dma source(%dma_start3A_759 : memref<16xi32, #tpu.memory_space<hbm>>) target(%arg29 : memref<16xi32, #tpu.memory_space<vmem>>) target_semaphore(%run_scoped3A : memref<!tpu.dma_semaphore, #tpu.memory_space<semaphore_mem>>)
      %dma_wait3A_760 = tpu.memref_slice %arg7[%mul3A_747] : memref<256xi32, #tpu.memory_space<hbm>> -> memref<16xi32, #tpu.memory_space<hbm>>
      %dma_wait3A_761 = tpu.memref_slice %arg7[%mul3A_747] : memref<256xi32, #tpu.memory_space<hbm>> -> memref<16xi32, #tpu.memory_space<hbm>>
      tpu.wait_dma2 semaphore(%run_scoped3A : memref<!tpu.dma_semaphore, #tpu.memory_space<semaphore_mem>>) src(%dma_wait3A_761 : memref<16xi32, #tpu.memory_space<hbm>>) dst(%arg29 : memref<16xi32, #tpu.memory_space<vmem>>)
      tpu.yield
    }) : () -> ()
    %eq3A_748 = arith.constant 0 : i32
    %eq3A_749 = arith.cmpi eq, %arg0, %eq3A_748 : i32
    %convert_element_type3A_750 = arith.extui %eq3A_749 : i1 to i32
    %cond3A_751 = arith.constant 0 : i32
    %cond3A_752 = arith.cmpi ne, %convert_element_type3A_750, %cond3A_751 : i32
    scf.if %cond3A_752 {
      %dma_start3A_758 = arith.constant 0 : i32
      %dma_start3A_759 = arith.constant 0 : i32
      %dma_start3A_760 = tpu.memref_slice %arg27[%dma_start3A_758, %dma_start3A_759] : memref<80x128xf32, #tpu.memory_space<vmem>> -> memref<16x128xf32, #tpu.memory_space<vmem>>
      %dma_start3A_761 = arith.constant 0 : i32
      %dma_start3A_762 = arith.constant 0 : i32
      %dma_start3A_763 = tpu.memref_slice %arg8[%dma_start3A_761, %dma_start3A_762] : memref<10240x128xf32, #tpu.memory_space<hbm>> -> memref<10240x128xf32, #tpu.memory_space<hbm>>
      tpu.enqueue_indirect_dma source(%dma_start3A_763 : memref<10240x128xf32, #tpu.memory_space<hbm>>) target(%dma_start3A_760 : memref<16x128xf32, #tpu.memory_space<vmem>>) offsets(%arg29 : memref<16xi32, #tpu.memory_space<vmem>>) semaphore(%arg33 : memref<!tpu.dma_semaphore, #tpu.memory_space<semaphore_mem>>)
      %dma_wait3A_764 = arith.constant 0 : i32
      %dma_wait3A_765 = arith.constant 0 : i32
      %dma_wait3A_766 = tpu.memref_slice %arg27[%dma_wait3A_764, %dma_wait3A_765] : memref<80x128xf32, #tpu.memory_space<vmem>> -> memref<16x128xf32, #tpu.memory_space<vmem>>
      %dma_wait3A_767 = arith.constant 0 : i32
      %dma_wait3A_768 = arith.constant 0 : i32
      %dma_wait3A_769 = tpu.memref_slice %arg8[%dma_wait3A_767, %dma_wait3A_768] : memref<10240x128xf32, #tpu.memory_space<hbm>> -> memref<10240x128xf32, #tpu.memory_space<hbm>>
      tpu.wait_indirect_dma semaphore(%arg33 : memref<!tpu.dma_semaphore, #tpu.memory_space<semaphore_mem>>) src(%dma_wait3A_769 : memref<10240x128xf32, #tpu.memory_space<hbm>>) dst(%dma_wait3A_766 : memref<16x128xf32, #tpu.memory_space<vmem>>)
      "tpu.region"() ({
        %run_scoped3A = tpu.sem_alloc : memref<!tpu.dma_semaphore, #tpu.memory_space<semaphore_mem>>
        %dma_start3A_770 = arith.constant 0 : i32
        %dma_start3A_771 = arith.constant 0 : i32
        %dma_start3A_772 = tpu.memref_slice %arg27[%dma_start3A_770, %dma_start3A_771] : memref<80x128xf32, #tpu.memory_space<vmem>> -> memref<16x128xf32, #tpu.memory_space<vmem>>
        %dma_start3A_773 = arith.constant 0 : i32
        %dma_start3A_774 = tpu.memref_slice %arg13[%mul3A_747, %dma_start3A_773] : memref<256x128xf32, #tpu.memory_space<hbm>> -> memref<16x128xf32, #tpu.memory_space<hbm>>
        %dma_start3A_775 = arith.constant 0 : i32
        %dma_start3A_776 = tpu.memref_slice %arg13[%mul3A_747, %dma_start3A_775] : memref<256x128xf32, #tpu.memory_space<hbm>> -> memref<16x128xf32, #tpu.memory_space<hbm>>
        %dma_start3A_777 = arith.constant 0 : i32
        %dma_start3A_778 = arith.constant 0 : i32
        %dma_start3A_779 = tpu.memref_slice %arg27[%dma_start3A_777, %dma_start3A_778] : memref<80x128xf32, #tpu.memory_space<vmem>> -> memref<16x128xf32, #tpu.memory_space<vmem>>
        tpu.enqueue_dma source(%dma_start3A_779 : memref<16x128xf32, #tpu.memory_space<vmem>>) target(%dma_start3A_776 : memref<16x128xf32, #tpu.memory_space<hbm>>) target_semaphore(%run_scoped3A : memref<!tpu.dma_semaphore, #tpu.memory_space<semaphore_mem>>)
        %dma_wait3A_780 = arith.constant 0 : i32
        %dma_wait3A_781 = arith.constant 0 : i32
        %dma_wait3A_782 = tpu.memref_slice %arg27[%dma_wait3A_780, %dma_wait3A_781] : memref<80x128xf32, #tpu.memory_space<vmem>> -> memref<16x128xf32, #tpu.memory_space<vmem>>
        %dma_wait3A_783 = arith.constant 0 : i32
        %dma_wait3A_784 = tpu.memref_slice %arg13[%mul3A_747, %dma_wait3A_783] : memref<256x128xf32, #tpu.memory_space<hbm>> -> memref<16x128xf32, #tpu.memory_space<hbm>>
        %dma_wait3A_785 = arith.constant 0 : i32
        %dma_wait3A_786 = tpu.memref_slice %arg13[%mul3A_747, %dma_wait3A_785] : memref<256x128xf32, #tpu.memory_space<hbm>> -> memref<16x128xf32, #tpu.memory_space<hbm>>
        %dma_wait3A_787 = arith.constant 0 : i32
        %dma_wait3A_788 = arith.constant 0 : i32
        %dma_wait3A_789 = tpu.memref_slice %arg27[%dma_wait3A_787, %dma_wait3A_788] : memref<80x128xf32, #tpu.memory_space<vmem>> -> memref<16x128xf32, #tpu.memory_space<vmem>>
        tpu.wait_dma2 semaphore(%run_scoped3A : memref<!tpu.dma_semaphore, #tpu.memory_space<semaphore_mem>>) src(%dma_wait3A_789 : memref<16x128xf32, #tpu.memory_space<vmem>>) dst(%dma_wait3A_786 : memref<16x128xf32, #tpu.memory_space<hbm>>)
        tpu.yield
      }) : () -> ()
    } else {
    }
    %eq3A_753 = arith.constant 1 : i32
    %eq3A_754 = arith.cmpi eq, %arg0, %eq3A_753 : i32
    %convert_element_type3A_755 = arith.extui %eq3A_754 : i1 to i32
    %cond3A_756 = arith.constant 0 : i32
    %cond3A_757 = arith.cmpi ne, %convert_element_type3A_755, %cond3A_756 : i32
    scf.if %cond3A_757 {
      %dma_start3A_758 = arith.constant 0 : i32
      %dma_start3A_759 = arith.constant 0 : i32
      %dma_start3A_760 = tpu.memref_slice %arg27[%dma_start3A_758, %dma_start3A_759] : memref<80x128xf32, #tpu.memory_space<vmem>> -> memref<16x128xf32, #tpu.memory_space<vmem>>
      %dma_start3A_761 = arith.constant 0 : i32
      %dma_start3A_762 = arith.constant 0 : i32
      %dma_start3A_763 = tpu.memref_slice %arg9[%dma_start3A_761, %dma_start3A_762] : memref<10240x128xf32, #tpu.memory_space<hbm>> -> memref<10240x128xf32, #tpu.memory_space<hbm>>
      tpu.enqueue_indirect_dma source(%dma_start3A_763 : memref<10240x128xf32, #tpu.memory_space<hbm>>) target(%dma_start3A_760 : memref<16x128xf32, #tpu.memory_space<vmem>>) offsets(%arg29 : memref<16xi32, #tpu.memory_space<vmem>>) semaphore(%arg33 : memref<!tpu.dma_semaphore, #tpu.memory_space<semaphore_mem>>)
      %dma_wait3A_764 = arith.constant 0 : i32
      %dma_wait3A_765 = arith.constant 0 : i32
      %dma_wait3A_766 = tpu.memref_slice %arg27[%dma_wait3A_764, %dma_wait3A_765] : memref<80x128xf32, #tpu.memory_space<vmem>> -> memref<16x128xf32, #tpu.memory_space<vmem>>
      %dma_wait3A_767 = arith.constant 0 : i32
      %dma_wait3A_768 = arith.constant 0 : i32
      %dma_wait3A_769 = tpu.memref_slice %arg9[%dma_wait3A_767, %dma_wait3A_768] : memref<10240x128xf32, #tpu.memory_space<hbm>> -> memref<10240x128xf32, #tpu.memory_space<hbm>>
      tpu.wait_indirect_dma semaphore(%arg33 : memref<!tpu.dma_semaphore, #tpu.memory_space<semaphore_mem>>) src(%dma_wait3A_769 : memref<10240x128xf32, #tpu.memory_space<hbm>>) dst(%dma_wait3A_766 : memref<16x128xf32, #tpu.memory_space<vmem>>)
      "tpu.region"() ({
        %run_scoped3A = tpu.sem_alloc : memref<!tpu.dma_semaphore, #tpu.memory_space<semaphore_mem>>
        %dma_start3A_770 = arith.constant 0 : i32
        %dma_start3A_771 = arith.constant 0 : i32
        %dma_start3A_772 = tpu.memref_slice %arg27[%dma_start3A_770, %dma_start3A_771] : memref<80x128xf32, #tpu.memory_space<vmem>> -> memref<16x128xf32, #tpu.memory_space<vmem>>
        %dma_start3A_773 = arith.constant 0 : i32
        %dma_start3A_774 = tpu.memref_slice %arg14[%mul3A_747, %dma_start3A_773] : memref<256x128xf32, #tpu.memory_space<hbm>> -> memref<16x128xf32, #tpu.memory_space<hbm>>
        %dma_start3A_775 = arith.constant 0 : i32
        %dma_start3A_776 = tpu.memref_slice %arg14[%mul3A_747, %dma_start3A_775] : memref<256x128xf32, #tpu.memory_space<hbm>> -> memref<16x128xf32, #tpu.memory_space<hbm>>
        %dma_start3A_777 = arith.constant 0 : i32
        %dma_start3A_778 = arith.constant 0 : i32
        %dma_start3A_779 = tpu.memref_slice %arg27[%dma_start3A_777, %dma_start3A_778] : memref<80x128xf32, #tpu.memory_space<vmem>> -> memref<16x128xf32, #tpu.memory_space<vmem>>
        tpu.enqueue_dma source(%dma_start3A_779 : memref<16x128xf32, #tpu.memory_space<vmem>>) target(%dma_start3A_776 : memref<16x128xf32, #tpu.memory_space<hbm>>) target_semaphore(%run_scoped3A : memref<!tpu.dma_semaphore, #tpu.memory_space<semaphore_mem>>)
        %dma_wait3A_780 = arith.constant 0 : i32
        %dma_wait3A_781 = arith.constant 0 : i32
        %dma_wait3A_782 = tpu.memref_slice %arg27[%dma_wait3A_780, %dma_wait3A_781] : memref<80x128xf32, #tpu.memory_space<vmem>> -> memref<16x128xf32, #tpu.memory_space<vmem>>
        %dma_wait3A_783 = arith.constant 0 : i32
        %dma_wait3A_784 = tpu.memref_slice %arg14[%mul3A_747, %dma_wait3A_783] : memref<256x128xf32, #tpu.memory_space<hbm>> -> memref<16x128xf32, #tpu.memory_space<hbm>>
        %dma_wait3A_785 = arith.constant 0 : i32
        %dma_wait3A_786 = tpu.memref_slice %arg14[%mul3A_747, %dma_wait3A_785] : memref<256x128xf32, #tpu.memory_space<hbm>> -> memref<16x128xf32, #tpu.memory_space<hbm>>
        %dma_wait3A_787 = arith.constant 0 : i32
        %dma_wait3A_788 = arith.constant 0 : i32
        %dma_wait3A_789 = tpu.memref_slice %arg27[%dma_wait3A_787, %dma_wait3A_788] : memref<80x128xf32, #tpu.memory_space<vmem>> -> memref<16x128xf32, #tpu.memory_space<vmem>>
        tpu.wait_dma2 semaphore(%run_scoped3A : memref<!tpu.dma_semaphore, #tpu.memory_space<semaphore_mem>>) src(%dma_wait3A_789 : memref<16x128xf32, #tpu.memory_space<vmem>>) dst(%dma_wait3A_786 : memref<16x128xf32, #tpu.memory_space<hbm>>)
        tpu.yield
      }) : () -> ()
    } else {
    }
    return
  }
}

#map = affine_map<(d0, d1) -> (0, 0)>
#map1 = affine_map<(d0, d1) -> (0)>
module attributes {stable_mosaic.version = 14 : i64} {
  func.func @sc_agg(%arg0: i32, %arg1: i32, %arg2: memref<10000x128xf32, #tpu.memory_space<hbm>>, %arg3: memref<320000xi32, #tpu.memory_space<hbm>>, %arg4: memref<320000xi32, #tpu.memory_space<hbm>>, %arg5: memref<12800xi32, #tpu.memory_space<hbm>>, %arg6: memref<12800xi32, #tpu.memory_space<hbm>>, %arg7: memref<256xi32, #tpu.memory_space<hbm>>, %arg8: memref<10240x128xf32, #tpu.memory_space<hbm>>, %arg9: memref<10240x128xf32, #tpu.memory_space<hbm>>, %arg10: memref<256x128xf32, #tpu.memory_space<hbm>>, %arg11: memref<256x128xf32, #tpu.memory_space<hbm>>, %arg12: memref<256x128xf32, #tpu.memory_space<hbm>>, %arg13: memref<256x128xf32, #tpu.memory_space<hbm>>, %arg14: memref<256x128xf32, #tpu.memory_space<hbm>>, %arg15: memref<10240x128xf32, #tpu.memory_space<vmem_shared>>, %arg16: memref<256x128xf32, #tpu.memory_space<vmem_shared>>, %arg17: memref<16x128xf32, #tpu.memory_space<vmem>>, %arg18: memref<10000xi32, #tpu.memory_space<vmem>>, %arg19: memref<80xi32, #tpu.memory_space<vmem>>, %arg20: memref<80xi32, #tpu.memory_space<vmem>>, %arg21: memref<80xi32, #tpu.memory_space<vmem>>, %arg22: memref<80xi32, #tpu.memory_space<vmem>>, %arg23: memref<80xi32, #tpu.memory_space<vmem>>, %arg24: memref<80xi32, #tpu.memory_space<vmem>>, %arg25: memref<80x128xf32, #tpu.memory_space<vmem>>, %arg26: memref<80x128xf32, #tpu.memory_space<vmem>>, %arg27: memref<80x128xf32, #tpu.memory_space<vmem>>, %arg28: memref<8xi32, #tpu.memory_space<vmem>>, %arg29: memref<16xi32, #tpu.memory_space<vmem>>, %arg30: memref<!tpu.dma_semaphore, #tpu.memory_space<semaphore_mem>>, %arg31: memref<!tpu.dma_semaphore, #tpu.memory_space<semaphore_mem>>, %arg32: memref<!tpu.dma_semaphore, #tpu.memory_space<semaphore_mem>>, %arg33: memref<!tpu.dma_semaphore, #tpu.memory_space<semaphore_mem>>) attributes {dimension_semantics = [#tpu.dimension_semantics<core_parallel>, #tpu.dimension_semantics<subcore_parallel>], iteration_bounds = array<i64: 2, 16>, scalar_prefetch = 0 : i64, scratch_operands = 19 : i64, tpu.core_type = #tpu.core_type<sc_vector_subcore>, window_params = [{transform_indices = #map}, {transform_indices = #map1}, {transform_indices = #map1}, {transform_indices = #map1}, {transform_indices = #map1}, {transform_indices = #map1}, {transform_indices = #map}, {transform_indices = #map}, {transform_indices = #map}, {transform_indices = #map}, {transform_indices = #map}, {transform_indices = #map}, {transform_indices = #map}]} {
    %mul3A = arith.constant 2 : i32
    %mul3A_0 = arith.muli %arg1, %mul3A : i32
    %add3A = arith.addi %mul3A_0, %arg0 : i32
    %mul3A_1 = arith.constant 10000 : i32
    %mul3A_2 = arith.muli %add3A, %mul3A_1 : i32
    "tpu.region"() ({
      %run_scoped3A = tpu.sem_alloc : memref<!tpu.dma_semaphore, #tpu.memory_space<semaphore_mem>>
      %dma_start3A_758 = tpu.memref_slice %arg4[%mul3A_2] : memref<320000xi32, #tpu.memory_space<hbm>> -> memref<10000xi32, #tpu.memory_space<hbm>>
      %dma_start3A_759 = tpu.memref_slice %arg4[%mul3A_2] : memref<320000xi32, #tpu.memory_space<hbm>> -> memref<10000xi32, #tpu.memory_space<hbm>>
      tpu.enqueue_dma source(%dma_start3A_759 : memref<10000xi32, #tpu.memory_space<hbm>>) target(%arg18 : memref<10000xi32, #tpu.memory_space<vmem>>) target_semaphore(%run_scoped3A : memref<!tpu.dma_semaphore, #tpu.memory_space<semaphore_mem>>)
      %dma_wait3A_760 = tpu.memref_slice %arg4[%mul3A_2] : memref<320000xi32, #tpu.memory_space<hbm>> -> memref<10000xi32, #tpu.memory_space<hbm>>
      %dma_wait3A_761 = tpu.memref_slice %arg4[%mul3A_2] : memref<320000xi32, #tpu.memory_space<hbm>> -> memref<10000xi32, #tpu.memory_space<hbm>>
      tpu.wait_dma2 semaphore(%run_scoped3A : memref<!tpu.dma_semaphore, #tpu.memory_space<semaphore_mem>>) src(%dma_wait3A_761 : memref<10000xi32, #tpu.memory_space<hbm>>) dst(%arg18 : memref<10000xi32, #tpu.memory_space<vmem>>)
      tpu.yield
    }) : () -> ()
    %mul3A_3 = arith.constant 10000 : i32
    %mul3A_4 = arith.muli %add3A, %mul3A_3 : i32
    %add3A_5 = arith.constant 0 : i32
    %add3A_6 = arith.addi %mul3A_4, %add3A_5 : i32
    %multiple_of3A = tpu.assume_multiple %add3A_6, 8 : i32
    %multiple_of3A_7 = arith.constant 0 : i32
    %multiple_of3A_8 = tpu.assume_multiple %multiple_of3A_7, 16 : i32
    %add3A_9 = arith.constant 0 : i32
    %add3A_10 = arith.addi %multiple_of3A_8, %add3A_9 : i32
    %get3A = arith.index_cast %add3A_10 : i32 to index
    %get3A_11 = tpu.vector_load %arg18[%get3A] {strides = array<i32>} : memref<10000xi32, #tpu.memory_space<vmem>>, vector<16xi32>,
    %get3A_12 = vector.shape_cast %get3A_11 : vector<16xi32> to vector<16xi32>
    %swap3A = arith.constant 0 : index
    %swap3A_13 = tpu.vector_load %arg19[%swap3A] {strides = array<i32>} : memref<80xi32, #tpu.memory_space<vmem>>, vector<16xi32>,
    %swap3A_14 = vector.shape_cast %swap3A_13 : vector<16xi32> to vector<16xi32>
    %swap3A_15 = vector.shape_cast %get3A_12 : vector<16xi32> to vector<16xi32>
    tpu.vector_store %arg19[%swap3A], %swap3A_15 {strides = array<i32>} : memref<80xi32, #tpu.memory_space<vmem>>, vector<16xi32>,
    %multiple_of3A_16 = arith.constant 0 : i32
    %multiple_of3A_17 = tpu.assume_multiple %multiple_of3A_16, 16 : i32
    %add3A_18 = arith.constant 16 : i32
    %add3A_19 = arith.addi %multiple_of3A_17, %add3A_18 : i32
    %get3A_20 = arith.index_cast %add3A_19 : i32 to index
    %get3A_21 = tpu.vector_load %arg18[%get3A_20] {strides = array<i32>} : memref<10000xi32, #tpu.memory_space<vmem>>, vector<16xi32>,
    %get3A_22 = vector.shape_cast %get3A_21 : vector<16xi32> to vector<16xi32>
    %swap3A_23 = arith.constant 16 : index
    %swap3A_24 = tpu.vector_load %arg19[%swap3A_23] {strides = array<i32>} : memref<80xi32, #tpu.memory_space<vmem>>, vector<16xi32>,
    %swap3A_25 = vector.shape_cast %swap3A_24 : vector<16xi32> to vector<16xi32>
    %swap3A_26 = vector.shape_cast %get3A_22 : vector<16xi32> to vector<16xi32>
    tpu.vector_store %arg19[%swap3A_23], %swap3A_26 {strides = array<i32>} : memref<80xi32, #tpu.memory_space<vmem>>, vector<16xi32>,
    %multiple_of3A_27 = arith.constant 0 : i32
    %multiple_of3A_28 = tpu.assume_multiple %multiple_of3A_27, 16 : i32
    %add3A_29 = arith.constant 32 : i32
    %add3A_30 = arith.addi %multiple_of3A_28, %add3A_29 : i32
    %get3A_31 = arith.index_cast %add3A_30 : i32 to index
    %get3A_32 = tpu.vector_load %arg18[%get3A_31] {strides = array<i32>} : memref<10000xi32, #tpu.memory_space<vmem>>, vector<16xi32>,
    %get3A_33 = vector.shape_cast %get3A_32 : vector<16xi32> to vector<16xi32>
    %swap3A_34 = arith.constant 32 : index
    %swap3A_35 = tpu.vector_load %arg19[%swap3A_34] {strides = array<i32>} : memref<80xi32, #tpu.memory_space<vmem>>, vector<16xi32>,
    %swap3A_36 = vector.shape_cast %swap3A_35 : vector<16xi32> to vector<16xi32>
    %swap3A_37 = vector.shape_cast %get3A_33 : vector<16xi32> to vector<16xi32>
    tpu.vector_store %arg19[%swap3A_34], %swap3A_37 {strides = array<i32>} : memref<80xi32, #tpu.memory_space<vmem>>, vector<16xi32>,
    %multiple_of3A_38 = arith.constant 0 : i32
    %multiple_of3A_39 = tpu.assume_multiple %multiple_of3A_38, 16 : i32
    %add3A_40 = arith.constant 48 : i32
    %add3A_41 = arith.addi %multiple_of3A_39, %add3A_40 : i32
    %get3A_42 = arith.index_cast %add3A_41 : i32 to index
    %get3A_43 = tpu.vector_load %arg18[%get3A_42] {strides = array<i32>} : memref<10000xi32, #tpu.memory_space<vmem>>, vector<16xi32>,
    %get3A_44 = vector.shape_cast %get3A_43 : vector<16xi32> to vector<16xi32>
    %swap3A_45 = arith.constant 48 : index
    %swap3A_46 = tpu.vector_load %arg19[%swap3A_45] {strides = array<i32>} : memref<80xi32, #tpu.memory_space<vmem>>, vector<16xi32>,
    %swap3A_47 = vector.shape_cast %swap3A_46 : vector<16xi32> to vector<16xi32>
    %swap3A_48 = vector.shape_cast %get3A_44 : vector<16xi32> to vector<16xi32>
    tpu.vector_store %arg19[%swap3A_45], %swap3A_48 {strides = array<i32>} : memref<80xi32, #tpu.memory_space<vmem>>, vector<16xi32>,
    %multiple_of3A_49 = arith.constant 0 : i32
    %multiple_of3A_50 = tpu.assume_multiple %multiple_of3A_49, 16 : i32
    %add3A_51 = arith.constant 64 : i32
    %add3A_52 = arith.addi %multiple_of3A_50, %add3A_51 : i32
    %get3A_53 = arith.index_cast %add3A_52 : i32 to index
    %get3A_54 = tpu.vector_load %arg18[%get3A_53] {strides = array<i32>} : memref<10000xi32, #tpu.memory_space<vmem>>, vector<16xi32>,
    %get3A_55 = vector.shape_cast %get3A_54 : vector<16xi32> to vector<16xi32>
    %swap3A_56 = arith.constant 64 : index
    %swap3A_57 = tpu.vector_load %arg19[%swap3A_56] {strides = array<i32>} : memref<80xi32, #tpu.memory_space<vmem>>, vector<16xi32>,
    %swap3A_58 = vector.shape_cast %swap3A_57 : vector<16xi32> to vector<16xi32>
    %swap3A_59 = vector.shape_cast %get3A_55 : vector<16xi32> to vector<16xi32>
    tpu.vector_store %arg19[%swap3A_56], %swap3A_59 {strides = array<i32>} : memref<80xi32, #tpu.memory_space<vmem>>, vector<16xi32>,
    %dma_start3A = tpu.memref_slice %arg3[%multiple_of3A] : memref<320000xi32, #tpu.memory_space<hbm>> -> memref<80xi32, #tpu.memory_space<hbm>>
    %dma_start3A_60 = tpu.memref_slice %arg3[%multiple_of3A] : memref<320000xi32, #tpu.memory_space<hbm>> -> memref<80xi32, #tpu.memory_space<hbm>>
    tpu.enqueue_dma source(%dma_start3A_60 : memref<80xi32, #tpu.memory_space<hbm>>) target(%arg22 : memref<80xi32, #tpu.memory_space<vmem>>) target_semaphore(%arg30 : memref<!tpu.dma_semaphore, #tpu.memory_space<semaphore_mem>>)
    %dma_start3A_61 = arith.constant 0 : i32
    %dma_start3A_62 = arith.constant 0 : i32
    %dma_start3A_63 = tpu.memref_slice %arg2[%dma_start3A_61, %dma_start3A_62] : memref<10000x128xf32, #tpu.memory_space<hbm>> -> memref<10000x128xf32, #tpu.memory_space<hbm>>
    tpu.enqueue_indirect_dma source(%dma_start3A_63 : memref<10000x128xf32, #tpu.memory_space<hbm>>) target(%arg25 : memref<80x128xf32, #tpu.memory_space<vmem>>) offsets(%arg19 : memref<80xi32, #tpu.memory_space<vmem>>) semaphore(%arg30 : memref<!tpu.dma_semaphore, #tpu.memory_space<semaphore_mem>>)
    %add3A_64 = arith.constant 80 : i32
    %add3A_65 = arith.addi %mul3A_4, %add3A_64 : i32
    %multiple_of3A_66 = tpu.assume_multiple %add3A_65, 8 : i32
    %multiple_of3A_67 = arith.constant 80 : i32
    %multiple_of3A_68 = tpu.assume_multiple %multiple_of3A_67, 16 : i32
    %add3A_69 = arith.constant 0 : i32
    %add3A_70 = arith.addi %multiple_of3A_68, %add3A_69 : i32
    %get3A_71 = arith.index_cast %add3A_70 : i32 to index
    %get3A_72 = tpu.vector_load %arg18[%get3A_71] {strides = array<i32>} : memref<10000xi32, #tpu.memory_space<vmem>>, vector<16xi32>,
    %get3A_73 = vector.shape_cast %get3A_72 : vector<16xi32> to vector<16xi32>
    %swap3A_74 = arith.constant 0 : index
    %swap3A_75 = tpu.vector_load %arg20[%swap3A_74] {strides = array<i32>} : memref<80xi32, #tpu.memory_space<vmem>>, vector<16xi32>,
    %swap3A_76 = vector.shape_cast %swap3A_75 : vector<16xi32> to vector<16xi32>
    %swap3A_77 = vector.shape_cast %get3A_73 : vector<16xi32> to vector<16xi32>
    tpu.vector_store %arg20[%swap3A_74], %swap3A_77 {strides = array<i32>} : memref<80xi32, #tpu.memory_space<vmem>>, vector<16xi32>,
    %multiple_of3A_78 = arith.constant 80 : i32
    %multiple_of3A_79 = tpu.assume_multiple %multiple_of3A_78, 16 : i32
    %add3A_80 = arith.constant 16 : i32
    %add3A_81 = arith.addi %multiple_of3A_79, %add3A_80 : i32
    %get3A_82 = arith.index_cast %add3A_81 : i32 to index
    %get3A_83 = tpu.vector_load %arg18[%get3A_82] {strides = array<i32>} : memref<10000xi32, #tpu.memory_space<vmem>>, vector<16xi32>,
    %get3A_84 = vector.shape_cast %get3A_83 : vector<16xi32> to vector<16xi32>
    %swap3A_85 = arith.constant 16 : index
    %swap3A_86 = tpu.vector_load %arg20[%swap3A_85] {strides = array<i32>} : memref<80xi32, #tpu.memory_space<vmem>>, vector<16xi32>,
    %swap3A_87 = vector.shape_cast %swap3A_86 : vector<16xi32> to vector<16xi32>
    %swap3A_88 = vector.shape_cast %get3A_84 : vector<16xi32> to vector<16xi32>
    tpu.vector_store %arg20[%swap3A_85], %swap3A_88 {strides = array<i32>} : memref<80xi32, #tpu.memory_space<vmem>>, vector<16xi32>,
    %multiple_of3A_89 = arith.constant 80 : i32
    %multiple_of3A_90 = tpu.assume_multiple %multiple_of3A_89, 16 : i32
    %add3A_91 = arith.constant 32 : i32
    %add3A_92 = arith.addi %multiple_of3A_90, %add3A_91 : i32
    %get3A_93 = arith.index_cast %add3A_92 : i32 to index
    %get3A_94 = tpu.vector_load %arg18[%get3A_93] {strides = array<i32>} : memref<10000xi32, #tpu.memory_space<vmem>>, vector<16xi32>,
    %get3A_95 = vector.shape_cast %get3A_94 : vector<16xi32> to vector<16xi32>
    %swap3A_96 = arith.constant 32 : index
    %swap3A_97 = tpu.vector_load %arg20[%swap3A_96] {strides = array<i32>} : memref<80xi32, #tpu.memory_space<vmem>>, vector<16xi32>,
    %swap3A_98 = vector.shape_cast %swap3A_97 : vector<16xi32> to vector<16xi32>
    %swap3A_99 = vector.shape_cast %get3A_95 : vector<16xi32> to vector<16xi32>
    tpu.vector_store %arg20[%swap3A_96], %swap3A_99 {strides = array<i32>} : memref<80xi32, #tpu.memory_space<vmem>>, vector<16xi32>,
    %multiple_of3A_100 = arith.constant 80 : i32
    %multiple_of3A_101 = tpu.assume_multiple %multiple_of3A_100, 16 : i32
    %add3A_102 = arith.constant 48 : i32
    %add3A_103 = arith.addi %multiple_of3A_101, %add3A_102 : i32
    %get3A_104 = arith.index_cast %add3A_103 : i32 to index
    %get3A_105 = tpu.vector_load %arg18[%get3A_104] {strides = array<i32>} : memref<10000xi32, #tpu.memory_space<vmem>>, vector<16xi32>,
    %get3A_106 = vector.shape_cast %get3A_105 : vector<16xi32> to vector<16xi32>
    %swap3A_107 = arith.constant 48 : index
    %swap3A_108 = tpu.vector_load %arg20[%swap3A_107] {strides = array<i32>} : memref<80xi32, #tpu.memory_space<vmem>>, vector<16xi32>,
    %swap3A_109 = vector.shape_cast %swap3A_108 : vector<16xi32> to vector<16xi32>
    %swap3A_110 = vector.shape_cast %get3A_106 : vector<16xi32> to vector<16xi32>
    tpu.vector_store %arg20[%swap3A_107], %swap3A_110 {strides = array<i32>} : memref<80xi32, #tpu.memory_space<vmem>>, vector<16xi32>,
    %multiple_of3A_111 = arith.constant 80 : i32
    %multiple_of3A_112 = tpu.assume_multiple %multiple_of3A_111, 16 : i32
    %add3A_113 = arith.constant 64 : i32
    %add3A_114 = arith.addi %multiple_of3A_112, %add3A_113 : i32
    %get3A_115 = arith.index_cast %add3A_114 : i32 to index
    %get3A_116 = tpu.vector_load %arg18[%get3A_115] {strides = array<i32>} : memref<10000xi32, #tpu.memory_space<vmem>>, vector<16xi32>,
    %get3A_117 = vector.shape_cast %get3A_116 : vector<16xi32> to vector<16xi32>
    %swap3A_118 = arith.constant 64 : index
    %swap3A_119 = tpu.vector_load %arg20[%swap3A_118] {strides = array<i32>} : memref<80xi32, #tpu.memory_space<vmem>>, vector<16xi32>,
    %swap3A_120 = vector.shape_cast %swap3A_119 : vector<16xi32> to vector<16xi32>
    %swap3A_121 = vector.shape_cast %get3A_117 : vector<16xi32> to vector<16xi32>
    tpu.vector_store %arg20[%swap3A_118], %swap3A_121 {strides = array<i32>} : memref<80xi32, #tpu.memory_space<vmem>>, vector<16xi32>,
    %dma_start3A_122 = tpu.memref_slice %arg3[%multiple_of3A_66] : memref<320000xi32, #tpu.memory_space<hbm>> -> memref<80xi32, #tpu.memory_space<hbm>>
    %dma_start3A_123 = tpu.memref_slice %arg3[%multiple_of3A_66] : memref<320000xi32, #tpu.memory_space<hbm>> -> memref<80xi32, #tpu.memory_space<hbm>>
    tpu.enqueue_dma source(%dma_start3A_123 : memref<80xi32, #tpu.memory_space<hbm>>) target(%arg23 : memref<80xi32, #tpu.memory_space<vmem>>) target_semaphore(%arg31 : memref<!tpu.dma_semaphore, #tpu.memory_space<semaphore_mem>>)
    %dma_start3A_124 = arith.constant 0 : i32
    %dma_start3A_125 = arith.constant 0 : i32
    %dma_start3A_126 = tpu.memref_slice %arg2[%dma_start3A_124, %dma_start3A_125] : memref<10000x128xf32, #tpu.memory_space<hbm>> -> memref<10000x128xf32, #tpu.memory_space<hbm>>
    tpu.enqueue_indirect_dma source(%dma_start3A_126 : memref<10000x128xf32, #tpu.memory_space<hbm>>) target(%arg26 : memref<80x128xf32, #tpu.memory_space<vmem>>) offsets(%arg20 : memref<80xi32, #tpu.memory_space<vmem>>) semaphore(%arg31 : memref<!tpu.dma_semaphore, #tpu.memory_space<semaphore_mem>>)
    %add3A_127 = arith.constant 160 : i32
    %add3A_128 = arith.addi %mul3A_4, %add3A_127 : i32
    %multiple_of3A_129 = tpu.assume_multiple %add3A_128, 8 : i32
    %multiple_of3A_130 = arith.constant 160 : i32
    %multiple_of3A_131 = tpu.assume_multiple %multiple_of3A_130, 16 : i32
    %add3A_132 = arith.constant 0 : i32
    %add3A_133 = arith.addi %multiple_of3A_131, %add3A_132 : i32
    %get3A_134 = arith.index_cast %add3A_133 : i32 to index
    %get3A_135 = tpu.vector_load %arg18[%get3A_134] {strides = array<i32>} : memref<10000xi32, #tpu.memory_space<vmem>>, vector<16xi32>,
    %get3A_136 = vector.shape_cast %get3A_135 : vector<16xi32> to vector<16xi32>
    %swap3A_137 = arith.constant 0 : index
    %swap3A_138 = tpu.vector_load %arg21[%swap3A_137] {strides = array<i32>} : memref<80xi32, #tpu.memory_space<vmem>>, vector<16xi32>,
    %swap3A_139 = vector.shape_cast %swap3A_138 : vector<16xi32> to vector<16xi32>
    %swap3A_140 = vector.shape_cast %get3A_136 : vector<16xi32> to vector<16xi32>
    tpu.vector_store %arg21[%swap3A_137], %swap3A_140 {strides = array<i32>} : memref<80xi32, #tpu.memory_space<vmem>>, vector<16xi32>,
    %multiple_of3A_141 = arith.constant 160 : i32
    %multiple_of3A_142 = tpu.assume_multiple %multiple_of3A_141, 16 : i32
    %add3A_143 = arith.constant 16 : i32
    %add3A_144 = arith.addi %multiple_of3A_142, %add3A_143 : i32
    %get3A_145 = arith.index_cast %add3A_144 : i32 to index
    %get3A_146 = tpu.vector_load %arg18[%get3A_145] {strides = array<i32>} : memref<10000xi32, #tpu.memory_space<vmem>>, vector<16xi32>,
    %get3A_147 = vector.shape_cast %get3A_146 : vector<16xi32> to vector<16xi32>
    %swap3A_148 = arith.constant 16 : index
    %swap3A_149 = tpu.vector_load %arg21[%swap3A_148] {strides = array<i32>} : memref<80xi32, #tpu.memory_space<vmem>>, vector<16xi32>,
    %swap3A_150 = vector.shape_cast %swap3A_149 : vector<16xi32> to vector<16xi32>
    %swap3A_151 = vector.shape_cast %get3A_147 : vector<16xi32> to vector<16xi32>
    tpu.vector_store %arg21[%swap3A_148], %swap3A_151 {strides = array<i32>} : memref<80xi32, #tpu.memory_space<vmem>>, vector<16xi32>,
    %multiple_of3A_152 = arith.constant 160 : i32
    %multiple_of3A_153 = tpu.assume_multiple %multiple_of3A_152, 16 : i32
    %add3A_154 = arith.constant 32 : i32
    %add3A_155 = arith.addi %multiple_of3A_153, %add3A_154 : i32
    %get3A_156 = arith.index_cast %add3A_155 : i32 to index
    %get3A_157 = tpu.vector_load %arg18[%get3A_156] {strides = array<i32>} : memref<10000xi32, #tpu.memory_space<vmem>>, vector<16xi32>,
    %get3A_158 = vector.shape_cast %get3A_157 : vector<16xi32> to vector<16xi32>
    %swap3A_159 = arith.constant 32 : index
    %swap3A_160 = tpu.vector_load %arg21[%swap3A_159] {strides = array<i32>} : memref<80xi32, #tpu.memory_space<vmem>>, vector<16xi32>,
    %swap3A_161 = vector.shape_cast %swap3A_160 : vector<16xi32> to vector<16xi32>
    %swap3A_162 = vector.shape_cast %get3A_158 : vector<16xi32> to vector<16xi32>
    tpu.vector_store %arg21[%swap3A_159], %swap3A_162 {strides = array<i32>} : memref<80xi32, #tpu.memory_space<vmem>>, vector<16xi32>,
    %multiple_of3A_163 = arith.constant 160 : i32
    %multiple_of3A_164 = tpu.assume_multiple %multiple_of3A_163, 16 : i32
    %add3A_165 = arith.constant 48 : i32
    %add3A_166 = arith.addi %multiple_of3A_164, %add3A_165 : i32
    %get3A_167 = arith.index_cast %add3A_166 : i32 to index
    %get3A_168 = tpu.vector_load %arg18[%get3A_167] {strides = array<i32>} : memref<10000xi32, #tpu.memory_space<vmem>>, vector<16xi32>,
    %get3A_169 = vector.shape_cast %get3A_168 : vector<16xi32> to vector<16xi32>
    %swap3A_170 = arith.constant 48 : index
    %swap3A_171 = tpu.vector_load %arg21[%swap3A_170] {strides = array<i32>} : memref<80xi32, #tpu.memory_space<vmem>>, vector<16xi32>,
    %swap3A_172 = vector.shape_cast %swap3A_171 : vector<16xi32> to vector<16xi32>
    %swap3A_173 = vector.shape_cast %get3A_169 : vector<16xi32> to vector<16xi32>
    tpu.vector_store %arg21[%swap3A_170], %swap3A_173 {strides = array<i32>} : memref<80xi32, #tpu.memory_space<vmem>>, vector<16xi32>,
    %multiple_of3A_174 = arith.constant 160 : i32
    %multiple_of3A_175 = tpu.assume_multiple %multiple_of3A_174, 16 : i32
    %add3A_176 = arith.constant 64 : i32
    %add3A_177 = arith.addi %multiple_of3A_175, %add3A_176 : i32
    %get3A_178 = arith.index_cast %add3A_177 : i32 to index
    %get3A_179 = tpu.vector_load %arg18[%get3A_178] {strides = array<i32>} : memref<10000xi32, #tpu.memory_space<vmem>>, vector<16xi32>,
    %get3A_180 = vector.shape_cast %get3A_179 : vector<16xi32> to vector<16xi32>
    %swap3A_181 = arith.constant 64 : index
    %swap3A_182 = tpu.vector_load %arg21[%swap3A_181] {strides = array<i32>} : memref<80xi32, #tpu.memory_space<vmem>>, vector<16xi32>,
    %swap3A_183 = vector.shape_cast %swap3A_182 : vector<16xi32> to vector<16xi32>
    %swap3A_184 = vector.shape_cast %get3A_180 : vector<16xi32> to vector<16xi32>
    tpu.vector_store %arg21[%swap3A_181], %swap3A_184 {strides = array<i32>} : memref<80xi32, #tpu.memory_space<vmem>>, vector<16xi32>,
    %dma_start3A_185 = tpu.memref_slice %arg3[%multiple_of3A_129] : memref<320000xi32, #tpu.memory_space<hbm>> -> memref<80xi32, #tpu.memory_space<hbm>>
    %dma_start3A_186 = tpu.memref_slice %arg3[%multiple_of3A_129] : memref<320000xi32, #tpu.memory_space<hbm>> -> memref<80xi32, #tpu.memory_space<hbm>>
    tpu.enqueue_dma source(%dma_start3A_186 : memref<80xi32, #tpu.memory_space<hbm>>) target(%arg24 : memref<80xi32, #tpu.memory_space<vmem>>) target_semaphore(%arg32 : memref<!tpu.dma_semaphore, #tpu.memory_space<semaphore_mem>>)
    %dma_start3A_187 = arith.constant 0 : i32
    %dma_start3A_188 = arith.constant 0 : i32
    %dma_start3A_189 = tpu.memref_slice %arg2[%dma_start3A_187, %dma_start3A_188] : memref<10000x128xf32, #tpu.memory_space<hbm>> -> memref<10000x128xf32, #tpu.memory_space<hbm>>
    tpu.enqueue_indirect_dma source(%dma_start3A_189 : memref<10000x128xf32, #tpu.memory_space<hbm>>) target(%arg27 : memref<80x128xf32, #tpu.memory_space<vmem>>) offsets(%arg21 : memref<80xi32, #tpu.memory_space<vmem>>) semaphore(%arg32 : memref<!tpu.dma_semaphore, #tpu.memory_space<semaphore_mem>>)
    %scan3A = arith.constant 0 : i32
    %scan3A_190 = arith.constant 0 : i32
    %scan3A_191 = arith.constant 16 : i32
    %scan3A_192 = arith.addi %scan3A_190, %scan3A_191 : i32
    %scan3A_193 = arith.constant 1 : i32
    scf.for %scan3A_758 = %scan3A_190 to %scan3A_192 step %scan3A_193  : i32 {
      %broadcast_in_dim3A = arith.constant 0.000000e+00 : f32
      %broadcast_in_dim3A_759 = vector.broadcast %broadcast_in_dim3A : f32 to vector<16xf32>
      %swap3A_760 = arith.index_cast %scan3A_758 : i32 to index
      %swap3A_761 = arith.constant 0 : index
      %swap3A_762 = tpu.vector_load %arg17[%swap3A_760, %swap3A_761] {strides = array<i32>} : memref<16x128xf32, #tpu.memory_space<vmem>>, vector<1x16xf32>,
      %swap3A_763 = vector.shape_cast %swap3A_762 : vector<1x16xf32> to vector<16xf32>
      %swap3A_764 = vector.shape_cast %broadcast_in_dim3A_759 : vector<16xf32> to vector<1x16xf32>
      tpu.vector_store %arg17[%swap3A_760, %swap3A_761], %swap3A_764 {strides = array<i32>} : memref<16x128xf32, #tpu.memory_space<vmem>>, vector<1x16xf32>,
      %broadcast_in_dim3A_765 = arith.constant 0.000000e+00 : f32
      %broadcast_in_dim3A_766 = vector.broadcast %broadcast_in_dim3A_765 : f32 to vector<16xf32>
      %swap3A_767 = arith.index_cast %scan3A_758 : i32 to index
      %swap3A_768 = arith.constant 16 : index
      %swap3A_769 = tpu.vector_load %arg17[%swap3A_767, %swap3A_768] {strides = array<i32>} : memref<16x128xf32, #tpu.memory_space<vmem>>, vector<1x16xf32>,
      %swap3A_770 = vector.shape_cast %swap3A_769 : vector<1x16xf32> to vector<16xf32>
      %swap3A_771 = vector.shape_cast %broadcast_in_dim3A_766 : vector<16xf32> to vector<1x16xf32>
      tpu.vector_store %arg17[%swap3A_767, %swap3A_768], %swap3A_771 {strides = array<i32>} : memref<16x128xf32, #tpu.memory_space<vmem>>, vector<1x16xf32>,
      %broadcast_in_dim3A_772 = arith.constant 0.000000e+00 : f32
      %broadcast_in_dim3A_773 = vector.broadcast %broadcast_in_dim3A_772 : f32 to vector<16xf32>
      %swap3A_774 = arith.index_cast %scan3A_758 : i32 to index
      %swap3A_775 = arith.constant 32 : index
      %swap3A_776 = tpu.vector_load %arg17[%swap3A_774, %swap3A_775] {strides = array<i32>} : memref<16x128xf32, #tpu.memory_space<vmem>>, vector<1x16xf32>,
      %swap3A_777 = vector.shape_cast %swap3A_776 : vector<1x16xf32> to vector<16xf32>
      %swap3A_778 = vector.shape_cast %broadcast_in_dim3A_773 : vector<16xf32> to vector<1x16xf32>
      tpu.vector_store %arg17[%swap3A_774, %swap3A_775], %swap3A_778 {strides = array<i32>} : memref<16x128xf32, #tpu.memory_space<vmem>>, vector<1x16xf32>,
      %broadcast_in_dim3A_779 = arith.constant 0.000000e+00 : f32
      %broadcast_in_dim3A_780 = vector.broadcast %broadcast_in_dim3A_779 : f32 to vector<16xf32>
      %swap3A_781 = arith.index_cast %scan3A_758 : i32 to index
      %swap3A_782 = arith.constant 48 : index
      %swap3A_783 = tpu.vector_load %arg17[%swap3A_781, %swap3A_782] {strides = array<i32>} : memref<16x128xf32, #tpu.memory_space<vmem>>, vector<1x16xf32>,
      %swap3A_784 = vector.shape_cast %swap3A_783 : vector<1x16xf32> to vector<16xf32>
      %swap3A_785 = vector.shape_cast %broadcast_in_dim3A_780 : vector<16xf32> to vector<1x16xf32>
      tpu.vector_store %arg17[%swap3A_781, %swap3A_782], %swap3A_785 {strides = array<i32>} : memref<16x128xf32, #tpu.memory_space<vmem>>, vector<1x16xf32>,
      %broadcast_in_dim3A_786 = arith.constant 0.000000e+00 : f32
      %broadcast_in_dim3A_787 = vector.broadcast %broadcast_in_dim3A_786 : f32 to vector<16xf32>
      %swap3A_788 = arith.index_cast %scan3A_758 : i32 to index
      %swap3A_789 = arith.constant 64 : index
      %swap3A_790 = tpu.vector_load %arg17[%swap3A_788, %swap3A_789] {strides = array<i32>} : memref<16x128xf32, #tpu.memory_space<vmem>>, vector<1x16xf32>,
      %swap3A_791 = vector.shape_cast %swap3A_790 : vector<1x16xf32> to vector<16xf32>
      %swap3A_792 = vector.shape_cast %broadcast_in_dim3A_787 : vector<16xf32> to vector<1x16xf32>
      tpu.vector_store %arg17[%swap3A_788, %swap3A_789], %swap3A_792 {strides = array<i32>} : memref<16x128xf32, #tpu.memory_space<vmem>>, vector<1x16xf32>,
      %broadcast_in_dim3A_793 = arith.constant 0.000000e+00 : f32
      %broadcast_in_dim3A_794 = vector.broadcast %broadcast_in_dim3A_793 : f32 to vector<16xf32>
      %swap3A_795 = arith.index_cast %scan3A_758 : i32 to index
      %swap3A_796 = arith.constant 80 : index
      %swap3A_797 = tpu.vector_load %arg17[%swap3A_795, %swap3A_796] {strides = array<i32>} : memref<16x128xf32, #tpu.memory_space<vmem>>, vector<1x16xf32>,
      %swap3A_798 = vector.shape_cast %swap3A_797 : vector<1x16xf32> to vector<16xf32>
      %swap3A_799 = vector.shape_cast %broadcast_in_dim3A_794 : vector<16xf32> to vector<1x16xf32>
      tpu.vector_store %arg17[%swap3A_795, %swap3A_796], %swap3A_799 {strides = array<i32>} : memref<16x128xf32, #tpu.memory_space<vmem>>, vector<1x16xf32>,
      %broadcast_in_dim3A_800 = arith.constant 0.000000e+00 : f32
      %broadcast_in_dim3A_801 = vector.broadcast %broadcast_in_dim3A_800 : f32 to vector<16xf32>
      %swap3A_802 = arith.index_cast %scan3A_758 : i32 to index
      %swap3A_803 = arith.constant 96 : index
      %swap3A_804 = tpu.vector_load %arg17[%swap3A_802, %swap3A_803] {strides = array<i32>} : memref<16x128xf32, #tpu.memory_space<vmem>>, vector<1x16xf32>,
      %swap3A_805 = vector.shape_cast %swap3A_804 : vector<1x16xf32> to vector<16xf32>
      %swap3A_806 = vector.shape_cast %broadcast_in_dim3A_801 : vector<16xf32> to vector<1x16xf32>
      tpu.vector_store %arg17[%swap3A_802, %swap3A_803], %swap3A_806 {strides = array<i32>} : memref<16x128xf32, #tpu.memory_space<vmem>>, vector<1x16xf32>,
      %broadcast_in_dim3A_807 = arith.constant 0.000000e+00 : f32
      %broadcast_in_dim3A_808 = vector.broadcast %broadcast_in_dim3A_807 : f32 to vector<16xf32>
      %swap3A_809 = arith.index_cast %scan3A_758 : i32 to index
      %swap3A_810 = arith.constant 112 : index
      %swap3A_811 = tpu.vector_load %arg17[%swap3A_809, %swap3A_810] {strides = array<i32>} : memref<16x128xf32, #tpu.memory_space<vmem>>, vector<1x16xf32>,
      %swap3A_812 = vector.shape_cast %swap3A_811 : vector<1x16xf32> to vector<16xf32>
      %swap3A_813 = vector.shape_cast %broadcast_in_dim3A_808 : vector<16xf32> to vector<1x16xf32>
      tpu.vector_store %arg17[%swap3A_809, %swap3A_810], %swap3A_813 {strides = array<i32>} : memref<16x128xf32, #tpu.memory_space<vmem>>, vector<1x16xf32>,
    }
    %scan3A_194 = arith.constant 16 : i32
    %scan3A_195 = arith.constant 0 : i32
    %scan3A_196 = arith.constant 0 : i32
    %scan3A_197 = arith.constant 40 : i32
    %scan3A_198 = arith.addi %scan3A_196, %scan3A_197 : i32
    %scan3A_199 = arith.constant 1 : i32
    scf.for %scan3A_758 = %scan3A_196 to %scan3A_198 step %scan3A_199  : i32 {
      %mul3A_759 = arith.constant 640 : i32
      %mul3A_760 = arith.muli %arg1, %mul3A_759 : i32
      %mul3A_761 = arith.constant 16 : i32
      %mul3A_762 = arith.muli %scan3A_758, %mul3A_761 : i32
      %add3A_763 = arith.addi %mul3A_760, %mul3A_762 : i32
      "tpu.region"() ({
        %run_scoped3A = tpu.sem_alloc : memref<!tpu.dma_semaphore, #tpu.memory_space<semaphore_mem>>
        %dma_start3A_764 = arith.constant 0 : i32
        %dma_start3A_765 = tpu.memref_slice %arg15[%add3A_763, %dma_start3A_764] : memref<10240x128xf32, #tpu.memory_space<vmem_shared>> -> memref<16x128xf32, #tpu.memory_space<vmem_shared>>
        %dma_start3A_766 = arith.constant 0 : i32
        %dma_start3A_767 = tpu.memref_slice %arg15[%add3A_763, %dma_start3A_766] : memref<10240x128xf32, #tpu.memory_space<vmem_shared>> -> memref<16x128xf32, #tpu.memory_space<vmem_shared>>
        tpu.enqueue_dma source(%arg17 : memref<16x128xf32, #tpu.memory_space<vmem>>) target(%dma_start3A_767 : memref<16x128xf32, #tpu.memory_space<vmem_shared>>) target_semaphore(%run_scoped3A : memref<!tpu.dma_semaphore, #tpu.memory_space<semaphore_mem>>)
        %dma_wait3A_768 = arith.constant 0 : i32
        %dma_wait3A_769 = tpu.memref_slice %arg15[%add3A_763, %dma_wait3A_768] : memref<10240x128xf32, #tpu.memory_space<vmem_shared>> -> memref<16x128xf32, #tpu.memory_space<vmem_shared>>
        %dma_wait3A_770 = arith.constant 0 : i32
        %dma_wait3A_771 = tpu.memref_slice %arg15[%add3A_763, %dma_wait3A_770] : memref<10240x128xf32, #tpu.memory_space<vmem_shared>> -> memref<16x128xf32, #tpu.memory_space<vmem_shared>>
        tpu.wait_dma2 semaphore(%run_scoped3A : memref<!tpu.dma_semaphore, #tpu.memory_space<semaphore_mem>>) src(%arg17 : memref<16x128xf32, #tpu.memory_space<vmem>>) dst(%dma_wait3A_771 : memref<16x128xf32, #tpu.memory_space<vmem_shared>>)
        tpu.yield
      }) : () -> ()
    }
    %scan3A_200 = arith.constant 40 : i32
    %mul3A_201 = arith.constant 16 : i32
    %mul3A_202 = arith.muli %arg1, %mul3A_201 : i32
    "tpu.region"() ({
      %run_scoped3A = tpu.sem_alloc : memref<!tpu.dma_semaphore, #tpu.memory_space<semaphore_mem>>
      %dma_start3A_758 = arith.constant 0 : i32
      %dma_start3A_759 = tpu.memref_slice %arg16[%mul3A_202, %dma_start3A_758] : memref<256x128xf32, #tpu.memory_space<vmem_shared>> -> memref<16x128xf32, #tpu.memory_space<vmem_shared>>
      %dma_start3A_760 = arith.constant 0 : i32
      %dma_start3A_761 = tpu.memref_slice %arg16[%mul3A_202, %dma_start3A_760] : memref<256x128xf32, #tpu.memory_space<vmem_shared>> -> memref<16x128xf32, #tpu.memory_space<vmem_shared>>
      tpu.enqueue_dma source(%arg17 : memref<16x128xf32, #tpu.memory_space<vmem>>) target(%dma_start3A_761 : memref<16x128xf32, #tpu.memory_space<vmem_shared>>) target_semaphore(%run_scoped3A : memref<!tpu.dma_semaphore, #tpu.memory_space<semaphore_mem>>)
      %dma_wait3A_762 = arith.constant 0 : i32
      %dma_wait3A_763 = tpu.memref_slice %arg16[%mul3A_202, %dma_wait3A_762] : memref<256x128xf32, #tpu.memory_space<vmem_shared>> -> memref<16x128xf32, #tpu.memory_space<vmem_shared>>
      %dma_wait3A_764 = arith.constant 0 : i32
      %dma_wait3A_765 = tpu.memref_slice %arg16[%mul3A_202, %dma_wait3A_764] : memref<256x128xf32, #tpu.memory_space<vmem_shared>> -> memref<16x128xf32, #tpu.memory_space<vmem_shared>>
      tpu.wait_dma2 semaphore(%run_scoped3A : memref<!tpu.dma_semaphore, #tpu.memory_space<semaphore_mem>>) src(%arg17 : memref<16x128xf32, #tpu.memory_space<vmem>>) dst(%dma_wait3A_765 : memref<16x128xf32, #tpu.memory_space<vmem_shared>>)
      tpu.yield
    }) : () -> ()
    %barrier3A = arith.constant 0 : index
    tpu.barrier barrier_id(%barrier3A)
    %scan3A_203 = arith.constant 0 : i32
    %scan3A_204 = arith.constant 0 : i32
    %scan3A_205 = arith.constant 40 : i32
    %scan3A_206 = arith.addi %scan3A_204, %scan3A_205 : i32
    %scan3A_207 = arith.constant 1 : i32
    scf.for %scan3A_758 = %scan3A_204 to %scan3A_206 step %scan3A_207  : i32 {
      %mul3A_759 = arith.constant 3 : i32
      %mul3A_760 = arith.muli %scan3A_758, %mul3A_759 : i32
      %add3A_761 = arith.constant 0 : i32
      %add3A_762 = arith.addi %mul3A_760, %add3A_761 : i32
      %dma_wait3A_763 = arith.constant 0 : i32
      %dma_wait3A_764 = arith.constant 0 : i32
      %dma_wait3A_765 = tpu.memref_slice %arg2[%dma_wait3A_763, %dma_wait3A_764] : memref<10000x128xf32, #tpu.memory_space<hbm>> -> memref<10000x128xf32, #tpu.memory_space<hbm>>
      tpu.wait_indirect_dma semaphore(%arg30 : memref<!tpu.dma_semaphore, #tpu.memory_space<semaphore_mem>>) src(%dma_wait3A_765 : memref<10000x128xf32, #tpu.memory_space<hbm>>) dst(%arg25 : memref<80x128xf32, #tpu.memory_space<vmem>>)
      %dma_wait3A_766 = arith.constant 0 : i32
      %dma_wait3A_767 = tpu.memref_slice %arg3[%dma_wait3A_766] : memref<320000xi32, #tpu.memory_space<hbm>> -> memref<80xi32, #tpu.memory_space<hbm>>
      %dma_wait3A_768 = arith.constant 0 : i32
      %dma_wait3A_769 = tpu.memref_slice %arg3[%dma_wait3A_768] : memref<320000xi32, #tpu.memory_space<hbm>> -> memref<80xi32, #tpu.memory_space<hbm>>
      tpu.wait_dma2 semaphore(%arg30 : memref<!tpu.dma_semaphore, #tpu.memory_space<semaphore_mem>>) src(%dma_wait3A_769 : memref<80xi32, #tpu.memory_space<hbm>>) dst(%arg22 : memref<80xi32, #tpu.memory_space<vmem>>)
      "tpu.region"() ({
        %run_scoped3A = tpu.sem_alloc : memref<!tpu.dma_semaphore, #tpu.memory_space<semaphore_mem>>
        %dma_start3A_1005 = arith.constant 0 : i32
        %dma_start3A_1006 = arith.constant 0 : i32
        %dma_start3A_1007 = tpu.memref_slice %arg15[%dma_start3A_1005, %dma_start3A_1006] : memref<10240x128xf32, #tpu.memory_space<vmem_shared>> -> memref<10240x128xf32, #tpu.memory_space<vmem_shared>>
        tpu.enqueue_indirect_dma source(%arg25 : memref<80x128xf32, #tpu.memory_space<vmem>>) target(%dma_start3A_1007 : memref<10240x128xf32, #tpu.memory_space<vmem_shared>>) offsets(%arg22 : memref<80xi32, #tpu.memory_space<vmem>>) semaphore(%run_scoped3A : memref<!tpu.dma_semaphore, #tpu.memory_space<semaphore_mem>>) {add = true}
        %dma_wait3A_1008 = arith.constant 0 : i32
        %dma_wait3A_1009 = arith.constant 0 : i32
        %dma_wait3A_1010 = tpu.memref_slice %arg15[%dma_wait3A_1008, %dma_wait3A_1009] : memref<10240x128xf32, #tpu.memory_space<vmem_shared>> -> memref<10240x128xf32, #tpu.memory_space<vmem_shared>>
        tpu.wait_indirect_dma semaphore(%run_scoped3A : memref<!tpu.dma_semaphore, #tpu.memory_space<semaphore_mem>>) src(%arg25 : memref<80x128xf32, #tpu.memory_space<vmem>>) dst(%dma_wait3A_1010 : memref<10240x128xf32, #tpu.memory_space<vmem_shared>>)
        tpu.yield
      }) : () -> ()
      %add3A_770 = arith.constant 3 : i32
      %add3A_771 = arith.addi %add3A_762, %add3A_770 : i32
      %mul3A_772 = arith.constant 80 : i32
      %mul3A_773 = arith.muli %add3A_771, %mul3A_772 : i32
      %add3A_774 = arith.addi %mul3A_4, %mul3A_773 : i32
      %multiple_of3A_775 = tpu.assume_multiple %add3A_774, 8 : i32
      %mul3A_776 = arith.constant 80 : i32
      %mul3A_777 = arith.muli %add3A_771, %mul3A_776 : i32
      %multiple_of3A_778 = tpu.assume_multiple %mul3A_777, 16 : i32
      %add3A_779 = arith.constant 0 : i32
      %add3A_780 = arith.addi %multiple_of3A_778, %add3A_779 : i32
      %get3A_781 = arith.index_cast %add3A_780 : i32 to index
      %get3A_782 = tpu.vector_load %arg18[%get3A_781] {strides = array<i32>} : memref<10000xi32, #tpu.memory_space<vmem>>, vector<16xi32>,
      %get3A_783 = vector.shape_cast %get3A_782 : vector<16xi32> to vector<16xi32>
      %swap3A_784 = arith.constant 0 : index
      %swap3A_785 = tpu.vector_load %arg19[%swap3A_784] {strides = array<i32>} : memref<80xi32, #tpu.memory_space<vmem>>, vector<16xi32>,
      %swap3A_786 = vector.shape_cast %swap3A_785 : vector<16xi32> to vector<16xi32>
      %swap3A_787 = vector.shape_cast %get3A_783 : vector<16xi32> to vector<16xi32>
      tpu.vector_store %arg19[%swap3A_784], %swap3A_787 {strides = array<i32>} : memref<80xi32, #tpu.memory_space<vmem>>, vector<16xi32>,
      %mul3A_788 = arith.constant 80 : i32
      %mul3A_789 = arith.muli %add3A_771, %mul3A_788 : i32
      %multiple_of3A_790 = tpu.assume_multiple %mul3A_789, 16 : i32
      %add3A_791 = arith.constant 16 : i32
      %add3A_792 = arith.addi %multiple_of3A_790, %add3A_791 : i32
      %get3A_793 = arith.index_cast %add3A_792 : i32 to index
      %get3A_794 = tpu.vector_load %arg18[%get3A_793] {strides = array<i32>} : memref<10000xi32, #tpu.memory_space<vmem>>, vector<16xi32>,
      %get3A_795 = vector.shape_cast %get3A_794 : vector<16xi32> to vector<16xi32>
      %swap3A_796 = arith.constant 16 : index
      %swap3A_797 = tpu.vector_load %arg19[%swap3A_796] {strides = array<i32>} : memref<80xi32, #tpu.memory_space<vmem>>, vector<16xi32>,
      %swap3A_798 = vector.shape_cast %swap3A_797 : vector<16xi32> to vector<16xi32>
      %swap3A_799 = vector.shape_cast %get3A_795 : vector<16xi32> to vector<16xi32>
      tpu.vector_store %arg19[%swap3A_796], %swap3A_799 {strides = array<i32>} : memref<80xi32, #tpu.memory_space<vmem>>, vector<16xi32>,
      %mul3A_800 = arith.constant 80 : i32
      %mul3A_801 = arith.muli %add3A_771, %mul3A_800 : i32
      %multiple_of3A_802 = tpu.assume_multiple %mul3A_801, 16 : i32
      %add3A_803 = arith.constant 32 : i32
      %add3A_804 = arith.addi %multiple_of3A_802, %add3A_803 : i32
      %get3A_805 = arith.index_cast %add3A_804 : i32 to index
      %get3A_806 = tpu.vector_load %arg18[%get3A_805] {strides = array<i32>} : memref<10000xi32, #tpu.memory_space<vmem>>, vector<16xi32>,
      %get3A_807 = vector.shape_cast %get3A_806 : vector<16xi32> to vector<16xi32>
      %swap3A_808 = arith.constant 32 : index
      %swap3A_809 = tpu.vector_load %arg19[%swap3A_808] {strides = array<i32>} : memref<80xi32, #tpu.memory_space<vmem>>, vector<16xi32>,
      %swap3A_810 = vector.shape_cast %swap3A_809 : vector<16xi32> to vector<16xi32>
      %swap3A_811 = vector.shape_cast %get3A_807 : vector<16xi32> to vector<16xi32>
      tpu.vector_store %arg19[%swap3A_808], %swap3A_811 {strides = array<i32>} : memref<80xi32, #tpu.memory_space<vmem>>, vector<16xi32>,
      %mul3A_812 = arith.constant 80 : i32
      %mul3A_813 = arith.muli %add3A_771, %mul3A_812 : i32
      %multiple_of3A_814 = tpu.assume_multiple %mul3A_813, 16 : i32
      %add3A_815 = arith.constant 48 : i32
      %add3A_816 = arith.addi %multiple_of3A_814, %add3A_815 : i32
      %get3A_817 = arith.index_cast %add3A_816 : i32 to index
      %get3A_818 = tpu.vector_load %arg18[%get3A_817] {strides = array<i32>} : memref<10000xi32, #tpu.memory_space<vmem>>, vector<16xi32>,
      %get3A_819 = vector.shape_cast %get3A_818 : vector<16xi32> to vector<16xi32>
      %swap3A_820 = arith.constant 48 : index
      %swap3A_821 = tpu.vector_load %arg19[%swap3A_820] {strides = array<i32>} : memref<80xi32, #tpu.memory_space<vmem>>, vector<16xi32>,
      %swap3A_822 = vector.shape_cast %swap3A_821 : vector<16xi32> to vector<16xi32>
      %swap3A_823 = vector.shape_cast %get3A_819 : vector<16xi32> to vector<16xi32>
      tpu.vector_store %arg19[%swap3A_820], %swap3A_823 {strides = array<i32>} : memref<80xi32, #tpu.memory_space<vmem>>, vector<16xi32>,
      %mul3A_824 = arith.constant 80 : i32
      %mul3A_825 = arith.muli %add3A_771, %mul3A_824 : i32
      %multiple_of3A_826 = tpu.assume_multiple %mul3A_825, 16 : i32
      %add3A_827 = arith.constant 64 : i32
      %add3A_828 = arith.addi %multiple_of3A_826, %add3A_827 : i32
      %get3A_829 = arith.index_cast %add3A_828 : i32 to index
      %get3A_830 = tpu.vector_load %arg18[%get3A_829] {strides = array<i32>} : memref<10000xi32, #tpu.memory_space<vmem>>, vector<16xi32>,
      %get3A_831 = vector.shape_cast %get3A_830 : vector<16xi32> to vector<16xi32>
      %swap3A_832 = arith.constant 64 : index
      %swap3A_833 = tpu.vector_load %arg19[%swap3A_832] {strides = array<i32>} : memref<80xi32, #tpu.memory_space<vmem>>, vector<16xi32>,
      %swap3A_834 = vector.shape_cast %swap3A_833 : vector<16xi32> to vector<16xi32>
      %swap3A_835 = vector.shape_cast %get3A_831 : vector<16xi32> to vector<16xi32>
      tpu.vector_store %arg19[%swap3A_832], %swap3A_835 {strides = array<i32>} : memref<80xi32, #tpu.memory_space<vmem>>, vector<16xi32>,
      %dma_start3A_836 = tpu.memref_slice %arg3[%multiple_of3A_775] : memref<320000xi32, #tpu.memory_space<hbm>> -> memref<80xi32, #tpu.memory_space<hbm>>
      %dma_start3A_837 = tpu.memref_slice %arg3[%multiple_of3A_775] : memref<320000xi32, #tpu.memory_space<hbm>> -> memref<80xi32, #tpu.memory_space<hbm>>
      tpu.enqueue_dma source(%dma_start3A_837 : memref<80xi32, #tpu.memory_space<hbm>>) target(%arg22 : memref<80xi32, #tpu.memory_space<vmem>>) target_semaphore(%arg30 : memref<!tpu.dma_semaphore, #tpu.memory_space<semaphore_mem>>)
      %dma_start3A_838 = arith.constant 0 : i32
      %dma_start3A_839 = arith.constant 0 : i32
      %dma_start3A_840 = tpu.memref_slice %arg2[%dma_start3A_838, %dma_start3A_839] : memref<10000x128xf32, #tpu.memory_space<hbm>> -> memref<10000x128xf32, #tpu.memory_space<hbm>>
      tpu.enqueue_indirect_dma source(%dma_start3A_840 : memref<10000x128xf32, #tpu.memory_space<hbm>>) target(%arg25 : memref<80x128xf32, #tpu.memory_space<vmem>>) offsets(%arg19 : memref<80xi32, #tpu.memory_space<vmem>>) semaphore(%arg30 : memref<!tpu.dma_semaphore, #tpu.memory_space<semaphore_mem>>)
      %mul3A_841 = arith.constant 3 : i32
      %mul3A_842 = arith.muli %scan3A_758, %mul3A_841 : i32
      %add3A_843 = arith.constant 1 : i32
      %add3A_844 = arith.addi %mul3A_842, %add3A_843 : i32
      %dma_wait3A_845 = arith.constant 0 : i32
      %dma_wait3A_846 = arith.constant 0 : i32
      %dma_wait3A_847 = tpu.memref_slice %arg2[%dma_wait3A_845, %dma_wait3A_846] : memref<10000x128xf32, #tpu.memory_space<hbm>> -> memref<10000x128xf32, #tpu.memory_space<hbm>>
      tpu.wait_indirect_dma semaphore(%arg31 : memref<!tpu.dma_semaphore, #tpu.memory_space<semaphore_mem>>) src(%dma_wait3A_847 : memref<10000x128xf32, #tpu.memory_space<hbm>>) dst(%arg26 : memref<80x128xf32, #tpu.memory_space<vmem>>)
      %dma_wait3A_848 = arith.constant 0 : i32
      %dma_wait3A_849 = tpu.memref_slice %arg3[%dma_wait3A_848] : memref<320000xi32, #tpu.memory_space<hbm>> -> memref<80xi32, #tpu.memory_space<hbm>>
      %dma_wait3A_850 = arith.constant 0 : i32
      %dma_wait3A_851 = tpu.memref_slice %arg3[%dma_wait3A_850] : memref<320000xi32, #tpu.memory_space<hbm>> -> memref<80xi32, #tpu.memory_space<hbm>>
      tpu.wait_dma2 semaphore(%arg31 : memref<!tpu.dma_semaphore, #tpu.memory_space<semaphore_mem>>) src(%dma_wait3A_851 : memref<80xi32, #tpu.memory_space<hbm>>) dst(%arg23 : memref<80xi32, #tpu.memory_space<vmem>>)
      "tpu.region"() ({
        %run_scoped3A = tpu.sem_alloc : memref<!tpu.dma_semaphore, #tpu.memory_space<semaphore_mem>>
        %dma_start3A_1005 = arith.constant 0 : i32
        %dma_start3A_1006 = arith.constant 0 : i32
        %dma_start3A_1007 = tpu.memref_slice %arg15[%dma_start3A_1005, %dma_start3A_1006] : memref<10240x128xf32, #tpu.memory_space<vmem_shared>> -> memref<10240x128xf32, #tpu.memory_space<vmem_shared>>
        tpu.enqueue_indirect_dma source(%arg26 : memref<80x128xf32, #tpu.memory_space<vmem>>) target(%dma_start3A_1007 : memref<10240x128xf32, #tpu.memory_space<vmem_shared>>) offsets(%arg23 : memref<80xi32, #tpu.memory_space<vmem>>) semaphore(%run_scoped3A : memref<!tpu.dma_semaphore, #tpu.memory_space<semaphore_mem>>) {add = true}
        %dma_wait3A_1008 = arith.constant 0 : i32
        %dma_wait3A_1009 = arith.constant 0 : i32
        %dma_wait3A_1010 = tpu.memref_slice %arg15[%dma_wait3A_1008, %dma_wait3A_1009] : memref<10240x128xf32, #tpu.memory_space<vmem_shared>> -> memref<10240x128xf32, #tpu.memory_space<vmem_shared>>
        tpu.wait_indirect_dma semaphore(%run_scoped3A : memref<!tpu.dma_semaphore, #tpu.memory_space<semaphore_mem>>) src(%arg26 : memref<80x128xf32, #tpu.memory_space<vmem>>) dst(%dma_wait3A_1010 : memref<10240x128xf32, #tpu.memory_space<vmem_shared>>)
        tpu.yield
      }) : () -> ()
      %add3A_852 = arith.constant 3 : i32
      %add3A_853 = arith.addi %add3A_844, %add3A_852 : i32
      %mul3A_854 = arith.constant 80 : i32
      %mul3A_855 = arith.muli %add3A_853, %mul3A_854 : i32
      %add3A_856 = arith.addi %mul3A_4, %mul3A_855 : i32
      %multiple_of3A_857 = tpu.assume_multiple %add3A_856, 8 : i32
      %mul3A_858 = arith.constant 80 : i32
      %mul3A_859 = arith.muli %add3A_853, %mul3A_858 : i32
      %multiple_of3A_860 = tpu.assume_multiple %mul3A_859, 16 : i32
      %add3A_861 = arith.constant 0 : i32
      %add3A_862 = arith.addi %multiple_of3A_860, %add3A_861 : i32
      %get3A_863 = arith.index_cast %add3A_862 : i32 to index
      %get3A_864 = tpu.vector_load %arg18[%get3A_863] {strides = array<i32>} : memref<10000xi32, #tpu.memory_space<vmem>>, vector<16xi32>,
      %get3A_865 = vector.shape_cast %get3A_864 : vector<16xi32> to vector<16xi32>
      %swap3A_866 = arith.constant 0 : index
      %swap3A_867 = tpu.vector_load %arg20[%swap3A_866] {strides = array<i32>} : memref<80xi32, #tpu.memory_space<vmem>>, vector<16xi32>,
      %swap3A_868 = vector.shape_cast %swap3A_867 : vector<16xi32> to vector<16xi32>
      %swap3A_869 = vector.shape_cast %get3A_865 : vector<16xi32> to vector<16xi32>
      tpu.vector_store %arg20[%swap3A_866], %swap3A_869 {strides = array<i32>} : memref<80xi32, #tpu.memory_space<vmem>>, vector<16xi32>,
      %mul3A_870 = arith.constant 80 : i32
      %mul3A_871 = arith.muli %add3A_853, %mul3A_870 : i32
      %multiple_of3A_872 = tpu.assume_multiple %mul3A_871, 16 : i32
      %add3A_873 = arith.constant 16 : i32
      %add3A_874 = arith.addi %multiple_of3A_872, %add3A_873 : i32
      %get3A_875 = arith.index_cast %add3A_874 : i32 to index
      %get3A_876 = tpu.vector_load %arg18[%get3A_875] {strides = array<i32>} : memref<10000xi32, #tpu.memory_space<vmem>>, vector<16xi32>,
      %get3A_877 = vector.shape_cast %get3A_876 : vector<16xi32> to vector<16xi32>
      %swap3A_878 = arith.constant 16 : index
      %swap3A_879 = tpu.vector_load %arg20[%swap3A_878] {strides = array<i32>} : memref<80xi32, #tpu.memory_space<vmem>>, vector<16xi32>,
      %swap3A_880 = vector.shape_cast %swap3A_879 : vector<16xi32> to vector<16xi32>
      %swap3A_881 = vector.shape_cast %get3A_877 : vector<16xi32> to vector<16xi32>
      tpu.vector_store %arg20[%swap3A_878], %swap3A_881 {strides = array<i32>} : memref<80xi32, #tpu.memory_space<vmem>>, vector<16xi32>,
      %mul3A_882 = arith.constant 80 : i32
      %mul3A_883 = arith.muli %add3A_853, %mul3A_882 : i32
      %multiple_of3A_884 = tpu.assume_multiple %mul3A_883, 16 : i32
      %add3A_885 = arith.constant 32 : i32
      %add3A_886 = arith.addi %multiple_of3A_884, %add3A_885 : i32
      %get3A_887 = arith.index_cast %add3A_886 : i32 to index
      %get3A_888 = tpu.vector_load %arg18[%get3A_887] {strides = array<i32>} : memref<10000xi32, #tpu.memory_space<vmem>>, vector<16xi32>,
      %get3A_889 = vector.shape_cast %get3A_888 : vector<16xi32> to vector<16xi32>
      %swap3A_890 = arith.constant 32 : index
      %swap3A_891 = tpu.vector_load %arg20[%swap3A_890] {strides = array<i32>} : memref<80xi32, #tpu.memory_space<vmem>>, vector<16xi32>,
      %swap3A_892 = vector.shape_cast %swap3A_891 : vector<16xi32> to vector<16xi32>
      %swap3A_893 = vector.shape_cast %get3A_889 : vector<16xi32> to vector<16xi32>
      tpu.vector_store %arg20[%swap3A_890], %swap3A_893 {strides = array<i32>} : memref<80xi32, #tpu.memory_space<vmem>>, vector<16xi32>,
      %mul3A_894 = arith.constant 80 : i32
      %mul3A_895 = arith.muli %add3A_853, %mul3A_894 : i32
      %multiple_of3A_896 = tpu.assume_multiple %mul3A_895, 16 : i32
      %add3A_897 = arith.constant 48 : i32
      %add3A_898 = arith.addi %multiple_of3A_896, %add3A_897 : i32
      %get3A_899 = arith.index_cast %add3A_898 : i32 to index
      %get3A_900 = tpu.vector_load %arg18[%get3A_899] {strides = array<i32>} : memref<10000xi32, #tpu.memory_space<vmem>>, vector<16xi32>,
      %get3A_901 = vector.shape_cast %get3A_900 : vector<16xi32> to vector<16xi32>
      %swap3A_902 = arith.constant 48 : index
      %swap3A_903 = tpu.vector_load %arg20[%swap3A_902] {strides = array<i32>} : memref<80xi32, #tpu.memory_space<vmem>>, vector<16xi32>,
      %swap3A_904 = vector.shape_cast %swap3A_903 : vector<16xi32> to vector<16xi32>
      %swap3A_905 = vector.shape_cast %get3A_901 : vector<16xi32> to vector<16xi32>
      tpu.vector_store %arg20[%swap3A_902], %swap3A_905 {strides = array<i32>} : memref<80xi32, #tpu.memory_space<vmem>>, vector<16xi32>,
      %mul3A_906 = arith.constant 80 : i32
      %mul3A_907 = arith.muli %add3A_853, %mul3A_906 : i32
      %multiple_of3A_908 = tpu.assume_multiple %mul3A_907, 16 : i32
      %add3A_909 = arith.constant 64 : i32
      %add3A_910 = arith.addi %multiple_of3A_908, %add3A_909 : i32
      %get3A_911 = arith.index_cast %add3A_910 : i32 to index
      %get3A_912 = tpu.vector_load %arg18[%get3A_911] {strides = array<i32>} : memref<10000xi32, #tpu.memory_space<vmem>>, vector<16xi32>,
      %get3A_913 = vector.shape_cast %get3A_912 : vector<16xi32> to vector<16xi32>
      %swap3A_914 = arith.constant 64 : index
      %swap3A_915 = tpu.vector_load %arg20[%swap3A_914] {strides = array<i32>} : memref<80xi32, #tpu.memory_space<vmem>>, vector<16xi32>,
      %swap3A_916 = vector.shape_cast %swap3A_915 : vector<16xi32> to vector<16xi32>
      %swap3A_917 = vector.shape_cast %get3A_913 : vector<16xi32> to vector<16xi32>
      tpu.vector_store %arg20[%swap3A_914], %swap3A_917 {strides = array<i32>} : memref<80xi32, #tpu.memory_space<vmem>>, vector<16xi32>,
      %dma_start3A_918 = tpu.memref_slice %arg3[%multiple_of3A_857] : memref<320000xi32, #tpu.memory_space<hbm>> -> memref<80xi32, #tpu.memory_space<hbm>>
      %dma_start3A_919 = tpu.memref_slice %arg3[%multiple_of3A_857] : memref<320000xi32, #tpu.memory_space<hbm>> -> memref<80xi32, #tpu.memory_space<hbm>>
      tpu.enqueue_dma source(%dma_start3A_919 : memref<80xi32, #tpu.memory_space<hbm>>) target(%arg23 : memref<80xi32, #tpu.memory_space<vmem>>) target_semaphore(%arg31 : memref<!tpu.dma_semaphore, #tpu.memory_space<semaphore_mem>>)
      %dma_start3A_920 = arith.constant 0 : i32
      %dma_start3A_921 = arith.constant 0 : i32
      %dma_start3A_922 = tpu.memref_slice %arg2[%dma_start3A_920, %dma_start3A_921] : memref<10000x128xf32, #tpu.memory_space<hbm>> -> memref<10000x128xf32, #tpu.memory_space<hbm>>
      tpu.enqueue_indirect_dma source(%dma_start3A_922 : memref<10000x128xf32, #tpu.memory_space<hbm>>) target(%arg26 : memref<80x128xf32, #tpu.memory_space<vmem>>) offsets(%arg20 : memref<80xi32, #tpu.memory_space<vmem>>) semaphore(%arg31 : memref<!tpu.dma_semaphore, #tpu.memory_space<semaphore_mem>>)
      %mul3A_923 = arith.constant 3 : i32
      %mul3A_924 = arith.muli %scan3A_758, %mul3A_923 : i32
      %add3A_925 = arith.constant 2 : i32
      %add3A_926 = arith.addi %mul3A_924, %add3A_925 : i32
      %dma_wait3A_927 = arith.constant 0 : i32
      %dma_wait3A_928 = arith.constant 0 : i32
      %dma_wait3A_929 = tpu.memref_slice %arg2[%dma_wait3A_927, %dma_wait3A_928] : memref<10000x128xf32, #tpu.memory_space<hbm>> -> memref<10000x128xf32, #tpu.memory_space<hbm>>
      tpu.wait_indirect_dma semaphore(%arg32 : memref<!tpu.dma_semaphore, #tpu.memory_space<semaphore_mem>>) src(%dma_wait3A_929 : memref<10000x128xf32, #tpu.memory_space<hbm>>) dst(%arg27 : memref<80x128xf32, #tpu.memory_space<vmem>>)
      %dma_wait3A_930 = arith.constant 0 : i32
      %dma_wait3A_931 = tpu.memref_slice %arg3[%dma_wait3A_930] : memref<320000xi32, #tpu.memory_space<hbm>> -> memref<80xi32, #tpu.memory_space<hbm>>
      %dma_wait3A_932 = arith.constant 0 : i32
      %dma_wait3A_933 = tpu.memref_slice %arg3[%dma_wait3A_932] : memref<320000xi32, #tpu.memory_space<hbm>> -> memref<80xi32, #tpu.memory_space<hbm>>
      tpu.wait_dma2 semaphore(%arg32 : memref<!tpu.dma_semaphore, #tpu.memory_space<semaphore_mem>>) src(%dma_wait3A_933 : memref<80xi32, #tpu.memory_space<hbm>>) dst(%arg24 : memref<80xi32, #tpu.memory_space<vmem>>)
      "tpu.region"() ({
        %run_scoped3A = tpu.sem_alloc : memref<!tpu.dma_semaphore, #tpu.memory_space<semaphore_mem>>
        %dma_start3A_1005 = arith.constant 0 : i32
        %dma_start3A_1006 = arith.constant 0 : i32
        %dma_start3A_1007 = tpu.memref_slice %arg15[%dma_start3A_1005, %dma_start3A_1006] : memref<10240x128xf32, #tpu.memory_space<vmem_shared>> -> memref<10240x128xf32, #tpu.memory_space<vmem_shared>>
        tpu.enqueue_indirect_dma source(%arg27 : memref<80x128xf32, #tpu.memory_space<vmem>>) target(%dma_start3A_1007 : memref<10240x128xf32, #tpu.memory_space<vmem_shared>>) offsets(%arg24 : memref<80xi32, #tpu.memory_space<vmem>>) semaphore(%run_scoped3A : memref<!tpu.dma_semaphore, #tpu.memory_space<semaphore_mem>>) {add = true}
        %dma_wait3A_1008 = arith.constant 0 : i32
        %dma_wait3A_1009 = arith.constant 0 : i32
        %dma_wait3A_1010 = tpu.memref_slice %arg15[%dma_wait3A_1008, %dma_wait3A_1009] : memref<10240x128xf32, #tpu.memory_space<vmem_shared>> -> memref<10240x128xf32, #tpu.memory_space<vmem_shared>>
        tpu.wait_indirect_dma semaphore(%run_scoped3A : memref<!tpu.dma_semaphore, #tpu.memory_space<semaphore_mem>>) src(%arg27 : memref<80x128xf32, #tpu.memory_space<vmem>>) dst(%dma_wait3A_1010 : memref<10240x128xf32, #tpu.memory_space<vmem_shared>>)
        tpu.yield
      }) : () -> ()
      %add3A_934 = arith.constant 3 : i32
      %add3A_935 = arith.addi %add3A_926, %add3A_934 : i32
      %mul3A_936 = arith.constant 80 : i32
      %mul3A_937 = arith.muli %add3A_935, %mul3A_936 : i32
      %add3A_938 = arith.addi %mul3A_4, %mul3A_937 : i32
      %multiple_of3A_939 = tpu.assume_multiple %add3A_938, 8 : i32
      %mul3A_940 = arith.constant 80 : i32
      %mul3A_941 = arith.muli %add3A_935, %mul3A_940 : i32
      %multiple_of3A_942 = tpu.assume_multiple %mul3A_941, 16 : i32
      %add3A_943 = arith.constant 0 : i32
      %add3A_944 = arith.addi %multiple_of3A_942, %add3A_943 : i32
      %get3A_945 = arith.index_cast %add3A_944 : i32 to index
      %get3A_946 = tpu.vector_load %arg18[%get3A_945] {strides = array<i32>} : memref<10000xi32, #tpu.memory_space<vmem>>, vector<16xi32>,
      %get3A_947 = vector.shape_cast %get3A_946 : vector<16xi32> to vector<16xi32>
      %swap3A_948 = arith.constant 0 : index
      %swap3A_949 = tpu.vector_load %arg21[%swap3A_948] {strides = array<i32>} : memref<80xi32, #tpu.memory_space<vmem>>, vector<16xi32>,
      %swap3A_950 = vector.shape_cast %swap3A_949 : vector<16xi32> to vector<16xi32>
      %swap3A_951 = vector.shape_cast %get3A_947 : vector<16xi32> to vector<16xi32>
      tpu.vector_store %arg21[%swap3A_948], %swap3A_951 {strides = array<i32>} : memref<80xi32, #tpu.memory_space<vmem>>, vector<16xi32>,
      %mul3A_952 = arith.constant 80 : i32
      %mul3A_953 = arith.muli %add3A_935, %mul3A_952 : i32
      %multiple_of3A_954 = tpu.assume_multiple %mul3A_953, 16 : i32
      %add3A_955 = arith.constant 16 : i32
      %add3A_956 = arith.addi %multiple_of3A_954, %add3A_955 : i32
      %get3A_957 = arith.index_cast %add3A_956 : i32 to index
      %get3A_958 = tpu.vector_load %arg18[%get3A_957] {strides = array<i32>} : memref<10000xi32, #tpu.memory_space<vmem>>, vector<16xi32>,
      %get3A_959 = vector.shape_cast %get3A_958 : vector<16xi32> to vector<16xi32>
      %swap3A_960 = arith.constant 16 : index
      %swap3A_961 = tpu.vector_load %arg21[%swap3A_960] {strides = array<i32>} : memref<80xi32, #tpu.memory_space<vmem>>, vector<16xi32>,
      %swap3A_962 = vector.shape_cast %swap3A_961 : vector<16xi32> to vector<16xi32>
      %swap3A_963 = vector.shape_cast %get3A_959 : vector<16xi32> to vector<16xi32>
      tpu.vector_store %arg21[%swap3A_960], %swap3A_963 {strides = array<i32>} : memref<80xi32, #tpu.memory_space<vmem>>, vector<16xi32>,
      %mul3A_964 = arith.constant 80 : i32
      %mul3A_965 = arith.muli %add3A_935, %mul3A_964 : i32
      %multiple_of3A_966 = tpu.assume_multiple %mul3A_965, 16 : i32
      %add3A_967 = arith.constant 32 : i32
      %add3A_968 = arith.addi %multiple_of3A_966, %add3A_967 : i32
      %get3A_969 = arith.index_cast %add3A_968 : i32 to index
      %get3A_970 = tpu.vector_load %arg18[%get3A_969] {strides = array<i32>} : memref<10000xi32, #tpu.memory_space<vmem>>, vector<16xi32>,
      %get3A_971 = vector.shape_cast %get3A_970 : vector<16xi32> to vector<16xi32>
      %swap3A_972 = arith.constant 32 : index
      %swap3A_973 = tpu.vector_load %arg21[%swap3A_972] {strides = array<i32>} : memref<80xi32, #tpu.memory_space<vmem>>, vector<16xi32>,
      %swap3A_974 = vector.shape_cast %swap3A_973 : vector<16xi32> to vector<16xi32>
      %swap3A_975 = vector.shape_cast %get3A_971 : vector<16xi32> to vector<16xi32>
      tpu.vector_store %arg21[%swap3A_972], %swap3A_975 {strides = array<i32>} : memref<80xi32, #tpu.memory_space<vmem>>, vector<16xi32>,
      %mul3A_976 = arith.constant 80 : i32
      %mul3A_977 = arith.muli %add3A_935, %mul3A_976 : i32
      %multiple_of3A_978 = tpu.assume_multiple %mul3A_977, 16 : i32
      %add3A_979 = arith.constant 48 : i32
      %add3A_980 = arith.addi %multiple_of3A_978, %add3A_979 : i32
      %get3A_981 = arith.index_cast %add3A_980 : i32 to index
      %get3A_982 = tpu.vector_load %arg18[%get3A_981] {strides = array<i32>} : memref<10000xi32, #tpu.memory_space<vmem>>, vector<16xi32>,
      %get3A_983 = vector.shape_cast %get3A_982 : vector<16xi32> to vector<16xi32>
      %swap3A_984 = arith.constant 48 : index
      %swap3A_985 = tpu.vector_load %arg21[%swap3A_984] {strides = array<i32>} : memref<80xi32, #tpu.memory_space<vmem>>, vector<16xi32>,
      %swap3A_986 = vector.shape_cast %swap3A_985 : vector<16xi32> to vector<16xi32>
      %swap3A_987 = vector.shape_cast %get3A_983 : vector<16xi32> to vector<16xi32>
      tpu.vector_store %arg21[%swap3A_984], %swap3A_987 {strides = array<i32>} : memref<80xi32, #tpu.memory_space<vmem>>, vector<16xi32>,
      %mul3A_988 = arith.constant 80 : i32
      %mul3A_989 = arith.muli %add3A_935, %mul3A_988 : i32
      %multiple_of3A_990 = tpu.assume_multiple %mul3A_989, 16 : i32
      %add3A_991 = arith.constant 64 : i32
      %add3A_992 = arith.addi %multiple_of3A_990, %add3A_991 : i32
      %get3A_993 = arith.index_cast %add3A_992 : i32 to index
      %get3A_994 = tpu.vector_load %arg18[%get3A_993] {strides = array<i32>} : memref<10000xi32, #tpu.memory_space<vmem>>, vector<16xi32>,
      %get3A_995 = vector.shape_cast %get3A_994 : vector<16xi32> to vector<16xi32>
      %swap3A_996 = arith.constant 64 : index
      %swap3A_997 = tpu.vector_load %arg21[%swap3A_996] {strides = array<i32>} : memref<80xi32, #tpu.memory_space<vmem>>, vector<16xi32>,
      %swap3A_998 = vector.shape_cast %swap3A_997 : vector<16xi32> to vector<16xi32>
      %swap3A_999 = vector.shape_cast %get3A_995 : vector<16xi32> to vector<16xi32>
      tpu.vector_store %arg21[%swap3A_996], %swap3A_999 {strides = array<i32>} : memref<80xi32, #tpu.memory_space<vmem>>, vector<16xi32>,
      %dma_start3A_1000 = tpu.memref_slice %arg3[%multiple_of3A_939] : memref<320000xi32, #tpu.memory_space<hbm>> -> memref<80xi32, #tpu.memory_space<hbm>>
      %dma_start3A_1001 = tpu.memref_slice %arg3[%multiple_of3A_939] : memref<320000xi32, #tpu.memory_space<hbm>> -> memref<80xi32, #tpu.memory_space<hbm>>
      tpu.enqueue_dma source(%dma_start3A_1001 : memref<80xi32, #tpu.memory_space<hbm>>) target(%arg24 : memref<80xi32, #tpu.memory_space<vmem>>) target_semaphore(%arg32 : memref<!tpu.dma_semaphore, #tpu.memory_space<semaphore_mem>>)
      %dma_start3A_1002 = arith.constant 0 : i32
      %dma_start3A_1003 = arith.constant 0 : i32
      %dma_start3A_1004 = tpu.memref_slice %arg2[%dma_start3A_1002, %dma_start3A_1003] : memref<10000x128xf32, #tpu.memory_space<hbm>> -> memref<10000x128xf32, #tpu.memory_space<hbm>>
      tpu.enqueue_indirect_dma source(%dma_start3A_1004 : memref<10000x128xf32, #tpu.memory_space<hbm>>) target(%arg27 : memref<80x128xf32, #tpu.memory_space<vmem>>) offsets(%arg21 : memref<80xi32, #tpu.memory_space<vmem>>) semaphore(%arg32 : memref<!tpu.dma_semaphore, #tpu.memory_space<semaphore_mem>>)
    }
    %scan3A_208 = arith.constant 40 : i32
    %dma_wait3A = arith.constant 0 : i32
    %dma_wait3A_209 = arith.constant 0 : i32
    %dma_wait3A_210 = tpu.memref_slice %arg2[%dma_wait3A, %dma_wait3A_209] : memref<10000x128xf32, #tpu.memory_space<hbm>> -> memref<10000x128xf32, #tpu.memory_space<hbm>>
    tpu.wait_indirect_dma semaphore(%arg30 : memref<!tpu.dma_semaphore, #tpu.memory_space<semaphore_mem>>) src(%dma_wait3A_210 : memref<10000x128xf32, #tpu.memory_space<hbm>>) dst(%arg25 : memref<80x128xf32, #tpu.memory_space<vmem>>)
    %dma_wait3A_211 = arith.constant 0 : i32
    %dma_wait3A_212 = tpu.memref_slice %arg3[%dma_wait3A_211] : memref<320000xi32, #tpu.memory_space<hbm>> -> memref<80xi32, #tpu.memory_space<hbm>>
    %dma_wait3A_213 = arith.constant 0 : i32
    %dma_wait3A_214 = tpu.memref_slice %arg3[%dma_wait3A_213] : memref<320000xi32, #tpu.memory_space<hbm>> -> memref<80xi32, #tpu.memory_space<hbm>>
    tpu.wait_dma2 semaphore(%arg30 : memref<!tpu.dma_semaphore, #tpu.memory_space<semaphore_mem>>) src(%dma_wait3A_214 : memref<80xi32, #tpu.memory_space<hbm>>) dst(%arg22 : memref<80xi32, #tpu.memory_space<vmem>>)
    "tpu.region"() ({
      %run_scoped3A = tpu.sem_alloc : memref<!tpu.dma_semaphore, #tpu.memory_space<semaphore_mem>>
      %dma_start3A_758 = arith.constant 0 : i32
      %dma_start3A_759 = arith.constant 0 : i32
      %dma_start3A_760 = tpu.memref_slice %arg15[%dma_start3A_758, %dma_start3A_759] : memref<10240x128xf32, #tpu.memory_space<vmem_shared>> -> memref<10240x128xf32, #tpu.memory_space<vmem_shared>>
      tpu.enqueue_indirect_dma source(%arg25 : memref<80x128xf32, #tpu.memory_space<vmem>>) target(%dma_start3A_760 : memref<10240x128xf32, #tpu.memory_space<vmem_shared>>) offsets(%arg22 : memref<80xi32, #tpu.memory_space<vmem>>) semaphore(%run_scoped3A : memref<!tpu.dma_semaphore, #tpu.memory_space<semaphore_mem>>) {add = true}
      %dma_wait3A_761 = arith.constant 0 : i32
      %dma_wait3A_762 = arith.constant 0 : i32
      %dma_wait3A_763 = tpu.memref_slice %arg15[%dma_wait3A_761, %dma_wait3A_762] : memref<10240x128xf32, #tpu.memory_space<vmem_shared>> -> memref<10240x128xf32, #tpu.memory_space<vmem_shared>>
      tpu.wait_indirect_dma semaphore(%run_scoped3A : memref<!tpu.dma_semaphore, #tpu.memory_space<semaphore_mem>>) src(%arg25 : memref<80x128xf32, #tpu.memory_space<vmem>>) dst(%dma_wait3A_763 : memref<10240x128xf32, #tpu.memory_space<vmem_shared>>)
      tpu.yield
    }) : () -> ()
    %add3A_215 = arith.constant 9840 : i32
    %add3A_216 = arith.addi %mul3A_4, %add3A_215 : i32
    %multiple_of3A_217 = tpu.assume_multiple %add3A_216, 8 : i32
    %multiple_of3A_218 = arith.constant 9840 : i32
    %multiple_of3A_219 = tpu.assume_multiple %multiple_of3A_218, 16 : i32
    %add3A_220 = arith.constant 0 : i32
    %add3A_221 = arith.addi %multiple_of3A_219, %add3A_220 : i32
    %get3A_222 = arith.index_cast %add3A_221 : i32 to index
    %get3A_223 = tpu.vector_load %arg18[%get3A_222] {strides = array<i32>} : memref<10000xi32, #tpu.memory_space<vmem>>, vector<16xi32>,
    %get3A_224 = vector.shape_cast %get3A_223 : vector<16xi32> to vector<16xi32>
    %swap3A_225 = arith.constant 0 : index
    %swap3A_226 = tpu.vector_load %arg19[%swap3A_225] {strides = array<i32>} : memref<80xi32, #tpu.memory_space<vmem>>, vector<16xi32>,
    %swap3A_227 = vector.shape_cast %swap3A_226 : vector<16xi32> to vector<16xi32>
    %swap3A_228 = vector.shape_cast %get3A_224 : vector<16xi32> to vector<16xi32>
    tpu.vector_store %arg19[%swap3A_225], %swap3A_228 {strides = array<i32>} : memref<80xi32, #tpu.memory_space<vmem>>, vector<16xi32>,
    %multiple_of3A_229 = arith.constant 9840 : i32
    %multiple_of3A_230 = tpu.assume_multiple %multiple_of3A_229, 16 : i32
    %add3A_231 = arith.constant 16 : i32
    %add3A_232 = arith.addi %multiple_of3A_230, %add3A_231 : i32
    %get3A_233 = arith.index_cast %add3A_232 : i32 to index
    %get3A_234 = tpu.vector_load %arg18[%get3A_233] {strides = array<i32>} : memref<10000xi32, #tpu.memory_space<vmem>>, vector<16xi32>,
    %get3A_235 = vector.shape_cast %get3A_234 : vector<16xi32> to vector<16xi32>
    %swap3A_236 = arith.constant 16 : index
    %swap3A_237 = tpu.vector_load %arg19[%swap3A_236] {strides = array<i32>} : memref<80xi32, #tpu.memory_space<vmem>>, vector<16xi32>,
    %swap3A_238 = vector.shape_cast %swap3A_237 : vector<16xi32> to vector<16xi32>
    %swap3A_239 = vector.shape_cast %get3A_235 : vector<16xi32> to vector<16xi32>
    tpu.vector_store %arg19[%swap3A_236], %swap3A_239 {strides = array<i32>} : memref<80xi32, #tpu.memory_space<vmem>>, vector<16xi32>,
    %multiple_of3A_240 = arith.constant 9840 : i32
    %multiple_of3A_241 = tpu.assume_multiple %multiple_of3A_240, 16 : i32
    %add3A_242 = arith.constant 32 : i32
    %add3A_243 = arith.addi %multiple_of3A_241, %add3A_242 : i32
    %get3A_244 = arith.index_cast %add3A_243 : i32 to index
    %get3A_245 = tpu.vector_load %arg18[%get3A_244] {strides = array<i32>} : memref<10000xi32, #tpu.memory_space<vmem>>, vector<16xi32>,
    %get3A_246 = vector.shape_cast %get3A_245 : vector<16xi32> to vector<16xi32>
    %swap3A_247 = arith.constant 32 : index
    %swap3A_248 = tpu.vector_load %arg19[%swap3A_247] {strides = array<i32>} : memref<80xi32, #tpu.memory_space<vmem>>, vector<16xi32>,
    %swap3A_249 = vector.shape_cast %swap3A_248 : vector<16xi32> to vector<16xi32>
    %swap3A_250 = vector.shape_cast %get3A_246 : vector<16xi32> to vector<16xi32>
    tpu.vector_store %arg19[%swap3A_247], %swap3A_250 {strides = array<i32>} : memref<80xi32, #tpu.memory_space<vmem>>, vector<16xi32>,
    %multiple_of3A_251 = arith.constant 9840 : i32
    %multiple_of3A_252 = tpu.assume_multiple %multiple_of3A_251, 16 : i32
    %add3A_253 = arith.constant 48 : i32
    %add3A_254 = arith.addi %multiple_of3A_252, %add3A_253 : i32
    %get3A_255 = arith.index_cast %add3A_254 : i32 to index
    %get3A_256 = tpu.vector_load %arg18[%get3A_255] {strides = array<i32>} : memref<10000xi32, #tpu.memory_space<vmem>>, vector<16xi32>,
    %get3A_257 = vector.shape_cast %get3A_256 : vector<16xi32> to vector<16xi32>
    %swap3A_258 = arith.constant 48 : index
    %swap3A_259 = tpu.vector_load %arg19[%swap3A_258] {strides = array<i32>} : memref<80xi32, #tpu.memory_space<vmem>>, vector<16xi32>,
    %swap3A_260 = vector.shape_cast %swap3A_259 : vector<16xi32> to vector<16xi32>
    %swap3A_261 = vector.shape_cast %get3A_257 : vector<16xi32> to vector<16xi32>
    tpu.vector_store %arg19[%swap3A_258], %swap3A_261 {strides = array<i32>} : memref<80xi32, #tpu.memory_space<vmem>>, vector<16xi32>,
    %multiple_of3A_262 = arith.constant 9840 : i32
    %multiple_of3A_263 = tpu.assume_multiple %multiple_of3A_262, 16 : i32
    %add3A_264 = arith.constant 64 : i32
    %add3A_265 = arith.addi %multiple_of3A_263, %add3A_264 : i32
    %get3A_266 = arith.index_cast %add3A_265 : i32 to index
    %get3A_267 = tpu.vector_load %arg18[%get3A_266] {strides = array<i32>} : memref<10000xi32, #tpu.memory_space<vmem>>, vector<16xi32>,
    %get3A_268 = vector.shape_cast %get3A_267 : vector<16xi32> to vector<16xi32>
    %swap3A_269 = arith.constant 64 : index
    %swap3A_270 = tpu.vector_load %arg19[%swap3A_269] {strides = array<i32>} : memref<80xi32, #tpu.memory_space<vmem>>, vector<16xi32>,
    %swap3A_271 = vector.shape_cast %swap3A_270 : vector<16xi32> to vector<16xi32>
    %swap3A_272 = vector.shape_cast %get3A_268 : vector<16xi32> to vector<16xi32>
    tpu.vector_store %arg19[%swap3A_269], %swap3A_272 {strides = array<i32>} : memref<80xi32, #tpu.memory_space<vmem>>, vector<16xi32>,
    %dma_start3A_273 = tpu.memref_slice %arg3[%multiple_of3A_217] : memref<320000xi32, #tpu.memory_space<hbm>> -> memref<80xi32, #tpu.memory_space<hbm>>
    %dma_start3A_274 = tpu.memref_slice %arg3[%multiple_of3A_217] : memref<320000xi32, #tpu.memory_space<hbm>> -> memref<80xi32, #tpu.memory_space<hbm>>
    tpu.enqueue_dma source(%dma_start3A_274 : memref<80xi32, #tpu.memory_space<hbm>>) target(%arg22 : memref<80xi32, #tpu.memory_space<vmem>>) target_semaphore(%arg30 : memref<!tpu.dma_semaphore, #tpu.memory_space<semaphore_mem>>)
    %dma_start3A_275 = arith.constant 0 : i32
    %dma_start3A_276 = arith.constant 0 : i32
    %dma_start3A_277 = tpu.memref_slice %arg2[%dma_start3A_275, %dma_start3A_276] : memref<10000x128xf32, #tpu.memory_space<hbm>> -> memref<10000x128xf32, #tpu.memory_space<hbm>>
    tpu.enqueue_indirect_dma source(%dma_start3A_277 : memref<10000x128xf32, #tpu.memory_space<hbm>>) target(%arg25 : memref<80x128xf32, #tpu.memory_space<vmem>>) offsets(%arg19 : memref<80xi32, #tpu.memory_space<vmem>>) semaphore(%arg30 : memref<!tpu.dma_semaphore, #tpu.memory_space<semaphore_mem>>)
    %dma_wait3A_278 = arith.constant 0 : i32
    %dma_wait3A_279 = arith.constant 0 : i32
    %dma_wait3A_280 = tpu.memref_slice %arg2[%dma_wait3A_278, %dma_wait3A_279] : memref<10000x128xf32, #tpu.memory_space<hbm>> -> memref<10000x128xf32, #tpu.memory_space<hbm>>
    tpu.wait_indirect_dma semaphore(%arg31 : memref<!tpu.dma_semaphore, #tpu.memory_space<semaphore_mem>>) src(%dma_wait3A_280 : memref<10000x128xf32, #tpu.memory_space<hbm>>) dst(%arg26 : memref<80x128xf32, #tpu.memory_space<vmem>>)
    %dma_wait3A_281 = arith.constant 0 : i32
    %dma_wait3A_282 = tpu.memref_slice %arg3[%dma_wait3A_281] : memref<320000xi32, #tpu.memory_space<hbm>> -> memref<80xi32, #tpu.memory_space<hbm>>
    %dma_wait3A_283 = arith.constant 0 : i32
    %dma_wait3A_284 = tpu.memref_slice %arg3[%dma_wait3A_283] : memref<320000xi32, #tpu.memory_space<hbm>> -> memref<80xi32, #tpu.memory_space<hbm>>
    tpu.wait_dma2 semaphore(%arg31 : memref<!tpu.dma_semaphore, #tpu.memory_space<semaphore_mem>>) src(%dma_wait3A_284 : memref<80xi32, #tpu.memory_space<hbm>>) dst(%arg23 : memref<80xi32, #tpu.memory_space<vmem>>)
    "tpu.region"() ({
      %run_scoped3A = tpu.sem_alloc : memref<!tpu.dma_semaphore, #tpu.memory_space<semaphore_mem>>
      %dma_start3A_758 = arith.constant 0 : i32
      %dma_start3A_759 = arith.constant 0 : i32
      %dma_start3A_760 = tpu.memref_slice %arg15[%dma_start3A_758, %dma_start3A_759] : memref<10240x128xf32, #tpu.memory_space<vmem_shared>> -> memref<10240x128xf32, #tpu.memory_space<vmem_shared>>
      tpu.enqueue_indirect_dma source(%arg26 : memref<80x128xf32, #tpu.memory_space<vmem>>) target(%dma_start3A_760 : memref<10240x128xf32, #tpu.memory_space<vmem_shared>>) offsets(%arg23 : memref<80xi32, #tpu.memory_space<vmem>>) semaphore(%run_scoped3A : memref<!tpu.dma_semaphore, #tpu.memory_space<semaphore_mem>>) {add = true}
      %dma_wait3A_761 = arith.constant 0 : i32
      %dma_wait3A_762 = arith.constant 0 : i32
      %dma_wait3A_763 = tpu.memref_slice %arg15[%dma_wait3A_761, %dma_wait3A_762] : memref<10240x128xf32, #tpu.memory_space<vmem_shared>> -> memref<10240x128xf32, #tpu.memory_space<vmem_shared>>
      tpu.wait_indirect_dma semaphore(%run_scoped3A : memref<!tpu.dma_semaphore, #tpu.memory_space<semaphore_mem>>) src(%arg26 : memref<80x128xf32, #tpu.memory_space<vmem>>) dst(%dma_wait3A_763 : memref<10240x128xf32, #tpu.memory_space<vmem_shared>>)
      tpu.yield
    }) : () -> ()
    %add3A_285 = arith.constant 9920 : i32
    %add3A_286 = arith.addi %mul3A_4, %add3A_285 : i32
    %multiple_of3A_287 = tpu.assume_multiple %add3A_286, 8 : i32
    %multiple_of3A_288 = arith.constant 9920 : i32
    %multiple_of3A_289 = tpu.assume_multiple %multiple_of3A_288, 16 : i32
    %add3A_290 = arith.constant 0 : i32
    %add3A_291 = arith.addi %multiple_of3A_289, %add3A_290 : i32
    %get3A_292 = arith.index_cast %add3A_291 : i32 to index
    %get3A_293 = tpu.vector_load %arg18[%get3A_292] {strides = array<i32>} : memref<10000xi32, #tpu.memory_space<vmem>>, vector<16xi32>,
    %get3A_294 = vector.shape_cast %get3A_293 : vector<16xi32> to vector<16xi32>
    %swap3A_295 = arith.constant 0 : index
    %swap3A_296 = tpu.vector_load %arg20[%swap3A_295] {strides = array<i32>} : memref<80xi32, #tpu.memory_space<vmem>>, vector<16xi32>,
    %swap3A_297 = vector.shape_cast %swap3A_296 : vector<16xi32> to vector<16xi32>
    %swap3A_298 = vector.shape_cast %get3A_294 : vector<16xi32> to vector<16xi32>
    tpu.vector_store %arg20[%swap3A_295], %swap3A_298 {strides = array<i32>} : memref<80xi32, #tpu.memory_space<vmem>>, vector<16xi32>,
    %multiple_of3A_299 = arith.constant 9920 : i32
    %multiple_of3A_300 = tpu.assume_multiple %multiple_of3A_299, 16 : i32
    %add3A_301 = arith.constant 16 : i32
    %add3A_302 = arith.addi %multiple_of3A_300, %add3A_301 : i32
    %get3A_303 = arith.index_cast %add3A_302 : i32 to index
    %get3A_304 = tpu.vector_load %arg18[%get3A_303] {strides = array<i32>} : memref<10000xi32, #tpu.memory_space<vmem>>, vector<16xi32>,
    %get3A_305 = vector.shape_cast %get3A_304 : vector<16xi32> to vector<16xi32>
    %swap3A_306 = arith.constant 16 : index
    %swap3A_307 = tpu.vector_load %arg20[%swap3A_306] {strides = array<i32>} : memref<80xi32, #tpu.memory_space<vmem>>, vector<16xi32>,
    %swap3A_308 = vector.shape_cast %swap3A_307 : vector<16xi32> to vector<16xi32>
    %swap3A_309 = vector.shape_cast %get3A_305 : vector<16xi32> to vector<16xi32>
    tpu.vector_store %arg20[%swap3A_306], %swap3A_309 {strides = array<i32>} : memref<80xi32, #tpu.memory_space<vmem>>, vector<16xi32>,
    %multiple_of3A_310 = arith.constant 9920 : i32
    %multiple_of3A_311 = tpu.assume_multiple %multiple_of3A_310, 16 : i32
    %add3A_312 = arith.constant 32 : i32
    %add3A_313 = arith.addi %multiple_of3A_311, %add3A_312 : i32
    %get3A_314 = arith.index_cast %add3A_313 : i32 to index
    %get3A_315 = tpu.vector_load %arg18[%get3A_314] {strides = array<i32>} : memref<10000xi32, #tpu.memory_space<vmem>>, vector<16xi32>,
    %get3A_316 = vector.shape_cast %get3A_315 : vector<16xi32> to vector<16xi32>
    %swap3A_317 = arith.constant 32 : index
    %swap3A_318 = tpu.vector_load %arg20[%swap3A_317] {strides = array<i32>} : memref<80xi32, #tpu.memory_space<vmem>>, vector<16xi32>,
    %swap3A_319 = vector.shape_cast %swap3A_318 : vector<16xi32> to vector<16xi32>
    %swap3A_320 = vector.shape_cast %get3A_316 : vector<16xi32> to vector<16xi32>
    tpu.vector_store %arg20[%swap3A_317], %swap3A_320 {strides = array<i32>} : memref<80xi32, #tpu.memory_space<vmem>>, vector<16xi32>,
    %multiple_of3A_321 = arith.constant 9920 : i32
    %multiple_of3A_322 = tpu.assume_multiple %multiple_of3A_321, 16 : i32
    %add3A_323 = arith.constant 48 : i32
    %add3A_324 = arith.addi %multiple_of3A_322, %add3A_323 : i32
    %get3A_325 = arith.index_cast %add3A_324 : i32 to index
    %get3A_326 = tpu.vector_load %arg18[%get3A_325] {strides = array<i32>} : memref<10000xi32, #tpu.memory_space<vmem>>, vector<16xi32>,
    %get3A_327 = vector.shape_cast %get3A_326 : vector<16xi32> to vector<16xi32>
    %swap3A_328 = arith.constant 48 : index
    %swap3A_329 = tpu.vector_load %arg20[%swap3A_328] {strides = array<i32>} : memref<80xi32, #tpu.memory_space<vmem>>, vector<16xi32>,
    %swap3A_330 = vector.shape_cast %swap3A_329 : vector<16xi32> to vector<16xi32>
    %swap3A_331 = vector.shape_cast %get3A_327 : vector<16xi32> to vector<16xi32>
    tpu.vector_store %arg20[%swap3A_328], %swap3A_331 {strides = array<i32>} : memref<80xi32, #tpu.memory_space<vmem>>, vector<16xi32>,
    %multiple_of3A_332 = arith.constant 9920 : i32
    %multiple_of3A_333 = tpu.assume_multiple %multiple_of3A_332, 16 : i32
    %add3A_334 = arith.constant 64 : i32
    %add3A_335 = arith.addi %multiple_of3A_333, %add3A_334 : i32
    %get3A_336 = arith.index_cast %add3A_335 : i32 to index
    %get3A_337 = tpu.vector_load %arg18[%get3A_336] {strides = array<i32>} : memref<10000xi32, #tpu.memory_space<vmem>>, vector<16xi32>,
    %get3A_338 = vector.shape_cast %get3A_337 : vector<16xi32> to vector<16xi32>
    %swap3A_339 = arith.constant 64 : index
    %swap3A_340 = tpu.vector_load %arg20[%swap3A_339] {strides = array<i32>} : memref<80xi32, #tpu.memory_space<vmem>>, vector<16xi32>,
    %swap3A_341 = vector.shape_cast %swap3A_340 : vector<16xi32> to vector<16xi32>
    %swap3A_342 = vector.shape_cast %get3A_338 : vector<16xi32> to vector<16xi32>
    tpu.vector_store %arg20[%swap3A_339], %swap3A_342 {strides = array<i32>} : memref<80xi32, #tpu.memory_space<vmem>>, vector<16xi32>,
    %dma_start3A_343 = tpu.memref_slice %arg3[%multiple_of3A_287] : memref<320000xi32, #tpu.memory_space<hbm>> -> memref<80xi32, #tpu.memory_space<hbm>>
    %dma_start3A_344 = tpu.memref_slice %arg3[%multiple_of3A_287] : memref<320000xi32, #tpu.memory_space<hbm>> -> memref<80xi32, #tpu.memory_space<hbm>>
    tpu.enqueue_dma source(%dma_start3A_344 : memref<80xi32, #tpu.memory_space<hbm>>) target(%arg23 : memref<80xi32, #tpu.memory_space<vmem>>) target_semaphore(%arg31 : memref<!tpu.dma_semaphore, #tpu.memory_space<semaphore_mem>>)
    %dma_start3A_345 = arith.constant 0 : i32
    %dma_start3A_346 = arith.constant 0 : i32
    %dma_start3A_347 = tpu.memref_slice %arg2[%dma_start3A_345, %dma_start3A_346] : memref<10000x128xf32, #tpu.memory_space<hbm>> -> memref<10000x128xf32, #tpu.memory_space<hbm>>
    tpu.enqueue_indirect_dma source(%dma_start3A_347 : memref<10000x128xf32, #tpu.memory_space<hbm>>) target(%arg26 : memref<80x128xf32, #tpu.memory_space<vmem>>) offsets(%arg20 : memref<80xi32, #tpu.memory_space<vmem>>) semaphore(%arg31 : memref<!tpu.dma_semaphore, #tpu.memory_space<semaphore_mem>>)
    %dma_wait3A_348 = arith.constant 0 : i32
    %dma_wait3A_349 = arith.constant 0 : i32
    %dma_wait3A_350 = tpu.memref_slice %arg2[%dma_wait3A_348, %dma_wait3A_349] : memref<10000x128xf32, #tpu.memory_space<hbm>> -> memref<10000x128xf32, #tpu.memory_space<hbm>>
    tpu.wait_indirect_dma semaphore(%arg32 : memref<!tpu.dma_semaphore, #tpu.memory_space<semaphore_mem>>) src(%dma_wait3A_350 : memref<10000x128xf32, #tpu.memory_space<hbm>>) dst(%arg27 : memref<80x128xf32, #tpu.memory_space<vmem>>)
    %dma_wait3A_351 = arith.constant 0 : i32
    %dma_wait3A_352 = tpu.memref_slice %arg3[%dma_wait3A_351] : memref<320000xi32, #tpu.memory_space<hbm>> -> memref<80xi32, #tpu.memory_space<hbm>>
    %dma_wait3A_353 = arith.constant 0 : i32
    %dma_wait3A_354 = tpu.memref_slice %arg3[%dma_wait3A_353] : memref<320000xi32, #tpu.memory_space<hbm>> -> memref<80xi32, #tpu.memory_space<hbm>>
    tpu.wait_dma2 semaphore(%arg32 : memref<!tpu.dma_semaphore, #tpu.memory_space<semaphore_mem>>) src(%dma_wait3A_354 : memref<80xi32, #tpu.memory_space<hbm>>) dst(%arg24 : memref<80xi32, #tpu.memory_space<vmem>>)
    "tpu.region"() ({
      %run_scoped3A = tpu.sem_alloc : memref<!tpu.dma_semaphore, #tpu.memory_space<semaphore_mem>>
      %dma_start3A_758 = arith.constant 0 : i32
      %dma_start3A_759 = arith.constant 0 : i32
      %dma_start3A_760 = tpu.memref_slice %arg15[%dma_start3A_758, %dma_start3A_759] : memref<10240x128xf32, #tpu.memory_space<vmem_shared>> -> memref<10240x128xf32, #tpu.memory_space<vmem_shared>>
      tpu.enqueue_indirect_dma source(%arg27 : memref<80x128xf32, #tpu.memory_space<vmem>>) target(%dma_start3A_760 : memref<10240x128xf32, #tpu.memory_space<vmem_shared>>) offsets(%arg24 : memref<80xi32, #tpu.memory_space<vmem>>) semaphore(%run_scoped3A : memref<!tpu.dma_semaphore, #tpu.memory_space<semaphore_mem>>) {add = true}
      %dma_wait3A_761 = arith.constant 0 : i32
      %dma_wait3A_762 = arith.constant 0 : i32
      %dma_wait3A_763 = tpu.memref_slice %arg15[%dma_wait3A_761, %dma_wait3A_762] : memref<10240x128xf32, #tpu.memory_space<vmem_shared>> -> memref<10240x128xf32, #tpu.memory_space<vmem_shared>>
      tpu.wait_indirect_dma semaphore(%run_scoped3A : memref<!tpu.dma_semaphore, #tpu.memory_space<semaphore_mem>>) src(%arg27 : memref<80x128xf32, #tpu.memory_space<vmem>>) dst(%dma_wait3A_763 : memref<10240x128xf32, #tpu.memory_space<vmem_shared>>)
      tpu.yield
    }) : () -> ()
    %dma_wait3A_355 = arith.constant 0 : i32
    %dma_wait3A_356 = arith.constant 0 : i32
    %dma_wait3A_357 = tpu.memref_slice %arg2[%dma_wait3A_355, %dma_wait3A_356] : memref<10000x128xf32, #tpu.memory_space<hbm>> -> memref<10000x128xf32, #tpu.memory_space<hbm>>
    tpu.wait_indirect_dma semaphore(%arg30 : memref<!tpu.dma_semaphore, #tpu.memory_space<semaphore_mem>>) src(%dma_wait3A_357 : memref<10000x128xf32, #tpu.memory_space<hbm>>) dst(%arg25 : memref<80x128xf32, #tpu.memory_space<vmem>>)
    %dma_wait3A_358 = arith.constant 0 : i32
    %dma_wait3A_359 = tpu.memref_slice %arg3[%dma_wait3A_358] : memref<320000xi32, #tpu.memory_space<hbm>> -> memref<80xi32, #tpu.memory_space<hbm>>
    %dma_wait3A_360 = arith.constant 0 : i32
    %dma_wait3A_361 = tpu.memref_slice %arg3[%dma_wait3A_360] : memref<320000xi32, #tpu.memory_space<hbm>> -> memref<80xi32, #tpu.memory_space<hbm>>
    tpu.wait_dma2 semaphore(%arg30 : memref<!tpu.dma_semaphore, #tpu.memory_space<semaphore_mem>>) src(%dma_wait3A_361 : memref<80xi32, #tpu.memory_space<hbm>>) dst(%arg22 : memref<80xi32, #tpu.memory_space<vmem>>)
    "tpu.region"() ({
      %run_scoped3A = tpu.sem_alloc : memref<!tpu.dma_semaphore, #tpu.memory_space<semaphore_mem>>
      %dma_start3A_758 = arith.constant 0 : i32
      %dma_start3A_759 = arith.constant 0 : i32
      %dma_start3A_760 = tpu.memref_slice %arg15[%dma_start3A_758, %dma_start3A_759] : memref<10240x128xf32, #tpu.memory_space<vmem_shared>> -> memref<10240x128xf32, #tpu.memory_space<vmem_shared>>
      tpu.enqueue_indirect_dma source(%arg25 : memref<80x128xf32, #tpu.memory_space<vmem>>) target(%dma_start3A_760 : memref<10240x128xf32, #tpu.memory_space<vmem_shared>>) offsets(%arg22 : memref<80xi32, #tpu.memory_space<vmem>>) semaphore(%run_scoped3A : memref<!tpu.dma_semaphore, #tpu.memory_space<semaphore_mem>>) {add = true}
      %dma_wait3A_761 = arith.constant 0 : i32
      %dma_wait3A_762 = arith.constant 0 : i32
      %dma_wait3A_763 = tpu.memref_slice %arg15[%dma_wait3A_761, %dma_wait3A_762] : memref<10240x128xf32, #tpu.memory_space<vmem_shared>> -> memref<10240x128xf32, #tpu.memory_space<vmem_shared>>
      tpu.wait_indirect_dma semaphore(%run_scoped3A : memref<!tpu.dma_semaphore, #tpu.memory_space<semaphore_mem>>) src(%arg25 : memref<80x128xf32, #tpu.memory_space<vmem>>) dst(%dma_wait3A_763 : memref<10240x128xf32, #tpu.memory_space<vmem_shared>>)
      tpu.yield
    }) : () -> ()
    %dma_wait3A_362 = arith.constant 0 : i32
    %dma_wait3A_363 = arith.constant 0 : i32
    %dma_wait3A_364 = tpu.memref_slice %arg2[%dma_wait3A_362, %dma_wait3A_363] : memref<10000x128xf32, #tpu.memory_space<hbm>> -> memref<10000x128xf32, #tpu.memory_space<hbm>>
    tpu.wait_indirect_dma semaphore(%arg31 : memref<!tpu.dma_semaphore, #tpu.memory_space<semaphore_mem>>) src(%dma_wait3A_364 : memref<10000x128xf32, #tpu.memory_space<hbm>>) dst(%arg26 : memref<80x128xf32, #tpu.memory_space<vmem>>)
    %dma_wait3A_365 = arith.constant 0 : i32
    %dma_wait3A_366 = tpu.memref_slice %arg3[%dma_wait3A_365] : memref<320000xi32, #tpu.memory_space<hbm>> -> memref<80xi32, #tpu.memory_space<hbm>>
    %dma_wait3A_367 = arith.constant 0 : i32
    %dma_wait3A_368 = tpu.memref_slice %arg3[%dma_wait3A_367] : memref<320000xi32, #tpu.memory_space<hbm>> -> memref<80xi32, #tpu.memory_space<hbm>>
    tpu.wait_dma2 semaphore(%arg31 : memref<!tpu.dma_semaphore, #tpu.memory_space<semaphore_mem>>) src(%dma_wait3A_368 : memref<80xi32, #tpu.memory_space<hbm>>) dst(%arg23 : memref<80xi32, #tpu.memory_space<vmem>>)
    "tpu.region"() ({
      %run_scoped3A = tpu.sem_alloc : memref<!tpu.dma_semaphore, #tpu.memory_space<semaphore_mem>>
      %dma_start3A_758 = arith.constant 0 : i32
      %dma_start3A_759 = arith.constant 0 : i32
      %dma_start3A_760 = tpu.memref_slice %arg15[%dma_start3A_758, %dma_start3A_759] : memref<10240x128xf32, #tpu.memory_space<vmem_shared>> -> memref<10240x128xf32, #tpu.memory_space<vmem_shared>>
      tpu.enqueue_indirect_dma source(%arg26 : memref<80x128xf32, #tpu.memory_space<vmem>>) target(%dma_start3A_760 : memref<10240x128xf32, #tpu.memory_space<vmem_shared>>) offsets(%arg23 : memref<80xi32, #tpu.memory_space<vmem>>) semaphore(%run_scoped3A : memref<!tpu.dma_semaphore, #tpu.memory_space<semaphore_mem>>) {add = true}
      %dma_wait3A_761 = arith.constant 0 : i32
      %dma_wait3A_762 = arith.constant 0 : i32
      %dma_wait3A_763 = tpu.memref_slice %arg15[%dma_wait3A_761, %dma_wait3A_762] : memref<10240x128xf32, #tpu.memory_space<vmem_shared>> -> memref<10240x128xf32, #tpu.memory_space<vmem_shared>>
      tpu.wait_indirect_dma semaphore(%run_scoped3A : memref<!tpu.dma_semaphore, #tpu.memory_space<semaphore_mem>>) src(%arg26 : memref<80x128xf32, #tpu.memory_space<vmem>>) dst(%dma_wait3A_763 : memref<10240x128xf32, #tpu.memory_space<vmem_shared>>)
      tpu.yield
    }) : () -> ()
    %mul3A_369 = arith.constant 400 : i32
    %mul3A_370 = arith.muli %add3A, %mul3A_369 : i32
    "tpu.region"() ({
      %run_scoped3A = tpu.sem_alloc : memref<!tpu.dma_semaphore, #tpu.memory_space<semaphore_mem>>
      %dma_start3A_758 = arith.constant 0 : i32
      %dma_start3A_759 = tpu.memref_slice %arg18[%dma_start3A_758] : memref<10000xi32, #tpu.memory_space<vmem>> -> memref<400xi32, #tpu.memory_space<vmem>>
      %dma_start3A_760 = tpu.memref_slice %arg6[%mul3A_370] : memref<12800xi32, #tpu.memory_space<hbm>> -> memref<400xi32, #tpu.memory_space<hbm>>
      %dma_start3A_761 = arith.constant 0 : i32
      %dma_start3A_762 = tpu.memref_slice %arg18[%dma_start3A_761] : memref<10000xi32, #tpu.memory_space<vmem>> -> memref<400xi32, #tpu.memory_space<vmem>>
      %dma_start3A_763 = tpu.memref_slice %arg6[%mul3A_370] : memref<12800xi32, #tpu.memory_space<hbm>> -> memref<400xi32, #tpu.memory_space<hbm>>
      tpu.enqueue_dma source(%dma_start3A_763 : memref<400xi32, #tpu.memory_space<hbm>>) target(%dma_start3A_762 : memref<400xi32, #tpu.memory_space<vmem>>) target_semaphore(%run_scoped3A : memref<!tpu.dma_semaphore, #tpu.memory_space<semaphore_mem>>)
      %dma_wait3A_764 = arith.constant 0 : i32
      %dma_wait3A_765 = tpu.memref_slice %arg18[%dma_wait3A_764] : memref<10000xi32, #tpu.memory_space<vmem>> -> memref<400xi32, #tpu.memory_space<vmem>>
      %dma_wait3A_766 = tpu.memref_slice %arg6[%mul3A_370] : memref<12800xi32, #tpu.memory_space<hbm>> -> memref<400xi32, #tpu.memory_space<hbm>>
      %dma_wait3A_767 = arith.constant 0 : i32
      %dma_wait3A_768 = tpu.memref_slice %arg18[%dma_wait3A_767] : memref<10000xi32, #tpu.memory_space<vmem>> -> memref<400xi32, #tpu.memory_space<vmem>>
      %dma_wait3A_769 = tpu.memref_slice %arg6[%mul3A_370] : memref<12800xi32, #tpu.memory_space<hbm>> -> memref<400xi32, #tpu.memory_space<hbm>>
      tpu.wait_dma2 semaphore(%run_scoped3A : memref<!tpu.dma_semaphore, #tpu.memory_space<semaphore_mem>>) src(%dma_wait3A_769 : memref<400xi32, #tpu.memory_space<hbm>>) dst(%dma_wait3A_768 : memref<400xi32, #tpu.memory_space<vmem>>)
      tpu.yield
    }) : () -> ()
    %mul3A_371 = arith.constant 400 : i32
    %mul3A_372 = arith.muli %add3A, %mul3A_371 : i32
    %add3A_373 = arith.constant 0 : i32
    %add3A_374 = arith.addi %mul3A_372, %add3A_373 : i32
    %multiple_of3A_375 = tpu.assume_multiple %add3A_374, 8 : i32
    %multiple_of3A_376 = arith.constant 0 : i32
    %multiple_of3A_377 = tpu.assume_multiple %multiple_of3A_376, 16 : i32
    %add3A_378 = arith.constant 0 : i32
    %add3A_379 = arith.addi %multiple_of3A_377, %add3A_378 : i32
    %get3A_380 = arith.index_cast %add3A_379 : i32 to index
    %get3A_381 = tpu.vector_load %arg18[%get3A_380] {strides = array<i32>} : memref<10000xi32, #tpu.memory_space<vmem>>, vector<16xi32>,
    %get3A_382 = vector.shape_cast %get3A_381 : vector<16xi32> to vector<16xi32>
    %swap3A_383 = arith.constant 0 : index
    %swap3A_384 = tpu.vector_load %arg19[%swap3A_383] {strides = array<i32>} : memref<80xi32, #tpu.memory_space<vmem>>, vector<16xi32>,
    %swap3A_385 = vector.shape_cast %swap3A_384 : vector<16xi32> to vector<16xi32>
    %swap3A_386 = vector.shape_cast %get3A_382 : vector<16xi32> to vector<16xi32>
    tpu.vector_store %arg19[%swap3A_383], %swap3A_386 {strides = array<i32>} : memref<80xi32, #tpu.memory_space<vmem>>, vector<16xi32>,
    %multiple_of3A_387 = arith.constant 0 : i32
    %multiple_of3A_388 = tpu.assume_multiple %multiple_of3A_387, 16 : i32
    %add3A_389 = arith.constant 16 : i32
    %add3A_390 = arith.addi %multiple_of3A_388, %add3A_389 : i32
    %get3A_391 = arith.index_cast %add3A_390 : i32 to index
    %get3A_392 = tpu.vector_load %arg18[%get3A_391] {strides = array<i32>} : memref<10000xi32, #tpu.memory_space<vmem>>, vector<16xi32>,
    %get3A_393 = vector.shape_cast %get3A_392 : vector<16xi32> to vector<16xi32>
    %swap3A_394 = arith.constant 16 : index
    %swap3A_395 = tpu.vector_load %arg19[%swap3A_394] {strides = array<i32>} : memref<80xi32, #tpu.memory_space<vmem>>, vector<16xi32>,
    %swap3A_396 = vector.shape_cast %swap3A_395 : vector<16xi32> to vector<16xi32>
    %swap3A_397 = vector.shape_cast %get3A_393 : vector<16xi32> to vector<16xi32>
    tpu.vector_store %arg19[%swap3A_394], %swap3A_397 {strides = array<i32>} : memref<80xi32, #tpu.memory_space<vmem>>, vector<16xi32>,
    %multiple_of3A_398 = arith.constant 0 : i32
    %multiple_of3A_399 = tpu.assume_multiple %multiple_of3A_398, 16 : i32
    %add3A_400 = arith.constant 32 : i32
    %add3A_401 = arith.addi %multiple_of3A_399, %add3A_400 : i32
    %get3A_402 = arith.index_cast %add3A_401 : i32 to index
    %get3A_403 = tpu.vector_load %arg18[%get3A_402] {strides = array<i32>} : memref<10000xi32, #tpu.memory_space<vmem>>, vector<16xi32>,
    %get3A_404 = vector.shape_cast %get3A_403 : vector<16xi32> to vector<16xi32>
    %swap3A_405 = arith.constant 32 : index
    %swap3A_406 = tpu.vector_load %arg19[%swap3A_405] {strides = array<i32>} : memref<80xi32, #tpu.memory_space<vmem>>, vector<16xi32>,
    %swap3A_407 = vector.shape_cast %swap3A_406 : vector<16xi32> to vector<16xi32>
    %swap3A_408 = vector.shape_cast %get3A_404 : vector<16xi32> to vector<16xi32>
    tpu.vector_store %arg19[%swap3A_405], %swap3A_408 {strides = array<i32>} : memref<80xi32, #tpu.memory_space<vmem>>, vector<16xi32>,
    %multiple_of3A_409 = arith.constant 0 : i32
    %multiple_of3A_410 = tpu.assume_multiple %multiple_of3A_409, 16 : i32
    %add3A_411 = arith.constant 48 : i32
    %add3A_412 = arith.addi %multiple_of3A_410, %add3A_411 : i32
    %get3A_413 = arith.index_cast %add3A_412 : i32 to index
    %get3A_414 = tpu.vector_load %arg18[%get3A_413] {strides = array<i32>} : memref<10000xi32, #tpu.memory_space<vmem>>, vector<16xi32>,
    %get3A_415 = vector.shape_cast %get3A_414 : vector<16xi32> to vector<16xi32>
    %swap3A_416 = arith.constant 48 : index
    %swap3A_417 = tpu.vector_load %arg19[%swap3A_416] {strides = array<i32>} : memref<80xi32, #tpu.memory_space<vmem>>, vector<16xi32>,
    %swap3A_418 = vector.shape_cast %swap3A_417 : vector<16xi32> to vector<16xi32>
    %swap3A_419 = vector.shape_cast %get3A_415 : vector<16xi32> to vector<16xi32>
    tpu.vector_store %arg19[%swap3A_416], %swap3A_419 {strides = array<i32>} : memref<80xi32, #tpu.memory_space<vmem>>, vector<16xi32>,
    %multiple_of3A_420 = arith.constant 0 : i32
    %multiple_of3A_421 = tpu.assume_multiple %multiple_of3A_420, 16 : i32
    %add3A_422 = arith.constant 64 : i32
    %add3A_423 = arith.addi %multiple_of3A_421, %add3A_422 : i32
    %get3A_424 = arith.index_cast %add3A_423 : i32 to index
    %get3A_425 = tpu.vector_load %arg18[%get3A_424] {strides = array<i32>} : memref<10000xi32, #tpu.memory_space<vmem>>, vector<16xi32>,
    %get3A_426 = vector.shape_cast %get3A_425 : vector<16xi32> to vector<16xi32>
    %swap3A_427 = arith.constant 64 : index
    %swap3A_428 = tpu.vector_load %arg19[%swap3A_427] {strides = array<i32>} : memref<80xi32, #tpu.memory_space<vmem>>, vector<16xi32>,
    %swap3A_429 = vector.shape_cast %swap3A_428 : vector<16xi32> to vector<16xi32>
    %swap3A_430 = vector.shape_cast %get3A_426 : vector<16xi32> to vector<16xi32>
    tpu.vector_store %arg19[%swap3A_427], %swap3A_430 {strides = array<i32>} : memref<80xi32, #tpu.memory_space<vmem>>, vector<16xi32>,
    %dma_start3A_431 = tpu.memref_slice %arg5[%multiple_of3A_375] : memref<12800xi32, #tpu.memory_space<hbm>> -> memref<80xi32, #tpu.memory_space<hbm>>
    %dma_start3A_432 = tpu.memref_slice %arg5[%multiple_of3A_375] : memref<12800xi32, #tpu.memory_space<hbm>> -> memref<80xi32, #tpu.memory_space<hbm>>
    tpu.enqueue_dma source(%dma_start3A_432 : memref<80xi32, #tpu.memory_space<hbm>>) target(%arg22 : memref<80xi32, #tpu.memory_space<vmem>>) target_semaphore(%arg30 : memref<!tpu.dma_semaphore, #tpu.memory_space<semaphore_mem>>)
    %dma_start3A_433 = arith.constant 0 : i32
    %dma_start3A_434 = arith.constant 0 : i32
    %dma_start3A_435 = tpu.memref_slice %arg2[%dma_start3A_433, %dma_start3A_434] : memref<10000x128xf32, #tpu.memory_space<hbm>> -> memref<10000x128xf32, #tpu.memory_space<hbm>>
    tpu.enqueue_indirect_dma source(%dma_start3A_435 : memref<10000x128xf32, #tpu.memory_space<hbm>>) target(%arg25 : memref<80x128xf32, #tpu.memory_space<vmem>>) offsets(%arg19 : memref<80xi32, #tpu.memory_space<vmem>>) semaphore(%arg30 : memref<!tpu.dma_semaphore, #tpu.memory_space<semaphore_mem>>)
    %add3A_436 = arith.constant 80 : i32
    %add3A_437 = arith.addi %mul3A_372, %add3A_436 : i32
    %multiple_of3A_438 = tpu.assume_multiple %add3A_437, 8 : i32
    %multiple_of3A_439 = arith.constant 80 : i32
    %multiple_of3A_440 = tpu.assume_multiple %multiple_of3A_439, 16 : i32
    %add3A_441 = arith.constant 0 : i32
    %add3A_442 = arith.addi %multiple_of3A_440, %add3A_441 : i32
    %get3A_443 = arith.index_cast %add3A_442 : i32 to index
    %get3A_444 = tpu.vector_load %arg18[%get3A_443] {strides = array<i32>} : memref<10000xi32, #tpu.memory_space<vmem>>, vector<16xi32>,
    %get3A_445 = vector.shape_cast %get3A_444 : vector<16xi32> to vector<16xi32>
    %swap3A_446 = arith.constant 0 : index
    %swap3A_447 = tpu.vector_load %arg20[%swap3A_446] {strides = array<i32>} : memref<80xi32, #tpu.memory_space<vmem>>, vector<16xi32>,
    %swap3A_448 = vector.shape_cast %swap3A_447 : vector<16xi32> to vector<16xi32>
    %swap3A_449 = vector.shape_cast %get3A_445 : vector<16xi32> to vector<16xi32>
    tpu.vector_store %arg20[%swap3A_446], %swap3A_449 {strides = array<i32>} : memref<80xi32, #tpu.memory_space<vmem>>, vector<16xi32>,
    %multiple_of3A_450 = arith.constant 80 : i32
    %multiple_of3A_451 = tpu.assume_multiple %multiple_of3A_450, 16 : i32
    %add3A_452 = arith.constant 16 : i32
    %add3A_453 = arith.addi %multiple_of3A_451, %add3A_452 : i32
    %get3A_454 = arith.index_cast %add3A_453 : i32 to index
    %get3A_455 = tpu.vector_load %arg18[%get3A_454] {strides = array<i32>} : memref<10000xi32, #tpu.memory_space<vmem>>, vector<16xi32>,
    %get3A_456 = vector.shape_cast %get3A_455 : vector<16xi32> to vector<16xi32>
    %swap3A_457 = arith.constant 16 : index
    %swap3A_458 = tpu.vector_load %arg20[%swap3A_457] {strides = array<i32>} : memref<80xi32, #tpu.memory_space<vmem>>, vector<16xi32>,
    %swap3A_459 = vector.shape_cast %swap3A_458 : vector<16xi32> to vector<16xi32>
    %swap3A_460 = vector.shape_cast %get3A_456 : vector<16xi32> to vector<16xi32>
    tpu.vector_store %arg20[%swap3A_457], %swap3A_460 {strides = array<i32>} : memref<80xi32, #tpu.memory_space<vmem>>, vector<16xi32>,
    %multiple_of3A_461 = arith.constant 80 : i32
    %multiple_of3A_462 = tpu.assume_multiple %multiple_of3A_461, 16 : i32
    %add3A_463 = arith.constant 32 : i32
    %add3A_464 = arith.addi %multiple_of3A_462, %add3A_463 : i32
    %get3A_465 = arith.index_cast %add3A_464 : i32 to index
    %get3A_466 = tpu.vector_load %arg18[%get3A_465] {strides = array<i32>} : memref<10000xi32, #tpu.memory_space<vmem>>, vector<16xi32>,
    %get3A_467 = vector.shape_cast %get3A_466 : vector<16xi32> to vector<16xi32>
    %swap3A_468 = arith.constant 32 : index
    %swap3A_469 = tpu.vector_load %arg20[%swap3A_468] {strides = array<i32>} : memref<80xi32, #tpu.memory_space<vmem>>, vector<16xi32>,
    %swap3A_470 = vector.shape_cast %swap3A_469 : vector<16xi32> to vector<16xi32>
    %swap3A_471 = vector.shape_cast %get3A_467 : vector<16xi32> to vector<16xi32>
    tpu.vector_store %arg20[%swap3A_468], %swap3A_471 {strides = array<i32>} : memref<80xi32, #tpu.memory_space<vmem>>, vector<16xi32>,
    %multiple_of3A_472 = arith.constant 80 : i32
    %multiple_of3A_473 = tpu.assume_multiple %multiple_of3A_472, 16 : i32
    %add3A_474 = arith.constant 48 : i32
    %add3A_475 = arith.addi %multiple_of3A_473, %add3A_474 : i32
    %get3A_476 = arith.index_cast %add3A_475 : i32 to index
    %get3A_477 = tpu.vector_load %arg18[%get3A_476] {strides = array<i32>} : memref<10000xi32, #tpu.memory_space<vmem>>, vector<16xi32>,
    %get3A_478 = vector.shape_cast %get3A_477 : vector<16xi32> to vector<16xi32>
    %swap3A_479 = arith.constant 48 : index
    %swap3A_480 = tpu.vector_load %arg20[%swap3A_479] {strides = array<i32>} : memref<80xi32, #tpu.memory_space<vmem>>, vector<16xi32>,
    %swap3A_481 = vector.shape_cast %swap3A_480 : vector<16xi32> to vector<16xi32>
    %swap3A_482 = vector.shape_cast %get3A_478 : vector<16xi32> to vector<16xi32>
    tpu.vector_store %arg20[%swap3A_479], %swap3A_482 {strides = array<i32>} : memref<80xi32, #tpu.memory_space<vmem>>, vector<16xi32>,
    %multiple_of3A_483 = arith.constant 80 : i32
    %multiple_of3A_484 = tpu.assume_multiple %multiple_of3A_483, 16 : i32
    %add3A_485 = arith.constant 64 : i32
    %add3A_486 = arith.addi %multiple_of3A_484, %add3A_485 : i32
    %get3A_487 = arith.index_cast %add3A_486 : i32 to index
    %get3A_488 = tpu.vector_load %arg18[%get3A_487] {strides = array<i32>} : memref<10000xi32, #tpu.memory_space<vmem>>, vector<16xi32>,
    %get3A_489 = vector.shape_cast %get3A_488 : vector<16xi32> to vector<16xi32>
    %swap3A_490 = arith.constant 64 : index
    %swap3A_491 = tpu.vector_load %arg20[%swap3A_490] {strides = array<i32>} : memref<80xi32, #tpu.memory_space<vmem>>, vector<16xi32>,
    %swap3A_492 = vector.shape_cast %swap3A_491 : vector<16xi32> to vector<16xi32>
    %swap3A_493 = vector.shape_cast %get3A_489 : vector<16xi32> to vector<16xi32>
    tpu.vector_store %arg20[%swap3A_490], %swap3A_493 {strides = array<i32>} : memref<80xi32, #tpu.memory_space<vmem>>, vector<16xi32>,
    %dma_start3A_494 = tpu.memref_slice %arg5[%multiple_of3A_438] : memref<12800xi32, #tpu.memory_space<hbm>> -> memref<80xi32, #tpu.memory_space<hbm>>
    %dma_start3A_495 = tpu.memref_slice %arg5[%multiple_of3A_438] : memref<12800xi32, #tpu.memory_space<hbm>> -> memref<80xi32, #tpu.memory_space<hbm>>
    tpu.enqueue_dma source(%dma_start3A_495 : memref<80xi32, #tpu.memory_space<hbm>>) target(%arg23 : memref<80xi32, #tpu.memory_space<vmem>>) target_semaphore(%arg31 : memref<!tpu.dma_semaphore, #tpu.memory_space<semaphore_mem>>)
    %dma_start3A_496 = arith.constant 0 : i32
    %dma_start3A_497 = arith.constant 0 : i32
    %dma_start3A_498 = tpu.memref_slice %arg2[%dma_start3A_496, %dma_start3A_497] : memref<10000x128xf32, #tpu.memory_space<hbm>> -> memref<10000x128xf32, #tpu.memory_space<hbm>>
    tpu.enqueue_indirect_dma source(%dma_start3A_498 : memref<10000x128xf32, #tpu.memory_space<hbm>>) target(%arg26 : memref<80x128xf32, #tpu.memory_space<vmem>>) offsets(%arg20 : memref<80xi32, #tpu.memory_space<vmem>>) semaphore(%arg31 : memref<!tpu.dma_semaphore, #tpu.memory_space<semaphore_mem>>)
    %add3A_499 = arith.constant 160 : i32
    %add3A_500 = arith.addi %mul3A_372, %add3A_499 : i32
    %multiple_of3A_501 = tpu.assume_multiple %add3A_500, 8 : i32
    %multiple_of3A_502 = arith.constant 160 : i32
    %multiple_of3A_503 = tpu.assume_multiple %multiple_of3A_502, 16 : i32
    %add3A_504 = arith.constant 0 : i32
    %add3A_505 = arith.addi %multiple_of3A_503, %add3A_504 : i32
    %get3A_506 = arith.index_cast %add3A_505 : i32 to index
    %get3A_507 = tpu.vector_load %arg18[%get3A_506] {strides = array<i32>} : memref<10000xi32, #tpu.memory_space<vmem>>, vector<16xi32>,
    %get3A_508 = vector.shape_cast %get3A_507 : vector<16xi32> to vector<16xi32>
    %swap3A_509 = arith.constant 0 : index
    %swap3A_510 = tpu.vector_load %arg21[%swap3A_509] {strides = array<i32>} : memref<80xi32, #tpu.memory_space<vmem>>, vector<16xi32>,
    %swap3A_511 = vector.shape_cast %swap3A_510 : vector<16xi32> to vector<16xi32>
    %swap3A_512 = vector.shape_cast %get3A_508 : vector<16xi32> to vector<16xi32>
    tpu.vector_store %arg21[%swap3A_509], %swap3A_512 {strides = array<i32>} : memref<80xi32, #tpu.memory_space<vmem>>, vector<16xi32>,
    %multiple_of3A_513 = arith.constant 160 : i32
    %multiple_of3A_514 = tpu.assume_multiple %multiple_of3A_513, 16 : i32
    %add3A_515 = arith.constant 16 : i32
    %add3A_516 = arith.addi %multiple_of3A_514, %add3A_515 : i32
    %get3A_517 = arith.index_cast %add3A_516 : i32 to index
    %get3A_518 = tpu.vector_load %arg18[%get3A_517] {strides = array<i32>} : memref<10000xi32, #tpu.memory_space<vmem>>, vector<16xi32>,
    %get3A_519 = vector.shape_cast %get3A_518 : vector<16xi32> to vector<16xi32>
    %swap3A_520 = arith.constant 16 : index
    %swap3A_521 = tpu.vector_load %arg21[%swap3A_520] {strides = array<i32>} : memref<80xi32, #tpu.memory_space<vmem>>, vector<16xi32>,
    %swap3A_522 = vector.shape_cast %swap3A_521 : vector<16xi32> to vector<16xi32>
    %swap3A_523 = vector.shape_cast %get3A_519 : vector<16xi32> to vector<16xi32>
    tpu.vector_store %arg21[%swap3A_520], %swap3A_523 {strides = array<i32>} : memref<80xi32, #tpu.memory_space<vmem>>, vector<16xi32>,
    %multiple_of3A_524 = arith.constant 160 : i32
    %multiple_of3A_525 = tpu.assume_multiple %multiple_of3A_524, 16 : i32
    %add3A_526 = arith.constant 32 : i32
    %add3A_527 = arith.addi %multiple_of3A_525, %add3A_526 : i32
    %get3A_528 = arith.index_cast %add3A_527 : i32 to index
    %get3A_529 = tpu.vector_load %arg18[%get3A_528] {strides = array<i32>} : memref<10000xi32, #tpu.memory_space<vmem>>, vector<16xi32>,
    %get3A_530 = vector.shape_cast %get3A_529 : vector<16xi32> to vector<16xi32>
    %swap3A_531 = arith.constant 32 : index
    %swap3A_532 = tpu.vector_load %arg21[%swap3A_531] {strides = array<i32>} : memref<80xi32, #tpu.memory_space<vmem>>, vector<16xi32>,
    %swap3A_533 = vector.shape_cast %swap3A_532 : vector<16xi32> to vector<16xi32>
    %swap3A_534 = vector.shape_cast %get3A_530 : vector<16xi32> to vector<16xi32>
    tpu.vector_store %arg21[%swap3A_531], %swap3A_534 {strides = array<i32>} : memref<80xi32, #tpu.memory_space<vmem>>, vector<16xi32>,
    %multiple_of3A_535 = arith.constant 160 : i32
    %multiple_of3A_536 = tpu.assume_multiple %multiple_of3A_535, 16 : i32
    %add3A_537 = arith.constant 48 : i32
    %add3A_538 = arith.addi %multiple_of3A_536, %add3A_537 : i32
    %get3A_539 = arith.index_cast %add3A_538 : i32 to index
    %get3A_540 = tpu.vector_load %arg18[%get3A_539] {strides = array<i32>} : memref<10000xi32, #tpu.memory_space<vmem>>, vector<16xi32>,
    %get3A_541 = vector.shape_cast %get3A_540 : vector<16xi32> to vector<16xi32>
    %swap3A_542 = arith.constant 48 : index
    %swap3A_543 = tpu.vector_load %arg21[%swap3A_542] {strides = array<i32>} : memref<80xi32, #tpu.memory_space<vmem>>, vector<16xi32>,
    %swap3A_544 = vector.shape_cast %swap3A_543 : vector<16xi32> to vector<16xi32>
    %swap3A_545 = vector.shape_cast %get3A_541 : vector<16xi32> to vector<16xi32>
    tpu.vector_store %arg21[%swap3A_542], %swap3A_545 {strides = array<i32>} : memref<80xi32, #tpu.memory_space<vmem>>, vector<16xi32>,
    %multiple_of3A_546 = arith.constant 160 : i32
    %multiple_of3A_547 = tpu.assume_multiple %multiple_of3A_546, 16 : i32
    %add3A_548 = arith.constant 64 : i32
    %add3A_549 = arith.addi %multiple_of3A_547, %add3A_548 : i32
    %get3A_550 = arith.index_cast %add3A_549 : i32 to index
    %get3A_551 = tpu.vector_load %arg18[%get3A_550] {strides = array<i32>} : memref<10000xi32, #tpu.memory_space<vmem>>, vector<16xi32>,
    %get3A_552 = vector.shape_cast %get3A_551 : vector<16xi32> to vector<16xi32>
    %swap3A_553 = arith.constant 64 : index
    %swap3A_554 = tpu.vector_load %arg21[%swap3A_553] {strides = array<i32>} : memref<80xi32, #tpu.memory_space<vmem>>, vector<16xi32>,
    %swap3A_555 = vector.shape_cast %swap3A_554 : vector<16xi32> to vector<16xi32>
    %swap3A_556 = vector.shape_cast %get3A_552 : vector<16xi32> to vector<16xi32>
    tpu.vector_store %arg21[%swap3A_553], %swap3A_556 {strides = array<i32>} : memref<80xi32, #tpu.memory_space<vmem>>, vector<16xi32>,
    %dma_start3A_557 = tpu.memref_slice %arg5[%multiple_of3A_501] : memref<12800xi32, #tpu.memory_space<hbm>> -> memref<80xi32, #tpu.memory_space<hbm>>
    %dma_start3A_558 = tpu.memref_slice %arg5[%multiple_of3A_501] : memref<12800xi32, #tpu.memory_space<hbm>> -> memref<80xi32, #tpu.memory_space<hbm>>
    tpu.enqueue_dma source(%dma_start3A_558 : memref<80xi32, #tpu.memory_space<hbm>>) target(%arg24 : memref<80xi32, #tpu.memory_space<vmem>>) target_semaphore(%arg32 : memref<!tpu.dma_semaphore, #tpu.memory_space<semaphore_mem>>)
    %dma_start3A_559 = arith.constant 0 : i32
    %dma_start3A_560 = arith.constant 0 : i32
    %dma_start3A_561 = tpu.memref_slice %arg2[%dma_start3A_559, %dma_start3A_560] : memref<10000x128xf32, #tpu.memory_space<hbm>> -> memref<10000x128xf32, #tpu.memory_space<hbm>>
    tpu.enqueue_indirect_dma source(%dma_start3A_561 : memref<10000x128xf32, #tpu.memory_space<hbm>>) target(%arg27 : memref<80x128xf32, #tpu.memory_space<vmem>>) offsets(%arg21 : memref<80xi32, #tpu.memory_space<vmem>>) semaphore(%arg32 : memref<!tpu.dma_semaphore, #tpu.memory_space<semaphore_mem>>)
    %dma_wait3A_562 = arith.constant 0 : i32
    %dma_wait3A_563 = arith.constant 0 : i32
    %dma_wait3A_564 = tpu.memref_slice %arg2[%dma_wait3A_562, %dma_wait3A_563] : memref<10000x128xf32, #tpu.memory_space<hbm>> -> memref<10000x128xf32, #tpu.memory_space<hbm>>
    tpu.wait_indirect_dma semaphore(%arg30 : memref<!tpu.dma_semaphore, #tpu.memory_space<semaphore_mem>>) src(%dma_wait3A_564 : memref<10000x128xf32, #tpu.memory_space<hbm>>) dst(%arg25 : memref<80x128xf32, #tpu.memory_space<vmem>>)
    %dma_wait3A_565 = arith.constant 0 : i32
    %dma_wait3A_566 = tpu.memref_slice %arg3[%dma_wait3A_565] : memref<320000xi32, #tpu.memory_space<hbm>> -> memref<80xi32, #tpu.memory_space<hbm>>
    %dma_wait3A_567 = arith.constant 0 : i32
    %dma_wait3A_568 = tpu.memref_slice %arg3[%dma_wait3A_567] : memref<320000xi32, #tpu.memory_space<hbm>> -> memref<80xi32, #tpu.memory_space<hbm>>
    tpu.wait_dma2 semaphore(%arg30 : memref<!tpu.dma_semaphore, #tpu.memory_space<semaphore_mem>>) src(%dma_wait3A_568 : memref<80xi32, #tpu.memory_space<hbm>>) dst(%arg22 : memref<80xi32, #tpu.memory_space<vmem>>)
    "tpu.region"() ({
      %run_scoped3A = tpu.sem_alloc : memref<!tpu.dma_semaphore, #tpu.memory_space<semaphore_mem>>
      %dma_start3A_758 = arith.constant 0 : i32
      %dma_start3A_759 = arith.constant 0 : i32
      %dma_start3A_760 = tpu.memref_slice %arg16[%dma_start3A_758, %dma_start3A_759] : memref<256x128xf32, #tpu.memory_space<vmem_shared>> -> memref<256x128xf32, #tpu.memory_space<vmem_shared>>
      tpu.enqueue_indirect_dma source(%arg25 : memref<80x128xf32, #tpu.memory_space<vmem>>) target(%dma_start3A_760 : memref<256x128xf32, #tpu.memory_space<vmem_shared>>) offsets(%arg22 : memref<80xi32, #tpu.memory_space<vmem>>) semaphore(%run_scoped3A : memref<!tpu.dma_semaphore, #tpu.memory_space<semaphore_mem>>) {add = true}
      %dma_wait3A_761 = arith.constant 0 : i32
      %dma_wait3A_762 = arith.constant 0 : i32
      %dma_wait3A_763 = tpu.memref_slice %arg16[%dma_wait3A_761, %dma_wait3A_762] : memref<256x128xf32, #tpu.memory_space<vmem_shared>> -> memref<256x128xf32, #tpu.memory_space<vmem_shared>>
      tpu.wait_indirect_dma semaphore(%run_scoped3A : memref<!tpu.dma_semaphore, #tpu.memory_space<semaphore_mem>>) src(%arg25 : memref<80x128xf32, #tpu.memory_space<vmem>>) dst(%dma_wait3A_763 : memref<256x128xf32, #tpu.memory_space<vmem_shared>>)
      tpu.yield
    }) : () -> ()
    %add3A_569 = arith.constant 240 : i32
    %add3A_570 = arith.addi %mul3A_372, %add3A_569 : i32
    %multiple_of3A_571 = tpu.assume_multiple %add3A_570, 8 : i32
    %multiple_of3A_572 = arith.constant 240 : i32
    %multiple_of3A_573 = tpu.assume_multiple %multiple_of3A_572, 16 : i32
    %add3A_574 = arith.constant 0 : i32
    %add3A_575 = arith.addi %multiple_of3A_573, %add3A_574 : i32
    %get3A_576 = arith.index_cast %add3A_575 : i32 to index
    %get3A_577 = tpu.vector_load %arg18[%get3A_576] {strides = array<i32>} : memref<10000xi32, #tpu.memory_space<vmem>>, vector<16xi32>,
    %get3A_578 = vector.shape_cast %get3A_577 : vector<16xi32> to vector<16xi32>
    %swap3A_579 = arith.constant 0 : index
    %swap3A_580 = tpu.vector_load %arg19[%swap3A_579] {strides = array<i32>} : memref<80xi32, #tpu.memory_space<vmem>>, vector<16xi32>,
    %swap3A_581 = vector.shape_cast %swap3A_580 : vector<16xi32> to vector<16xi32>
    %swap3A_582 = vector.shape_cast %get3A_578 : vector<16xi32> to vector<16xi32>
    tpu.vector_store %arg19[%swap3A_579], %swap3A_582 {strides = array<i32>} : memref<80xi32, #tpu.memory_space<vmem>>, vector<16xi32>,
    %multiple_of3A_583 = arith.constant 240 : i32
    %multiple_of3A_584 = tpu.assume_multiple %multiple_of3A_583, 16 : i32
    %add3A_585 = arith.constant 16 : i32
    %add3A_586 = arith.addi %multiple_of3A_584, %add3A_585 : i32
    %get3A_587 = arith.index_cast %add3A_586 : i32 to index
    %get3A_588 = tpu.vector_load %arg18[%get3A_587] {strides = array<i32>} : memref<10000xi32, #tpu.memory_space<vmem>>, vector<16xi32>,
    %get3A_589 = vector.shape_cast %get3A_588 : vector<16xi32> to vector<16xi32>
    %swap3A_590 = arith.constant 16 : index
    %swap3A_591 = tpu.vector_load %arg19[%swap3A_590] {strides = array<i32>} : memref<80xi32, #tpu.memory_space<vmem>>, vector<16xi32>,
    %swap3A_592 = vector.shape_cast %swap3A_591 : vector<16xi32> to vector<16xi32>
    %swap3A_593 = vector.shape_cast %get3A_589 : vector<16xi32> to vector<16xi32>
    tpu.vector_store %arg19[%swap3A_590], %swap3A_593 {strides = array<i32>} : memref<80xi32, #tpu.memory_space<vmem>>, vector<16xi32>,
    %multiple_of3A_594 = arith.constant 240 : i32
    %multiple_of3A_595 = tpu.assume_multiple %multiple_of3A_594, 16 : i32
    %add3A_596 = arith.constant 32 : i32
    %add3A_597 = arith.addi %multiple_of3A_595, %add3A_596 : i32
    %get3A_598 = arith.index_cast %add3A_597 : i32 to index
    %get3A_599 = tpu.vector_load %arg18[%get3A_598] {strides = array<i32>} : memref<10000xi32, #tpu.memory_space<vmem>>, vector<16xi32>,
    %get3A_600 = vector.shape_cast %get3A_599 : vector<16xi32> to vector<16xi32>
    %swap3A_601 = arith.constant 32 : index
    %swap3A_602 = tpu.vector_load %arg19[%swap3A_601] {strides = array<i32>} : memref<80xi32, #tpu.memory_space<vmem>>, vector<16xi32>,
    %swap3A_603 = vector.shape_cast %swap3A_602 : vector<16xi32> to vector<16xi32>
    %swap3A_604 = vector.shape_cast %get3A_600 : vector<16xi32> to vector<16xi32>
    tpu.vector_store %arg19[%swap3A_601], %swap3A_604 {strides = array<i32>} : memref<80xi32, #tpu.memory_space<vmem>>, vector<16xi32>,
    %multiple_of3A_605 = arith.constant 240 : i32
    %multiple_of3A_606 = tpu.assume_multiple %multiple_of3A_605, 16 : i32
    %add3A_607 = arith.constant 48 : i32
    %add3A_608 = arith.addi %multiple_of3A_606, %add3A_607 : i32
    %get3A_609 = arith.index_cast %add3A_608 : i32 to index
    %get3A_610 = tpu.vector_load %arg18[%get3A_609] {strides = array<i32>} : memref<10000xi32, #tpu.memory_space<vmem>>, vector<16xi32>,
    %get3A_611 = vector.shape_cast %get3A_610 : vector<16xi32> to vector<16xi32>
    %swap3A_612 = arith.constant 48 : index
    %swap3A_613 = tpu.vector_load %arg19[%swap3A_612] {strides = array<i32>} : memref<80xi32, #tpu.memory_space<vmem>>, vector<16xi32>,
    %swap3A_614 = vector.shape_cast %swap3A_613 : vector<16xi32> to vector<16xi32>
    %swap3A_615 = vector.shape_cast %get3A_611 : vector<16xi32> to vector<16xi32>
    tpu.vector_store %arg19[%swap3A_612], %swap3A_615 {strides = array<i32>} : memref<80xi32, #tpu.memory_space<vmem>>, vector<16xi32>,
    %multiple_of3A_616 = arith.constant 240 : i32
    %multiple_of3A_617 = tpu.assume_multiple %multiple_of3A_616, 16 : i32
    %add3A_618 = arith.constant 64 : i32
    %add3A_619 = arith.addi %multiple_of3A_617, %add3A_618 : i32
    %get3A_620 = arith.index_cast %add3A_619 : i32 to index
    %get3A_621 = tpu.vector_load %arg18[%get3A_620] {strides = array<i32>} : memref<10000xi32, #tpu.memory_space<vmem>>, vector<16xi32>,
    %get3A_622 = vector.shape_cast %get3A_621 : vector<16xi32> to vector<16xi32>
    %swap3A_623 = arith.constant 64 : index
    %swap3A_624 = tpu.vector_load %arg19[%swap3A_623] {strides = array<i32>} : memref<80xi32, #tpu.memory_space<vmem>>, vector<16xi32>,
    %swap3A_625 = vector.shape_cast %swap3A_624 : vector<16xi32> to vector<16xi32>
    %swap3A_626 = vector.shape_cast %get3A_622 : vector<16xi32> to vector<16xi32>
    tpu.vector_store %arg19[%swap3A_623], %swap3A_626 {strides = array<i32>} : memref<80xi32, #tpu.memory_space<vmem>>, vector<16xi32>,
    %dma_start3A_627 = tpu.memref_slice %arg5[%multiple_of3A_571] : memref<12800xi32, #tpu.memory_space<hbm>> -> memref<80xi32, #tpu.memory_space<hbm>>
    %dma_start3A_628 = tpu.memref_slice %arg5[%multiple_of3A_571] : memref<12800xi32, #tpu.memory_space<hbm>> -> memref<80xi32, #tpu.memory_space<hbm>>
    tpu.enqueue_dma source(%dma_start3A_628 : memref<80xi32, #tpu.memory_space<hbm>>) target(%arg22 : memref<80xi32, #tpu.memory_space<vmem>>) target_semaphore(%arg30 : memref<!tpu.dma_semaphore, #tpu.memory_space<semaphore_mem>>)
    %dma_start3A_629 = arith.constant 0 : i32
    %dma_start3A_630 = arith.constant 0 : i32
    %dma_start3A_631 = tpu.memref_slice %arg2[%dma_start3A_629, %dma_start3A_630] : memref<10000x128xf32, #tpu.memory_space<hbm>> -> memref<10000x128xf32, #tpu.memory_space<hbm>>
    tpu.enqueue_indirect_dma source(%dma_start3A_631 : memref<10000x128xf32, #tpu.memory_space<hbm>>) target(%arg25 : memref<80x128xf32, #tpu.memory_space<vmem>>) offsets(%arg19 : memref<80xi32, #tpu.memory_space<vmem>>) semaphore(%arg30 : memref<!tpu.dma_semaphore, #tpu.memory_space<semaphore_mem>>)
    %dma_wait3A_632 = arith.constant 0 : i32
    %dma_wait3A_633 = arith.constant 0 : i32
    %dma_wait3A_634 = tpu.memref_slice %arg2[%dma_wait3A_632, %dma_wait3A_633] : memref<10000x128xf32, #tpu.memory_space<hbm>> -> memref<10000x128xf32, #tpu.memory_space<hbm>>
    tpu.wait_indirect_dma semaphore(%arg31 : memref<!tpu.dma_semaphore, #tpu.memory_space<semaphore_mem>>) src(%dma_wait3A_634 : memref<10000x128xf32, #tpu.memory_space<hbm>>) dst(%arg26 : memref<80x128xf32, #tpu.memory_space<vmem>>)
    %dma_wait3A_635 = arith.constant 0 : i32
    %dma_wait3A_636 = tpu.memref_slice %arg3[%dma_wait3A_635] : memref<320000xi32, #tpu.memory_space<hbm>> -> memref<80xi32, #tpu.memory_space<hbm>>
    %dma_wait3A_637 = arith.constant 0 : i32
    %dma_wait3A_638 = tpu.memref_slice %arg3[%dma_wait3A_637] : memref<320000xi32, #tpu.memory_space<hbm>> -> memref<80xi32, #tpu.memory_space<hbm>>
    tpu.wait_dma2 semaphore(%arg31 : memref<!tpu.dma_semaphore, #tpu.memory_space<semaphore_mem>>) src(%dma_wait3A_638 : memref<80xi32, #tpu.memory_space<hbm>>) dst(%arg23 : memref<80xi32, #tpu.memory_space<vmem>>)
    "tpu.region"() ({
      %run_scoped3A = tpu.sem_alloc : memref<!tpu.dma_semaphore, #tpu.memory_space<semaphore_mem>>
      %dma_start3A_758 = arith.constant 0 : i32
      %dma_start3A_759 = arith.constant 0 : i32
      %dma_start3A_760 = tpu.memref_slice %arg16[%dma_start3A_758, %dma_start3A_759] : memref<256x128xf32, #tpu.memory_space<vmem_shared>> -> memref<256x128xf32, #tpu.memory_space<vmem_shared>>
      tpu.enqueue_indirect_dma source(%arg26 : memref<80x128xf32, #tpu.memory_space<vmem>>) target(%dma_start3A_760 : memref<256x128xf32, #tpu.memory_space<vmem_shared>>) offsets(%arg23 : memref<80xi32, #tpu.memory_space<vmem>>) semaphore(%run_scoped3A : memref<!tpu.dma_semaphore, #tpu.memory_space<semaphore_mem>>) {add = true}
      %dma_wait3A_761 = arith.constant 0 : i32
      %dma_wait3A_762 = arith.constant 0 : i32
      %dma_wait3A_763 = tpu.memref_slice %arg16[%dma_wait3A_761, %dma_wait3A_762] : memref<256x128xf32, #tpu.memory_space<vmem_shared>> -> memref<256x128xf32, #tpu.memory_space<vmem_shared>>
      tpu.wait_indirect_dma semaphore(%run_scoped3A : memref<!tpu.dma_semaphore, #tpu.memory_space<semaphore_mem>>) src(%arg26 : memref<80x128xf32, #tpu.memory_space<vmem>>) dst(%dma_wait3A_763 : memref<256x128xf32, #tpu.memory_space<vmem_shared>>)
      tpu.yield
    }) : () -> ()
    %add3A_639 = arith.constant 320 : i32
    %add3A_640 = arith.addi %mul3A_372, %add3A_639 : i32
    %multiple_of3A_641 = tpu.assume_multiple %add3A_640, 8 : i32
    %multiple_of3A_642 = arith.constant 320 : i32
    %multiple_of3A_643 = tpu.assume_multiple %multiple_of3A_642, 16 : i32
    %add3A_644 = arith.constant 0 : i32
    %add3A_645 = arith.addi %multiple_of3A_643, %add3A_644 : i32
    %get3A_646 = arith.index_cast %add3A_645 : i32 to index
    %get3A_647 = tpu.vector_load %arg18[%get3A_646] {strides = array<i32>} : memref<10000xi32, #tpu.memory_space<vmem>>, vector<16xi32>,
    %get3A_648 = vector.shape_cast %get3A_647 : vector<16xi32> to vector<16xi32>
    %swap3A_649 = arith.constant 0 : index
    %swap3A_650 = tpu.vector_load %arg20[%swap3A_649] {strides = array<i32>} : memref<80xi32, #tpu.memory_space<vmem>>, vector<16xi32>,
    %swap3A_651 = vector.shape_cast %swap3A_650 : vector<16xi32> to vector<16xi32>
    %swap3A_652 = vector.shape_cast %get3A_648 : vector<16xi32> to vector<16xi32>
    tpu.vector_store %arg20[%swap3A_649], %swap3A_652 {strides = array<i32>} : memref<80xi32, #tpu.memory_space<vmem>>, vector<16xi32>,
    %multiple_of3A_653 = arith.constant 320 : i32
    %multiple_of3A_654 = tpu.assume_multiple %multiple_of3A_653, 16 : i32
    %add3A_655 = arith.constant 16 : i32
    %add3A_656 = arith.addi %multiple_of3A_654, %add3A_655 : i32
    %get3A_657 = arith.index_cast %add3A_656 : i32 to index
    %get3A_658 = tpu.vector_load %arg18[%get3A_657] {strides = array<i32>} : memref<10000xi32, #tpu.memory_space<vmem>>, vector<16xi32>,
    %get3A_659 = vector.shape_cast %get3A_658 : vector<16xi32> to vector<16xi32>
    %swap3A_660 = arith.constant 16 : index
    %swap3A_661 = tpu.vector_load %arg20[%swap3A_660] {strides = array<i32>} : memref<80xi32, #tpu.memory_space<vmem>>, vector<16xi32>,
    %swap3A_662 = vector.shape_cast %swap3A_661 : vector<16xi32> to vector<16xi32>
    %swap3A_663 = vector.shape_cast %get3A_659 : vector<16xi32> to vector<16xi32>
    tpu.vector_store %arg20[%swap3A_660], %swap3A_663 {strides = array<i32>} : memref<80xi32, #tpu.memory_space<vmem>>, vector<16xi32>,
    %multiple_of3A_664 = arith.constant 320 : i32
    %multiple_of3A_665 = tpu.assume_multiple %multiple_of3A_664, 16 : i32
    %add3A_666 = arith.constant 32 : i32
    %add3A_667 = arith.addi %multiple_of3A_665, %add3A_666 : i32
    %get3A_668 = arith.index_cast %add3A_667 : i32 to index
    %get3A_669 = tpu.vector_load %arg18[%get3A_668] {strides = array<i32>} : memref<10000xi32, #tpu.memory_space<vmem>>, vector<16xi32>,
    %get3A_670 = vector.shape_cast %get3A_669 : vector<16xi32> to vector<16xi32>
    %swap3A_671 = arith.constant 32 : index
    %swap3A_672 = tpu.vector_load %arg20[%swap3A_671] {strides = array<i32>} : memref<80xi32, #tpu.memory_space<vmem>>, vector<16xi32>,
    %swap3A_673 = vector.shape_cast %swap3A_672 : vector<16xi32> to vector<16xi32>
    %swap3A_674 = vector.shape_cast %get3A_670 : vector<16xi32> to vector<16xi32>
    tpu.vector_store %arg20[%swap3A_671], %swap3A_674 {strides = array<i32>} : memref<80xi32, #tpu.memory_space<vmem>>, vector<16xi32>,
    %multiple_of3A_675 = arith.constant 320 : i32
    %multiple_of3A_676 = tpu.assume_multiple %multiple_of3A_675, 16 : i32
    %add3A_677 = arith.constant 48 : i32
    %add3A_678 = arith.addi %multiple_of3A_676, %add3A_677 : i32
    %get3A_679 = arith.index_cast %add3A_678 : i32 to index
    %get3A_680 = tpu.vector_load %arg18[%get3A_679] {strides = array<i32>} : memref<10000xi32, #tpu.memory_space<vmem>>, vector<16xi32>,
    %get3A_681 = vector.shape_cast %get3A_680 : vector<16xi32> to vector<16xi32>
    %swap3A_682 = arith.constant 48 : index
    %swap3A_683 = tpu.vector_load %arg20[%swap3A_682] {strides = array<i32>} : memref<80xi32, #tpu.memory_space<vmem>>, vector<16xi32>,
    %swap3A_684 = vector.shape_cast %swap3A_683 : vector<16xi32> to vector<16xi32>
    %swap3A_685 = vector.shape_cast %get3A_681 : vector<16xi32> to vector<16xi32>
    tpu.vector_store %arg20[%swap3A_682], %swap3A_685 {strides = array<i32>} : memref<80xi32, #tpu.memory_space<vmem>>, vector<16xi32>,
    %multiple_of3A_686 = arith.constant 320 : i32
    %multiple_of3A_687 = tpu.assume_multiple %multiple_of3A_686, 16 : i32
    %add3A_688 = arith.constant 64 : i32
    %add3A_689 = arith.addi %multiple_of3A_687, %add3A_688 : i32
    %get3A_690 = arith.index_cast %add3A_689 : i32 to index
    %get3A_691 = tpu.vector_load %arg18[%get3A_690] {strides = array<i32>} : memref<10000xi32, #tpu.memory_space<vmem>>, vector<16xi32>,
    %get3A_692 = vector.shape_cast %get3A_691 : vector<16xi32> to vector<16xi32>
    %swap3A_693 = arith.constant 64 : index
    %swap3A_694 = tpu.vector_load %arg20[%swap3A_693] {strides = array<i32>} : memref<80xi32, #tpu.memory_space<vmem>>, vector<16xi32>,
    %swap3A_695 = vector.shape_cast %swap3A_694 : vector<16xi32> to vector<16xi32>
    %swap3A_696 = vector.shape_cast %get3A_692 : vector<16xi32> to vector<16xi32>
    tpu.vector_store %arg20[%swap3A_693], %swap3A_696 {strides = array<i32>} : memref<80xi32, #tpu.memory_space<vmem>>, vector<16xi32>,
    %dma_start3A_697 = tpu.memref_slice %arg5[%multiple_of3A_641] : memref<12800xi32, #tpu.memory_space<hbm>> -> memref<80xi32, #tpu.memory_space<hbm>>
    %dma_start3A_698 = tpu.memref_slice %arg5[%multiple_of3A_641] : memref<12800xi32, #tpu.memory_space<hbm>> -> memref<80xi32, #tpu.memory_space<hbm>>
    tpu.enqueue_dma source(%dma_start3A_698 : memref<80xi32, #tpu.memory_space<hbm>>) target(%arg23 : memref<80xi32, #tpu.memory_space<vmem>>) target_semaphore(%arg31 : memref<!tpu.dma_semaphore, #tpu.memory_space<semaphore_mem>>)
    %dma_start3A_699 = arith.constant 0 : i32
    %dma_start3A_700 = arith.constant 0 : i32
    %dma_start3A_701 = tpu.memref_slice %arg2[%dma_start3A_699, %dma_start3A_700] : memref<10000x128xf32, #tpu.memory_space<hbm>> -> memref<10000x128xf32, #tpu.memory_space<hbm>>
    tpu.enqueue_indirect_dma source(%dma_start3A_701 : memref<10000x128xf32, #tpu.memory_space<hbm>>) target(%arg26 : memref<80x128xf32, #tpu.memory_space<vmem>>) offsets(%arg20 : memref<80xi32, #tpu.memory_space<vmem>>) semaphore(%arg31 : memref<!tpu.dma_semaphore, #tpu.memory_space<semaphore_mem>>)
    %dma_wait3A_702 = arith.constant 0 : i32
    %dma_wait3A_703 = arith.constant 0 : i32
    %dma_wait3A_704 = tpu.memref_slice %arg2[%dma_wait3A_702, %dma_wait3A_703] : memref<10000x128xf32, #tpu.memory_space<hbm>> -> memref<10000x128xf32, #tpu.memory_space<hbm>>
    tpu.wait_indirect_dma semaphore(%arg32 : memref<!tpu.dma_semaphore, #tpu.memory_space<semaphore_mem>>) src(%dma_wait3A_704 : memref<10000x128xf32, #tpu.memory_space<hbm>>) dst(%arg27 : memref<80x128xf32, #tpu.memory_space<vmem>>)
    %dma_wait3A_705 = arith.constant 0 : i32
    %dma_wait3A_706 = tpu.memref_slice %arg3[%dma_wait3A_705] : memref<320000xi32, #tpu.memory_space<hbm>> -> memref<80xi32, #tpu.memory_space<hbm>>
    %dma_wait3A_707 = arith.constant 0 : i32
    %dma_wait3A_708 = tpu.memref_slice %arg3[%dma_wait3A_707] : memref<320000xi32, #tpu.memory_space<hbm>> -> memref<80xi32, #tpu.memory_space<hbm>>
    tpu.wait_dma2 semaphore(%arg32 : memref<!tpu.dma_semaphore, #tpu.memory_space<semaphore_mem>>) src(%dma_wait3A_708 : memref<80xi32, #tpu.memory_space<hbm>>) dst(%arg24 : memref<80xi32, #tpu.memory_space<vmem>>)
    "tpu.region"() ({
      %run_scoped3A = tpu.sem_alloc : memref<!tpu.dma_semaphore, #tpu.memory_space<semaphore_mem>>
      %dma_start3A_758 = arith.constant 0 : i32
      %dma_start3A_759 = arith.constant 0 : i32
      %dma_start3A_760 = tpu.memref_slice %arg16[%dma_start3A_758, %dma_start3A_759] : memref<256x128xf32, #tpu.memory_space<vmem_shared>> -> memref<256x128xf32, #tpu.memory_space<vmem_shared>>
      tpu.enqueue_indirect_dma source(%arg27 : memref<80x128xf32, #tpu.memory_space<vmem>>) target(%dma_start3A_760 : memref<256x128xf32, #tpu.memory_space<vmem_shared>>) offsets(%arg24 : memref<80xi32, #tpu.memory_space<vmem>>) semaphore(%run_scoped3A : memref<!tpu.dma_semaphore, #tpu.memory_space<semaphore_mem>>) {add = true}
      %dma_wait3A_761 = arith.constant 0 : i32
      %dma_wait3A_762 = arith.constant 0 : i32
      %dma_wait3A_763 = tpu.memref_slice %arg16[%dma_wait3A_761, %dma_wait3A_762] : memref<256x128xf32, #tpu.memory_space<vmem_shared>> -> memref<256x128xf32, #tpu.memory_space<vmem_shared>>
      tpu.wait_indirect_dma semaphore(%run_scoped3A : memref<!tpu.dma_semaphore, #tpu.memory_space<semaphore_mem>>) src(%arg27 : memref<80x128xf32, #tpu.memory_space<vmem>>) dst(%dma_wait3A_763 : memref<256x128xf32, #tpu.memory_space<vmem_shared>>)
      tpu.yield
    }) : () -> ()
    %dma_wait3A_709 = arith.constant 0 : i32
    %dma_wait3A_710 = arith.constant 0 : i32
    %dma_wait3A_711 = tpu.memref_slice %arg2[%dma_wait3A_709, %dma_wait3A_710] : memref<10000x128xf32, #tpu.memory_space<hbm>> -> memref<10000x128xf32, #tpu.memory_space<hbm>>
    tpu.wait_indirect_dma semaphore(%arg30 : memref<!tpu.dma_semaphore, #tpu.memory_space<semaphore_mem>>) src(%dma_wait3A_711 : memref<10000x128xf32, #tpu.memory_space<hbm>>) dst(%arg25 : memref<80x128xf32, #tpu.memory_space<vmem>>)
    %dma_wait3A_712 = arith.constant 0 : i32
    %dma_wait3A_713 = tpu.memref_slice %arg3[%dma_wait3A_712] : memref<320000xi32, #tpu.memory_space<hbm>> -> memref<80xi32, #tpu.memory_space<hbm>>
    %dma_wait3A_714 = arith.constant 0 : i32
    %dma_wait3A_715 = tpu.memref_slice %arg3[%dma_wait3A_714] : memref<320000xi32, #tpu.memory_space<hbm>> -> memref<80xi32, #tpu.memory_space<hbm>>
    tpu.wait_dma2 semaphore(%arg30 : memref<!tpu.dma_semaphore, #tpu.memory_space<semaphore_mem>>) src(%dma_wait3A_715 : memref<80xi32, #tpu.memory_space<hbm>>) dst(%arg22 : memref<80xi32, #tpu.memory_space<vmem>>)
    "tpu.region"() ({
      %run_scoped3A = tpu.sem_alloc : memref<!tpu.dma_semaphore, #tpu.memory_space<semaphore_mem>>
      %dma_start3A_758 = arith.constant 0 : i32
      %dma_start3A_759 = arith.constant 0 : i32
      %dma_start3A_760 = tpu.memref_slice %arg16[%dma_start3A_758, %dma_start3A_759] : memref<256x128xf32, #tpu.memory_space<vmem_shared>> -> memref<256x128xf32, #tpu.memory_space<vmem_shared>>
      tpu.enqueue_indirect_dma source(%arg25 : memref<80x128xf32, #tpu.memory_space<vmem>>) target(%dma_start3A_760 : memref<256x128xf32, #tpu.memory_space<vmem_shared>>) offsets(%arg22 : memref<80xi32, #tpu.memory_space<vmem>>) semaphore(%run_scoped3A : memref<!tpu.dma_semaphore, #tpu.memory_space<semaphore_mem>>) {add = true}
      %dma_wait3A_761 = arith.constant 0 : i32
      %dma_wait3A_762 = arith.constant 0 : i32
      %dma_wait3A_763 = tpu.memref_slice %arg16[%dma_wait3A_761, %dma_wait3A_762] : memref<256x128xf32, #tpu.memory_space<vmem_shared>> -> memref<256x128xf32, #tpu.memory_space<vmem_shared>>
      tpu.wait_indirect_dma semaphore(%run_scoped3A : memref<!tpu.dma_semaphore, #tpu.memory_space<semaphore_mem>>) src(%arg25 : memref<80x128xf32, #tpu.memory_space<vmem>>) dst(%dma_wait3A_763 : memref<256x128xf32, #tpu.memory_space<vmem_shared>>)
      tpu.yield
    }) : () -> ()
    %dma_wait3A_716 = arith.constant 0 : i32
    %dma_wait3A_717 = arith.constant 0 : i32
    %dma_wait3A_718 = tpu.memref_slice %arg2[%dma_wait3A_716, %dma_wait3A_717] : memref<10000x128xf32, #tpu.memory_space<hbm>> -> memref<10000x128xf32, #tpu.memory_space<hbm>>
    tpu.wait_indirect_dma semaphore(%arg31 : memref<!tpu.dma_semaphore, #tpu.memory_space<semaphore_mem>>) src(%dma_wait3A_718 : memref<10000x128xf32, #tpu.memory_space<hbm>>) dst(%arg26 : memref<80x128xf32, #tpu.memory_space<vmem>>)
    %dma_wait3A_719 = arith.constant 0 : i32
    %dma_wait3A_720 = tpu.memref_slice %arg3[%dma_wait3A_719] : memref<320000xi32, #tpu.memory_space<hbm>> -> memref<80xi32, #tpu.memory_space<hbm>>
    %dma_wait3A_721 = arith.constant 0 : i32
    %dma_wait3A_722 = tpu.memref_slice %arg3[%dma_wait3A_721] : memref<320000xi32, #tpu.memory_space<hbm>> -> memref<80xi32, #tpu.memory_space<hbm>>
    tpu.wait_dma2 semaphore(%arg31 : memref<!tpu.dma_semaphore, #tpu.memory_space<semaphore_mem>>) src(%dma_wait3A_722 : memref<80xi32, #tpu.memory_space<hbm>>) dst(%arg23 : memref<80xi32, #tpu.memory_space<vmem>>)
    "tpu.region"() ({
      %run_scoped3A = tpu.sem_alloc : memref<!tpu.dma_semaphore, #tpu.memory_space<semaphore_mem>>
      %dma_start3A_758 = arith.constant 0 : i32
      %dma_start3A_759 = arith.constant 0 : i32
      %dma_start3A_760 = tpu.memref_slice %arg16[%dma_start3A_758, %dma_start3A_759] : memref<256x128xf32, #tpu.memory_space<vmem_shared>> -> memref<256x128xf32, #tpu.memory_space<vmem_shared>>
      tpu.enqueue_indirect_dma source(%arg26 : memref<80x128xf32, #tpu.memory_space<vmem>>) target(%dma_start3A_760 : memref<256x128xf32, #tpu.memory_space<vmem_shared>>) offsets(%arg23 : memref<80xi32, #tpu.memory_space<vmem>>) semaphore(%run_scoped3A : memref<!tpu.dma_semaphore, #tpu.memory_space<semaphore_mem>>) {add = true}
      %dma_wait3A_761 = arith.constant 0 : i32
      %dma_wait3A_762 = arith.constant 0 : i32
      %dma_wait3A_763 = tpu.memref_slice %arg16[%dma_wait3A_761, %dma_wait3A_762] : memref<256x128xf32, #tpu.memory_space<vmem_shared>> -> memref<256x128xf32, #tpu.memory_space<vmem_shared>>
      tpu.wait_indirect_dma semaphore(%run_scoped3A : memref<!tpu.dma_semaphore, #tpu.memory_space<semaphore_mem>>) src(%arg26 : memref<80x128xf32, #tpu.memory_space<vmem>>) dst(%dma_wait3A_763 : memref<256x128xf32, #tpu.memory_space<vmem_shared>>)
      tpu.yield
    }) : () -> ()
    %mul3A_723 = arith.constant 8 : i32
    %mul3A_724 = arith.muli %add3A, %mul3A_723 : i32
    "tpu.region"() ({
      %run_scoped3A = tpu.sem_alloc : memref<!tpu.dma_semaphore, #tpu.memory_space<semaphore_mem>>
      %dma_start3A_758 = tpu.memref_slice %arg7[%mul3A_724] : memref<256xi32, #tpu.memory_space<hbm>> -> memref<8xi32, #tpu.memory_space<hbm>>
      %dma_start3A_759 = tpu.memref_slice %arg7[%mul3A_724] : memref<256xi32, #tpu.memory_space<hbm>> -> memref<8xi32, #tpu.memory_space<hbm>>
      tpu.enqueue_dma source(%dma_start3A_759 : memref<8xi32, #tpu.memory_space<hbm>>) target(%arg28 : memref<8xi32, #tpu.memory_space<vmem>>) target_semaphore(%run_scoped3A : memref<!tpu.dma_semaphore, #tpu.memory_space<semaphore_mem>>)
      %dma_wait3A_760 = tpu.memref_slice %arg7[%mul3A_724] : memref<256xi32, #tpu.memory_space<hbm>> -> memref<8xi32, #tpu.memory_space<hbm>>
      %dma_wait3A_761 = tpu.memref_slice %arg7[%mul3A_724] : memref<256xi32, #tpu.memory_space<hbm>> -> memref<8xi32, #tpu.memory_space<hbm>>
      tpu.wait_dma2 semaphore(%run_scoped3A : memref<!tpu.dma_semaphore, #tpu.memory_space<semaphore_mem>>) src(%dma_wait3A_761 : memref<8xi32, #tpu.memory_space<hbm>>) dst(%arg28 : memref<8xi32, #tpu.memory_space<vmem>>)
      tpu.yield
    }) : () -> ()
    %dma_start3A_725 = arith.constant 0 : i32
    %dma_start3A_726 = arith.constant 0 : i32
    %dma_start3A_727 = tpu.memref_slice %arg26[%dma_start3A_725, %dma_start3A_726] : memref<80x128xf32, #tpu.memory_space<vmem>> -> memref<8x128xf32, #tpu.memory_space<vmem>>
    %dma_start3A_728 = arith.constant 0 : i32
    %dma_start3A_729 = arith.constant 0 : i32
    %dma_start3A_730 = tpu.memref_slice %arg2[%dma_start3A_728, %dma_start3A_729] : memref<10000x128xf32, #tpu.memory_space<hbm>> -> memref<10000x128xf32, #tpu.memory_space<hbm>>
    tpu.enqueue_indirect_dma source(%dma_start3A_730 : memref<10000x128xf32, #tpu.memory_space<hbm>>) target(%dma_start3A_727 : memref<8x128xf32, #tpu.memory_space<vmem>>) offsets(%arg28 : memref<8xi32, #tpu.memory_space<vmem>>) semaphore(%arg33 : memref<!tpu.dma_semaphore, #tpu.memory_space<semaphore_mem>>)
    %dma_wait3A_731 = arith.constant 0 : i32
    %dma_wait3A_732 = arith.constant 0 : i32
    %dma_wait3A_733 = tpu.memref_slice %arg26[%dma_wait3A_731, %dma_wait3A_732] : memref<80x128xf32, #tpu.memory_space<vmem>> -> memref<8x128xf32, #tpu.memory_space<vmem>>
    %dma_wait3A_734 = arith.constant 0 : i32
    %dma_wait3A_735 = arith.constant 0 : i32
    %dma_wait3A_736 = tpu.memref_slice %arg2[%dma_wait3A_734, %dma_wait3A_735] : memref<10000x128xf32, #tpu.memory_space<hbm>> -> memref<10000x128xf32, #tpu.memory_space<hbm>>
    tpu.wait_indirect_dma semaphore(%arg33 : memref<!tpu.dma_semaphore, #tpu.memory_space<semaphore_mem>>) src(%dma_wait3A_736 : memref<10000x128xf32, #tpu.memory_space<hbm>>) dst(%dma_wait3A_733 : memref<8x128xf32, #tpu.memory_space<vmem>>)
    "tpu.region"() ({
      %run_scoped3A = tpu.sem_alloc : memref<!tpu.dma_semaphore, #tpu.memory_space<semaphore_mem>>
      %dma_start3A_758 = arith.constant 0 : i32
      %dma_start3A_759 = arith.constant 0 : i32
      %dma_start3A_760 = tpu.memref_slice %arg26[%dma_start3A_758, %dma_start3A_759] : memref<80x128xf32, #tpu.memory_space<vmem>> -> memref<8x128xf32, #tpu.memory_space<vmem>>
      %dma_start3A_761 = arith.constant 0 : i32
      %dma_start3A_762 = tpu.memref_slice %arg12[%mul3A_724, %dma_start3A_761] : memref<256x128xf32, #tpu.memory_space<hbm>> -> memref<8x128xf32, #tpu.memory_space<hbm>>
      %dma_start3A_763 = arith.constant 0 : i32
      %dma_start3A_764 = tpu.memref_slice %arg12[%mul3A_724, %dma_start3A_763] : memref<256x128xf32, #tpu.memory_space<hbm>> -> memref<8x128xf32, #tpu.memory_space<hbm>>
      %dma_start3A_765 = arith.constant 0 : i32
      %dma_start3A_766 = arith.constant 0 : i32
      %dma_start3A_767 = tpu.memref_slice %arg26[%dma_start3A_765, %dma_start3A_766] : memref<80x128xf32, #tpu.memory_space<vmem>> -> memref<8x128xf32, #tpu.memory_space<vmem>>
      tpu.enqueue_dma source(%dma_start3A_767 : memref<8x128xf32, #tpu.memory_space<vmem>>) target(%dma_start3A_764 : memref<8x128xf32, #tpu.memory_space<hbm>>) target_semaphore(%run_scoped3A : memref<!tpu.dma_semaphore, #tpu.memory_space<semaphore_mem>>)
      %dma_wait3A_768 = arith.constant 0 : i32
      %dma_wait3A_769 = arith.constant 0 : i32
      %dma_wait3A_770 = tpu.memref_slice %arg26[%dma_wait3A_768, %dma_wait3A_769] : memref<80x128xf32, #tpu.memory_space<vmem>> -> memref<8x128xf32, #tpu.memory_space<vmem>>
      %dma_wait3A_771 = arith.constant 0 : i32
      %dma_wait3A_772 = tpu.memref_slice %arg12[%mul3A_724, %dma_wait3A_771] : memref<256x128xf32, #tpu.memory_space<hbm>> -> memref<8x128xf32, #tpu.memory_space<hbm>>
      %dma_wait3A_773 = arith.constant 0 : i32
      %dma_wait3A_774 = tpu.memref_slice %arg12[%mul3A_724, %dma_wait3A_773] : memref<256x128xf32, #tpu.memory_space<hbm>> -> memref<8x128xf32, #tpu.memory_space<hbm>>
      %dma_wait3A_775 = arith.constant 0 : i32
      %dma_wait3A_776 = arith.constant 0 : i32
      %dma_wait3A_777 = tpu.memref_slice %arg26[%dma_wait3A_775, %dma_wait3A_776] : memref<80x128xf32, #tpu.memory_space<vmem>> -> memref<8x128xf32, #tpu.memory_space<vmem>>
      tpu.wait_dma2 semaphore(%run_scoped3A : memref<!tpu.dma_semaphore, #tpu.memory_space<semaphore_mem>>) src(%dma_wait3A_777 : memref<8x128xf32, #tpu.memory_space<vmem>>) dst(%dma_wait3A_774 : memref<8x128xf32, #tpu.memory_space<hbm>>)
      tpu.yield
    }) : () -> ()
    %barrier3A_737 = arith.constant 0 : index
    tpu.barrier barrier_id(%barrier3A_737)
    %eq3A = arith.constant 0 : i32
    %eq3A_738 = arith.cmpi eq, %arg0, %eq3A : i32
    %convert_element_type3A = arith.extui %eq3A_738 : i1 to i32
    %cond3A = arith.constant 0 : i32
    %cond3A_739 = arith.cmpi ne, %convert_element_type3A, %cond3A : i32
    scf.if %cond3A_739 {
      %mul3A_758 = arith.constant 640 : i32
      %mul3A_759 = arith.muli %arg1, %mul3A_758 : i32
      %mul3A_760 = arith.constant 640 : i32
      %mul3A_761 = arith.muli %arg1, %mul3A_760 : i32
      "tpu.region"() ({
        %run_scoped3A = tpu.sem_alloc : memref<!tpu.dma_semaphore, #tpu.memory_space<semaphore_mem>>
        %dma_start3A_766 = arith.constant 0 : i32
        %dma_start3A_767 = tpu.memref_slice %arg8[%mul3A_761, %dma_start3A_766] : memref<10240x128xf32, #tpu.memory_space<hbm>> -> memref<640x128xf32, #tpu.memory_space<hbm>>
        %dma_start3A_768 = arith.constant 0 : i32
        %dma_start3A_769 = tpu.memref_slice %arg15[%mul3A_759, %dma_start3A_768] : memref<10240x128xf32, #tpu.memory_space<vmem_shared>> -> memref<640x128xf32, #tpu.memory_space<vmem_shared>>
        tpu.enqueue_dma source(%dma_start3A_769 : memref<640x128xf32, #tpu.memory_space<vmem_shared>>) target(%dma_start3A_767 : memref<640x128xf32, #tpu.memory_space<hbm>>) target_semaphore(%run_scoped3A : memref<!tpu.dma_semaphore, #tpu.memory_space<semaphore_mem>>)
        %dma_wait3A_770 = arith.constant 0 : i32
        %dma_wait3A_771 = tpu.memref_slice %arg8[%mul3A_761, %dma_wait3A_770] : memref<10240x128xf32, #tpu.memory_space<hbm>> -> memref<640x128xf32, #tpu.memory_space<hbm>>
        %dma_wait3A_772 = arith.constant 0 : i32
        %dma_wait3A_773 = tpu.memref_slice %arg15[%mul3A_759, %dma_wait3A_772] : memref<10240x128xf32, #tpu.memory_space<vmem_shared>> -> memref<640x128xf32, #tpu.memory_space<vmem_shared>>
        tpu.wait_dma2 semaphore(%run_scoped3A : memref<!tpu.dma_semaphore, #tpu.memory_space<semaphore_mem>>) src(%dma_wait3A_773 : memref<640x128xf32, #tpu.memory_space<vmem_shared>>) dst(%dma_wait3A_771 : memref<640x128xf32, #tpu.memory_space<hbm>>)
        tpu.yield
      }) : () -> ()
      %mul3A_762 = arith.constant 16 : i32
      %mul3A_763 = arith.muli %arg1, %mul3A_762 : i32
      %mul3A_764 = arith.constant 16 : i32
      %mul3A_765 = arith.muli %arg1, %mul3A_764 : i32
      "tpu.region"() ({
        %run_scoped3A = tpu.sem_alloc : memref<!tpu.dma_semaphore, #tpu.memory_space<semaphore_mem>>
        %dma_start3A_766 = arith.constant 0 : i32
        %dma_start3A_767 = tpu.memref_slice %arg10[%mul3A_765, %dma_start3A_766] : memref<256x128xf32, #tpu.memory_space<hbm>> -> memref<16x128xf32, #tpu.memory_space<hbm>>
        %dma_start3A_768 = arith.constant 0 : i32
        %dma_start3A_769 = tpu.memref_slice %arg16[%mul3A_763, %dma_start3A_768] : memref<256x128xf32, #tpu.memory_space<vmem_shared>> -> memref<16x128xf32, #tpu.memory_space<vmem_shared>>
        tpu.enqueue_dma source(%dma_start3A_769 : memref<16x128xf32, #tpu.memory_space<vmem_shared>>) target(%dma_start3A_767 : memref<16x128xf32, #tpu.memory_space<hbm>>) target_semaphore(%run_scoped3A : memref<!tpu.dma_semaphore, #tpu.memory_space<semaphore_mem>>)
        %dma_wait3A_770 = arith.constant 0 : i32
        %dma_wait3A_771 = tpu.memref_slice %arg10[%mul3A_765, %dma_wait3A_770] : memref<256x128xf32, #tpu.memory_space<hbm>> -> memref<16x128xf32, #tpu.memory_space<hbm>>
        %dma_wait3A_772 = arith.constant 0 : i32
        %dma_wait3A_773 = tpu.memref_slice %arg16[%mul3A_763, %dma_wait3A_772] : memref<256x128xf32, #tpu.memory_space<vmem_shared>> -> memref<16x128xf32, #tpu.memory_space<vmem_shared>>
        tpu.wait_dma2 semaphore(%run_scoped3A : memref<!tpu.dma_semaphore, #tpu.memory_space<semaphore_mem>>) src(%dma_wait3A_773 : memref<16x128xf32, #tpu.memory_space<vmem_shared>>) dst(%dma_wait3A_771 : memref<16x128xf32, #tpu.memory_space<hbm>>)
        tpu.yield
      }) : () -> ()
    } else {
    }
    %eq3A_740 = arith.constant 1 : i32
    %eq3A_741 = arith.cmpi eq, %arg0, %eq3A_740 : i32
    %convert_element_type3A_742 = arith.extui %eq3A_741 : i1 to i32
    %cond3A_743 = arith.constant 0 : i32
    %cond3A_744 = arith.cmpi ne, %convert_element_type3A_742, %cond3A_743 : i32
    scf.if %cond3A_744 {
      %mul3A_758 = arith.constant 640 : i32
      %mul3A_759 = arith.muli %arg1, %mul3A_758 : i32
      %mul3A_760 = arith.constant 640 : i32
      %mul3A_761 = arith.muli %arg1, %mul3A_760 : i32
      "tpu.region"() ({
        %run_scoped3A = tpu.sem_alloc : memref<!tpu.dma_semaphore, #tpu.memory_space<semaphore_mem>>
        %dma_start3A_766 = arith.constant 0 : i32
        %dma_start3A_767 = tpu.memref_slice %arg9[%mul3A_761, %dma_start3A_766] : memref<10240x128xf32, #tpu.memory_space<hbm>> -> memref<640x128xf32, #tpu.memory_space<hbm>>
        %dma_start3A_768 = arith.constant 0 : i32
        %dma_start3A_769 = tpu.memref_slice %arg15[%mul3A_759, %dma_start3A_768] : memref<10240x128xf32, #tpu.memory_space<vmem_shared>> -> memref<640x128xf32, #tpu.memory_space<vmem_shared>>
        tpu.enqueue_dma source(%dma_start3A_769 : memref<640x128xf32, #tpu.memory_space<vmem_shared>>) target(%dma_start3A_767 : memref<640x128xf32, #tpu.memory_space<hbm>>) target_semaphore(%run_scoped3A : memref<!tpu.dma_semaphore, #tpu.memory_space<semaphore_mem>>)
        %dma_wait3A_770 = arith.constant 0 : i32
        %dma_wait3A_771 = tpu.memref_slice %arg9[%mul3A_761, %dma_wait3A_770] : memref<10240x128xf32, #tpu.memory_space<hbm>> -> memref<640x128xf32, #tpu.memory_space<hbm>>
        %dma_wait3A_772 = arith.constant 0 : i32
        %dma_wait3A_773 = tpu.memref_slice %arg15[%mul3A_759, %dma_wait3A_772] : memref<10240x128xf32, #tpu.memory_space<vmem_shared>> -> memref<640x128xf32, #tpu.memory_space<vmem_shared>>
        tpu.wait_dma2 semaphore(%run_scoped3A : memref<!tpu.dma_semaphore, #tpu.memory_space<semaphore_mem>>) src(%dma_wait3A_773 : memref<640x128xf32, #tpu.memory_space<vmem_shared>>) dst(%dma_wait3A_771 : memref<640x128xf32, #tpu.memory_space<hbm>>)
        tpu.yield
      }) : () -> ()
      %mul3A_762 = arith.constant 16 : i32
      %mul3A_763 = arith.muli %arg1, %mul3A_762 : i32
      %mul3A_764 = arith.constant 16 : i32
      %mul3A_765 = arith.muli %arg1, %mul3A_764 : i32
      "tpu.region"() ({
        %run_scoped3A = tpu.sem_alloc : memref<!tpu.dma_semaphore, #tpu.memory_space<semaphore_mem>>
        %dma_start3A_766 = arith.constant 0 : i32
        %dma_start3A_767 = tpu.memref_slice %arg11[%mul3A_765, %dma_start3A_766] : memref<256x128xf32, #tpu.memory_space<hbm>> -> memref<16x128xf32, #tpu.memory_space<hbm>>
        %dma_start3A_768 = arith.constant 0 : i32
        %dma_start3A_769 = tpu.memref_slice %arg16[%mul3A_763, %dma_start3A_768] : memref<256x128xf32, #tpu.memory_space<vmem_shared>> -> memref<16x128xf32, #tpu.memory_space<vmem_shared>>
        tpu.enqueue_dma source(%dma_start3A_769 : memref<16x128xf32, #tpu.memory_space<vmem_shared>>) target(%dma_start3A_767 : memref<16x128xf32, #tpu.memory_space<hbm>>) target_semaphore(%run_scoped3A : memref<!tpu.dma_semaphore, #tpu.memory_space<semaphore_mem>>)
        %dma_wait3A_770 = arith.constant 0 : i32
        %dma_wait3A_771 = tpu.memref_slice %arg11[%mul3A_765, %dma_wait3A_770] : memref<256x128xf32, #tpu.memory_space<hbm>> -> memref<16x128xf32, #tpu.memory_space<hbm>>
        %dma_wait3A_772 = arith.constant 0 : i32
        %dma_wait3A_773 = tpu.memref_slice %arg16[%mul3A_763, %dma_wait3A_772] : memref<256x128xf32, #tpu.memory_space<vmem_shared>> -> memref<16x128xf32, #tpu.memory_space<vmem_shared>>
        tpu.wait_dma2 semaphore(%run_scoped3A : memref<!tpu.dma_semaphore, #tpu.memory_space<semaphore_mem>>) src(%dma_wait3A_773 : memref<16x128xf32, #tpu.memory_space<vmem_shared>>) dst(%dma_wait3A_771 : memref<16x128xf32, #tpu.memory_space<hbm>>)
        tpu.yield
      }) : () -> ()
    } else {
    }
    %barrier3A_745 = arith.constant 0 : index
    tpu.barrier barrier_id(%barrier3A_745)
    %mul3A_746 = arith.constant 16 : i32
    %mul3A_747 = arith.muli %arg1, %mul3A_746 : i32
    "tpu.region"() ({
      %run_scoped3A = tpu.sem_alloc : memref<!tpu.dma_semaphore, #tpu.memory_space<semaphore_mem>>
      %dma_start3A_758 = tpu.memref_slice %arg7[%mul3A_747] : memref<256xi32, #tpu.memory_space<hbm>> -> memref<16xi32, #tpu.memory_space<hbm>>
      %dma_start3A_759 = tpu.memref_slice %arg7[%mul3A_747] : memref<256xi32, #tpu.memory_space<hbm>> -> memref<16xi32, #tpu.memory_space<hbm>>
      tpu.enqueue_dma source(%dma_start3A_759 : memref<16xi32, #tpu.memory_space<hbm>>) target(%arg29 : memref<16xi32, #tpu.memory_space<vmem>>) target_semaphore(%run_scoped3A : memref<!tpu.dma_semaphore, #tpu.memory_space<semaphore_mem>>)
      %dma_wait3A_760 = tpu.memref_slice %arg7[%mul3A_747] : memref<256xi32, #tpu.memory_space<hbm>> -> memref<16xi32, #tpu.memory_space<hbm>>
      %dma_wait3A_761 = tpu.memref_slice %arg7[%mul3A_747] : memref<256xi32, #tpu.memory_space<hbm>> -> memref<16xi32, #tpu.memory_space<hbm>>
      tpu.wait_dma2 semaphore(%run_scoped3A : memref<!tpu.dma_semaphore, #tpu.memory_space<semaphore_mem>>) src(%dma_wait3A_761 : memref<16xi32, #tpu.memory_space<hbm>>) dst(%arg29 : memref<16xi32, #tpu.memory_space<vmem>>)
      tpu.yield
    }) : () -> ()
    %eq3A_748 = arith.constant 0 : i32
    %eq3A_749 = arith.cmpi eq, %arg0, %eq3A_748 : i32
    %convert_element_type3A_750 = arith.extui %eq3A_749 : i1 to i32
    %cond3A_751 = arith.constant 0 : i32
    %cond3A_752 = arith.cmpi ne, %convert_element_type3A_750, %cond3A_751 : i32
    scf.if %cond3A_752 {
      %dma_start3A_758 = arith.constant 0 : i32
      %dma_start3A_759 = arith.constant 0 : i32
      %dma_start3A_760 = tpu.memref_slice %arg27[%dma_start3A_758, %dma_start3A_759] : memref<80x128xf32, #tpu.memory_space<vmem>> -> memref<16x128xf32, #tpu.memory_space<vmem>>
      %dma_start3A_761 = arith.constant 0 : i32
      %dma_start3A_762 = arith.constant 0 : i32
      %dma_start3A_763 = tpu.memref_slice %arg8[%dma_start3A_761, %dma_start3A_762] : memref<10240x128xf32, #tpu.memory_space<hbm>> -> memref<10240x128xf32, #tpu.memory_space<hbm>>
      tpu.enqueue_indirect_dma source(%dma_start3A_763 : memref<10240x128xf32, #tpu.memory_space<hbm>>) target(%dma_start3A_760 : memref<16x128xf32, #tpu.memory_space<vmem>>) offsets(%arg29 : memref<16xi32, #tpu.memory_space<vmem>>) semaphore(%arg33 : memref<!tpu.dma_semaphore, #tpu.memory_space<semaphore_mem>>)
      %dma_wait3A_764 = arith.constant 0 : i32
      %dma_wait3A_765 = arith.constant 0 : i32
      %dma_wait3A_766 = tpu.memref_slice %arg27[%dma_wait3A_764, %dma_wait3A_765] : memref<80x128xf32, #tpu.memory_space<vmem>> -> memref<16x128xf32, #tpu.memory_space<vmem>>
      %dma_wait3A_767 = arith.constant 0 : i32
      %dma_wait3A_768 = arith.constant 0 : i32
      %dma_wait3A_769 = tpu.memref_slice %arg8[%dma_wait3A_767, %dma_wait3A_768] : memref<10240x128xf32, #tpu.memory_space<hbm>> -> memref<10240x128xf32, #tpu.memory_space<hbm>>
      tpu.wait_indirect_dma semaphore(%arg33 : memref<!tpu.dma_semaphore, #tpu.memory_space<semaphore_mem>>) src(%dma_wait3A_769 : memref<10240x128xf32, #tpu.memory_space<hbm>>) dst(%dma_wait3A_766 : memref<16x128xf32, #tpu.memory_space<vmem>>)
      "tpu.region"() ({
        %run_scoped3A = tpu.sem_alloc : memref<!tpu.dma_semaphore, #tpu.memory_space<semaphore_mem>>
        %dma_start3A_770 = arith.constant 0 : i32
        %dma_start3A_771 = arith.constant 0 : i32
        %dma_start3A_772 = tpu.memref_slice %arg27[%dma_start3A_770, %dma_start3A_771] : memref<80x128xf32, #tpu.memory_space<vmem>> -> memref<16x128xf32, #tpu.memory_space<vmem>>
        %dma_start3A_773 = arith.constant 0 : i32
        %dma_start3A_774 = tpu.memref_slice %arg13[%mul3A_747, %dma_start3A_773] : memref<256x128xf32, #tpu.memory_space<hbm>> -> memref<16x128xf32, #tpu.memory_space<hbm>>
        %dma_start3A_775 = arith.constant 0 : i32
        %dma_start3A_776 = tpu.memref_slice %arg13[%mul3A_747, %dma_start3A_775] : memref<256x128xf32, #tpu.memory_space<hbm>> -> memref<16x128xf32, #tpu.memory_space<hbm>>
        %dma_start3A_777 = arith.constant 0 : i32
        %dma_start3A_778 = arith.constant 0 : i32
        %dma_start3A_779 = tpu.memref_slice %arg27[%dma_start3A_777, %dma_start3A_778] : memref<80x128xf32, #tpu.memory_space<vmem>> -> memref<16x128xf32, #tpu.memory_space<vmem>>
        tpu.enqueue_dma source(%dma_start3A_779 : memref<16x128xf32, #tpu.memory_space<vmem>>) target(%dma_start3A_776 : memref<16x128xf32, #tpu.memory_space<hbm>>) target_semaphore(%run_scoped3A : memref<!tpu.dma_semaphore, #tpu.memory_space<semaphore_mem>>)
        %dma_wait3A_780 = arith.constant 0 : i32
        %dma_wait3A_781 = arith.constant 0 : i32
        %dma_wait3A_782 = tpu.memref_slice %arg27[%dma_wait3A_780, %dma_wait3A_781] : memref<80x128xf32, #tpu.memory_space<vmem>> -> memref<16x128xf32, #tpu.memory_space<vmem>>
        %dma_wait3A_783 = arith.constant 0 : i32
        %dma_wait3A_784 = tpu.memref_slice %arg13[%mul3A_747, %dma_wait3A_783] : memref<256x128xf32, #tpu.memory_space<hbm>> -> memref<16x128xf32, #tpu.memory_space<hbm>>
        %dma_wait3A_785 = arith.constant 0 : i32
        %dma_wait3A_786 = tpu.memref_slice %arg13[%mul3A_747, %dma_wait3A_785] : memref<256x128xf32, #tpu.memory_space<hbm>> -> memref<16x128xf32, #tpu.memory_space<hbm>>
        %dma_wait3A_787 = arith.constant 0 : i32
        %dma_wait3A_788 = arith.constant 0 : i32
        %dma_wait3A_789 = tpu.memref_slice %arg27[%dma_wait3A_787, %dma_wait3A_788] : memref<80x128xf32, #tpu.memory_space<vmem>> -> memref<16x128xf32, #tpu.memory_space<vmem>>
        tpu.wait_dma2 semaphore(%run_scoped3A : memref<!tpu.dma_semaphore, #tpu.memory_space<semaphore_mem>>) src(%dma_wait3A_789 : memref<16x128xf32, #tpu.memory_space<vmem>>) dst(%dma_wait3A_786 : memref<16x128xf32, #tpu.memory_space<hbm>>)
        tpu.yield
      }) : () -> ()
    } else {
    }
    %eq3A_753 = arith.constant 1 : i32
    %eq3A_754 = arith.cmpi eq, %arg0, %eq3A_753 : i32
    %convert_element_type3A_755 = arith.extui %eq3A_754 : i1 to i32
    %cond3A_756 = arith.constant 0 : i32
    %cond3A_757 = arith.cmpi ne, %convert_element_type3A_755, %cond3A_756 : i32
    scf.if %cond3A_757 {
      %dma_start3A_758 = arith.constant 0 : i32
      %dma_start3A_759 = arith.constant 0 : i32
      %dma_start3A_760 = tpu.memref_slice %arg27[%dma_start3A_758, %dma_start3A_759] : memref<80x128xf32, #tpu.memory_space<vmem>> -> memref<16x128xf32, #tpu.memory_space<vmem>>
      %dma_start3A_761 = arith.constant 0 : i32
      %dma_start3A_762 = arith.constant 0 : i32
      %dma_start3A_763 = tpu.memref_slice %arg9[%dma_start3A_761, %dma_start3A_762] : memref<10240x128xf32, #tpu.memory_space<hbm>> -> memref<10240x128xf32, #tpu.memory_space<hbm>>
      tpu.enqueue_indirect_dma source(%dma_start3A_763 : memref<10240x128xf32, #tpu.memory_space<hbm>>) target(%dma_start3A_760 : memref<16x128xf32, #tpu.memory_space<vmem>>) offsets(%arg29 : memref<16xi32, #tpu.memory_space<vmem>>) semaphore(%arg33 : memref<!tpu.dma_semaphore, #tpu.memory_space<semaphore_mem>>)
      %dma_wait3A_764 = arith.constant 0 : i32
      %dma_wait3A_765 = arith.constant 0 : i32
      %dma_wait3A_766 = tpu.memref_slice %arg27[%dma_wait3A_764, %dma_wait3A_765] : memref<80x128xf32, #tpu.memory_space<vmem>> -> memref<16x128xf32, #tpu.memory_space<vmem>>
      %dma_wait3A_767 = arith.constant 0 : i32
      %dma_wait3A_768 = arith.constant 0 : i32
      %dma_wait3A_769 = tpu.memref_slice %arg9[%dma_wait3A_767, %dma_wait3A_768] : memref<10240x128xf32, #tpu.memory_space<hbm>> -> memref<10240x128xf32, #tpu.memory_space<hbm>>
      tpu.wait_indirect_dma semaphore(%arg33 : memref<!tpu.dma_semaphore, #tpu.memory_space<semaphore_mem>>) src(%dma_wait3A_769 : memref<10240x128xf32, #tpu.memory_space<hbm>>) dst(%dma_wait3A_766 : memref<16x128xf32, #tpu.memory_space<vmem>>)
      "tpu.region"() ({
        %run_scoped3A = tpu.sem_alloc : memref<!tpu.dma_semaphore, #tpu.memory_space<semaphore_mem>>
        %dma_start3A_770 = arith.constant 0 : i32
        %dma_start3A_771 = arith.constant 0 : i32
        %dma_start3A_772 = tpu.memref_slice %arg27[%dma_start3A_770, %dma_start3A_771] : memref<80x128xf32, #tpu.memory_space<vmem>> -> memref<16x128xf32, #tpu.memory_space<vmem>>
        %dma_start3A_773 = arith.constant 0 : i32
        %dma_start3A_774 = tpu.memref_slice %arg14[%mul3A_747, %dma_start3A_773] : memref<256x128xf32, #tpu.memory_space<hbm>> -> memref<16x128xf32, #tpu.memory_space<hbm>>
        %dma_start3A_775 = arith.constant 0 : i32
        %dma_start3A_776 = tpu.memref_slice %arg14[%mul3A_747, %dma_start3A_775] : memref<256x128xf32, #tpu.memory_space<hbm>> -> memref<16x128xf32, #tpu.memory_space<hbm>>
        %dma_start3A_777 = arith.constant 0 : i32
        %dma_start3A_778 = arith.constant 0 : i32
        %dma_start3A_779 = tpu.memref_slice %arg27[%dma_start3A_777, %dma_start3A_778] : memref<80x128xf32, #tpu.memory_space<vmem>> -> memref<16x128xf32, #tpu.memory_space<vmem>>
        tpu.enqueue_dma source(%dma_start3A_779 : memref<16x128xf32, #tpu.memory_space<vmem>>) target(%dma_start3A_776 : memref<16x128xf32, #tpu.memory_space<hbm>>) target_semaphore(%run_scoped3A : memref<!tpu.dma_semaphore, #tpu.memory_space<semaphore_mem>>)
        %dma_wait3A_780 = arith.constant 0 : i32
        %dma_wait3A_781 = arith.constant 0 : i32
        %dma_wait3A_782 = tpu.memref_slice %arg27[%dma_wait3A_780, %dma_wait3A_781] : memref<80x128xf32, #tpu.memory_space<vmem>> -> memref<16x128xf32, #tpu.memory_space<vmem>>
        %dma_wait3A_783 = arith.constant 0 : i32
        %dma_wait3A_784 = tpu.memref_slice %arg14[%mul3A_747, %dma_wait3A_783] : memref<256x128xf32, #tpu.memory_space<hbm>> -> memref<16x128xf32, #tpu.memory_space<hbm>>
        %dma_wait3A_785 = arith.constant 0 : i32
        %dma_wait3A_786 = tpu.memref_slice %arg14[%mul3A_747, %dma_wait3A_785] : memref<256x128xf32, #tpu.memory_space<hbm>> -> memref<16x128xf32, #tpu.memory_space<hbm>>
        %dma_wait3A_787 = arith.constant 0 : i32
        %dma_wait3A_788 = arith.constant 0 : i32
        %dma_wait3A_789 = tpu.memref_slice %arg27[%dma_wait3A_787, %dma_wait3A_788] : memref<80x128xf32, #tpu.memory_space<vmem>> -> memref<16x128xf32, #tpu.memory_space<vmem>>
        tpu.wait_dma2 semaphore(%run_scoped3A : memref<!tpu.dma_semaphore, #tpu.memory_space<semaphore_mem>>) src(%dma_wait3A_789 : memref<16x128xf32, #tpu.memory_space<vmem>>) dst(%dma_wait3A_786 : memref<16x128xf32, #tpu.memory_space<hbm>>)
        tpu.yield
      }) : () -> ()
    } else {
    }
    return
  }
}

module attributes {stable_mosaic.version = 14 : i64} {
  func.func @_enc_body(%arg0: i32, %arg1: memref<256x128xf32, #tpu.memory_space<vmem>>, %arg2: memref<128x128xf32, #tpu.memory_space<vmem>>, %arg3: memref<256x128xf32, #tpu.memory_space<vmem>>) attributes {dimension_semantics = [#tpu.dimension_semantics<arbitrary>], iteration_bounds = array<i64: 1>, scalar_prefetch = 0 : i64, scratch_operands = 0 : i64, tpu.core_type = #tpu.core_type<tc>, window_params = [{transform_indices = @transform_0, window_bounds = array<i64: 256, 128>}, {pipeline_mode = #tpu.pipeline_mode<synchronous>, transform_indices = @transform_1, window_bounds = array<i64: 128, 128>}, {transform_indices = @transform_2, window_bounds = array<i64: 256, 128>}]} {
    %get3A = arith.constant 0 : index
    %get3A_0 = arith.constant 0 : index
    %get3A_1 = vector.load %arg1[%get3A, %get3A_0] : memref<256x128xf32, #tpu.memory_space<vmem>>, vector<256x128xf32>
    %get3A_2 = arith.constant 0 : index
    %get3A_3 = arith.constant 0 : index
    %get3A_4 = vector.load %arg2[%get3A_2, %get3A_3] : memref<128x128xf32, #tpu.memory_space<vmem>>, vector<128x128xf32>
    %dot_general3A = arith.constant dense<0.000000e+00> : vector<256x128xf32>
    %dot_general3A_5 = tpu.matmul %get3A_1, %get3A_4, %dot_general3A {dimension_numbers = #tpu.dot_dimension_numbers<[1], [0], [0], [1], [0, 0, 1, 1], [], []>, transpose_lhs_hint = false} : vector<256x128xf32>, vector<128x128xf32>, vector<256x128xf32> -> vector<256x128xf32>
    %max3A = arith.constant 0.000000e+00 : f32
    %max3A_6 = vector.broadcast %max3A : f32 to vector<256x128xf32>
    %max3A_7 = arith.maximumf %dot_general3A_5, %max3A_6 : vector<256x128xf32>
    %mul3A = arith.mulf %max3A_7, %max3A_7 : vector<256x128xf32>
    %reduce_sum3A = arith.constant dense<0.000000e+00> : vector<256xf32>
    %reduce_sum3A_8 = vector.multi_reduction <add>, %mul3A, %reduce_sum3A [1] : vector<256x128xf32> to vector<256xf32>
    %broadcast_in_dim3A = vector.shape_cast %reduce_sum3A_8 : vector<256xf32> to vector<256x1xf32>
    %sqrt3A = math.sqrt %broadcast_in_dim3A : vector<256x1xf32>
    %max3A_9 = arith.constant 9.99999996E-13 : f32
    %max3A_10 = vector.broadcast %max3A_9 : f32 to vector<256x1xf32>
    %max3A_11 = arith.maximumf %sqrt3A, %max3A_10 : vector<256x1xf32>
    %div3A = vector.broadcast %max3A_11 : vector<256x1xf32> to vector<256x128xf32>
    %div3A_12 = arith.divf %max3A_7, %div3A : vector<256x128xf32>
    %swap3A = arith.constant 0 : index
    %swap3A_13 = arith.constant 0 : index
    %swap3A_14 = vector.load %arg3[%swap3A, %swap3A_13] : memref<256x128xf32, #tpu.memory_space<vmem>>, vector<256x128xf32>
    tpu.vector_store %arg3[%swap3A, %swap3A_13], %div3A_12 {strides = array<i32>} : memref<256x128xf32, #tpu.memory_space<vmem>>, vector<256x128xf32>,
    return
  }
  func.func @transform_0(%arg0: i32) -> (i32, i32) {
    %c0_i32 = arith.constant 0 : i32
    %c0_i32_0 = arith.constant 0 : i32
    return %arg0, %c0_i32 : i32, i32
  }
  func.func @transform_1(%arg0: i32) -> (i32, i32) {
    %c0_i32 = arith.constant 0 : i32
    %c0_i32_0 = arith.constant 0 : i32
    %c0_i32_1 = arith.constant 0 : i32
    return %c0_i32, %c0_i32_0 : i32, i32
  }
  func.func @transform_2(%arg0: i32) -> (i32, i32) {
    %c0_i32 = arith.constant 0 : i32
    %c0_i32_0 = arith.constant 0 : i32
    return %arg0, %c0_i32 : i32, i32
  }
}

module attributes {stable_mosaic.version = 14 : i64} {
  func.func @_enc_body(%arg0: i32, %arg1: memref<400x128xf32, #tpu.memory_space<vmem>>, %arg2: memref<128x128xf32, #tpu.memory_space<vmem>>, %arg3: memref<400x128xf32, #tpu.memory_space<vmem>>) attributes {dimension_semantics = [#tpu.dimension_semantics<arbitrary>], iteration_bounds = array<i64: 25>, scalar_prefetch = 0 : i64, scratch_operands = 0 : i64, tpu.core_type = #tpu.core_type<tc>, window_params = [{transform_indices = @transform_0, window_bounds = array<i64: 400, 128>}, {pipeline_mode = #tpu.pipeline_mode<synchronous>, transform_indices = @transform_1, window_bounds = array<i64: 128, 128>}, {transform_indices = @transform_2, window_bounds = array<i64: 400, 128>}]} {
    %get3A = arith.constant 0 : index
    %get3A_0 = arith.constant 0 : index
    %get3A_1 = vector.load %arg1[%get3A, %get3A_0] : memref<400x128xf32, #tpu.memory_space<vmem>>, vector<400x128xf32>
    %get3A_2 = arith.constant 0 : index
    %get3A_3 = arith.constant 0 : index
    %get3A_4 = vector.load %arg2[%get3A_2, %get3A_3] : memref<128x128xf32, #tpu.memory_space<vmem>>, vector<128x128xf32>
    %dot_general3A = arith.constant dense<0.000000e+00> : vector<400x128xf32>
    %dot_general3A_5 = tpu.matmul %get3A_1, %get3A_4, %dot_general3A {dimension_numbers = #tpu.dot_dimension_numbers<[1], [0], [0], [1], [0, 0, 1, 1], [], []>, transpose_lhs_hint = false} : vector<400x128xf32>, vector<128x128xf32>, vector<400x128xf32> -> vector<400x128xf32>
    %max3A = arith.constant 0.000000e+00 : f32
    %max3A_6 = vector.broadcast %max3A : f32 to vector<400x128xf32>
    %max3A_7 = arith.maximumf %dot_general3A_5, %max3A_6 : vector<400x128xf32>
    %mul3A = arith.mulf %max3A_7, %max3A_7 : vector<400x128xf32>
    %reduce_sum3A = arith.constant dense<0.000000e+00> : vector<400xf32>
    %reduce_sum3A_8 = vector.multi_reduction <add>, %mul3A, %reduce_sum3A [1] : vector<400x128xf32> to vector<400xf32>
    %broadcast_in_dim3A = vector.shape_cast %reduce_sum3A_8 : vector<400xf32> to vector<400x1xf32>
    %sqrt3A = math.sqrt %broadcast_in_dim3A : vector<400x1xf32>
    %max3A_9 = arith.constant 9.99999996E-13 : f32
    %max3A_10 = vector.broadcast %max3A_9 : f32 to vector<400x1xf32>
    %max3A_11 = arith.maximumf %sqrt3A, %max3A_10 : vector<400x1xf32>
    %div3A = vector.broadcast %max3A_11 : vector<400x1xf32> to vector<400x128xf32>
    %div3A_12 = arith.divf %max3A_7, %div3A : vector<400x128xf32>
    %swap3A = arith.constant 0 : index
    %swap3A_13 = arith.constant 0 : index
    %swap3A_14 = vector.load %arg3[%swap3A, %swap3A_13] : memref<400x128xf32, #tpu.memory_space<vmem>>, vector<400x128xf32>
    tpu.vector_store %arg3[%swap3A, %swap3A_13], %div3A_12 {strides = array<i32>} : memref<400x128xf32, #tpu.memory_space<vmem>>, vector<400x128xf32>,
    return
  }
  func.func @transform_0(%arg0: i32) -> (i32, i32) {
    %c0_i32 = arith.constant 0 : i32
    %c0_i32_0 = arith.constant 0 : i32
    return %arg0, %c0_i32 : i32, i32
  }
  func.func @transform_1(%arg0: i32) -> (i32, i32) {
    %c0_i32 = arith.constant 0 : i32
    %c0_i32_0 = arith.constant 0 : i32
    %c0_i32_1 = arith.constant 0 : i32
    return %c0_i32, %c0_i32_0 : i32, i32
  }
  func.func @transform_2(%arg0: i32) -> (i32, i32) {
    %c0_i32 = arith.constant 0 : i32
    %c0_i32_0 = arith.constant 0 : i32
    return %arg0, %c0_i32 : i32, i32
  }
}

module attributes {stable_mosaic.version = 14 : i64} {
  func.func @_layer_body(%arg0: i32, %arg1: memref<400x128xf32, #tpu.memory_space<vmem>>, %arg2: memref<400x128xf32, #tpu.memory_space<vmem>>, %arg3: memref<400x128xf32, #tpu.memory_space<vmem>>, %arg4: memref<128x128xf32, #tpu.memory_space<vmem>>, %arg5: memref<128x128xf32, #tpu.memory_space<vmem>>, %arg6: memref<128x256xf32, #tpu.memory_space<vmem>>, %arg7: memref<1x128xf32, #tpu.memory_space<vmem>>, %arg8: memref<400x128xf32, #tpu.memory_space<vmem>>) attributes {dimension_semantics = [#tpu.dimension_semantics<arbitrary>], iteration_bounds = array<i64: 25>, scalar_prefetch = 0 : i64, scratch_operands = 0 : i64, tpu.core_type = #tpu.core_type<tc>, window_params = [{transform_indices = @transform_0, window_bounds = array<i64: 400, 128>}, {transform_indices = @transform_1, window_bounds = array<i64: 400, 128>}, {transform_indices = @transform_2, window_bounds = array<i64: 400, 128>}, {pipeline_mode = #tpu.pipeline_mode<synchronous>, transform_indices = @transform_3, window_bounds = array<i64: 128, 128>}, {pipeline_mode = #tpu.pipeline_mode<synchronous>, transform_indices = @transform_4, window_bounds = array<i64: 128, 128>}, {pipeline_mode = #tpu.pipeline_mode<synchronous>, transform_indices = @transform_5, window_bounds = array<i64: 128, 256>}, {pipeline_mode = #tpu.pipeline_mode<synchronous>, transform_indices = @transform_6, window_bounds = array<i64: 1, 128>}, {transform_indices = @transform_7, window_bounds = array<i64: 400, 128>}]} {
    %get3A = arith.constant 0 : index
    %get3A_0 = arith.constant 0 : index
    %get3A_1 = vector.load %arg1[%get3A, %get3A_0] : memref<400x128xf32, #tpu.memory_space<vmem>>, vector<400x128xf32>
    %get3A_2 = arith.constant 0 : index
    %get3A_3 = arith.constant 0 : index
    %get3A_4 = vector.load %arg2[%get3A_2, %get3A_3] : memref<400x128xf32, #tpu.memory_space<vmem>>, vector<400x128xf32>
    %get3A_5 = arith.constant 0 : index
    %get3A_6 = arith.constant 0 : index
    %get3A_7 = vector.load %arg3[%get3A_5, %get3A_6] : memref<400x128xf32, #tpu.memory_space<vmem>>, vector<400x128xf32>
    %add3A = arith.addf %get3A_4, %get3A_7 : vector<400x128xf32>
    %get3A_8 = arith.constant 0 : index
    %get3A_9 = arith.constant 0 : index
    %get3A_10 = vector.load %arg4[%get3A_8, %get3A_9] : memref<128x128xf32, #tpu.memory_space<vmem>>, vector<128x128xf32>
    %get3A_11 = arith.constant 0 : index
    %get3A_12 = arith.constant 0 : index
    %get3A_13 = vector.load %arg5[%get3A_11, %get3A_12] : memref<128x128xf32, #tpu.memory_space<vmem>>, vector<128x128xf32>
    %get3A_14 = arith.constant 0 : index
    %get3A_15 = arith.constant 0 : index
    %get3A_16 = vector.load %arg6[%get3A_14, %get3A_15] : memref<128x256xf32, #tpu.memory_space<vmem>>, vector<128x256xf32>
    %get3A_17 = arith.constant 0 : index
    %get3A_18 = arith.constant 0 : index
    %get3A_19 = vector.load %arg7[%get3A_17, %get3A_18] : memref<1x128xf32, #tpu.memory_space<vmem>>, vector<1x128xf32>
    %dot_general3A = arith.constant dense<0.000000e+00> : vector<400x128xf32>
    %dot_general3A_20 = tpu.matmul %get3A_1, %get3A_10, %dot_general3A {dimension_numbers = #tpu.dot_dimension_numbers<[1], [0], [0], [1], [0, 0, 1, 1], [], []>, transpose_lhs_hint = false} : vector<400x128xf32>, vector<128x128xf32>, vector<400x128xf32> -> vector<400x128xf32>
    %dot_general3A_21 = arith.constant dense<0.000000e+00> : vector<400x128xf32>
    %dot_general3A_22 = tpu.matmul %add3A, %get3A_13, %dot_general3A_21 {dimension_numbers = #tpu.dot_dimension_numbers<[1], [0], [0], [1], [0, 0, 1, 1], [], []>, transpose_lhs_hint = false} : vector<400x128xf32>, vector<128x128xf32>, vector<400x128xf32> -> vector<400x128xf32>
    %slice3A = vector.extract_strided_slice %get3A_16 {offsets = [0, 0], sizes = [128, 128], strides = [1, 1]} : vector<128x256xf32> to vector<128x128xf32>
    %dot_general3A_23 = arith.constant dense<0.000000e+00> : vector<400x128xf32>
    %dot_general3A_24 = tpu.matmul %dot_general3A_20, %slice3A, %dot_general3A_23 {dimension_numbers = #tpu.dot_dimension_numbers<[1], [1], [0], [0], [0, 0, 1, 0], [], []>, transpose_lhs_hint = false} : vector<400x128xf32>, vector<128x128xf32>, vector<400x128xf32> -> vector<400x128xf32>
    %slice3A_25 = vector.extract_strided_slice %get3A_16 {offsets = [0, 128], sizes = [128, 128], strides = [1, 1]} : vector<128x256xf32> to vector<128x128xf32>
    %dot_general3A_26 = arith.constant dense<0.000000e+00> : vector<400x128xf32>
    %dot_general3A_27 = tpu.matmul %dot_general3A_22, %slice3A_25, %dot_general3A_26 {dimension_numbers = #tpu.dot_dimension_numbers<[1], [1], [0], [0], [0, 0, 1, 0], [], []>, transpose_lhs_hint = false} : vector<400x128xf32>, vector<128x128xf32>, vector<400x128xf32> -> vector<400x128xf32>
    %add3A_28 = arith.addf %dot_general3A_24, %dot_general3A_27 : vector<400x128xf32>
    %add3A_29 = vector.broadcast %get3A_19 : vector<1x128xf32> to vector<400x128xf32>
    %add3A_30 = arith.addf %add3A_28, %add3A_29 : vector<400x128xf32>
    %max3A = arith.constant 0.000000e+00 : f32
    %max3A_31 = vector.broadcast %max3A : f32 to vector<400x128xf32>
    %max3A_32 = arith.maximumf %add3A_30, %max3A_31 : vector<400x128xf32>
    %mul3A = arith.mulf %max3A_32, %max3A_32 : vector<400x128xf32>
    %reduce_sum3A = arith.constant dense<0.000000e+00> : vector<400xf32>
    %reduce_sum3A_33 = vector.multi_reduction <add>, %mul3A, %reduce_sum3A [1] : vector<400x128xf32> to vector<400xf32>
    %broadcast_in_dim3A = vector.shape_cast %reduce_sum3A_33 : vector<400xf32> to vector<400x1xf32>
    %sqrt3A = math.sqrt %broadcast_in_dim3A : vector<400x1xf32>
    %max3A_34 = arith.constant 9.99999996E-13 : f32
    %max3A_35 = vector.broadcast %max3A_34 : f32 to vector<400x1xf32>
    %max3A_36 = arith.maximumf %sqrt3A, %max3A_35 : vector<400x1xf32>
    %div3A = vector.broadcast %max3A_36 : vector<400x1xf32> to vector<400x128xf32>
    %div3A_37 = arith.divf %max3A_32, %div3A : vector<400x128xf32>
    %swap3A = arith.constant 0 : index
    %swap3A_38 = arith.constant 0 : index
    %swap3A_39 = vector.load %arg8[%swap3A, %swap3A_38] : memref<400x128xf32, #tpu.memory_space<vmem>>, vector<400x128xf32>
    tpu.vector_store %arg8[%swap3A, %swap3A_38], %div3A_37 {strides = array<i32>} : memref<400x128xf32, #tpu.memory_space<vmem>>, vector<400x128xf32>,
    return
  }
  func.func @transform_0(%arg0: i32) -> (i32, i32) {
    %c0_i32 = arith.constant 0 : i32
    %c0_i32_0 = arith.constant 0 : i32
    return %arg0, %c0_i32 : i32, i32
  }
  func.func @transform_1(%arg0: i32) -> (i32, i32) {
    %c0_i32 = arith.constant 0 : i32
    %c0_i32_0 = arith.constant 0 : i32
    return %arg0, %c0_i32 : i32, i32
  }
  func.func @transform_2(%arg0: i32) -> (i32, i32) {
    %c0_i32 = arith.constant 0 : i32
    %c0_i32_0 = arith.constant 0 : i32
    return %arg0, %c0_i32 : i32, i32
  }
  func.func @transform_3(%arg0: i32) -> (i32, i32) {
    %c0_i32 = arith.constant 0 : i32
    %c0_i32_0 = arith.constant 0 : i32
    %c0_i32_1 = arith.constant 0 : i32
    return %c0_i32, %c0_i32_0 : i32, i32
  }
  func.func @transform_4(%arg0: i32) -> (i32, i32) {
    %c0_i32 = arith.constant 0 : i32
    %c0_i32_0 = arith.constant 0 : i32
    %c0_i32_1 = arith.constant 0 : i32
    return %c0_i32, %c0_i32_0 : i32, i32
  }
  func.func @transform_5(%arg0: i32) -> (i32, i32) {
    %c0_i32 = arith.constant 0 : i32
    %c0_i32_0 = arith.constant 0 : i32
    %c0_i32_1 = arith.constant 0 : i32
    return %c0_i32, %c0_i32_0 : i32, i32
  }
  func.func @transform_6(%arg0: i32) -> (i32, i32) {
    %c0_i32 = arith.constant 0 : i32
    %c0_i32_0 = arith.constant 0 : i32
    %c0_i32_1 = arith.constant 0 : i32
    return %c0_i32, %c0_i32_0 : i32, i32
  }
  func.func @transform_7(%arg0: i32) -> (i32, i32) {
    %c0_i32 = arith.constant 0 : i32
    %c0_i32_0 = arith.constant 0 : i32
    return %arg0, %c0_i32 : i32, i32
  }
}

module attributes {stable_mosaic.version = 14 : i64} {
  func.func @_layer_body(%arg0: i32, %arg1: memref<256x128xf32, #tpu.memory_space<vmem>>, %arg2: memref<256x128xf32, #tpu.memory_space<vmem>>, %arg3: memref<256x128xf32, #tpu.memory_space<vmem>>, %arg4: memref<128x128xf32, #tpu.memory_space<vmem>>, %arg5: memref<128x128xf32, #tpu.memory_space<vmem>>, %arg6: memref<128x256xf32, #tpu.memory_space<vmem>>, %arg7: memref<1x128xf32, #tpu.memory_space<vmem>>, %arg8: memref<256x128xf32, #tpu.memory_space<vmem>>) attributes {dimension_semantics = [#tpu.dimension_semantics<arbitrary>], iteration_bounds = array<i64: 1>, scalar_prefetch = 0 : i64, scratch_operands = 0 : i64, tpu.core_type = #tpu.core_type<tc>, window_params = [{transform_indices = @transform_0, window_bounds = array<i64: 256, 128>}, {transform_indices = @transform_1, window_bounds = array<i64: 256, 128>}, {transform_indices = @transform_2, window_bounds = array<i64: 256, 128>}, {pipeline_mode = #tpu.pipeline_mode<synchronous>, transform_indices = @transform_3, window_bounds = array<i64: 128, 128>}, {pipeline_mode = #tpu.pipeline_mode<synchronous>, transform_indices = @transform_4, window_bounds = array<i64: 128, 128>}, {pipeline_mode = #tpu.pipeline_mode<synchronous>, transform_indices = @transform_5, window_bounds = array<i64: 128, 256>}, {pipeline_mode = #tpu.pipeline_mode<synchronous>, transform_indices = @transform_6, window_bounds = array<i64: 1, 128>}, {transform_indices = @transform_7, window_bounds = array<i64: 256, 128>}]} {
    %get3A = arith.constant 0 : index
    %get3A_0 = arith.constant 0 : index
    %get3A_1 = vector.load %arg1[%get3A, %get3A_0] : memref<256x128xf32, #tpu.memory_space<vmem>>, vector<256x128xf32>
    %get3A_2 = arith.constant 0 : index
    %get3A_3 = arith.constant 0 : index
    %get3A_4 = vector.load %arg2[%get3A_2, %get3A_3] : memref<256x128xf32, #tpu.memory_space<vmem>>, vector<256x128xf32>
    %get3A_5 = arith.constant 0 : index
    %get3A_6 = arith.constant 0 : index
    %get3A_7 = vector.load %arg3[%get3A_5, %get3A_6] : memref<256x128xf32, #tpu.memory_space<vmem>>, vector<256x128xf32>
    %add3A = arith.addf %get3A_4, %get3A_7 : vector<256x128xf32>
    %get3A_8 = arith.constant 0 : index
    %get3A_9 = arith.constant 0 : index
    %get3A_10 = vector.load %arg4[%get3A_8, %get3A_9] : memref<128x128xf32, #tpu.memory_space<vmem>>, vector<128x128xf32>
    %get3A_11 = arith.constant 0 : index
    %get3A_12 = arith.constant 0 : index
    %get3A_13 = vector.load %arg5[%get3A_11, %get3A_12] : memref<128x128xf32, #tpu.memory_space<vmem>>, vector<128x128xf32>
    %get3A_14 = arith.constant 0 : index
    %get3A_15 = arith.constant 0 : index
    %get3A_16 = vector.load %arg6[%get3A_14, %get3A_15] : memref<128x256xf32, #tpu.memory_space<vmem>>, vector<128x256xf32>
    %get3A_17 = arith.constant 0 : index
    %get3A_18 = arith.constant 0 : index
    %get3A_19 = vector.load %arg7[%get3A_17, %get3A_18] : memref<1x128xf32, #tpu.memory_space<vmem>>, vector<1x128xf32>
    %dot_general3A = arith.constant dense<0.000000e+00> : vector<256x128xf32>
    %dot_general3A_20 = tpu.matmul %get3A_1, %get3A_10, %dot_general3A {dimension_numbers = #tpu.dot_dimension_numbers<[1], [0], [0], [1], [0, 0, 1, 1], [], []>, transpose_lhs_hint = false} : vector<256x128xf32>, vector<128x128xf32>, vector<256x128xf32> -> vector<256x128xf32>
    %dot_general3A_21 = arith.constant dense<0.000000e+00> : vector<256x128xf32>
    %dot_general3A_22 = tpu.matmul %add3A, %get3A_13, %dot_general3A_21 {dimension_numbers = #tpu.dot_dimension_numbers<[1], [0], [0], [1], [0, 0, 1, 1], [], []>, transpose_lhs_hint = false} : vector<256x128xf32>, vector<128x128xf32>, vector<256x128xf32> -> vector<256x128xf32>
    %slice3A = vector.extract_strided_slice %get3A_16 {offsets = [0, 0], sizes = [128, 128], strides = [1, 1]} : vector<128x256xf32> to vector<128x128xf32>
    %dot_general3A_23 = arith.constant dense<0.000000e+00> : vector<256x128xf32>
    %dot_general3A_24 = tpu.matmul %dot_general3A_20, %slice3A, %dot_general3A_23 {dimension_numbers = #tpu.dot_dimension_numbers<[1], [1], [0], [0], [0, 0, 1, 0], [], []>, transpose_lhs_hint = false} : vector<256x128xf32>, vector<128x128xf32>, vector<256x128xf32> -> vector<256x128xf32>
    %slice3A_25 = vector.extract_strided_slice %get3A_16 {offsets = [0, 128], sizes = [128, 128], strides = [1, 1]} : vector<128x256xf32> to vector<128x128xf32>
    %dot_general3A_26 = arith.constant dense<0.000000e+00> : vector<256x128xf32>
    %dot_general3A_27 = tpu.matmul %dot_general3A_22, %slice3A_25, %dot_general3A_26 {dimension_numbers = #tpu.dot_dimension_numbers<[1], [1], [0], [0], [0, 0, 1, 0], [], []>, transpose_lhs_hint = false} : vector<256x128xf32>, vector<128x128xf32>, vector<256x128xf32> -> vector<256x128xf32>
    %add3A_28 = arith.addf %dot_general3A_24, %dot_general3A_27 : vector<256x128xf32>
    %add3A_29 = vector.broadcast %get3A_19 : vector<1x128xf32> to vector<256x128xf32>
    %add3A_30 = arith.addf %add3A_28, %add3A_29 : vector<256x128xf32>
    %max3A = arith.constant 0.000000e+00 : f32
    %max3A_31 = vector.broadcast %max3A : f32 to vector<256x128xf32>
    %max3A_32 = arith.maximumf %add3A_30, %max3A_31 : vector<256x128xf32>
    %mul3A = arith.mulf %max3A_32, %max3A_32 : vector<256x128xf32>
    %reduce_sum3A = arith.constant dense<0.000000e+00> : vector<256xf32>
    %reduce_sum3A_33 = vector.multi_reduction <add>, %mul3A, %reduce_sum3A [1] : vector<256x128xf32> to vector<256xf32>
    %broadcast_in_dim3A = vector.shape_cast %reduce_sum3A_33 : vector<256xf32> to vector<256x1xf32>
    %sqrt3A = math.sqrt %broadcast_in_dim3A : vector<256x1xf32>
    %max3A_34 = arith.constant 9.99999996E-13 : f32
    %max3A_35 = vector.broadcast %max3A_34 : f32 to vector<256x1xf32>
    %max3A_36 = arith.maximumf %sqrt3A, %max3A_35 : vector<256x1xf32>
    %div3A = vector.broadcast %max3A_36 : vector<256x1xf32> to vector<256x128xf32>
    %div3A_37 = arith.divf %max3A_32, %div3A : vector<256x128xf32>
    %swap3A = arith.constant 0 : index
    %swap3A_38 = arith.constant 0 : index
    %swap3A_39 = vector.load %arg8[%swap3A, %swap3A_38] : memref<256x128xf32, #tpu.memory_space<vmem>>, vector<256x128xf32>
    tpu.vector_store %arg8[%swap3A, %swap3A_38], %div3A_37 {strides = array<i32>} : memref<256x128xf32, #tpu.memory_space<vmem>>, vector<256x128xf32>,
    return
  }
  func.func @transform_0(%arg0: i32) -> (i32, i32) {
    %c0_i32 = arith.constant 0 : i32
    %c0_i32_0 = arith.constant 0 : i32
    return %arg0, %c0_i32 : i32, i32
  }
  func.func @transform_1(%arg0: i32) -> (i32, i32) {
    %c0_i32 = arith.constant 0 : i32
    %c0_i32_0 = arith.constant 0 : i32
    return %arg0, %c0_i32 : i32, i32
  }
  func.func @transform_2(%arg0: i32) -> (i32, i32) {
    %c0_i32 = arith.constant 0 : i32
    %c0_i32_0 = arith.constant 0 : i32
    return %arg0, %c0_i32 : i32, i32
  }
  func.func @transform_3(%arg0: i32) -> (i32, i32) {
    %c0_i32 = arith.constant 0 : i32
    %c0_i32_0 = arith.constant 0 : i32
    %c0_i32_1 = arith.constant 0 : i32
    return %c0_i32, %c0_i32_0 : i32, i32
  }
  func.func @transform_4(%arg0: i32) -> (i32, i32) {
    %c0_i32 = arith.constant 0 : i32
    %c0_i32_0 = arith.constant 0 : i32
    %c0_i32_1 = arith.constant 0 : i32
    return %c0_i32, %c0_i32_0 : i32, i32
  }
  func.func @transform_5(%arg0: i32) -> (i32, i32) {
    %c0_i32 = arith.constant 0 : i32
    %c0_i32_0 = arith.constant 0 : i32
    %c0_i32_1 = arith.constant 0 : i32
    return %c0_i32, %c0_i32_0 : i32, i32
  }
  func.func @transform_6(%arg0: i32) -> (i32, i32) {
    %c0_i32 = arith.constant 0 : i32
    %c0_i32_0 = arith.constant 0 : i32
    %c0_i32_1 = arith.constant 0 : i32
    return %c0_i32, %c0_i32_0 : i32, i32
  }
  func.func @transform_7(%arg0: i32) -> (i32, i32) {
    %c0_i32 = arith.constant 0 : i32
    %c0_i32_0 = arith.constant 0 : i32
    return %arg0, %c0_i32 : i32, i32
  }
}

module attributes {stable_mosaic.version = 14 : i64} {
  func.func @_dec_body(%arg0: i32, %arg1: memref<32x128xf32, #tpu.memory_space<vmem>>, %arg2: memref<32x128xf32, #tpu.memory_space<vmem>>, %arg3: memref<32x128xf32, #tpu.memory_space<vmem>>, %arg4: memref<32x128xf32, #tpu.memory_space<vmem>>, %arg5: memref<32x128xf32, #tpu.memory_space<vmem>>, %arg6: memref<32x128xf32, #tpu.memory_space<vmem>>, %arg7: memref<128x128xf32, #tpu.memory_space<vmem>>, %arg8: memref<128x128xf32, #tpu.memory_space<vmem>>, %arg9: memref<128x256xf32, #tpu.memory_space<vmem>>, %arg10: memref<1x128xf32, #tpu.memory_space<vmem>>, %arg11: memref<128x1xf32, #tpu.memory_space<vmem>>, %arg12: memref<128x1xf32, #tpu.memory_space<vmem>>, %arg13: memref<32x1xf32, #tpu.memory_space<vmem>>) attributes {dimension_semantics = [#tpu.dimension_semantics<arbitrary>], iteration_bounds = array<i64: 8>, scalar_prefetch = 0 : i64, scratch_operands = 0 : i64, tpu.core_type = #tpu.core_type<tc>, window_params = [{transform_indices = @transform_0, window_bounds = array<i64: 32, 128>}, {transform_indices = @transform_1, window_bounds = array<i64: 32, 128>}, {transform_indices = @transform_2, window_bounds = array<i64: 32, 128>}, {transform_indices = @transform_3, window_bounds = array<i64: 32, 128>}, {transform_indices = @transform_4, window_bounds = array<i64: 32, 128>}, {transform_indices = @transform_5, window_bounds = array<i64: 32, 128>}, {pipeline_mode = #tpu.pipeline_mode<synchronous>, transform_indices = @transform_6, window_bounds = array<i64: 128, 128>}, {pipeline_mode = #tpu.pipeline_mode<synchronous>, transform_indices = @transform_7, window_bounds = array<i64: 128, 128>}, {pipeline_mode = #tpu.pipeline_mode<synchronous>, transform_indices = @transform_8, window_bounds = array<i64: 128, 256>}, {pipeline_mode = #tpu.pipeline_mode<synchronous>, transform_indices = @transform_9, window_bounds = array<i64: 1, 128>}, {pipeline_mode = #tpu.pipeline_mode<synchronous>, transform_indices = @transform_10, window_bounds = array<i64: 128, 1>}, {pipeline_mode = #tpu.pipeline_mode<synchronous>, transform_indices = @transform_11, window_bounds = array<i64: 128, 1>}, {transform_indices = @transform_12, window_bounds = array<i64: 32, 1>}]} {
    %get3A = arith.constant 0 : index
    %get3A_0 = arith.constant 0 : index
    %get3A_1 = vector.load %arg7[%get3A, %get3A_0] : memref<128x128xf32, #tpu.memory_space<vmem>>, vector<128x128xf32>
    %get3A_2 = arith.constant 0 : index
    %get3A_3 = arith.constant 0 : index
    %get3A_4 = vector.load %arg8[%get3A_2, %get3A_3] : memref<128x128xf32, #tpu.memory_space<vmem>>, vector<128x128xf32>
    %get3A_5 = arith.constant 0 : index
    %get3A_6 = arith.constant 0 : index
    %get3A_7 = vector.load %arg9[%get3A_5, %get3A_6] : memref<128x256xf32, #tpu.memory_space<vmem>>, vector<128x256xf32>
    %get3A_8 = arith.constant 0 : index
    %get3A_9 = arith.constant 0 : index
    %get3A_10 = vector.load %arg10[%get3A_8, %get3A_9] : memref<1x128xf32, #tpu.memory_space<vmem>>, vector<1x128xf32>
    %get3A_11 = arith.constant 0 : index
    %get3A_12 = arith.constant 0 : index
    %get3A_13 = vector.load %arg1[%get3A_11, %get3A_12] : memref<32x128xf32, #tpu.memory_space<vmem>>, vector<32x128xf32>
    %get3A_14 = arith.constant 0 : index
    %get3A_15 = arith.constant 0 : index
    %get3A_16 = vector.load %arg2[%get3A_14, %get3A_15] : memref<32x128xf32, #tpu.memory_space<vmem>>, vector<32x128xf32>
    %get3A_17 = arith.constant 0 : index
    %get3A_18 = arith.constant 0 : index
    %get3A_19 = vector.load %arg3[%get3A_17, %get3A_18] : memref<32x128xf32, #tpu.memory_space<vmem>>, vector<32x128xf32>
    %add3A = arith.addf %get3A_16, %get3A_19 : vector<32x128xf32>
    %dot_general3A = arith.constant dense<0.000000e+00> : vector<32x128xf32>
    %dot_general3A_20 = tpu.matmul %get3A_13, %get3A_1, %dot_general3A {dimension_numbers = #tpu.dot_dimension_numbers<[1], [0], [0], [1], [0, 0, 1, 1], [], []>, transpose_lhs_hint = false} : vector<32x128xf32>, vector<128x128xf32>, vector<32x128xf32> -> vector<32x128xf32>
    %dot_general3A_21 = arith.constant dense<0.000000e+00> : vector<32x128xf32>
    %dot_general3A_22 = tpu.matmul %add3A, %get3A_4, %dot_general3A_21 {dimension_numbers = #tpu.dot_dimension_numbers<[1], [0], [0], [1], [0, 0, 1, 1], [], []>, transpose_lhs_hint = false} : vector<32x128xf32>, vector<128x128xf32>, vector<32x128xf32> -> vector<32x128xf32>
    %slice3A = vector.extract_strided_slice %get3A_7 {offsets = [0, 0], sizes = [128, 128], strides = [1, 1]} : vector<128x256xf32> to vector<128x128xf32>
    %dot_general3A_23 = arith.constant dense<0.000000e+00> : vector<32x128xf32>
    %dot_general3A_24 = tpu.matmul %dot_general3A_20, %slice3A, %dot_general3A_23 {dimension_numbers = #tpu.dot_dimension_numbers<[1], [1], [0], [0], [0, 0, 1, 0], [], []>, transpose_lhs_hint = false} : vector<32x128xf32>, vector<128x128xf32>, vector<32x128xf32> -> vector<32x128xf32>
    %slice3A_25 = vector.extract_strided_slice %get3A_7 {offsets = [0, 128], sizes = [128, 128], strides = [1, 1]} : vector<128x256xf32> to vector<128x128xf32>
    %dot_general3A_26 = arith.constant dense<0.000000e+00> : vector<32x128xf32>
    %dot_general3A_27 = tpu.matmul %dot_general3A_22, %slice3A_25, %dot_general3A_26 {dimension_numbers = #tpu.dot_dimension_numbers<[1], [1], [0], [0], [0, 0, 1, 0], [], []>, transpose_lhs_hint = false} : vector<32x128xf32>, vector<128x128xf32>, vector<32x128xf32> -> vector<32x128xf32>
    %add3A_28 = arith.addf %dot_general3A_24, %dot_general3A_27 : vector<32x128xf32>
    %add3A_29 = vector.broadcast %get3A_10 : vector<1x128xf32> to vector<32x128xf32>
    %add3A_30 = arith.addf %add3A_28, %add3A_29 : vector<32x128xf32>
    %max3A = arith.constant 0.000000e+00 : f32
    %max3A_31 = vector.broadcast %max3A : f32 to vector<32x128xf32>
    %max3A_32 = arith.maximumf %add3A_30, %max3A_31 : vector<32x128xf32>
    %mul3A = arith.mulf %max3A_32, %max3A_32 : vector<32x128xf32>
    %reduce_sum3A = arith.constant dense<0.000000e+00> : vector<32xf32>
    %reduce_sum3A_33 = vector.multi_reduction <add>, %mul3A, %reduce_sum3A [1] : vector<32x128xf32> to vector<32xf32>
    %broadcast_in_dim3A = vector.shape_cast %reduce_sum3A_33 : vector<32xf32> to vector<32x1xf32>
    %sqrt3A = math.sqrt %broadcast_in_dim3A : vector<32x1xf32>
    %max3A_34 = arith.constant 9.99999996E-13 : f32
    %max3A_35 = vector.broadcast %max3A_34 : f32 to vector<32x1xf32>
    %max3A_36 = arith.maximumf %sqrt3A, %max3A_35 : vector<32x1xf32>
    %div3A = vector.broadcast %max3A_36 : vector<32x1xf32> to vector<32x128xf32>
    %div3A_37 = arith.divf %max3A_32, %div3A : vector<32x128xf32>
    %get3A_38 = arith.constant 0 : index
    %get3A_39 = arith.constant 0 : index
    %get3A_40 = vector.load %arg4[%get3A_38, %get3A_39] : memref<32x128xf32, #tpu.memory_space<vmem>>, vector<32x128xf32>
    %get3A_41 = arith.constant 0 : index
    %get3A_42 = arith.constant 0 : index
    %get3A_43 = vector.load %arg5[%get3A_41, %get3A_42] : memref<32x128xf32, #tpu.memory_space<vmem>>, vector<32x128xf32>
    %get3A_44 = arith.constant 0 : index
    %get3A_45 = arith.constant 0 : index
    %get3A_46 = vector.load %arg6[%get3A_44, %get3A_45] : memref<32x128xf32, #tpu.memory_space<vmem>>, vector<32x128xf32>
    %add3A_47 = arith.addf %get3A_43, %get3A_46 : vector<32x128xf32>
    %dot_general3A_48 = arith.constant dense<0.000000e+00> : vector<32x128xf32>
    %dot_general3A_49 = tpu.matmul %get3A_40, %get3A_1, %dot_general3A_48 {dimension_numbers = #tpu.dot_dimension_numbers<[1], [0], [0], [1], [0, 0, 1, 1], [], []>, transpose_lhs_hint = false} : vector<32x128xf32>, vector<128x128xf32>, vector<32x128xf32> -> vector<32x128xf32>
    %dot_general3A_50 = arith.constant dense<0.000000e+00> : vector<32x128xf32>
    %dot_general3A_51 = tpu.matmul %add3A_47, %get3A_4, %dot_general3A_50 {dimension_numbers = #tpu.dot_dimension_numbers<[1], [0], [0], [1], [0, 0, 1, 1], [], []>, transpose_lhs_hint = false} : vector<32x128xf32>, vector<128x128xf32>, vector<32x128xf32> -> vector<32x128xf32>
    %slice3A_52 = vector.extract_strided_slice %get3A_7 {offsets = [0, 0], sizes = [128, 128], strides = [1, 1]} : vector<128x256xf32> to vector<128x128xf32>
    %dot_general3A_53 = arith.constant dense<0.000000e+00> : vector<32x128xf32>
    %dot_general3A_54 = tpu.matmul %dot_general3A_49, %slice3A_52, %dot_general3A_53 {dimension_numbers = #tpu.dot_dimension_numbers<[1], [1], [0], [0], [0, 0, 1, 0], [], []>, transpose_lhs_hint = false} : vector<32x128xf32>, vector<128x128xf32>, vector<32x128xf32> -> vector<32x128xf32>
    %slice3A_55 = vector.extract_strided_slice %get3A_7 {offsets = [0, 128], sizes = [128, 128], strides = [1, 1]} : vector<128x256xf32> to vector<128x128xf32>
    %dot_general3A_56 = arith.constant dense<0.000000e+00> : vector<32x128xf32>
    %dot_general3A_57 = tpu.matmul %dot_general3A_51, %slice3A_55, %dot_general3A_56 {dimension_numbers = #tpu.dot_dimension_numbers<[1], [1], [0], [0], [0, 0, 1, 0], [], []>, transpose_lhs_hint = false} : vector<32x128xf32>, vector<128x128xf32>, vector<32x128xf32> -> vector<32x128xf32>
    %add3A_58 = arith.addf %dot_general3A_54, %dot_general3A_57 : vector<32x128xf32>
    %add3A_59 = vector.broadcast %get3A_10 : vector<1x128xf32> to vector<32x128xf32>
    %add3A_60 = arith.addf %add3A_58, %add3A_59 : vector<32x128xf32>
    %max3A_61 = arith.constant 0.000000e+00 : f32
    %max3A_62 = vector.broadcast %max3A_61 : f32 to vector<32x128xf32>
    %max3A_63 = arith.maximumf %add3A_60, %max3A_62 : vector<32x128xf32>
    %mul3A_64 = arith.mulf %max3A_63, %max3A_63 : vector<32x128xf32>
    %reduce_sum3A_65 = arith.constant dense<0.000000e+00> : vector<32xf32>
    %reduce_sum3A_66 = vector.multi_reduction <add>, %mul3A_64, %reduce_sum3A_65 [1] : vector<32x128xf32> to vector<32xf32>
    %broadcast_in_dim3A_67 = vector.shape_cast %reduce_sum3A_66 : vector<32xf32> to vector<32x1xf32>
    %sqrt3A_68 = math.sqrt %broadcast_in_dim3A_67 : vector<32x1xf32>
    %max3A_69 = arith.constant 9.99999996E-13 : f32
    %max3A_70 = vector.broadcast %max3A_69 : f32 to vector<32x1xf32>
    %max3A_71 = arith.maximumf %sqrt3A_68, %max3A_70 : vector<32x1xf32>
    %div3A_72 = vector.broadcast %max3A_71 : vector<32x1xf32> to vector<32x128xf32>
    %div3A_73 = arith.divf %max3A_63, %div3A_72 : vector<32x128xf32>
    %broadcast_in_dim3A_74 = vector.shape_cast %div3A_37 : vector<32x128xf32> to vector<32x128x1xf32>
    %broadcast_in_dim3A_75 = vector.shape_cast %div3A_73 : vector<32x128xf32> to vector<32x1x128xf32>
    %mul3A_76 = vector.broadcast %broadcast_in_dim3A_74 : vector<32x128x1xf32> to vector<32x128x128xf32>
    %mul3A_77 = vector.broadcast %broadcast_in_dim3A_75 : vector<32x1x128xf32> to vector<32x128x128xf32>
    %mul3A_78 = arith.mulf %mul3A_76, %mul3A_77 : vector<32x128x128xf32>
    %reshape3A = vector.shape_cast %mul3A_78 : vector<32x128x128xf32> to vector<4096x128xf32>
    %get3A_79 = arith.constant 0 : index
    %get3A_80 = arith.constant 0 : index
    %get3A_81 = vector.load %arg11[%get3A_79, %get3A_80] : memref<128x1xf32, #tpu.memory_space<vmem>>, vector<128x1xf32>
    %dot_general3A_82 = arith.constant dense<0.000000e+00> : vector<4096x1xf32>
    %dot_general3A_83 = tpu.matmul %reshape3A, %get3A_81, %dot_general3A_82 {dimension_numbers = #tpu.dot_dimension_numbers<[1], [0], [0], [1], [0, 0, 1, 1], [], []>, transpose_lhs_hint = false} : vector<4096x128xf32>, vector<128x1xf32>, vector<4096x1xf32> -> vector<4096x1xf32>
    %reshape3A_84 = vector.shape_cast %dot_general3A_83 : vector<4096x1xf32> to vector<32x128xf32>
    %max3A_85 = arith.constant 0.000000e+00 : f32
    %max3A_86 = vector.broadcast %max3A_85 : f32 to vector<32x128xf32>
    %max3A_87 = arith.maximumf %reshape3A_84, %max3A_86 : vector<32x128xf32>
    %get3A_88 = arith.constant 0 : index
    %get3A_89 = arith.constant 0 : index
    %get3A_90 = vector.load %arg12[%get3A_88, %get3A_89] : memref<128x1xf32, #tpu.memory_space<vmem>>, vector<128x1xf32>
    %dot_general3A_91 = arith.constant dense<0.000000e+00> : vector<32x1xf32>
    %dot_general3A_92 = tpu.matmul %max3A_87, %get3A_90, %dot_general3A_91 {dimension_numbers = #tpu.dot_dimension_numbers<[1], [0], [0], [1], [0, 0, 1, 1], [], []>, transpose_lhs_hint = false} : vector<32x128xf32>, vector<128x1xf32>, vector<32x1xf32> -> vector<32x1xf32>
    %swap3A = arith.constant 0 : index
    %swap3A_93 = arith.constant 0 : index
    %swap3A_94 = vector.load %arg13[%swap3A, %swap3A_93] : memref<32x1xf32, #tpu.memory_space<vmem>>, vector<32x1xf32>
    tpu.vector_store %arg13[%swap3A, %swap3A_93], %dot_general3A_92 {strides = array<i32>} : memref<32x1xf32, #tpu.memory_space<vmem>>, vector<32x1xf32>,
    return
  }
  func.func @transform_0(%arg0: i32) -> (i32, i32) {
    %c0_i32 = arith.constant 0 : i32
    %c0_i32_0 = arith.constant 0 : i32
    return %arg0, %c0_i32 : i32, i32
  }
  func.func @transform_1(%arg0: i32) -> (i32, i32) {
    %c0_i32 = arith.constant 0 : i32
    %c0_i32_0 = arith.constant 0 : i32
    return %arg0, %c0_i32 : i32, i32
  }
  func.func @transform_2(%arg0: i32) -> (i32, i32) {
    %c0_i32 = arith.constant 0 : i32
    %c0_i32_0 = arith.constant 0 : i32
    return %arg0, %c0_i32 : i32, i32
  }
  func.func @transform_3(%arg0: i32) -> (i32, i32) {
    %c0_i32 = arith.constant 0 : i32
    %c0_i32_0 = arith.constant 0 : i32
    return %arg0, %c0_i32 : i32, i32
  }
  func.func @transform_4(%arg0: i32) -> (i32, i32) {
    %c0_i32 = arith.constant 0 : i32
    %c0_i32_0 = arith.constant 0 : i32
    return %arg0, %c0_i32 : i32, i32
  }
  func.func @transform_5(%arg0: i32) -> (i32, i32) {
    %c0_i32 = arith.constant 0 : i32
    %c0_i32_0 = arith.constant 0 : i32
    return %arg0, %c0_i32 : i32, i32
  }
  func.func @transform_6(%arg0: i32) -> (i32, i32) {
    %c0_i32 = arith.constant 0 : i32
    %c0_i32_0 = arith.constant 0 : i32
    %c0_i32_1 = arith.constant 0 : i32
    return %c0_i32, %c0_i32_0 : i32, i32
  }
  func.func @transform_7(%arg0: i32) -> (i32, i32) {
    %c0_i32 = arith.constant 0 : i32
    %c0_i32_0 = arith.constant 0 : i32
    %c0_i32_1 = arith.constant 0 : i32
    return %c0_i32, %c0_i32_0 : i32, i32
  }
  func.func @transform_8(%arg0: i32) -> (i32, i32) {
    %c0_i32 = arith.constant 0 : i32
    %c0_i32_0 = arith.constant 0 : i32
    %c0_i32_1 = arith.constant 0 : i32
    return %c0_i32, %c0_i32_0 : i32, i32
  }
  func.func @transform_9(%arg0: i32) -> (i32, i32) {
    %c0_i32 = arith.constant 0 : i32
    %c0_i32_0 = arith.constant 0 : i32
    %c0_i32_1 = arith.constant 0 : i32
    return %c0_i32, %c0_i32_0 : i32, i32
  }
  func.func @transform_10(%arg0: i32) -> (i32, i32) {
    %c0_i32 = arith.constant 0 : i32
    %c0_i32_0 = arith.constant 0 : i32
    %c0_i32_1 = arith.constant 0 : i32
    return %c0_i32, %c0_i32_0 : i32, i32
  }
  func.func @transform_11(%arg0: i32) -> (i32, i32) {
    %c0_i32 = arith.constant 0 : i32
    %c0_i32_0 = arith.constant 0 : i32
    %c0_i32_1 = arith.constant 0 : i32
    return %c0_i32, %c0_i32_0 : i32, i32
  }
  func.func @transform_12(%arg0: i32) -> (i32, i32) {
    %c0_i32 = arith.constant 0 : i32
    %c0_i32_0 = arith.constant 0 : i32
    return %arg0, %c0_i32 : i32, i32
  }
}

</mosaic_0001>

<sc_bundles>
// kernel: kernel.12.cloned.1.call-start
scs
__scs_entry_jumppad:
0x0: {  	(pc) =	sbr.rel $0x88, $3  }
0x1: {  	(tag) =	ssettag $0x0;
	lr =	simm.s32 $0x1  }
0x2: {  	[smem:$0x3F94] =	sst lr;
	_ =	strace $0xD0000000  }
0x3: {  	_ = 	snop  }
0x4: {  	_ = 	snop  }
0x5: {  	_ = 	snop  }
0x6: {  	_ = 	snop  }
0x7: {  	_ = 	snop  }
__scs_overlays_trampoline_lowered:
0x8: {  	[smem:$0x3FA3] =	sst s0  }
0x9: {  	[smem:$0x3FA4] =	sst s1  }
0xa: {  	[smem:$0x3FA5] =	sst s2  }
0xb: {  	[smem:$0x3FA6] =	sst s3  }
0xc: {  	[smem:$0x3FA7] =	sst s4  }
0xd: {  	[smem:$0x3FA8] =	sst s5  }
0xe: {  	[smem:$0x3FA9] =	sst s6  }
0xf: {  	[smem:$0x3FAA] =	sst s7  }
0x10: {  	[smem:$0x3FAB] =	sst s8  }
0x11: {  	[smem:$0x3FAC] =	sst s9;
	s0 =	simm.s32 @!p0 $0x0  }
0x12: {  	s1 =	sld [smem:$0x3F92];
	s0 =	simm.s32 @p0 $0x1  }
0x13: {  	[smem:$0x3FAD] =	sst s0;
	s0 =	simm.s32 @!p1 $0x0  }
0x14: {  	s2 =	sld [smem:$0x3F91];
	s0 =	simm.s32 @p1 $0x1  }
0x15: {  	[smem:$0x3FAE] =	sst s0;
	s0 =	simm.s32 @!p2 $0x0  }
0x16: {  	s3 =	sld [smem:$0x3FDB];
	s0 =	simm.s32 @p2 $0x1  }
0x17: {  	s4 =	simm.s32 $0x1BF5;
	[smem:$0x3FB0] =	sst s0  }
0x18: {  	s0 =	sld [smem:$0x3F93];
	_ =	swait.ge [sflag:s4], $0x0  }
0x19: {  	s7 =	sld [smem:$0x3F94]  }
0x1a: {  	s8 =	sadd.s32 $0xFFFFE003, lr  }
0x1b: {  	s9 =	sadd.s32 $0xFFFFFEF7, lr;
	s5 =	simm.s32 $0xFFFFFFFF;
	p2 =	slt.u32 s8, $0xFFFFF086  }
0x1c: {  	p1 =	slt.u32 s9, $0xF7A;
	s5 =	simm.s32 @!p2 $0x0  }
0x1d: {  	s5 =	simm.s32 @p1 $0x1;
	p0 =	seq.s32 s7, s2  }
0x1e: {  	s7 =	smul.u32 @!p0 $0xF7A, s2;
	p2 =	seq.s32 @!p0 s5, $0x0  }
0x1f: {  	s9 =	smul.u32 $0xF7A, s1;
	s8 =	simm.s32 @!p0 $0x1BF5;
	p2 =	por !p2, p0  }
0x20: {  	[sflag:s8] =	ssyncset.s32 @!p0 $0xFFFFF086;
	s6 =	sadd.s32 @!p0 s3, s7;
	s7 =	simm.s32 @!p0 $0x108  }
0x21: {  	s3 =	sadd.s32 s3, s9;
	s6 =	sadd.s32 @!p0 $0x88, s6;
	s7 =	simm.s32 @p2 $0x1082  }
0x22: {  	[simem:s7], [sflag:s8] =	dma.local @!p0 [hbm:s6], $0xF7A  }
0x23: {  	s9 =	sor.u32 $0xD0000000, s2;
	s6 =	simm.s32 $0x108;
	_ =	swait.ge @!p0 [sflag:s8], $0x0  }
0x24: {  	s3 =	sadd.s32 $0x88, s3;
	s6 =	simm.s32 @!p1 $0x1082;
	[sflag:s4] =	ssyncset.s32 $0xFFFFF086  }
0x25: {  	[simem:s6], [sflag:s4] =	dma.local [hbm:s3], $0xF7A  }
0x26: {  	[smem:$0x3F94] =	sst s1;
	(tag) =	ssettag s2;
	_ =	strace s9  }
0x27: {  	s1 =	sld [smem:$0x3FA4]  }
0x28: {  	s2 =	sld [smem:$0x3FA5]  }
0x29: {  	s4 =	sld [smem:$0x3FA7]  }
0x2a: {  	p0 =	seq.s32 s5, $0x0;
	s5 =	sld [smem:$0x3FA8]  }
0x2b: {  	s6 =	sld [smem:$0x3FA9]  }
0x2c: {  	s7 =	sld [smem:$0x3FAA]  }
0x2d: {  	s3 =	simm.s32 $0x108;
	s8 =	sld [smem:$0x3FAB]  }
0x2e: {  	s3 =	simm.s32 @!p0 $0x1082;
	s9 =	sld [smem:$0x3FAC]  }
0x2f: {  	lr =	sadd.s32 s0, s3;
	s0 =	sld [smem:$0x3FA3]  }
0x30: {  	s3 =	sld [smem:$0x3FA6]  }
0x31: {  	[smem:$0x3FAF] =	sst s10  }
0x32: {  	s10 =	sld [smem:$0x3FAD];
	_ =	sdelay $0x3  }
0x33: {  	p0 =	seq.s32 s10, $0x1;
	s10 =	sld [smem:$0x3FAF];
	_ =	sdelay $0x3  }
0x34: {  	[smem:$0x3FAF] =	sst s10  }
0x35: {  	s10 =	sld [smem:$0x3FAE];
	_ =	sdelay $0x3  }
0x36: {  	p1 =	seq.s32 s10, $0x1;
	s10 =	sld [smem:$0x3FAF];
	_ =	sdelay $0x3  }
0x37: {  	[smem:$0x3FAF] =	sst s10  }
0x38: {  	s10 =	sld [smem:$0x3FB0]  }
0x39: {  	_ = 	snop;
	(pc) =	sbr.ind lr, $3  }
0x3a: {  	_ = 	snop  }
0x3b: {  	_ = 	snop  }
0x3c: {  	p2 =	seq.s32 s10, $0x1;
	s10 =	sld [smem:$0x3FAF]  }
0x3d: {  	_ =	shalt  }
0x3e: {  	_ =	shalt  }
0x3f: {  	_ =	shalt  }
0x40: {  	_ =	shalt  }
0x41: {  	_ =	shalt  }
0x42: {  	_ =	shalt  }
0x43: {  	_ =	shalt  }
0x44: {  	_ =	shalt  }
0x45: {  	_ =	shalt  }
0x46: {  	_ =	shalt  }
0x47: {  	_ =	shalt  }
0x48: {  	_ =	shalt  }
0x49: {  	_ =	shalt  }
0x4a: {  	_ =	shalt  }
0x4b: {  	_ =	shalt  }
0x4c: {  	_ =	shalt  }
0x4d: {  	_ =	shalt  }
0x4e: {  	_ =	shalt  }
0x4f: {  	_ =	shalt  }
0x50: {  	_ =	shalt  }
0x51: {  	_ =	shalt  }
0x52: {  	_ =	shalt  }
0x53: {  	_ =	shalt  }
0x54: {  	_ =	shalt  }
0x55: {  	_ =	shalt  }
0x56: {  	_ =	shalt  }
0x57: {  	_ =	shalt  }
0x58: {  	_ =	shalt  }
0x59: {  	_ =	shalt  }
0x5a: {  	_ =	shalt  }
0x5b: {  	_ =	shalt  }
0x5c: {  	_ =	shalt  }
0x5d: {  	_ =	shalt  }
0x5e: {  	_ =	shalt  }
0x5f: {  	_ =	shalt  }
0x60: {  	_ =	shalt  }
0x61: {  	_ =	shalt  }
0x62: {  	_ =	shalt  }
0x63: {  	_ =	shalt  }
0x64: {  	_ =	shalt  }
0x65: {  	_ =	shalt  }
0x66: {  	_ =	shalt  }
0x67: {  	_ =	shalt  }
0x68: {  	_ =	shalt  }
0x69: {  	_ =	shalt  }
0x6a: {  	_ =	shalt  }
0x6b: {  	_ =	shalt  }
0x6c: {  	_ =	shalt  }
0x6d: {  	_ =	shalt  }
0x6e: {  	_ =	shalt  }
0x6f: {  	_ =	shalt  }
0x70: {  	_ =	shalt  }
0x71: {  	_ =	shalt  }
0x72: {  	_ =	shalt  }
0x73: {  	_ =	shalt  }
0x74: {  	_ =	shalt  }
0x75: {  	_ =	shalt  }
0x76: {  	_ =	shalt  }
0x77: {  	_ =	shalt  }
0x78: {  	_ =	shalt  }
0x79: {  	_ =	shalt  }
0x7a: {  	_ =	shalt  }
0x7b: {  	_ =	shalt  }
0x7c: {  	_ =	shalt  }
0x7d: {  	_ =	shalt  }
0x7e: {  	_ =	shalt  }
0x7f: {  	_ =	shalt  }
0x80: {  	_ =	shalt  }
0x81: {  	_ =	shalt  }
0x82: {  	_ =	shalt  }
0x83: {  	_ =	shalt  }
0x84: {  	_ =	shalt  }
0x85: {  	_ =	shalt  }
0x86: {  	_ =	shalt  }
0x87: {  	_ =	shalt  }
.Lfunc_end0:
.L_simem_size_0:
called_computation.1_lowered:
.L_overlay_start_0:
0x88: {  	s2 =	sld [smem:$0x3FD9]  }
0x89: {  	s3 =	sld [smem:$0x3FFE];
	_ =	sdelay $0x1  }
0x8a: {  	s1 =	srdreg.scid  }
0x8b: {  	s0 =	sand.u32 $0x1, s1  }
0x8c: {  	s17 =	sshll.u32 s0, $0xA;
	s2 =	sadd.s32 s3, s2  }
0x8d: {  	s2 =	sadd.s32 s2, s17  }
0x8e: {  	[smem:$0x3FBB] =	sst s2  }
0x8f: {  	_ = 	snop  }
0x90: {  	s2 =	sld [smem:$0x3FC9]  }
0x91: {  	s18 =	sld [smem:$0x3FC7]  }
0x92: {  	s4 =	sld [smem:$0x3FC6];
	(tm) =	ssettm $0x1  }
0x93: {  	s5 =	sld [smem:$0x3FFB];
	_ =	sdelay $0x3  }
0x94: {  	_ =	strace s5  }
0x95: {  	s5 =	sld [smem:$0x3FFC];
	_ =	sdelay $0x3  }
0x96: {  	_ =	strace s5  }
0x97: {  	s5 =	sld [smem:$0x3FFD];
	_ =	sdelay $0x3  }
0x98: {  	_ =	strace s5  }
0x99: {  	_ =	strace $0x8FFFFFFF  }
0x9a: {  	s19 =	sld [smem:$0x3FDB];
	_ =	sdelay $0x1  }
0x9b: {  	s6 =	simm.s32 $_scs_section_size  }
0x9c: {  	s7 =	simm.s32 $_size__tile_overlayer_lowered;
	s8 =	simm.s32 $_tile_overlayer_lowered  }
0x9d: {  	s22 =	simm.s32 $0x1BFF;
	s21 =	sshll.u32 s8, $0x1;
	s5 =	sadd.s32 s6, s19  }
0x9e: {  	s9 =	simm.s32 $0x0;
	s20 =	sshll.u32 s7, $0x1;
	s7 =	sadd.s32 s21, s5  }
0x9f: {  	[timem:s9], [sflag:s22] =	dma.local [hbm:s7], s20  }
0xa0: {  	_ =	swait.ge [sflag:s22], s20  }
0xa1: {  	s6 =	ssub.s32 $0x0, s20;
	[sflag:s22] =	ssyncset.done $0x0  }
0xa2: {  	[sflag:s22] =	ssyncadd.s32 s6;
	_ =	sdelay $0x1  }
0xa3: {  	s23 =	simm.s32 $0x1B8B  }
0xa4: {  	_ =	swait.ge [sflag:s23], $0x1  }
0xa5: {  	[sflag:s23] =	ssyncset.done $0x0  }
0xa6: {  	s25 =	simm.s32 $0x1B8E;
	s24 =	sld [smem:$0x3FFE];
	[sflag:s23] =	ssyncadd.s32 $0xFFFFFFFF  }
0xa7: {  	s26 =	simm.s32 $execute0_lowered;
	[smem:$0x3FD2] =	sst s25  }
0xa8: {  	s7 =	sshll.u32 s26, $0x1;
	_ =	strace $0x80000049;
	[dreg:$0x1] =	wrdreg $0xFFFFFFFF  }
0xa9: {  	s28 =	simm.s32 $_size_execute0_lowered;
	s5 =	sadd.s32 s5, s7;
	[dreg:$0x0] =	wrdreg $0x0  }
0xaa: {  	s7 =	sshll.u32 s28, $0x1;
	[dreg:$0x2] =	wrdreg s5  }
0xab: {  	[dreg:$0x3] =	wrdreg s7  }
0xac: {  	[dreg:$0x4] =	wrdreg $0xC0  }
0xad: {  	_ =	task [dreg:s9], $0x5FFFF  }
0xae: {  	[dreg:$0x1] =	wrdreg $0xFFFFFFFF  }
0xaf: {  	[dreg:$0x0] =	wrdreg $0x60  }
0xb0: {  	[dreg:$0x2] =	wrdreg s24  }
0xb1: {  	[dreg:$0x3] =	wrdreg s18  }
0xb2: {  	[dreg:$0x4] =	wrdreg s4  }
0xb3: {  	[dreg:$0x5] =	wrdreg s2  }
0xb4: {  	[dreg:$0x6] =	wrdreg $0x0  }
0xb5: {  	[dreg:$0x7] =	wrdreg $0x140000  }
0xb6: {  	[dreg:$0x8] =	wrdreg $0x9  }
0xb7: {  	_ =	task.clear_ibuf [dreg:s9], $0x9FFFF;
	_ =	strace $0x90000049  }
0xb8: {  	s29 =	simm.s32 $0x9;
	_ =	strace $0x8000004B  }
0xb9: {  	_ =	swait.ge [sflag:s29], $0x1  }
0xba: {  	[sflag:s29] =	ssyncadd.s32 $0xFFFFFFFF  }
0xbb: {  	_ =	strace $0x9000004B  }
0xbc: {  	_ =	sfence  }
0xbd: {  	s30 =	sld [smem:$0x0];
	_ =	sdelay $0x2  }
0xbe: {  	s31 =	sshll.u32 s1, $0xD;
	s1 =	sshrl.u32 s1, $0x2  }
0xbf: {  	s3 =	sand.u32 $0x4000, s31;
	s1 =	sadd.s32 s1, s30  }
0xc0: {  	s0 =	sor.u32 s3, s0;
	s1 =	sshll.u32 s1, $0x11  }
0xc1: {  	s0 =	sor.u32 s1, s0  }
0xc2: {  	s0 =	sadd.s32 $0x8F2B, s0  }
0xc3: {  	[sflag:s0] =	ssyncadd.remote.s32 $0x1  }
0xc4: {  	_ =	sfence.sel $0xFFFF  }
0xc5: {  	[dreg:$0x0] =	wrdreg $0xFFFFFFFF;
	(pc) =	sbr.abs _section_cstart, $3  }
0xc6: {  	[dreg:$0x1] =	wrdreg $0xFFFFFFFF  }
0xc7: {  	_ =	task.clear_ibuf [dreg:s9], $0x2FFFF;
	_ =	strace $0x9FFFFFFF  }
0xc8: {  	(tm) =	ssettm $0x7FFFFFFF  }
0xc9: {  	_ =	shalt  }
tec
execute0_lowered:
.L_overlay_start_1:
0x0: {  	(tag) =	ssettag $0x1  }
0x1: {  	s0 =	rddreg [dreg:$0x0]  }
0x2: {  	s1 =	rddreg [dreg:$0x1]  }
0x3: {  	s7 =	rddreg [dreg:$0x2]  }
0x4: {  	s8 =	rddreg [dreg:$0x3];
	s3 =	srdreg.scid  }
0x5: {  	s22 =	stileid.u32;
	s2 =	rddreg [dreg:$0x4]  }
0x6: {  	s4 =	simm.s32 $0x0;
	s28 =	simm.s32 $0x2;
	s29 =	simm.s32 $0x3  }
0x7: {  	s31 =	simm.s32 $0x4;
	s9 =	sand.u32 $0x1, s3;
	s3 =	rddreg [dreg:$0x5]  }
0x8: {  	s30 =	simm.s32 $0x0;
	s10 =	sshll.u32 s22, $0x1;
	[smem:$0x7FF] =	sst s4  }
0x9: {  	s6 =	sadd.s32 $0xD800, s0;
	s15 =	sadd.s32 $0x3E800, s0;
	s23 =	sadd.s32 $0x66800, s0  }
0xa: {  	s16 =	sadd.s32 $0x8E800, s0;
	s17 =	sadd.s32 $0x8F800, s0;
	s21 =	sadd.s32 $0x93800, s0  }
0xb: {  	s11 =	sor.u32 s9, s10;
	_ =	strace $0x8000004A;
	s18 =	ssub.s32 $0x2, s9  }
0xc: {  	p0 =	seq.s32 s9, $0x0;
	s5 =	smul.u32 $0x2710, s11;
	s14 =	sshll.u32 s11, $0x7  }
0xd: {  	s24 =	sshrl.u32 s18, $0x1;
	s20 =	smul.u32 $0x190, s11;
	s23 =	smov.u32 @p0 s15  }
0xe: {  	s15 =	sshll.u32 s22, $0xB;
	s17 =	smov.u32 @p0 s16;
	s16 =	smul.u32 $0x4E20, s22  }
0xf: {  	s19 =	sadd.s32 s14, s0;
	s18 =	ssub.s32 s18, s24;
	s25 =	sshrl.u32 s20, $0x3  }
0x10: {  	[dreg:$0x7] =	wrdreg s23;
	s12 =	sshrl.u32 s5, $0x3;
	s7 =	sadd.s32 s7, s25  }
0x11: {  	s13 =	sadd.s32 s12, s0;
	s24 =	sadd.s32 s6, s12;
	[dreg:$0xb] =	wrdreg s7  }
0x12: {  	s5 =	sadd.s32 $0x17600, s0;
	s13 =	sadd.s32 $0x3A00, s13;
	[dreg:$0x8] =	wrdreg s24  }
0x13: {  	s0 =	sadd.s32 $0x94800, s0;
	s26 =	sadd.s32 $0xA, s24;
	[dreg:$0x9] =	wrdreg s13  }
0x14: {  	s12 =	smul.u32 $0x50000, s22;
	s20 =	sadd.s32 $0x14, s24;
	[dreg:$0xa] =	wrdreg s26  }
0x15: {  	s7 =	sadd.s32 s8, s10;
	s0 =	smov.u32 @p0 s21;
	[dreg:$0xd] =	wrdreg s20  }
0x16: {  	s21 =	sadd.s32 $0x4D8, s24;
	s10 =	simm.s32 $0x17900;
	[dreg:$0xf] =	wrdreg s7  }
0x17: {  	s13 =	sadd.s32 s1, s25;
	s26 =	sadd.s32 s8, s11;
	[dreg:$0x18] =	wrdreg s21  }
0x18: {  	s25 =	sshrl.u32 s12, $0x2;
	s20 =	sadd.s32 $0x90800, s19;
	[dreg:$0xe] =	wrdreg s26  }
0x19: {  	s8 =	smul.u32 $0x2800, s22;
	s11 =	smax.u32 s18, $0x1;
	[dreg:$0x10] =	wrdreg s20  }
0x1a: {  	s12 =	sadd.s32 s15, s3;
	s21 =	simm.s32 $0x17880;
	[dreg:$0x11] =	wrdreg s11  }
0x1b: {  	s14 =	sadd.s32 s25, s2;
	s20 =	sadd.s32 $0x4CE, s24;
	[dreg:$0xc] =	wrdreg s13  }
0x1c: {  	s26 =	sshll.u32 s22, $0x8;
	s22 =	sadd.s32 $0xA, s13;
	[dreg:$0x17] =	wrdreg s20  }
0x1d: {  	s25 =	smul.u32 $0x2710, s9;
	s24 =	sadd.s32 $0x14, s13;
	[dreg:$0x19] =	wrdreg s22  }
0x1e: {  	s9 =	simm.s32 $0x5;
	s1 =	sadd.s32 s23, s8;
	[dreg:$0x1a] =	wrdreg s24  }
0x1f: {  	s11 =	simm.s32 $0x50;
	s15 =	sadd.s32 s17, s26;
	[dreg:$0x12] =	wrdreg s1  }
0x20: {  	s0 =	sadd.s32 s0, s26;
	s26 =	sadd.s32 $0x28, s13;
	[dreg:$0x13] =	wrdreg s15  }
0x21: {  	s20 =	simm.s32 $0x17A00;
	s22 =	simm.s32 $0x1CA80;
	[dreg:$0x14] =	wrdreg s0  }
0x22: {  	s16 =	sadd.s32 s25, s16;
	s25 =	sadd.s32 $0x1E, s13;
	[dreg:$0x1c] =	wrdreg s26  }
0x23: {  	s13 =	simm.s32 $0x17780;
	s15 =	simm.s32 $0x17A80;
	s26 =	simm.s32 $0x1  }
0x24: {  	s17 =	sadd.s32 $0x190, s16;
	s7 =	sadd.s32 $0x140, s16;
	s23 =	sadd.s32 $0xF0, s16  }
0x25: {  	[dreg:$0x1b] =	wrdreg s25;
	s16 =	simm.s32 $0x17980;
	s0 =	sshrl.u32 s17, $0x3  }
0x26: {  	s18 =	sshrl.u32 s7, $0x3;
	s17 =	simm.s32 $0x15000;
	s0 =	sadd.s32 s0, s6  }
0x27: {  	s19 =	sadd.s32 s18, s6;
	s18 =	simm.s32 $0x17800;
	[dreg:$0x15] =	wrdreg s0  }
0x28: {  	v0 =	vimm.f32 $0.0e+00;
	[dreg:$0x16] =	wrdreg s19;
	s19 =	simm.s32 $0x1A280;
	s0 =	simm.s32 $0x14800  }
.LBB2_1:
0x29: {  	s1 =	rddreg [dreg:$0x9]  }
0x2a: {  	[tilespmem:s17], [sflag:$0x5] =	stream.linear.gather [hbm4b:s1+s4], $0x2710, $0x38;
	[tilespmem:$0x1F380] =	vst v63  }
0x2b: {  	_ =	swait.ge [sflag:s9], $0x2710  }
0x2c: {  	[sflag:s9] =	ssyncset.done $0x0  }
0x2d: {  	[sflag:s9] =	ssyncadd.s32 $0xFFFFD8F0  }
0x2e: {  	v1 =	vld [tilespmem:$0x15000]  }
0x2f: {  	v2 =	vld [tilespmem:$0x15010]  }
0x30: {  	v3 =	vld [tilespmem:$0x15020]  }
0x31: {  	v4 =	vld [tilespmem:$0x15030]  }
0x32: {  	v5 =	vld [tilespmem:$0x15040]  }
0x33: {  	[tilespmem:$0x17780] =	vst v1  }
0x34: {  	[tilespmem:$0x17790] =	vst v2  }
0x35: {  	[tilespmem:$0x177A0] =	vst v3  }
0x36: {  	[tilespmem:$0x177B0] =	vst v4  }
0x37: {  	s17 =	rddreg [dreg:$0x8];
	[tilespmem:$0x177C0] =	vst v5  }
0x38: {  	[tilespmem:s10], [sflag:$0x1] =	stream.linear.gather [hbm4b:s17+s4], $0x50, $0x38;
	[tilespmem:$0x1F380] =	vst v63  }
0x39: {  	_ = 	snop  }
0x3a: {  	[tilespmem:s15], [sflag:$0x1] =	stream.indirect.gather [hbm4b:s5+s11], $0x80, s13, s11, $0xb8;
	[tilespmem:$0x1F380] =	vst v63  }
0x3b: {  	v1 =	vld [tilespmem:$0x15050]  }
0x3c: {  	v2 =	vld [tilespmem:$0x15060]  }
0x3d: {  	v3 =	vld [tilespmem:$0x15070]  }
0x3e: {  	v60 =	vld [tilespmem:$0x15080]  }
0x3f: {  	v61 =	vld [tilespmem:$0x15090]  }
0x40: {  	[tilespmem:$0x17800] =	vst v1  }
0x41: {  	[tilespmem:$0x17810] =	vst v2  }
0x42: {  	[tilespmem:$0x17820] =	vst v3  }
0x43: {  	[tilespmem:$0x17830] =	vst v60  }
0x44: {  	s24 =	rddreg [dreg:$0xa];
	[tilespmem:$0x17840] =	vst v61  }
0x45: {  	[tilespmem:s16], [sflag:$0x2] =	stream.linear.gather [hbm4b:s24+s4], $0x50, $0x38;
	[tilespmem:$0x1F380] =	vst v63  }
0x46: {  	_ = 	snop  }
0x47: {  	[tilespmem:s19], [sflag:$0x2] =	stream.indirect.gather [hbm4b:s5+s11], $0x80, s18, s11, $0xb8;
	[tilespmem:$0x1F380] =	vst v63  }
0x48: {  	v1 =	vld [tilespmem:$0x150A0]  }
0x49: {  	v2 =	vld [tilespmem:$0x150B0]  }
0x4a: {  	v3 =	vld [tilespmem:$0x150C0]  }
0x4b: {  	v62 =	vld [tilespmem:$0x150D0]  }
0x4c: {  	v63 =	vld [tilespmem:$0x150E0]  }
0x4d: {  	[tilespmem:$0x17880] =	vst v1  }
0x4e: {  	[tilespmem:$0x17890] =	vst v2  }
0x4f: {  	[tilespmem:$0x178A0] =	vst v3  }
0x50: {  	[tilespmem:$0x178B0] =	vst v62  }
0x51: {  	s25 =	rddreg [dreg:$0xd];
	[tilespmem:$0x178C0] =	vst v63  }
0x52: {  	[tilespmem:s20], [sflag:$0x3] =	stream.linear.gather [hbm4b:s25+s4], $0x50, $0x38;
	[tilespmem:$0x1F380] =	vst v63  }
0x53: {  	s7 =	simm.s32 $0x200;
	s1 =	simm.s32 $0x0  }
0x54: {  	[tilespmem:s22], [sflag:$0x3] =	stream.indirect.gather [hbm4b:s5+s11], $0x80, s21, s11, $0xb8;
	[tilespmem:$0x1F380] =	vst v63  }
.LBB2_2:
0x55: {  	p0 =	sne.s32 s7, $0x1E00;
	[tilespmem:s1+$0x14870] =	vst v0  }
0x56: {  	[tilespmem:s1+$0x14800] =	vst v0  }
0x57: {  	[tilespmem:s1+$0x14810] =	vst v0  }
.Ltmp0:
0x58: {  	[tilespmem:s1+$0x14820] =	vst v0;
	(pc) =	sbr.rel @p0 .LBB2_2-.Ltmp0, $4  }
0x59: {  	[tilespmem:s1+$0x14830] =	vst v0  }
0x5a: {  	[tilespmem:s1+$0x14840] =	vst v0  }
0x5b: {  	[tilespmem:s1+$0x14850] =	vst v0  }
0x5c: {  	[tilespmem:s1+$0x14860] =	vst v0;
	s1 =	sshra.s32 s7, $0x2;
	s7 =	sadd.s32 $0x200, s7  }
0x5d: {  	[tilespmem:s1+$0x14870] =	vst v0  }
0x5e: {  	[tilespmem:s1+$0x14800] =	vst v0  }
0x5f: {  	[tilespmem:s1+$0x14810] =	vst v0  }
0x60: {  	[tilespmem:s1+$0x14820] =	vst v0  }
0x61: {  	[tilespmem:s1+$0x14830] =	vst v0  }
0x62: {  	[tilespmem:s1+$0x14840] =	vst v0  }
0x63: {  	[tilespmem:s1+$0x14850] =	vst v0  }
0x64: {  	[tilespmem:s1+$0x14860] =	vst v0;
	s25 =	sadd.s32 $0x0, s14  }
0x65: {  	[spmem:s25] =	stream.linear.scatter [tilespmem:s0], [sflag:$0x5], $0x800, $0x38;
	[tilespmem:$0x1F380] =	vst v63  }
0x66: {  	s1 =	simm.s32 $0x2000;
	_ =	swait.ge [sflag:s9], $0x800  }
.LBB2_4:
0x67: {  	s7 =	sshra.s32 s1, $0x2;
	[sflag:s9] =	ssyncset.done $0x0;
	p0 =	sne.s32 s1, $0x4E000  }
.Ltmp1:
0x68: {  	s7 =	sadd.s32 s7, s14;
	[sflag:s9] =	ssyncadd.s32 $0xFFFFF800;
	(pc) =	sbr.rel @p0 .LBB2_4-.Ltmp1, $3  }
0x69: {  	[spmem:s7] =	stream.linear.scatter [tilespmem:s0], [sflag:$0x5], $0x800, $0x38;
	[tilespmem:$0x1F380] =	vst v63  }
0x6a: {  	s1 =	sadd.s32 $0x2000, s1;
	_ =	sdelay $0x1  }
0x6b: {  	_ =	swait.ge [sflag:s9], $0x800  }
0x6c: {  	[sflag:s9] =	ssyncset.done $0x0  }
0x6d: {  	[sflag:s9] =	ssyncadd.s32 $0xFFFFF800  }
0x6e: {  	[spmem:s12] =	stream.linear.scatter [tilespmem:s0], [sflag:$0x5], $0x800, $0x38;
	[tilespmem:$0x1F380] =	vst v63  }
0x6f: {  	_ =	swait.ge [sflag:s9], $0x800  }
0x70: {  	[sflag:s9] =	ssyncset.done $0x0  }
0x71: {  	[sflag:s9] =	ssyncadd.s32 $0xFFFFF800  }
0x72: {  	[bflag:$0x0] =	sbarrier.arrive $0xFFFF  }
0x73: {  	_ =	swait.ge [sflag:s26], $0x2800  }
0x74: {  	[sflag:s26] =	ssyncset.done $0x0  }
0x75: {  	[sflag:s26] =	ssyncadd.s32 $0xFFFFD800  }
0x76: {  	_ =	swait.ge [sflag:s26], $0x50  }
0x77: {  	[sflag:s26] =	ssyncset.done $0x0  }
0x78: {  	[sflag:s26] =	ssyncadd.s32 $0xFFFFFFB0  }
0x79: {  	[spmem:s2] =	stream.indirect.scatter.add.f32 [tilespmem:s15], [sflag:$0x5], $0x80, s10, s11, $0xb8;
	[tilespmem:$0x1F380] =	vst v63  }
0x7a: {  	_ =	swait.ge [sflag:s9], $0x2800  }
0x7b: {  	[sflag:s9] =	ssyncset.done $0x0  }
0x7c: {  	s1 =	simm.s32 $0x151D0;
	[sflag:s9] =	ssyncadd.s32 $0xFFFFD800  }
0x7d: {  	v1 =	vld [tilespmem:s1+$0xFFFFFF20];
	_ =	sdelay $0x3  }
0x7e: {  	s7 =	simm.s32 $0x0  }
0x7f: {  	s7 =	sand.u32 $0x3FF0, s7;
	[tilespmem:$0x17780] =	vst v1  }
0x80: {  	v1 =	vld [tilespmem:s7+$0x15100];
	_ =	sdelay $0x4  }
0x81: {  	[tilespmem:$0x17790] =	vst v1  }
0x82: {  	v1 =	vld [tilespmem:s1+$0xFFFFFF40];
	_ =	sdelay $0x4  }
0x83: {  	[tilespmem:$0x177A0] =	vst v1  }
0x84: {  	v1 =	vld [tilespmem:s1+$0xFFFFFF50];
	_ =	sdelay $0x4  }
0x85: {  	[tilespmem:$0x177B0] =	vst v1  }
0x86: {  	v1 =	vld [tilespmem:s1+$0xFFFFFF60];
	_ =	sdelay $0x2  }
0x87: {  	s8 =	sadd.s32 $0x0, s23  }
0x88: {  	s8 =	sshrl.u32 s8, $0x3  }
0x89: {  	s8 =	sadd.s32 s6, s8;
	[tilespmem:$0x177C0] =	vst v1  }
0x8a: {  	[tilespmem:s10], [sflag:$0x1] =	stream.linear.gather [hbm4b:s8+s4], $0x50, $0x38;
	[tilespmem:$0x1F380] =	vst v63  }
0x8b: {  	_ = 	snop  }
0x8c: {  	[tilespmem:s15], [sflag:$0x1] =	stream.indirect.gather [hbm4b:s5+s11], $0x80, s13, s11, $0xb8;
	[tilespmem:$0x1F380] =	vst v63  }
0x8d: {  	_ =	swait.ge [sflag:s28], $0x2800  }
0x8e: {  	[sflag:s28] =	ssyncset.done $0x0  }
0x8f: {  	[sflag:s28] =	ssyncadd.s32 $0xFFFFD800  }
0x90: {  	_ =	swait.ge [sflag:s28], $0x50  }
0x91: {  	[sflag:s28] =	ssyncset.done $0x0  }
0x92: {  	[sflag:s28] =	ssyncadd.s32 $0xFFFFFFB0  }
0x93: {  	[spmem:s2] =	stream.indirect.scatter.add.f32 [tilespmem:s19], [sflag:$0x5], $0x80, s16, s11, $0xb8;
	[tilespmem:$0x1F380] =	vst v63  }
0x94: {  	_ =	swait.ge [sflag:s9], $0x2800  }
0x95: {  	[sflag:s9] =	ssyncset.done $0x0  }
0x96: {  	[sflag:s9] =	ssyncadd.s32 $0xFFFFD800  }
0x97: {  	v1 =	vld [tilespmem:s1+$0xFFFFFF70];
	_ =	sdelay $0x4  }
0x98: {  	[tilespmem:$0x17800] =	vst v1  }
0x99: {  	v1 =	vld [tilespmem:s1+$0xFFFFFF80];
	_ =	sdelay $0x4  }
0x9a: {  	[tilespmem:$0x17810] =	vst v1  }
0x9b: {  	v1 =	vld [tilespmem:s1+$0xFFFFFF90];
	_ =	sdelay $0x4  }
0x9c: {  	[tilespmem:$0x17820] =	vst v1  }
0x9d: {  	v1 =	vld [tilespmem:s1+$0xFFFFFFA0];
	_ =	sdelay $0x4  }
0x9e: {  	[tilespmem:$0x17830] =	vst v1  }
0x9f: {  	v1 =	vld [tilespmem:s7+$0x15180];
	_ =	sdelay $0x4  }
0xa0: {  	s17 =	rddreg [dreg:$0x16];
	[tilespmem:$0x17840] =	vst v1  }
0xa1: {  	[tilespmem:s16], [sflag:$0x2] =	stream.linear.gather [hbm4b:s17+s4], $0x50, $0x38;
	[tilespmem:$0x1F380] =	vst v63  }
0xa2: {  	_ = 	snop  }
0xa3: {  	[tilespmem:s19], [sflag:$0x2] =	stream.indirect.gather [hbm4b:s5+s11], $0x80, s18, s11, $0xb8;
	[tilespmem:$0x1F380] =	vst v63  }
0xa4: {  	_ =	swait.ge [sflag:s29], $0x2800  }
0xa5: {  	[sflag:s29] =	ssyncset.done $0x0  }
0xa6: {  	[sflag:s29] =	ssyncadd.s32 $0xFFFFD800  }
0xa7: {  	_ =	swait.ge [sflag:s29], $0x50  }
0xa8: {  	[sflag:s29] =	ssyncset.done $0x0  }
0xa9: {  	[sflag:s29] =	ssyncadd.s32 $0xFFFFFFB0  }
0xaa: {  	[spmem:s2] =	stream.indirect.scatter.add.f32 [tilespmem:s22], [sflag:$0x5], $0x80, s20, s11, $0xb8;
	[tilespmem:$0x1F380] =	vst v63  }
0xab: {  	_ =	swait.ge [sflag:s9], $0x2800  }
0xac: {  	[sflag:s9] =	ssyncset.done $0x0  }
0xad: {  	[sflag:s9] =	ssyncadd.s32 $0xFFFFD800  }
0xae: {  	v1 =	vld [tilespmem:s1+$0xFFFFFFC0];
	_ =	sdelay $0x4  }
0xaf: {  	[tilespmem:$0x17880] =	vst v1  }
0xb0: {  	v1 =	vld [tilespmem:s1+$0xFFFFFFD0];
	_ =	sdelay $0x4  }
0xb1: {  	[tilespmem:$0x17890] =	vst v1  }
0xb2: {  	v1 =	vld [tilespmem:s1+$0xFFFFFFE0];
	_ =	sdelay $0x4  }
0xb3: {  	[tilespmem:$0x178A0] =	vst v1  }
0xb4: {  	v1 =	vld [tilespmem:s1+$0xFFFFFFF0];
	_ =	sdelay $0x4  }
0xb5: {  	[tilespmem:$0x178B0] =	vst v1  }
0xb6: {  	v1 =	vld [tilespmem:s1+$0x0];
	_ =	sdelay $0x3  }
0xb7: {  	s25 =	smov.u32 s12;
	s12 =	simm.s32 $0x152C0;
	s24 =	rddreg [dreg:$0x15]  }
0xb8: {  	s8 =	sadd.s32 $0x1E, s17;
	s7 =	simm.s32 $0xF0;
	s1 =	sadd.s32 $0x1E, s24;
	[tilespmem:$0x178C0] =	vst v1  }
0xb9: {  	[tilespmem:s20], [sflag:$0x3] =	stream.linear.gather [hbm4b:s24+s4], $0x50, $0x38;
	[tilespmem:$0x1F380] =	vst v63  }
.LBB2_6:
0xba: {  	[tilespmem:s22], [sflag:$0x3] =	stream.indirect.gather [hbm4b:s5+s11], $0x80, s21, s11, $0xb8;
	[tilespmem:$0x1F380] =	vst v63  }
0xbb: {  	s24 =	smov.u32 s7  }
0xbc: {  	p0 =	sne.s32 s7, $0x2490;
	s7 =	sadd.s32 $0xF0, s7;
	_ =	swait.ge [sflag:s26], $0x2800  }
0xbd: {  	[sflag:s26] =	ssyncset.done $0x0  }
0xbe: {  	[sflag:s26] =	ssyncadd.s32 $0xFFFFD800  }
0xbf: {  	_ =	swait.ge [sflag:s26], $0x50  }
0xc0: {  	[sflag:s26] =	ssyncset.done $0x0  }
0xc1: {  	[sflag:s26] =	ssyncadd.s32 $0xFFFFFFB0  }
0xc2: {  	[spmem:s2] =	stream.indirect.scatter.add.f32 [tilespmem:s15], [sflag:$0x5], $0x80, s10, s11, $0xb8;
	[tilespmem:$0x1F380] =	vst v63  }
0xc3: {  	_ =	swait.ge [sflag:s9], $0x2800  }
0xc4: {  	[sflag:s9] =	ssyncset.done $0x0  }
0xc5: {  	[sflag:s9] =	ssyncadd.s32 $0xFFFFD800  }
0xc6: {  	v1 =	vld [tilespmem:s12+$0xFFFFFF20];
	_ =	sdelay $0x4  }
0xc7: {  	s17 =	sand.u32 $0x3FF0, s24;
	[tilespmem:$0x17780] =	vst v1  }
0xc8: {  	v1 =	vld [tilespmem:s17+$0x15100];
	_ =	sdelay $0x4  }
0xc9: {  	[tilespmem:$0x17790] =	vst v1  }
0xca: {  	v1 =	vld [tilespmem:s12+$0xFFFFFF40];
	_ =	sdelay $0x4  }
0xcb: {  	[tilespmem:$0x177A0] =	vst v1  }
0xcc: {  	v1 =	vld [tilespmem:s12+$0xFFFFFF50];
	_ =	sdelay $0x4  }
0xcd: {  	[tilespmem:$0x177B0] =	vst v1  }
0xce: {  	v1 =	vld [tilespmem:s12+$0xFFFFFF60];
	_ =	sdelay $0x2  }
0xcf: {  	s24 =	sadd.s32 s24, s23  }
0xd0: {  	s24 =	sshrl.u32 s24, $0x3  }
0xd1: {  	s24 =	sadd.s32 s6, s24;
	[tilespmem:$0x177C0] =	vst v1  }
0xd2: {  	[tilespmem:s10], [sflag:$0x1] =	stream.linear.gather [hbm4b:s24+s4], $0x50, $0x38;
	[tilespmem:$0x1F380] =	vst v63  }
0xd3: {  	_ = 	snop  }
0xd4: {  	[tilespmem:s15], [sflag:$0x1] =	stream.indirect.gather [hbm4b:s5+s11], $0x80, s13, s11, $0xb8;
	[tilespmem:$0x1F380] =	vst v63  }
0xd5: {  	_ =	swait.ge [sflag:s28], $0x2800  }
0xd6: {  	[sflag:s28] =	ssyncset.done $0x0  }
0xd7: {  	[sflag:s28] =	ssyncadd.s32 $0xFFFFD800  }
0xd8: {  	_ =	swait.ge [sflag:s28], $0x50  }
0xd9: {  	[sflag:s28] =	ssyncset.done $0x0  }
0xda: {  	[sflag:s28] =	ssyncadd.s32 $0xFFFFFFB0  }
0xdb: {  	[spmem:s2] =	stream.indirect.scatter.add.f32 [tilespmem:s19], [sflag:$0x5], $0x80, s16, s11, $0xb8;
	[tilespmem:$0x1F380] =	vst v63  }
0xdc: {  	_ =	swait.ge [sflag:s9], $0x2800  }
0xdd: {  	[sflag:s9] =	ssyncset.done $0x0  }
0xde: {  	[sflag:s9] =	ssyncadd.s32 $0xFFFFD800  }
0xdf: {  	v1 =	vld [tilespmem:s12+$0xFFFFFF70];
	_ =	sdelay $0x4  }
0xe0: {  	[tilespmem:$0x17800] =	vst v1  }
0xe1: {  	v1 =	vld [tilespmem:s12+$0xFFFFFF80];
	_ =	sdelay $0x4  }
0xe2: {  	[tilespmem:$0x17810] =	vst v1  }
0xe3: {  	v1 =	vld [tilespmem:s12+$0xFFFFFF90];
	_ =	sdelay $0x4  }
0xe4: {  	[tilespmem:$0x17820] =	vst v1  }
0xe5: {  	v1 =	vld [tilespmem:s12+$0xFFFFFFA0];
	_ =	sdelay $0x4  }
0xe6: {  	[tilespmem:$0x17830] =	vst v1  }
0xe7: {  	v1 =	vld [tilespmem:s17+$0x15180];
	_ =	sdelay $0x4  }
0xe8: {  	[tilespmem:$0x17840] =	vst v1  }
0xe9: {  	[tilespmem:s16], [sflag:$0x2] =	stream.linear.gather [hbm4b:s8+s4], $0x50, $0x38;
	[tilespmem:$0x1F380] =	vst v63  }
0xea: {  	_ = 	snop  }
0xeb: {  	[tilespmem:s19], [sflag:$0x2] =	stream.indirect.gather [hbm4b:s5+s11], $0x80, s18, s11, $0xb8;
	[tilespmem:$0x1F380] =	vst v63  }
0xec: {  	_ =	swait.ge [sflag:s29], $0x2800  }
0xed: {  	[sflag:s29] =	ssyncset.done $0x0  }
0xee: {  	[sflag:s29] =	ssyncadd.s32 $0xFFFFD800  }
0xef: {  	_ =	swait.ge [sflag:s29], $0x50  }
0xf0: {  	[sflag:s29] =	ssyncset.done $0x0  }
0xf1: {  	[sflag:s29] =	ssyncadd.s32 $0xFFFFFFB0  }
0xf2: {  	[spmem:s2] =	stream.indirect.scatter.add.f32 [tilespmem:s22], [sflag:$0x5], $0x80, s20, s11, $0xb8;
	[tilespmem:$0x1F380] =	vst v63  }
0xf3: {  	_ =	swait.ge [sflag:s9], $0x2800  }
0xf4: {  	[sflag:s9] =	ssyncset.done $0x0  }
0xf5: {  	[sflag:s9] =	ssyncadd.s32 $0xFFFFD800  }
0xf6: {  	v1 =	vld [tilespmem:s12+$0xFFFFFFC0];
	_ =	sdelay $0x4  }
0xf7: {  	[tilespmem:$0x17880] =	vst v1  }
0xf8: {  	v1 =	vld [tilespmem:s12+$0xFFFFFFD0];
	_ =	sdelay $0x4  }
0xf9: {  	[tilespmem:$0x17890] =	vst v1  }
0xfa: {  	v1 =	vld [tilespmem:s12+$0xFFFFFFE0];
	_ =	sdelay $0x4  }
0xfb: {  	[tilespmem:$0x178A0] =	vst v1  }
0xfc: {  	v1 =	vld [tilespmem:s12+$0xFFFFFFF0];
	_ =	sdelay $0x4  }
0xfd: {  	[tilespmem:$0x178B0] =	vst v1  }
0xfe: {  	v1 =	vld [tilespmem:s12+$0x0];
	_ =	sdelay $0x2  }
.Ltmp2:
0xff: {  	(pc) =	sbr.rel @p0 .LBB2_6-.Ltmp2, $4  }
0x100: {  	_ = 	snop  }
0x101: {  	[tilespmem:$0x178C0] =	vst v1  }
0x102: {  	[tilespmem:s20], [sflag:$0x3] =	stream.linear.gather [hbm4b:s1+s4], $0x50, $0x38;
	[tilespmem:$0x1F380] =	vst v63  }
0x103: {  	s8 =	sadd.s32 $0x1E, s8;
	s12 =	sadd.s32 $0xF0, s12;
	s1 =	sadd.s32 $0x1E, s1  }
0x104: {  	[tilespmem:s22], [sflag:$0x3] =	stream.indirect.gather [hbm4b:s5+s11], $0x80, s21, s11, $0xb8;
	[tilespmem:$0x1F380] =	vst v63  }
0x105: {  	_ =	swait.ge [sflag:s26], $0x2800  }
0x106: {  	[sflag:s26] =	ssyncset.done $0x0  }
0x107: {  	[sflag:s26] =	ssyncadd.s32 $0xFFFFD800  }
0x108: {  	_ =	swait.ge [sflag:s26], $0x50  }
0x109: {  	[sflag:s26] =	ssyncset.done $0x0  }
0x10a: {  	[sflag:s26] =	ssyncadd.s32 $0xFFFFFFB0  }
0x10b: {  	[spmem:s2] =	stream.indirect.scatter.add.f32 [tilespmem:s15], [sflag:$0x5], $0x80, s10, s11, $0xb8;
	[tilespmem:$0x1F380] =	vst v63  }
0x10c: {  	_ =	swait.ge [sflag:s9], $0x2800  }
0x10d: {  	[sflag:s9] =	ssyncset.done $0x0  }
0x10e: {  	[sflag:s9] =	ssyncadd.s32 $0xFFFFD800  }
0x10f: {  	v1 =	vld [tilespmem:$0x17670]  }
0x110: {  	v2 =	vld [tilespmem:$0x17680]  }
0x111: {  	v3 =	vld [tilespmem:$0x17690]  }
0x112: {  	v4 =	vld [tilespmem:$0x176A0]  }
0x113: {  	v5 =	vld [tilespmem:$0x176B0]  }
0x114: {  	[tilespmem:$0x17780] =	vst v1  }
0x115: {  	[tilespmem:$0x17790] =	vst v2  }
0x116: {  	[tilespmem:$0x177A0] =	vst v3  }
0x117: {  	[tilespmem:$0x177B0] =	vst v4  }
0x118: {  	s1 =	rddreg [dreg:$0x17];
	[tilespmem:$0x177C0] =	vst v5  }
0x119: {  	[tilespmem:s10], [sflag:$0x1] =	stream.linear.gather [hbm4b:s1+s4], $0x50, $0x38;
	[tilespmem:$0x1F380] =	vst v63  }
0x11a: {  	_ = 	snop  }
0x11b: {  	[tilespmem:s15], [sflag:$0x1] =	stream.indirect.gather [hbm4b:s5+s11], $0x80, s13, s11, $0xb8;
	[tilespmem:$0x1F380] =	vst v63  }
0x11c: {  	_ =	swait.ge [sflag:s28], $0x2800  }
0x11d: {  	[sflag:s28] =	ssyncset.done $0x0  }
0x11e: {  	[sflag:s28] =	ssyncadd.s32 $0xFFFFD800  }
0x11f: {  	_ =	swait.ge [sflag:s28], $0x50  }
0x120: {  	[sflag:s28] =	ssyncset.done $0x0  }
0x121: {  	[sflag:s28] =	ssyncadd.s32 $0xFFFFFFB0  }
0x122: {  	[spmem:s2] =	stream.indirect.scatter.add.f32 [tilespmem:s19], [sflag:$0x5], $0x80, s16, s11, $0xb8;
	[tilespmem:$0x1F380] =	vst v63  }
0x123: {  	_ =	swait.ge [sflag:s9], $0x2800  }
0x124: {  	[sflag:s9] =	ssyncset.done $0x0  }
0x125: {  	[sflag:s9] =	ssyncadd.s32 $0xFFFFD800  }
0x126: {  	v1 =	vld [tilespmem:$0x176C0]  }
0x127: {  	v2 =	vld [tilespmem:$0x176D0]  }
0x128: {  	v3 =	vld [tilespmem:$0x176E0]  }
0x129: {  	v52 =	vld [tilespmem:$0x176F0]  }
0x12a: {  	v53 =	vld [tilespmem:$0x17700]  }
0x12b: {  	[tilespmem:$0x17800] =	vst v1  }
0x12c: {  	[tilespmem:$0x17810] =	vst v2  }
0x12d: {  	[tilespmem:$0x17820] =	vst v3  }
0x12e: {  	[tilespmem:$0x17830] =	vst v52  }
0x12f: {  	s24 =	rddreg [dreg:$0x18];
	[tilespmem:$0x17840] =	vst v53  }
0x130: {  	[tilespmem:s16], [sflag:$0x2] =	stream.linear.gather [hbm4b:s24+s4], $0x50, $0x38;
	[tilespmem:$0x1F380] =	vst v63  }
0x131: {  	_ = 	snop  }
0x132: {  	[tilespmem:s19], [sflag:$0x2] =	stream.indirect.gather [hbm4b:s5+s11], $0x80, s18, s11, $0xb8;
	[tilespmem:$0x1F380] =	vst v63  }
0x133: {  	_ =	swait.ge [sflag:s29], $0x2800  }
0x134: {  	[sflag:s29] =	ssyncset.done $0x0  }
0x135: {  	[sflag:s29] =	ssyncadd.s32 $0xFFFFD800  }
0x136: {  	_ =	swait.ge [sflag:s29], $0x50  }
0x137: {  	[sflag:s29] =	ssyncset.done $0x0  }
0x138: {  	[sflag:s29] =	ssyncadd.s32 $0xFFFFFFB0  }
0x139: {  	[spmem:s2] =	stream.indirect.scatter.add.f32 [tilespmem:s22], [sflag:$0x5], $0x80, s20, s11, $0xb8;
	[tilespmem:$0x1F380] =	vst v63  }
0x13a: {  	_ =	swait.ge [sflag:s9], $0x2800  }
0x13b: {  	[sflag:s9] =	ssyncset.done $0x0  }
0x13c: {  	[sflag:s9] =	ssyncadd.s32 $0xFFFFD800  }
0x13d: {  	_ =	swait.ge [sflag:s26], $0x2800  }
0x13e: {  	[sflag:s26] =	ssyncset.done $0x0  }
0x13f: {  	[sflag:s26] =	ssyncadd.s32 $0xFFFFD800  }
0x140: {  	_ =	swait.ge [sflag:s26], $0x50  }
0x141: {  	[sflag:s26] =	ssyncset.done $0x0  }
0x142: {  	[sflag:s26] =	ssyncadd.s32 $0xFFFFFFB0  }
0x143: {  	[spmem:s2] =	stream.indirect.scatter.add.f32 [tilespmem:s15], [sflag:$0x5], $0x80, s10, s11, $0xb8;
	[tilespmem:$0x1F380] =	vst v63  }
0x144: {  	_ =	swait.ge [sflag:s9], $0x2800  }
0x145: {  	[sflag:s9] =	ssyncset.done $0x0  }
0x146: {  	[sflag:s9] =	ssyncadd.s32 $0xFFFFD800  }
0x147: {  	_ =	swait.ge [sflag:s28], $0x2800  }
0x148: {  	[sflag:s28] =	ssyncset.done $0x0  }
0x149: {  	[sflag:s28] =	ssyncadd.s32 $0xFFFFD800  }
0x14a: {  	_ =	swait.ge [sflag:s28], $0x50  }
0x14b: {  	[sflag:s28] =	ssyncset.done $0x0  }
0x14c: {  	[sflag:s28] =	ssyncadd.s32 $0xFFFFFFB0  }
0x14d: {  	[spmem:s2] =	stream.indirect.scatter.add.f32 [tilespmem:s19], [sflag:$0x5], $0x80, s16, s11, $0xb8;
	[tilespmem:$0x1F380] =	vst v63  }
0x14e: {  	_ =	swait.ge [sflag:s9], $0x2800  }
0x14f: {  	[sflag:s9] =	ssyncset.done $0x0  }
0x150: {  	s17 =	simm.s32 $0x15000;
	s7 =	rddreg [dreg:$0xb];
	[sflag:s9] =	ssyncadd.s32 $0xFFFFD800  }
0x151: {  	[tilespmem:s17], [sflag:$0x5] =	stream.linear.gather [hbm4b:s7+s4], $0x190, $0x38;
	[tilespmem:$0x1F380] =	vst v63  }
0x152: {  	_ =	swait.ge [sflag:s9], $0x190  }
0x153: {  	[sflag:s9] =	ssyncset.done $0x0  }
0x154: {  	[sflag:s9] =	ssyncadd.s32 $0xFFFFFE70  }
0x155: {  	v1 =	vld [tilespmem:$0x15000]  }
0x156: {  	v2 =	vld [tilespmem:$0x15010]  }
0x157: {  	v3 =	vld [tilespmem:$0x15020]  }
0x158: {  	v54 =	vld [tilespmem:$0x15030]  }
0x159: {  	v55 =	vld [tilespmem:$0x15040]  }
0x15a: {  	[tilespmem:$0x17780] =	vst v1  }
0x15b: {  	[tilespmem:$0x17790] =	vst v2  }
0x15c: {  	[tilespmem:$0x177A0] =	vst v3  }
0x15d: {  	[tilespmem:$0x177B0] =	vst v54  }
0x15e: {  	s8 =	rddreg [dreg:$0xc];
	[tilespmem:$0x177C0] =	vst v55  }
0x15f: {  	[tilespmem:s10], [sflag:$0x1] =	stream.linear.gather [hbm4b:s8+s4], $0x50, $0x38;
	[tilespmem:$0x1F380] =	vst v63  }
0x160: {  	_ = 	snop  }
0x161: {  	[tilespmem:s15], [sflag:$0x1] =	stream.indirect.gather [hbm4b:s5+s11], $0x80, s13, s11, $0xb8;
	[tilespmem:$0x1F380] =	vst v63  }
0x162: {  	v1 =	vld [tilespmem:$0x15050]  }
0x163: {  	v2 =	vld [tilespmem:$0x15060]  }
0x164: {  	v3 =	vld [tilespmem:$0x15070]  }
0x165: {  	v56 =	vld [tilespmem:$0x15080]  }
0x166: {  	v57 =	vld [tilespmem:$0x15090]  }
0x167: {  	[tilespmem:$0x17800] =	vst v1  }
0x168: {  	[tilespmem:$0x17810] =	vst v2  }
0x169: {  	[tilespmem:$0x17820] =	vst v3  }
0x16a: {  	[tilespmem:$0x17830] =	vst v56  }
0x16b: {  	s12 =	rddreg [dreg:$0x19];
	[tilespmem:$0x17840] =	vst v57  }
0x16c: {  	[tilespmem:s16], [sflag:$0x2] =	stream.linear.gather [hbm4b:s12+s4], $0x50, $0x38;
	[tilespmem:$0x1F380] =	vst v63  }
0x16d: {  	_ = 	snop  }
0x16e: {  	[tilespmem:s19], [sflag:$0x2] =	stream.indirect.gather [hbm4b:s5+s11], $0x80, s18, s11, $0xb8;
	[tilespmem:$0x1F380] =	vst v63  }
0x16f: {  	v1 =	vld [tilespmem:$0x150A0]  }
0x170: {  	v2 =	vld [tilespmem:$0x150B0]  }
0x171: {  	v3 =	vld [tilespmem:$0x150C0]  }
0x172: {  	v58 =	vld [tilespmem:$0x150D0]  }
0x173: {  	v59 =	vld [tilespmem:$0x150E0]  }
0x174: {  	[tilespmem:$0x17880] =	vst v1  }
0x175: {  	[tilespmem:$0x17890] =	vst v2  }
0x176: {  	[tilespmem:$0x178A0] =	vst v3  }
0x177: {  	[tilespmem:$0x178B0] =	vst v58  }
0x178: {  	s24 =	rddreg [dreg:$0x1a];
	[tilespmem:$0x178C0] =	vst v59  }
0x179: {  	[tilespmem:s20], [sflag:$0x3] =	stream.linear.gather [hbm4b:s24+s4], $0x50, $0x38;
	[tilespmem:$0x1F380] =	vst v63  }
0x17a: {  	_ = 	snop  }
0x17b: {  	[tilespmem:s22], [sflag:$0x3] =	stream.indirect.gather [hbm4b:s5+s11], $0x80, s21, s11, $0xb8;
	[tilespmem:$0x1F380] =	vst v63  }
0x17c: {  	_ =	swait.ge [sflag:s26], $0x2800  }
0x17d: {  	[sflag:s26] =	ssyncset.done $0x0  }
0x17e: {  	[sflag:s26] =	ssyncadd.s32 $0xFFFFD800  }
0x17f: {  	_ =	swait.ge [sflag:s26], $0x50  }
0x180: {  	[sflag:s26] =	ssyncset.done $0x0  }
0x181: {  	[sflag:s26] =	ssyncadd.s32 $0xFFFFFFB0  }
0x182: {  	[spmem:s3] =	stream.indirect.scatter.add.f32 [tilespmem:s15], [sflag:$0x5], $0x80, s10, s11, $0xb8;
	[tilespmem:$0x1F380] =	vst v63  }
0x183: {  	_ =	swait.ge [sflag:s9], $0x2800  }
0x184: {  	[sflag:s9] =	ssyncset.done $0x0  }
0x185: {  	[sflag:s9] =	ssyncadd.s32 $0xFFFFD800  }
0x186: {  	v1 =	vld [tilespmem:$0x150F0]  }
0x187: {  	v2 =	vld [tilespmem:$0x15100]  }
0x188: {  	v3 =	vld [tilespmem:$0x15110]  }
0x189: {  	v60 =	vld [tilespmem:$0x15120]  }
0x18a: {  	v61 =	vld [tilespmem:$0x15130]  }
0x18b: {  	[tilespmem:$0x17780] =	vst v1  }
0x18c: {  	[tilespmem:$0x17790] =	vst v2  }
0x18d: {  	[tilespmem:$0x177A0] =	vst v3  }
0x18e: {  	[tilespmem:$0x177B0] =	vst v60  }
0x18f: {  	s7 =	rddreg [dreg:$0x1b];
	[tilespmem:$0x177C0] =	vst v61  }
0x190: {  	[tilespmem:s10], [sflag:$0x1] =	stream.linear.gather [hbm4b:s7+s4], $0x50, $0x38;
	[tilespmem:$0x1F380] =	vst v63  }
0x191: {  	_ = 	snop  }
0x192: {  	[tilespmem:s15], [sflag:$0x1] =	stream.indirect.gather [hbm4b:s5+s11], $0x80, s13, s11, $0xb8;
	[tilespmem:$0x1F380] =	vst v63  }
0x193: {  	_ =	swait.ge [sflag:s28], $0x2800  }
0x194: {  	[sflag:s28] =	ssyncset.done $0x0  }
0x195: {  	[sflag:s28] =	ssyncadd.s32 $0xFFFFD800  }
0x196: {  	_ =	swait.ge [sflag:s28], $0x50  }
0x197: {  	[sflag:s28] =	ssyncset.done $0x0  }
0x198: {  	[sflag:s28] =	ssyncadd.s32 $0xFFFFFFB0  }
0x199: {  	[spmem:s3] =	stream.indirect.scatter.add.f32 [tilespmem:s19], [sflag:$0x5], $0x80, s16, s11, $0xb8;
	[tilespmem:$0x1F380] =	vst v63  }
0x19a: {  	_ =	swait.ge [sflag:s9], $0x2800  }
0x19b: {  	[sflag:s9] =	ssyncset.done $0x0  }
0x19c: {  	[sflag:s9] =	ssyncadd.s32 $0xFFFFD800  }
0x19d: {  	v1 =	vld [tilespmem:$0x15140]  }
0x19e: {  	v2 =	vld [tilespmem:$0x15150]  }
0x19f: {  	v3 =	vld [tilespmem:$0x15160]  }
0x1a0: {  	v62 =	vld [tilespmem:$0x15170]  }
0x1a1: {  	v63 =	vld [tilespmem:$0x15180]  }
0x1a2: {  	[tilespmem:$0x17800] =	vst v1  }
0x1a3: {  	[tilespmem:$0x17810] =	vst v2  }
0x1a4: {  	[tilespmem:$0x17820] =	vst v3  }
0x1a5: {  	[tilespmem:$0x17830] =	vst v62  }
0x1a6: {  	s8 =	rddreg [dreg:$0x1c];
	[tilespmem:$0x17840] =	vst v63  }
0x1a7: {  	[tilespmem:s16], [sflag:$0x2] =	stream.linear.gather [hbm4b:s8+s4], $0x50, $0x38;
	[tilespmem:$0x1F380] =	vst v63  }
0x1a8: {  	_ = 	snop  }
0x1a9: {  	[tilespmem:s19], [sflag:$0x2] =	stream.indirect.gather [hbm4b:s5+s11], $0x80, s18, s11, $0xb8;
	[tilespmem:$0x1F380] =	vst v63  }
0x1aa: {  	_ =	swait.ge [sflag:s29], $0x2800  }
0x1ab: {  	[sflag:s29] =	ssyncset.done $0x0  }
0x1ac: {  	[sflag:s29] =	ssyncadd.s32 $0xFFFFD800  }
0x1ad: {  	_ =	swait.ge [sflag:s29], $0x50  }
0x1ae: {  	[sflag:s29] =	ssyncset.done $0x0  }
0x1af: {  	[sflag:s29] =	ssyncadd.s32 $0xFFFFFFB0  }
0x1b0: {  	[spmem:s3] =	stream.indirect.scatter.add.f32 [tilespmem:s22], [sflag:$0x5], $0x80, s20, s11, $0xb8;
	[tilespmem:$0x1F380] =	vst v63  }
0x1b1: {  	_ =	swait.ge [sflag:s9], $0x2800  }
0x1b2: {  	[sflag:s9] =	ssyncset.done $0x0  }
0x1b3: {  	[sflag:s9] =	ssyncadd.s32 $0xFFFFD800  }
0x1b4: {  	_ =	swait.ge [sflag:s26], $0x2800  }
0x1b5: {  	[sflag:s26] =	ssyncset.done $0x0  }
0x1b6: {  	[sflag:s26] =	ssyncadd.s32 $0xFFFFD800  }
0x1b7: {  	_ =	swait.ge [sflag:s26], $0x50  }
0x1b8: {  	[sflag:s26] =	ssyncset.done $0x0  }
0x1b9: {  	[sflag:s26] =	ssyncadd.s32 $0xFFFFFFB0  }
0x1ba: {  	[spmem:s3] =	stream.indirect.scatter.add.f32 [tilespmem:s15], [sflag:$0x5], $0x80, s10, s11, $0xb8;
	[tilespmem:$0x1F380] =	vst v63  }
0x1bb: {  	_ =	swait.ge [sflag:s9], $0x2800  }
0x1bc: {  	[sflag:s9] =	ssyncset.done $0x0  }
0x1bd: {  	[sflag:s9] =	ssyncadd.s32 $0xFFFFD800  }
0x1be: {  	_ =	swait.ge [sflag:s28], $0x2800  }
0x1bf: {  	[sflag:s28] =	ssyncset.done $0x0  }
0x1c0: {  	[sflag:s28] =	ssyncadd.s32 $0xFFFFD800  }
0x1c1: {  	_ =	swait.ge [sflag:s28], $0x50  }
0x1c2: {  	[sflag:s28] =	ssyncset.done $0x0  }
0x1c3: {  	[sflag:s28] =	ssyncadd.s32 $0xFFFFFFB0  }
0x1c4: {  	[spmem:s3] =	stream.indirect.scatter.add.f32 [tilespmem:s19], [sflag:$0x5], $0x80, s16, s11, $0xb8;
	[tilespmem:$0x1F380] =	vst v63  }
0x1c5: {  	_ =	swait.ge [sflag:s9], $0x2800  }
0x1c6: {  	[sflag:s9] =	ssyncset.done $0x0  }
0x1c7: {  	s7 =	simm.s32 $0x1F280;
	s12 =	rddreg [dreg:$0xe];
	[sflag:s9] =	ssyncadd.s32 $0xFFFFD800  }
0x1c8: {  	[tilespmem:s7], [sflag:$0x5] =	stream.linear.gather [hbm4b:s12+s4], $0x8, $0x38;
	[tilespmem:$0x1F380] =	vst v63  }
0x1c9: {  	_ =	swait.ge [sflag:s9], $0x8  }
0x1ca: {  	[sflag:s9] =	ssyncset.done $0x0  }
0x1cb: {  	s24 =	simm.s32 $0x8;
	[sflag:s9] =	ssyncadd.s32 $0xFFFFFFF8  }
0x1cc: {  	[tilespmem:s19], [sflag:$0x4] =	stream.indirect.gather [hbm4b:s5+s24], $0x80, s7, s24, $0xb8;
	[tilespmem:$0x1F380] =	vst v63  }
0x1cd: {  	_ =	swait.ge [sflag:s31], $0x400  }
0x1ce: {  	[sflag:s31] =	ssyncset.done $0x0  }
0x1cf: {  	s7 =	rddreg [dreg:$0x10];
	[sflag:s31] =	ssyncadd.s32 $0xFFFFFC00  }
0x1d0: {  	[hbm4b:s7+s4] =	stream.linear.scatter [tilespmem:s19], [sflag:$0x5], $0x400, $0x38;
	[tilespmem:$0x1F380] =	vst v63  }
0x1d1: {  	_ =	swait.ge [sflag:s9], $0x400  }
0x1d2: {  	[sflag:s9] =	ssyncset.done $0x0  }
0x1d3: {  	s8 =	stileid.u32;
	[sflag:s9] =	ssyncadd.s32 $0xFFFFFC00  }
0x1d4: {  	s1 =	sshll.u32 s8, $0x6;
	[bflag:$0x0] =	sbarrier.arrive $0xFFFF  }
0x1d5: {  	s1 =	sor.u32 $0x1C05, s1;
	s12 =	sshrl.u32 s14, $0x3;
	s8 =	rddreg [dreg:$0x12]  }
0x1d6: {  	[hbm:s8], [sflag:s1] =	dma.local [spmem:s12], $0x2800  }
0x1d7: {  	_ =	swait.ge [sflag:s9], $0x2800  }
0x1d8: {  	s24 =	sshrl.u32 s25, $0x3;
	[sflag:s9] =	ssyncset.done $0x0  }
0x1d9: {  	s12 =	smov.u32 s25;
	s25 =	rddreg [dreg:$0x13];
	[sflag:s9] =	ssyncadd.s32 $0xFFFFD800  }
0x1da: {  	[hbm:s25], [sflag:s1] =	dma.local [spmem:s24], $0x100  }
0x1db: {  	_ =	swait.ge [sflag:s9], $0x100  }
0x1dc: {  	[sflag:s9] =	ssyncset.done $0x0  }
0x1dd: {  	[sflag:s9] =	ssyncadd.s32 $0xFFFFFF00  }
0x1de: {  	[bflag:$0x0] =	sbarrier.arrive $0xFFFF  }
0x1df: {  	s8 =	simm.s32 $0x1F300;
	s7 =	rddreg [dreg:$0xf]  }
0x1e0: {  	[tilespmem:s8], [sflag:$0x5] =	stream.linear.gather [hbm4b:s7+s4], $0x10, $0x38;
	[tilespmem:$0x1F380] =	vst v63  }
0x1e1: {  	_ =	swait.ge [sflag:s9], $0x10  }
0x1e2: {  	[sflag:s9] =	ssyncset.done $0x0  }
0x1e3: {  	s25 =	simm.s32 $0x10;
	s24 =	rddreg [dreg:$0x7];
	[sflag:s9] =	ssyncadd.s32 $0xFFFFFFF0  }
0x1e4: {  	[tilespmem:s22], [sflag:$0x4] =	stream.indirect.gather [hbm4b:s24+s25], $0x80, s8, s25, $0xb8;
	[tilespmem:$0x1F380] =	vst v63  }
0x1e5: {  	_ =	swait.ge [sflag:s31], $0x800  }
0x1e6: {  	[sflag:s31] =	ssyncset.done $0x0  }
0x1e7: {  	s24 =	rddreg [dreg:$0x14];
	[sflag:s31] =	ssyncadd.s32 $0xFFFFF800  }
0x1e8: {  	[hbm4b:s24+s4] =	stream.linear.scatter [tilespmem:s22], [sflag:$0x5], $0x800, $0x38;
	[tilespmem:$0x1F380] =	vst v63  }
0x1e9: {  	_ =	swait.ge [sflag:s9], $0x800  }
0x1ea: {  	s30 =	sadd.s32 $0x1, s30;
	s25 =	rddreg [dreg:$0x11]  }
0x1eb: {  	p0 =	sne.s32 s30, s25  }
.Ltmp3:
0x1ec: {  	_ = 	snop;
	(pc) =	sbr.rel @p0 .LBB2_1-.Ltmp3, $3  }
0x1ed: {  	_ =	sdelay $0x1  }
0x1ee: {  	[sflag:s9] =	ssyncset.done $0x0  }
0x1ef: {  	[sflag:s9] =	ssyncadd.s32 $0xFFFFF800  }
0x1f0: {  	_ =	sfence.sel $0x180000  }
0x1f1: {  	[bflag:$0x0] =	sbarrier.arrive $0xFFFF  }
0x1f2: {  	_ =	strace $0x9000004A  }
0x1f3: {  	s0 =	stileid.u32;
	[bflag:$0x2] =	sbarrier.arrive $0xFFFF  }
0x1f4: {  	p0 =	sne.s32 s0, $0x0;
	s0 =	rddreg [dreg:$0x6]  }
0x1f5: {  	s0 =	sadd.s32 @!p0 $0x100000, s0  }
0x1f6: {  	[sflag:s0] =	ssyncadd.tile.s32 @!p0 $0x1;
	_ =	shalt  }
.Lfunc_end2:
_tile_overlayer_lowered:
.L_overlay_start_2:
0x1f7: {  	(tag) =	ssettag $0x2  }
0x1f8: {  	s0 =	rddreg [dreg:$0x0];
	s2 =	stileid.u32  }
0x1f9: {  	s1 =	rddreg [dreg:$0x1];
	p0 =	sne.s32 s2, $0x0  }
0x1fa: {  	s3 =	rddreg [dreg:$0x2];
	[bflag:$0x3] =	sbarrier.arrive $0xFFFF;
	s2 =	simm.s32 @!p0 $0x1C05  }
0x1fb: {  	[timem:s3], [sflag:s2] =	dma.local @!p0 [hbm:s0], s1  }
0x1fc: {  	s0 =	simm.s32 @!p0 $0x5  }
0x1fd: {  	_ =	swait.ge @!p0 [sflag:s0], s1  }
0x1fe: {  	s1 =	ssub.s32 @!p0 $0x0, s1;
	[sflag:s0] =	ssyncset.done @!p0 $0x0  }
0x1ff: {  	[sflag:s0] =	ssyncadd.s32 @!p0 s1  }
0x200: {  	[bflag:$0x3] =	sbarrier.arrive $0xFFFF  }
0x201: {  	_ =	shalt  }

// kernel: kernel.9.cloned.1.call-start
scs
__scs_entry_jumppad:
0x0: {  	(pc) =	sbr.rel $0x88, $3  }
0x1: {  	(tag) =	ssettag $0x0;
	lr =	simm.s32 $0x1  }
0x2: {  	[smem:$0x3F94] =	sst lr;
	_ =	strace $0xD0000000  }
0x3: {  	_ = 	snop  }
0x4: {  	_ = 	snop  }
0x5: {  	_ = 	snop  }
0x6: {  	_ = 	snop  }
0x7: {  	_ = 	snop  }
__scs_overlays_trampoline_lowered:
0x8: {  	[smem:$0x3FA3] =	sst s0  }
0x9: {  	[smem:$0x3FA4] =	sst s1  }
0xa: {  	[smem:$0x3FA5] =	sst s2  }
0xb: {  	[smem:$0x3FA6] =	sst s3  }
0xc: {  	[smem:$0x3FA7] =	sst s4  }
0xd: {  	[smem:$0x3FA8] =	sst s5  }
0xe: {  	[smem:$0x3FA9] =	sst s6  }
0xf: {  	[smem:$0x3FAA] =	sst s7  }
0x10: {  	[smem:$0x3FAB] =	sst s8  }
0x11: {  	[smem:$0x3FAC] =	sst s9;
	s0 =	simm.s32 @!p0 $0x0  }
0x12: {  	s1 =	sld [smem:$0x3F92];
	s0 =	simm.s32 @p0 $0x1  }
0x13: {  	[smem:$0x3FAD] =	sst s0;
	s0 =	simm.s32 @!p1 $0x0  }
0x14: {  	s2 =	sld [smem:$0x3F91];
	s0 =	simm.s32 @p1 $0x1  }
0x15: {  	[smem:$0x3FAE] =	sst s0;
	s0 =	simm.s32 @!p2 $0x0  }
0x16: {  	s3 =	sld [smem:$0x3FDB];
	s0 =	simm.s32 @p2 $0x1  }
0x17: {  	s4 =	simm.s32 $0x1BF5;
	[smem:$0x3FB0] =	sst s0  }
0x18: {  	s0 =	sld [smem:$0x3F93];
	_ =	swait.ge [sflag:s4], $0x0  }
0x19: {  	s7 =	sld [smem:$0x3F94]  }
0x1a: {  	s8 =	sadd.s32 $0xFFFFE003, lr  }
0x1b: {  	s9 =	sadd.s32 $0xFFFFFEF7, lr;
	s5 =	simm.s32 $0xFFFFFFFF;
	p2 =	slt.u32 s8, $0xFFFFF086  }
0x1c: {  	p1 =	slt.u32 s9, $0xF7A;
	s5 =	simm.s32 @!p2 $0x0  }
0x1d: {  	s5 =	simm.s32 @p1 $0x1;
	p0 =	seq.s32 s7, s2  }
0x1e: {  	s7 =	smul.u32 @!p0 $0xF7A, s2;
	p2 =	seq.s32 @!p0 s5, $0x0  }
0x1f: {  	s9 =	smul.u32 $0xF7A, s1;
	s8 =	simm.s32 @!p0 $0x1BF5;
	p2 =	por !p2, p0  }
0x20: {  	[sflag:s8] =	ssyncset.s32 @!p0 $0xFFFFF086;
	s6 =	sadd.s32 @!p0 s3, s7;
	s7 =	simm.s32 @!p0 $0x108  }
0x21: {  	s3 =	sadd.s32 s3, s9;
	s6 =	sadd.s32 @!p0 $0x88, s6;
	s7 =	simm.s32 @p2 $0x1082  }
0x22: {  	[simem:s7], [sflag:s8] =	dma.local @!p0 [hbm:s6], $0xF7A  }
0x23: {  	s9 =	sor.u32 $0xD0000000, s2;
	s6 =	simm.s32 $0x108;
	_ =	swait.ge @!p0 [sflag:s8], $0x0  }
0x24: {  	s3 =	sadd.s32 $0x88, s3;
	s6 =	simm.s32 @!p1 $0x1082;
	[sflag:s4] =	ssyncset.s32 $0xFFFFF086  }
0x25: {  	[simem:s6], [sflag:s4] =	dma.local [hbm:s3], $0xF7A  }
0x26: {  	[smem:$0x3F94] =	sst s1;
	(tag) =	ssettag s2;
	_ =	strace s9  }
0x27: {  	s1 =	sld [smem:$0x3FA4]  }
0x28: {  	s2 =	sld [smem:$0x3FA5]  }
0x29: {  	s4 =	sld [smem:$0x3FA7]  }
0x2a: {  	p0 =	seq.s32 s5, $0x0;
	s5 =	sld [smem:$0x3FA8]  }
0x2b: {  	s6 =	sld [smem:$0x3FA9]  }
0x2c: {  	s7 =	sld [smem:$0x3FAA]  }
0x2d: {  	s3 =	simm.s32 $0x108;
	s8 =	sld [smem:$0x3FAB]  }
0x2e: {  	s3 =	simm.s32 @!p0 $0x1082;
	s9 =	sld [smem:$0x3FAC]  }
0x2f: {  	lr =	sadd.s32 s0, s3;
	s0 =	sld [smem:$0x3FA3]  }
0x30: {  	s3 =	sld [smem:$0x3FA6]  }
0x31: {  	[smem:$0x3FAF] =	sst s10  }
0x32: {  	s10 =	sld [smem:$0x3FAD];
	_ =	sdelay $0x3  }
0x33: {  	p0 =	seq.s32 s10, $0x1;
	s10 =	sld [smem:$0x3FAF];
	_ =	sdelay $0x3  }
0x34: {  	[smem:$0x3FAF] =	sst s10  }
0x35: {  	s10 =	sld [smem:$0x3FAE];
	_ =	sdelay $0x3  }
0x36: {  	p1 =	seq.s32 s10, $0x1;
	s10 =	sld [smem:$0x3FAF];
	_ =	sdelay $0x3  }
0x37: {  	[smem:$0x3FAF] =	sst s10  }
0x38: {  	s10 =	sld [smem:$0x3FB0]  }
0x39: {  	_ = 	snop;
	(pc) =	sbr.ind lr, $3  }
0x3a: {  	_ = 	snop  }
0x3b: {  	_ = 	snop  }
0x3c: {  	p2 =	seq.s32 s10, $0x1;
	s10 =	sld [smem:$0x3FAF]  }
0x3d: {  	_ =	shalt  }
0x3e: {  	_ =	shalt  }
0x3f: {  	_ =	shalt  }
0x40: {  	_ =	shalt  }
0x41: {  	_ =	shalt  }
0x42: {  	_ =	shalt  }
0x43: {  	_ =	shalt  }
0x44: {  	_ =	shalt  }
0x45: {  	_ =	shalt  }
0x46: {  	_ =	shalt  }
0x47: {  	_ =	shalt  }
0x48: {  	_ =	shalt  }
0x49: {  	_ =	shalt  }
0x4a: {  	_ =	shalt  }
0x4b: {  	_ =	shalt  }
0x4c: {  	_ =	shalt  }
0x4d: {  	_ =	shalt  }
0x4e: {  	_ =	shalt  }
0x4f: {  	_ =	shalt  }
0x50: {  	_ =	shalt  }
0x51: {  	_ =	shalt  }
0x52: {  	_ =	shalt  }
0x53: {  	_ =	shalt  }
0x54: {  	_ =	shalt  }
0x55: {  	_ =	shalt  }
0x56: {  	_ =	shalt  }
0x57: {  	_ =	shalt  }
0x58: {  	_ =	shalt  }
0x59: {  	_ =	shalt  }
0x5a: {  	_ =	shalt  }
0x5b: {  	_ =	shalt  }
0x5c: {  	_ =	shalt  }
0x5d: {  	_ =	shalt  }
0x5e: {  	_ =	shalt  }
0x5f: {  	_ =	shalt  }
0x60: {  	_ =	shalt  }
0x61: {  	_ =	shalt  }
0x62: {  	_ =	shalt  }
0x63: {  	_ =	shalt  }
0x64: {  	_ =	shalt  }
0x65: {  	_ =	shalt  }
0x66: {  	_ =	shalt  }
0x67: {  	_ =	shalt  }
0x68: {  	_ =	shalt  }
0x69: {  	_ =	shalt  }
0x6a: {  	_ =	shalt  }
0x6b: {  	_ =	shalt  }
0x6c: {  	_ =	shalt  }
0x6d: {  	_ =	shalt  }
0x6e: {  	_ =	shalt  }
0x6f: {  	_ =	shalt  }
0x70: {  	_ =	shalt  }
0x71: {  	_ =	shalt  }
0x72: {  	_ =	shalt  }
0x73: {  	_ =	shalt  }
0x74: {  	_ =	shalt  }
0x75: {  	_ =	shalt  }
0x76: {  	_ =	shalt  }
0x77: {  	_ =	shalt  }
0x78: {  	_ =	shalt  }
0x79: {  	_ =	shalt  }
0x7a: {  	_ =	shalt  }
0x7b: {  	_ =	shalt  }
0x7c: {  	_ =	shalt  }
0x7d: {  	_ =	shalt  }
0x7e: {  	_ =	shalt  }
0x7f: {  	_ =	shalt  }
0x80: {  	_ =	shalt  }
0x81: {  	_ =	shalt  }
0x82: {  	_ =	shalt  }
0x83: {  	_ =	shalt  }
0x84: {  	_ =	shalt  }
0x85: {  	_ =	shalt  }
0x86: {  	_ =	shalt  }
0x87: {  	_ =	shalt  }
.Lfunc_end0:
.L_simem_size_0:
called_computation_lowered:
.L_overlay_start_0:
0x88: {  	s2 =	sld [smem:$0x3FD9]  }
0x89: {  	s3 =	sld [smem:$0x3FFE];
	_ =	sdelay $0x1  }
0x8a: {  	s1 =	srdreg.scid  }
0x8b: {  	s0 =	sand.u32 $0x1, s1  }
0x8c: {  	s17 =	sshll.u32 s0, $0xA;
	s2 =	sadd.s32 s3, s2  }
0x8d: {  	s2 =	sadd.s32 s2, s17  }
0x8e: {  	[smem:$0x3FBB] =	sst s2  }
0x8f: {  	_ = 	snop  }
0x90: {  	s2 =	sld [smem:$0x3FC9]  }
0x91: {  	s18 =	sld [smem:$0x3FC7]  }
0x92: {  	s4 =	sld [smem:$0x3FC6];
	(tm) =	ssettm $0x1  }
0x93: {  	s5 =	sld [smem:$0x3FFB];
	_ =	sdelay $0x3  }
0x94: {  	_ =	strace s5  }
0x95: {  	s5 =	sld [smem:$0x3FFC];
	_ =	sdelay $0x3  }
0x96: {  	_ =	strace s5  }
0x97: {  	s5 =	sld [smem:$0x3FFD];
	_ =	sdelay $0x3  }
0x98: {  	_ =	strace s5  }
0x99: {  	_ =	strace $0x8FFFFFFF  }
0x9a: {  	s19 =	sld [smem:$0x3FDB];
	_ =	sdelay $0x1  }
0x9b: {  	s6 =	simm.s32 $_scs_section_size  }
0x9c: {  	s7 =	simm.s32 $_size__tile_overlayer_lowered;
	s8 =	simm.s32 $_tile_overlayer_lowered  }
0x9d: {  	s22 =	simm.s32 $0x1BFF;
	s21 =	sshll.u32 s8, $0x1;
	s5 =	sadd.s32 s6, s19  }
0x9e: {  	s9 =	simm.s32 $0x0;
	s20 =	sshll.u32 s7, $0x1;
	s7 =	sadd.s32 s21, s5  }
0x9f: {  	[timem:s9], [sflag:s22] =	dma.local [hbm:s7], s20  }
0xa0: {  	_ =	swait.ge [sflag:s22], s20  }
0xa1: {  	s6 =	ssub.s32 $0x0, s20;
	[sflag:s22] =	ssyncset.done $0x0  }
0xa2: {  	[sflag:s22] =	ssyncadd.s32 s6;
	_ =	sdelay $0x1  }
0xa3: {  	s23 =	simm.s32 $0x1B8B  }
0xa4: {  	_ =	swait.ge [sflag:s23], $0x1  }
0xa5: {  	[sflag:s23] =	ssyncset.done $0x0  }
0xa6: {  	s25 =	simm.s32 $0x1B8E;
	s24 =	sld [smem:$0x3FFE];
	[sflag:s23] =	ssyncadd.s32 $0xFFFFFFFF  }
0xa7: {  	s26 =	simm.s32 $execute0_lowered;
	[smem:$0x3FD2] =	sst s25  }
0xa8: {  	s7 =	sshll.u32 s26, $0x1;
	_ =	strace $0x80000046;
	[dreg:$0x1] =	wrdreg $0xFFFFFFFF  }
0xa9: {  	s28 =	simm.s32 $_size_execute0_lowered;
	s5 =	sadd.s32 s5, s7;
	[dreg:$0x0] =	wrdreg $0x0  }
0xaa: {  	s7 =	sshll.u32 s28, $0x1;
	[dreg:$0x2] =	wrdreg s5  }
0xab: {  	[dreg:$0x3] =	wrdreg s7  }
0xac: {  	[dreg:$0x4] =	wrdreg $0xC0  }
0xad: {  	_ =	task [dreg:s9], $0x5FFFF  }
0xae: {  	[dreg:$0x1] =	wrdreg $0xFFFFFFFF  }
0xaf: {  	[dreg:$0x0] =	wrdreg $0x60  }
0xb0: {  	[dreg:$0x2] =	wrdreg s24  }
0xb1: {  	[dreg:$0x3] =	wrdreg s18  }
0xb2: {  	[dreg:$0x4] =	wrdreg s4  }
0xb3: {  	[dreg:$0x5] =	wrdreg s2  }
0xb4: {  	[dreg:$0x6] =	wrdreg $0x0  }
0xb5: {  	[dreg:$0x7] =	wrdreg $0x140000  }
0xb6: {  	[dreg:$0x8] =	wrdreg $0x9  }
0xb7: {  	_ =	task.clear_ibuf [dreg:s9], $0x9FFFF;
	_ =	strace $0x90000046  }
0xb8: {  	s29 =	simm.s32 $0x9;
	_ =	strace $0x80000048  }
0xb9: {  	_ =	swait.ge [sflag:s29], $0x1  }
0xba: {  	[sflag:s29] =	ssyncadd.s32 $0xFFFFFFFF  }
0xbb: {  	_ =	strace $0x90000048  }
0xbc: {  	_ =	sfence  }
0xbd: {  	s30 =	sld [smem:$0x0];
	_ =	sdelay $0x2  }
0xbe: {  	s31 =	sshll.u32 s1, $0xD;
	s1 =	sshrl.u32 s1, $0x2  }
0xbf: {  	s3 =	sand.u32 $0x4000, s31;
	s1 =	sadd.s32 s1, s30  }
0xc0: {  	s0 =	sor.u32 s3, s0;
	s1 =	sshll.u32 s1, $0x11  }
0xc1: {  	s0 =	sor.u32 s1, s0  }
0xc2: {  	s0 =	sadd.s32 $0x8F2B, s0  }
0xc3: {  	[sflag:s0] =	ssyncadd.remote.s32 $0x1  }
0xc4: {  	_ =	sfence.sel $0xFFFF  }
0xc5: {  	[dreg:$0x0] =	wrdreg $0xFFFFFFFF;
	(pc) =	sbr.abs _section_cstart, $3  }
0xc6: {  	[dreg:$0x1] =	wrdreg $0xFFFFFFFF  }
0xc7: {  	_ =	task.clear_ibuf [dreg:s9], $0x2FFFF;
	_ =	strace $0x9FFFFFFF  }
0xc8: {  	(tm) =	ssettm $0x7FFFFFFF  }
0xc9: {  	_ =	shalt  }
tec
execute0_lowered:
.L_overlay_start_1:
0x0: {  	(tag) =	ssettag $0x1  }
0x1: {  	s0 =	rddreg [dreg:$0x0]  }
0x2: {  	s1 =	rddreg [dreg:$0x1]  }
0x3: {  	s7 =	rddreg [dreg:$0x2]  }
0x4: {  	s8 =	rddreg [dreg:$0x3];
	s3 =	srdreg.scid  }
0x5: {  	s22 =	stileid.u32;
	s2 =	rddreg [dreg:$0x4]  }
0x6: {  	s4 =	simm.s32 $0x0;
	s28 =	simm.s32 $0x2;
	s29 =	simm.s32 $0x3  }
0x7: {  	s31 =	simm.s32 $0x4;
	s9 =	sand.u32 $0x1, s3;
	s3 =	rddreg [dreg:$0x5]  }
0x8: {  	s30 =	simm.s32 $0x0;
	s10 =	sshll.u32 s22, $0x1;
	[smem:$0x7FF] =	sst s4  }
0x9: {  	s6 =	sadd.s32 $0xD800, s0;
	s15 =	sadd.s32 $0x41800, s0;
	s23 =	sadd.s32 $0x69800, s0  }
0xa: {  	s16 =	sadd.s32 $0x91800, s0;
	s17 =	sadd.s32 $0x92800, s0;
	s21 =	sadd.s32 $0x3F800, s0  }
0xb: {  	s11 =	sor.u32 s9, s10;
	_ =	strace $0x80000047;
	s18 =	ssub.s32 $0x2, s9  }
0xc: {  	p0 =	seq.s32 s9, $0x0;
	s5 =	smul.u32 $0x2710, s11;
	s14 =	sshll.u32 s11, $0x7  }
0xd: {  	s24 =	sshrl.u32 s18, $0x1;
	s20 =	smul.u32 $0x190, s11;
	s23 =	smov.u32 @p0 s15  }
0xe: {  	s15 =	sshll.u32 s22, $0xB;
	s17 =	smov.u32 @p0 s16;
	s16 =	smul.u32 $0x4E20, s22  }
0xf: {  	s19 =	sadd.s32 s14, s0;
	s18 =	ssub.s32 s18, s24;
	s25 =	sshrl.u32 s20, $0x3  }
0x10: {  	[dreg:$0x7] =	wrdreg s23;
	s12 =	sshrl.u32 s5, $0x3;
	s7 =	sadd.s32 s7, s25  }
0x11: {  	s13 =	sadd.s32 s12, s0;
	s24 =	sadd.s32 s6, s12;
	[dreg:$0xb] =	wrdreg s7  }
0x12: {  	s5 =	sadd.s32 $0x17600, s0;
	s13 =	sadd.s32 $0x3A00, s13;
	[dreg:$0x8] =	wrdreg s24  }
0x13: {  	s0 =	sadd.s32 $0x40800, s0;
	s26 =	sadd.s32 $0xA, s24;
	[dreg:$0x9] =	wrdreg s13  }
0x14: {  	s12 =	smul.u32 $0x50000, s22;
	s20 =	sadd.s32 $0x14, s24;
	[dreg:$0xa] =	wrdreg s26  }
0x15: {  	s7 =	sadd.s32 s8, s10;
	s0 =	smov.u32 @p0 s21;
	[dreg:$0xd] =	wrdreg s20  }
0x16: {  	s21 =	sadd.s32 $0x4D8, s24;
	s10 =	simm.s32 $0x17900;
	[dreg:$0xf] =	wrdreg s7  }
0x17: {  	s13 =	sadd.s32 s1, s25;
	s26 =	sadd.s32 s8, s11;
	[dreg:$0x18] =	wrdreg s21  }
0x18: {  	s25 =	sshrl.u32 s12, $0x2;
	s20 =	sadd.s32 $0x3E800, s19;
	[dreg:$0xe] =	wrdreg s26  }
0x19: {  	s8 =	smul.u32 $0x2800, s22;
	s11 =	smax.u32 s18, $0x1;
	[dreg:$0x10] =	wrdreg s20  }
0x1a: {  	s12 =	sadd.s32 s15, s3;
	s21 =	simm.s32 $0x17880;
	[dreg:$0x11] =	wrdreg s11  }
0x1b: {  	s14 =	sadd.s32 s25, s2;
	s20 =	sadd.s32 $0x4CE, s24;
	[dreg:$0xc] =	wrdreg s13  }
0x1c: {  	s26 =	sshll.u32 s22, $0x8;
	s22 =	sadd.s32 $0xA, s13;
	[dreg:$0x17] =	wrdreg s20  }
0x1d: {  	s25 =	smul.u32 $0x2710, s9;
	s24 =	sadd.s32 $0x14, s13;
	[dreg:$0x19] =	wrdreg s22  }
0x1e: {  	s9 =	simm.s32 $0x5;
	s1 =	sadd.s32 s23, s8;
	[dreg:$0x1a] =	wrdreg s24  }
0x1f: {  	s11 =	simm.s32 $0x50;
	s15 =	sadd.s32 s17, s26;
	[dreg:$0x12] =	wrdreg s1  }
0x20: {  	s0 =	sadd.s32 s0, s26;
	s26 =	sadd.s32 $0x28, s13;
	[dreg:$0x13] =	wrdreg s15  }
0x21: {  	s20 =	simm.s32 $0x17A00;
	s22 =	simm.s32 $0x1CA80;
	[dreg:$0x14] =	wrdreg s0  }
0x22: {  	s16 =	sadd.s32 s25, s16;
	s25 =	sadd.s32 $0x1E, s13;
	[dreg:$0x1c] =	wrdreg s26  }
0x23: {  	s13 =	simm.s32 $0x17780;
	s15 =	simm.s32 $0x17A80;
	s26 =	simm.s32 $0x1  }
0x24: {  	s17 =	sadd.s32 $0x190, s16;
	s7 =	sadd.s32 $0x140, s16;
	s23 =	sadd.s32 $0xF0, s16  }
0x25: {  	[dreg:$0x1b] =	wrdreg s25;
	s16 =	simm.s32 $0x17980;
	s0 =	sshrl.u32 s17, $0x3  }
0x26: {  	s18 =	sshrl.u32 s7, $0x3;
	s17 =	simm.s32 $0x15000;
	s0 =	sadd.s32 s0, s6  }
0x27: {  	s19 =	sadd.s32 s18, s6;
	s18 =	simm.s32 $0x17800;
	[dreg:$0x15] =	wrdreg s0  }
0x28: {  	v0 =	vimm.f32 $0.0e+00;
	[dreg:$0x16] =	wrdreg s19;
	s19 =	simm.s32 $0x1A280;
	s0 =	simm.s32 $0x14800  }
.LBB2_1:
0x29: {  	s1 =	rddreg [dreg:$0x9]  }
0x2a: {  	[tilespmem:s17], [sflag:$0x5] =	stream.linear.gather [hbm4b:s1+s4], $0x2710, $0x38;
	[tilespmem:$0x1F380] =	vst v63  }
0x2b: {  	_ =	swait.ge [sflag:s9], $0x2710  }
0x2c: {  	[sflag:s9] =	ssyncset.done $0x0  }
0x2d: {  	[sflag:s9] =	ssyncadd.s32 $0xFFFFD8F0  }
0x2e: {  	v1 =	vld [tilespmem:$0x15000]  }
0x2f: {  	v2 =	vld [tilespmem:$0x15010]  }
0x30: {  	v3 =	vld [tilespmem:$0x15020]  }
0x31: {  	v4 =	vld [tilespmem:$0x15030]  }
0x32: {  	v5 =	vld [tilespmem:$0x15040]  }
0x33: {  	[tilespmem:$0x17780] =	vst v1  }
0x34: {  	[tilespmem:$0x17790] =	vst v2  }
0x35: {  	[tilespmem:$0x177A0] =	vst v3  }
0x36: {  	[tilespmem:$0x177B0] =	vst v4  }
0x37: {  	s17 =	rddreg [dreg:$0x8];
	[tilespmem:$0x177C0] =	vst v5  }
0x38: {  	[tilespmem:s10], [sflag:$0x1] =	stream.linear.gather [hbm4b:s17+s4], $0x50, $0x38;
	[tilespmem:$0x1F380] =	vst v63  }
0x39: {  	_ = 	snop  }
0x3a: {  	[tilespmem:s15], [sflag:$0x1] =	stream.indirect.gather [hbm4b:s5+s11], $0x80, s13, s11, $0xb8;
	[tilespmem:$0x1F380] =	vst v63  }
0x3b: {  	v1 =	vld [tilespmem:$0x15050]  }
0x3c: {  	v2 =	vld [tilespmem:$0x15060]  }
0x3d: {  	v3 =	vld [tilespmem:$0x15070]  }
0x3e: {  	v60 =	vld [tilespmem:$0x15080]  }
0x3f: {  	v61 =	vld [tilespmem:$0x15090]  }
0x40: {  	[tilespmem:$0x17800] =	vst v1  }
0x41: {  	[tilespmem:$0x17810] =	vst v2  }
0x42: {  	[tilespmem:$0x17820] =	vst v3  }
0x43: {  	[tilespmem:$0x17830] =	vst v60  }
0x44: {  	s24 =	rddreg [dreg:$0xa];
	[tilespmem:$0x17840] =	vst v61  }
0x45: {  	[tilespmem:s16], [sflag:$0x2] =	stream.linear.gather [hbm4b:s24+s4], $0x50, $0x38;
	[tilespmem:$0x1F380] =	vst v63  }
0x46: {  	_ = 	snop  }
0x47: {  	[tilespmem:s19], [sflag:$0x2] =	stream.indirect.gather [hbm4b:s5+s11], $0x80, s18, s11, $0xb8;
	[tilespmem:$0x1F380] =	vst v63  }
0x48: {  	v1 =	vld [tilespmem:$0x150A0]  }
0x49: {  	v2 =	vld [tilespmem:$0x150B0]  }
0x4a: {  	v3 =	vld [tilespmem:$0x150C0]  }
0x4b: {  	v62 =	vld [tilespmem:$0x150D0]  }
0x4c: {  	v63 =	vld [tilespmem:$0x150E0]  }
0x4d: {  	[tilespmem:$0x17880] =	vst v1  }
0x4e: {  	[tilespmem:$0x17890] =	vst v2  }
0x4f: {  	[tilespmem:$0x178A0] =	vst v3  }
0x50: {  	[tilespmem:$0x178B0] =	vst v62  }
0x51: {  	s25 =	rddreg [dreg:$0xd];
	[tilespmem:$0x178C0] =	vst v63  }
0x52: {  	[tilespmem:s20], [sflag:$0x3] =	stream.linear.gather [hbm4b:s25+s4], $0x50, $0x38;
	[tilespmem:$0x1F380] =	vst v63  }
0x53: {  	s7 =	simm.s32 $0x200;
	s1 =	simm.s32 $0x0  }
0x54: {  	[tilespmem:s22], [sflag:$0x3] =	stream.indirect.gather [hbm4b:s5+s11], $0x80, s21, s11, $0xb8;
	[tilespmem:$0x1F380] =	vst v63  }
.LBB2_2:
0x55: {  	p0 =	sne.s32 s7, $0x1E00;
	[tilespmem:s1+$0x14870] =	vst v0  }
0x56: {  	[tilespmem:s1+$0x14800] =	vst v0  }
0x57: {  	[tilespmem:s1+$0x14810] =	vst v0  }
.Ltmp0:
0x58: {  	[tilespmem:s1+$0x14820] =	vst v0;
	(pc) =	sbr.rel @p0 .LBB2_2-.Ltmp0, $4  }
0x59: {  	[tilespmem:s1+$0x14830] =	vst v0  }
0x5a: {  	[tilespmem:s1+$0x14840] =	vst v0  }
0x5b: {  	[tilespmem:s1+$0x14850] =	vst v0  }
0x5c: {  	[tilespmem:s1+$0x14860] =	vst v0;
	s1 =	sshra.s32 s7, $0x2;
	s7 =	sadd.s32 $0x200, s7  }
0x5d: {  	[tilespmem:s1+$0x14870] =	vst v0  }
0x5e: {  	[tilespmem:s1+$0x14800] =	vst v0  }
0x5f: {  	[tilespmem:s1+$0x14810] =	vst v0  }
0x60: {  	[tilespmem:s1+$0x14820] =	vst v0  }
0x61: {  	[tilespmem:s1+$0x14830] =	vst v0  }
0x62: {  	[tilespmem:s1+$0x14840] =	vst v0  }
0x63: {  	[tilespmem:s1+$0x14850] =	vst v0  }
0x64: {  	[tilespmem:s1+$0x14860] =	vst v0;
	s25 =	sadd.s32 $0x0, s14  }
0x65: {  	[spmem:s25] =	stream.linear.scatter [tilespmem:s0], [sflag:$0x5], $0x800, $0x38;
	[tilespmem:$0x1F380] =	vst v63  }
0x66: {  	s1 =	simm.s32 $0x2000;
	_ =	swait.ge [sflag:s9], $0x800  }
.LBB2_4:
0x67: {  	s7 =	sshra.s32 s1, $0x2;
	[sflag:s9] =	ssyncset.done $0x0;
	p0 =	sne.s32 s1, $0x4E000  }
.Ltmp1:
0x68: {  	s7 =	sadd.s32 s7, s14;
	[sflag:s9] =	ssyncadd.s32 $0xFFFFF800;
	(pc) =	sbr.rel @p0 .LBB2_4-.Ltmp1, $3  }
0x69: {  	[spmem:s7] =	stream.linear.scatter [tilespmem:s0], [sflag:$0x5], $0x800, $0x38;
	[tilespmem:$0x1F380] =	vst v63  }
0x6a: {  	s1 =	sadd.s32 $0x2000, s1;
	_ =	sdelay $0x1  }
0x6b: {  	_ =	swait.ge [sflag:s9], $0x800  }
0x6c: {  	[sflag:s9] =	ssyncset.done $0x0  }
0x6d: {  	[sflag:s9] =	ssyncadd.s32 $0xFFFFF800  }
0x6e: {  	[spmem:s12] =	stream.linear.scatter [tilespmem:s0], [sflag:$0x5], $0x800, $0x38;
	[tilespmem:$0x1F380] =	vst v63  }
0x6f: {  	_ =	swait.ge [sflag:s9], $0x800  }
0x70: {  	[sflag:s9] =	ssyncset.done $0x0  }
0x71: {  	[sflag:s9] =	ssyncadd.s32 $0xFFFFF800  }
0x72: {  	[bflag:$0x0] =	sbarrier.arrive $0xFFFF  }
0x73: {  	_ =	swait.ge [sflag:s26], $0x2800  }
0x74: {  	[sflag:s26] =	ssyncset.done $0x0  }
0x75: {  	[sflag:s26] =	ssyncadd.s32 $0xFFFFD800  }
0x76: {  	_ =	swait.ge [sflag:s26], $0x50  }
0x77: {  	[sflag:s26] =	ssyncset.done $0x0  }
0x78: {  	[sflag:s26] =	ssyncadd.s32 $0xFFFFFFB0  }
0x79: {  	[spmem:s2] =	stream.indirect.scatter.add.f32 [tilespmem:s15], [sflag:$0x5], $0x80, s10, s11, $0xb8;
	[tilespmem:$0x1F380] =	vst v63  }
0x7a: {  	_ =	swait.ge [sflag:s9], $0x2800  }
0x7b: {  	[sflag:s9] =	ssyncset.done $0x0  }
0x7c: {  	s1 =	simm.s32 $0x151D0;
	[sflag:s9] =	ssyncadd.s32 $0xFFFFD800  }
0x7d: {  	v1 =	vld [tilespmem:s1+$0xFFFFFF20];
	_ =	sdelay $0x3  }
0x7e: {  	s7 =	simm.s32 $0x0  }
0x7f: {  	s7 =	sand.u32 $0x3FF0, s7;
	[tilespmem:$0x17780] =	vst v1  }
0x80: {  	v1 =	vld [tilespmem:s7+$0x15100];
	_ =	sdelay $0x4  }
0x81: {  	[tilespmem:$0x17790] =	vst v1  }
0x82: {  	v1 =	vld [tilespmem:s1+$0xFFFFFF40];
	_ =	sdelay $0x4  }
0x83: {  	[tilespmem:$0x177A0] =	vst v1  }
0x84: {  	v1 =	vld [tilespmem:s1+$0xFFFFFF50];
	_ =	sdelay $0x4  }
0x85: {  	[tilespmem:$0x177B0] =	vst v1  }
0x86: {  	v1 =	vld [tilespmem:s1+$0xFFFFFF60];
	_ =	sdelay $0x2  }
0x87: {  	s8 =	sadd.s32 $0x0, s23  }
0x88: {  	s8 =	sshrl.u32 s8, $0x3  }
0x89: {  	s8 =	sadd.s32 s6, s8;
	[tilespmem:$0x177C0] =	vst v1  }
0x8a: {  	[tilespmem:s10], [sflag:$0x1] =	stream.linear.gather [hbm4b:s8+s4], $0x50, $0x38;
	[tilespmem:$0x1F380] =	vst v63  }
0x8b: {  	_ = 	snop  }
0x8c: {  	[tilespmem:s15], [sflag:$0x1] =	stream.indirect.gather [hbm4b:s5+s11], $0x80, s13, s11, $0xb8;
	[tilespmem:$0x1F380] =	vst v63  }
0x8d: {  	_ =	swait.ge [sflag:s28], $0x2800  }
0x8e: {  	[sflag:s28] =	ssyncset.done $0x0  }
0x8f: {  	[sflag:s28] =	ssyncadd.s32 $0xFFFFD800  }
0x90: {  	_ =	swait.ge [sflag:s28], $0x50  }
0x91: {  	[sflag:s28] =	ssyncset.done $0x0  }
0x92: {  	[sflag:s28] =	ssyncadd.s32 $0xFFFFFFB0  }
0x93: {  	[spmem:s2] =	stream.indirect.scatter.add.f32 [tilespmem:s19], [sflag:$0x5], $0x80, s16, s11, $0xb8;
	[tilespmem:$0x1F380] =	vst v63  }
0x94: {  	_ =	swait.ge [sflag:s9], $0x2800  }
0x95: {  	[sflag:s9] =	ssyncset.done $0x0  }
0x96: {  	[sflag:s9] =	ssyncadd.s32 $0xFFFFD800  }
0x97: {  	v1 =	vld [tilespmem:s1+$0xFFFFFF70];
	_ =	sdelay $0x4  }
0x98: {  	[tilespmem:$0x17800] =	vst v1  }
0x99: {  	v1 =	vld [tilespmem:s1+$0xFFFFFF80];
	_ =	sdelay $0x4  }
0x9a: {  	[tilespmem:$0x17810] =	vst v1  }
0x9b: {  	v1 =	vld [tilespmem:s1+$0xFFFFFF90];
	_ =	sdelay $0x4  }
0x9c: {  	[tilespmem:$0x17820] =	vst v1  }
0x9d: {  	v1 =	vld [tilespmem:s1+$0xFFFFFFA0];
	_ =	sdelay $0x4  }
0x9e: {  	[tilespmem:$0x17830] =	vst v1  }
0x9f: {  	v1 =	vld [tilespmem:s7+$0x15180];
	_ =	sdelay $0x4  }
0xa0: {  	s17 =	rddreg [dreg:$0x16];
	[tilespmem:$0x17840] =	vst v1  }
0xa1: {  	[tilespmem:s16], [sflag:$0x2] =	stream.linear.gather [hbm4b:s17+s4], $0x50, $0x38;
	[tilespmem:$0x1F380] =	vst v63  }
0xa2: {  	_ = 	snop  }
0xa3: {  	[tilespmem:s19], [sflag:$0x2] =	stream.indirect.gather [hbm4b:s5+s11], $0x80, s18, s11, $0xb8;
	[tilespmem:$0x1F380] =	vst v63  }
0xa4: {  	_ =	swait.ge [sflag:s29], $0x2800  }
0xa5: {  	[sflag:s29] =	ssyncset.done $0x0  }
0xa6: {  	[sflag:s29] =	ssyncadd.s32 $0xFFFFD800  }
0xa7: {  	_ =	swait.ge [sflag:s29], $0x50  }
0xa8: {  	[sflag:s29] =	ssyncset.done $0x0  }
0xa9: {  	[sflag:s29] =	ssyncadd.s32 $0xFFFFFFB0  }
0xaa: {  	[spmem:s2] =	stream.indirect.scatter.add.f32 [tilespmem:s22], [sflag:$0x5], $0x80, s20, s11, $0xb8;
	[tilespmem:$0x1F380] =	vst v63  }
0xab: {  	_ =	swait.ge [sflag:s9], $0x2800  }
0xac: {  	[sflag:s9] =	ssyncset.done $0x0  }
0xad: {  	[sflag:s9] =	ssyncadd.s32 $0xFFFFD800  }
0xae: {  	v1 =	vld [tilespmem:s1+$0xFFFFFFC0];
	_ =	sdelay $0x4  }
0xaf: {  	[tilespmem:$0x17880] =	vst v1  }
0xb0: {  	v1 =	vld [tilespmem:s1+$0xFFFFFFD0];
	_ =	sdelay $0x4  }
0xb1: {  	[tilespmem:$0x17890] =	vst v1  }
0xb2: {  	v1 =	vld [tilespmem:s1+$0xFFFFFFE0];
	_ =	sdelay $0x4  }
0xb3: {  	[tilespmem:$0x178A0] =	vst v1  }
0xb4: {  	v1 =	vld [tilespmem:s1+$0xFFFFFFF0];
	_ =	sdelay $0x4  }
0xb5: {  	[tilespmem:$0x178B0] =	vst v1  }
0xb6: {  	v1 =	vld [tilespmem:s1+$0x0];
	_ =	sdelay $0x3  }
0xb7: {  	s25 =	smov.u32 s12;
	s12 =	simm.s32 $0x152C0;
	s24 =	rddreg [dreg:$0x15]  }
0xb8: {  	s8 =	sadd.s32 $0x1E, s17;
	s7 =	simm.s32 $0xF0;
	s1 =	sadd.s32 $0x1E, s24;
	[tilespmem:$0x178C0] =	vst v1  }
0xb9: {  	[tilespmem:s20], [sflag:$0x3] =	stream.linear.gather [hbm4b:s24+s4], $0x50, $0x38;
	[tilespmem:$0x1F380] =	vst v63  }
.LBB2_6:
0xba: {  	[tilespmem:s22], [sflag:$0x3] =	stream.indirect.gather [hbm4b:s5+s11], $0x80, s21, s11, $0xb8;
	[tilespmem:$0x1F380] =	vst v63  }
0xbb: {  	s24 =	smov.u32 s7  }
0xbc: {  	p0 =	sne.s32 s7, $0x2490;
	s7 =	sadd.s32 $0xF0, s7;
	_ =	swait.ge [sflag:s26], $0x2800  }
0xbd: {  	[sflag:s26] =	ssyncset.done $0x0  }
0xbe: {  	[sflag:s26] =	ssyncadd.s32 $0xFFFFD800  }
0xbf: {  	_ =	swait.ge [sflag:s26], $0x50  }
0xc0: {  	[sflag:s26] =	ssyncset.done $0x0  }
0xc1: {  	[sflag:s26] =	ssyncadd.s32 $0xFFFFFFB0  }
0xc2: {  	[spmem:s2] =	stream.indirect.scatter.add.f32 [tilespmem:s15], [sflag:$0x5], $0x80, s10, s11, $0xb8;
	[tilespmem:$0x1F380] =	vst v63  }
0xc3: {  	_ =	swait.ge [sflag:s9], $0x2800  }
0xc4: {  	[sflag:s9] =	ssyncset.done $0x0  }
0xc5: {  	[sflag:s9] =	ssyncadd.s32 $0xFFFFD800  }
0xc6: {  	v1 =	vld [tilespmem:s12+$0xFFFFFF20];
	_ =	sdelay $0x4  }
0xc7: {  	s17 =	sand.u32 $0x3FF0, s24;
	[tilespmem:$0x17780] =	vst v1  }
0xc8: {  	v1 =	vld [tilespmem:s17+$0x15100];
	_ =	sdelay $0x4  }
0xc9: {  	[tilespmem:$0x17790] =	vst v1  }
0xca: {  	v1 =	vld [tilespmem:s12+$0xFFFFFF40];
	_ =	sdelay $0x4  }
0xcb: {  	[tilespmem:$0x177A0] =	vst v1  }
0xcc: {  	v1 =	vld [tilespmem:s12+$0xFFFFFF50];
	_ =	sdelay $0x4  }
0xcd: {  	[tilespmem:$0x177B0] =	vst v1  }
0xce: {  	v1 =	vld [tilespmem:s12+$0xFFFFFF60];
	_ =	sdelay $0x2  }
0xcf: {  	s24 =	sadd.s32 s24, s23  }
0xd0: {  	s24 =	sshrl.u32 s24, $0x3  }
0xd1: {  	s24 =	sadd.s32 s6, s24;
	[tilespmem:$0x177C0] =	vst v1  }
0xd2: {  	[tilespmem:s10], [sflag:$0x1] =	stream.linear.gather [hbm4b:s24+s4], $0x50, $0x38;
	[tilespmem:$0x1F380] =	vst v63  }
0xd3: {  	_ = 	snop  }
0xd4: {  	[tilespmem:s15], [sflag:$0x1] =	stream.indirect.gather [hbm4b:s5+s11], $0x80, s13, s11, $0xb8;
	[tilespmem:$0x1F380] =	vst v63  }
0xd5: {  	_ =	swait.ge [sflag:s28], $0x2800  }
0xd6: {  	[sflag:s28] =	ssyncset.done $0x0  }
0xd7: {  	[sflag:s28] =	ssyncadd.s32 $0xFFFFD800  }
0xd8: {  	_ =	swait.ge [sflag:s28], $0x50  }
0xd9: {  	[sflag:s28] =	ssyncset.done $0x0  }
0xda: {  	[sflag:s28] =	ssyncadd.s32 $0xFFFFFFB0  }
0xdb: {  	[spmem:s2] =	stream.indirect.scatter.add.f32 [tilespmem:s19], [sflag:$0x5], $0x80, s16, s11, $0xb8;
	[tilespmem:$0x1F380] =	vst v63  }
0xdc: {  	_ =	swait.ge [sflag:s9], $0x2800  }
0xdd: {  	[sflag:s9] =	ssyncset.done $0x0  }
0xde: {  	[sflag:s9] =	ssyncadd.s32 $0xFFFFD800  }
0xdf: {  	v1 =	vld [tilespmem:s12+$0xFFFFFF70];
	_ =	sdelay $0x4  }
0xe0: {  	[tilespmem:$0x17800] =	vst v1  }
0xe1: {  	v1 =	vld [tilespmem:s12+$0xFFFFFF80];
	_ =	sdelay $0x4  }
0xe2: {  	[tilespmem:$0x17810] =	vst v1  }
0xe3: {  	v1 =	vld [tilespmem:s12+$0xFFFFFF90];
	_ =	sdelay $0x4  }
0xe4: {  	[tilespmem:$0x17820] =	vst v1  }
0xe5: {  	v1 =	vld [tilespmem:s12+$0xFFFFFFA0];
	_ =	sdelay $0x4  }
0xe6: {  	[tilespmem:$0x17830] =	vst v1  }
0xe7: {  	v1 =	vld [tilespmem:s17+$0x15180];
	_ =	sdelay $0x4  }
0xe8: {  	[tilespmem:$0x17840] =	vst v1  }
0xe9: {  	[tilespmem:s16], [sflag:$0x2] =	stream.linear.gather [hbm4b:s8+s4], $0x50, $0x38;
	[tilespmem:$0x1F380] =	vst v63  }
0xea: {  	_ = 	snop  }
0xeb: {  	[tilespmem:s19], [sflag:$0x2] =	stream.indirect.gather [hbm4b:s5+s11], $0x80, s18, s11, $0xb8;
	[tilespmem:$0x1F380] =	vst v63  }
0xec: {  	_ =	swait.ge [sflag:s29], $0x2800  }
0xed: {  	[sflag:s29] =	ssyncset.done $0x0  }
0xee: {  	[sflag:s29] =	ssyncadd.s32 $0xFFFFD800  }
0xef: {  	_ =	swait.ge [sflag:s29], $0x50  }
0xf0: {  	[sflag:s29] =	ssyncset.done $0x0  }
0xf1: {  	[sflag:s29] =	ssyncadd.s32 $0xFFFFFFB0  }
0xf2: {  	[spmem:s2] =	stream.indirect.scatter.add.f32 [tilespmem:s22], [sflag:$0x5], $0x80, s20, s11, $0xb8;
	[tilespmem:$0x1F380] =	vst v63  }
0xf3: {  	_ =	swait.ge [sflag:s9], $0x2800  }
0xf4: {  	[sflag:s9] =	ssyncset.done $0x0  }
0xf5: {  	[sflag:s9] =	ssyncadd.s32 $0xFFFFD800  }
0xf6: {  	v1 =	vld [tilespmem:s12+$0xFFFFFFC0];
	_ =	sdelay $0x4  }
0xf7: {  	[tilespmem:$0x17880] =	vst v1  }
0xf8: {  	v1 =	vld [tilespmem:s12+$0xFFFFFFD0];
	_ =	sdelay $0x4  }
0xf9: {  	[tilespmem:$0x17890] =	vst v1  }
0xfa: {  	v1 =	vld [tilespmem:s12+$0xFFFFFFE0];
	_ =	sdelay $0x4  }
0xfb: {  	[tilespmem:$0x178A0] =	vst v1  }
0xfc: {  	v1 =	vld [tilespmem:s12+$0xFFFFFFF0];
	_ =	sdelay $0x4  }
0xfd: {  	[tilespmem:$0x178B0] =	vst v1  }
0xfe: {  	v1 =	vld [tilespmem:s12+$0x0];
	_ =	sdelay $0x2  }
.Ltmp2:
0xff: {  	(pc) =	sbr.rel @p0 .LBB2_6-.Ltmp2, $4  }
0x100: {  	_ = 	snop  }
0x101: {  	[tilespmem:$0x178C0] =	vst v1  }
0x102: {  	[tilespmem:s20], [sflag:$0x3] =	stream.linear.gather [hbm4b:s1+s4], $0x50, $0x38;
	[tilespmem:$0x1F380] =	vst v63  }
0x103: {  	s8 =	sadd.s32 $0x1E, s8;
	s12 =	sadd.s32 $0xF0, s12;
	s1 =	sadd.s32 $0x1E, s1  }
0x104: {  	[tilespmem:s22], [sflag:$0x3] =	stream.indirect.gather [hbm4b:s5+s11], $0x80, s21, s11, $0xb8;
	[tilespmem:$0x1F380] =	vst v63  }
0x105: {  	_ =	swait.ge [sflag:s26], $0x2800  }
0x106: {  	[sflag:s26] =	ssyncset.done $0x0  }
0x107: {  	[sflag:s26] =	ssyncadd.s32 $0xFFFFD800  }
0x108: {  	_ =	swait.ge [sflag:s26], $0x50  }
0x109: {  	[sflag:s26] =	ssyncset.done $0x0  }
0x10a: {  	[sflag:s26] =	ssyncadd.s32 $0xFFFFFFB0  }
0x10b: {  	[spmem:s2] =	stream.indirect.scatter.add.f32 [tilespmem:s15], [sflag:$0x5], $0x80, s10, s11, $0xb8;
	[tilespmem:$0x1F380] =	vst v63  }
0x10c: {  	_ =	swait.ge [sflag:s9], $0x2800  }
0x10d: {  	[sflag:s9] =	ssyncset.done $0x0  }
0x10e: {  	[sflag:s9] =	ssyncadd.s32 $0xFFFFD800  }
0x10f: {  	v1 =	vld [tilespmem:$0x17670]  }
0x110: {  	v2 =	vld [tilespmem:$0x17680]  }
0x111: {  	v3 =	vld [tilespmem:$0x17690]  }
0x112: {  	v4 =	vld [tilespmem:$0x176A0]  }
0x113: {  	v5 =	vld [tilespmem:$0x176B0]  }
0x114: {  	[tilespmem:$0x17780] =	vst v1  }
0x115: {  	[tilespmem:$0x17790] =	vst v2  }
0x116: {  	[tilespmem:$0x177A0] =	vst v3  }
0x117: {  	[tilespmem:$0x177B0] =	vst v4  }
0x118: {  	s1 =	rddreg [dreg:$0x17];
	[tilespmem:$0x177C0] =	vst v5  }
0x119: {  	[tilespmem:s10], [sflag:$0x1] =	stream.linear.gather [hbm4b:s1+s4], $0x50, $0x38;
	[tilespmem:$0x1F380] =	vst v63  }
0x11a: {  	_ = 	snop  }
0x11b: {  	[tilespmem:s15], [sflag:$0x1] =	stream.indirect.gather [hbm4b:s5+s11], $0x80, s13, s11, $0xb8;
	[tilespmem:$0x1F380] =	vst v63  }
0x11c: {  	_ =	swait.ge [sflag:s28], $0x2800  }
0x11d: {  	[sflag:s28] =	ssyncset.done $0x0  }
0x11e: {  	[sflag:s28] =	ssyncadd.s32 $0xFFFFD800  }
0x11f: {  	_ =	swait.ge [sflag:s28], $0x50  }
0x120: {  	[sflag:s28] =	ssyncset.done $0x0  }
0x121: {  	[sflag:s28] =	ssyncadd.s32 $0xFFFFFFB0  }
0x122: {  	[spmem:s2] =	stream.indirect.scatter.add.f32 [tilespmem:s19], [sflag:$0x5], $0x80, s16, s11, $0xb8;
	[tilespmem:$0x1F380] =	vst v63  }
0x123: {  	_ =	swait.ge [sflag:s9], $0x2800  }
0x124: {  	[sflag:s9] =	ssyncset.done $0x0  }
0x125: {  	[sflag:s9] =	ssyncadd.s32 $0xFFFFD800  }
0x126: {  	v1 =	vld [tilespmem:$0x176C0]  }
0x127: {  	v2 =	vld [tilespmem:$0x176D0]  }
0x128: {  	v3 =	vld [tilespmem:$0x176E0]  }
0x129: {  	v52 =	vld [tilespmem:$0x176F0]  }
0x12a: {  	v53 =	vld [tilespmem:$0x17700]  }
0x12b: {  	[tilespmem:$0x17800] =	vst v1  }
0x12c: {  	[tilespmem:$0x17810] =	vst v2  }
0x12d: {  	[tilespmem:$0x17820] =	vst v3  }
0x12e: {  	[tilespmem:$0x17830] =	vst v52  }
0x12f: {  	s24 =	rddreg [dreg:$0x18];
	[tilespmem:$0x17840] =	vst v53  }
0x130: {  	[tilespmem:s16], [sflag:$0x2] =	stream.linear.gather [hbm4b:s24+s4], $0x50, $0x38;
	[tilespmem:$0x1F380] =	vst v63  }
0x131: {  	_ = 	snop  }
0x132: {  	[tilespmem:s19], [sflag:$0x2] =	stream.indirect.gather [hbm4b:s5+s11], $0x80, s18, s11, $0xb8;
	[tilespmem:$0x1F380] =	vst v63  }
0x133: {  	_ =	swait.ge [sflag:s29], $0x2800  }
0x134: {  	[sflag:s29] =	ssyncset.done $0x0  }
0x135: {  	[sflag:s29] =	ssyncadd.s32 $0xFFFFD800  }
0x136: {  	_ =	swait.ge [sflag:s29], $0x50  }
0x137: {  	[sflag:s29] =	ssyncset.done $0x0  }
0x138: {  	[sflag:s29] =	ssyncadd.s32 $0xFFFFFFB0  }
0x139: {  	[spmem:s2] =	stream.indirect.scatter.add.f32 [tilespmem:s22], [sflag:$0x5], $0x80, s20, s11, $0xb8;
	[tilespmem:$0x1F380] =	vst v63  }
0x13a: {  	_ =	swait.ge [sflag:s9], $0x2800  }
0x13b: {  	[sflag:s9] =	ssyncset.done $0x0  }
0x13c: {  	[sflag:s9] =	ssyncadd.s32 $0xFFFFD800  }
0x13d: {  	_ =	swait.ge [sflag:s26], $0x2800  }
0x13e: {  	[sflag:s26] =	ssyncset.done $0x0  }
0x13f: {  	[sflag:s26] =	ssyncadd.s32 $0xFFFFD800  }
0x140: {  	_ =	swait.ge [sflag:s26], $0x50  }
0x141: {  	[sflag:s26] =	ssyncset.done $0x0  }
0x142: {  	[sflag:s26] =	ssyncadd.s32 $0xFFFFFFB0  }
0x143: {  	[spmem:s2] =	stream.indirect.scatter.add.f32 [tilespmem:s15], [sflag:$0x5], $0x80, s10, s11, $0xb8;
	[tilespmem:$0x1F380] =	vst v63  }
0x144: {  	_ =	swait.ge [sflag:s9], $0x2800  }
0x145: {  	[sflag:s9] =	ssyncset.done $0x0  }
0x146: {  	[sflag:s9] =	ssyncadd.s32 $0xFFFFD800  }
0x147: {  	_ =	swait.ge [sflag:s28], $0x2800  }
0x148: {  	[sflag:s28] =	ssyncset.done $0x0  }
0x149: {  	[sflag:s28] =	ssyncadd.s32 $0xFFFFD800  }
0x14a: {  	_ =	swait.ge [sflag:s28], $0x50  }
0x14b: {  	[sflag:s28] =	ssyncset.done $0x0  }
0x14c: {  	[sflag:s28] =	ssyncadd.s32 $0xFFFFFFB0  }
0x14d: {  	[spmem:s2] =	stream.indirect.scatter.add.f32 [tilespmem:s19], [sflag:$0x5], $0x80, s16, s11, $0xb8;
	[tilespmem:$0x1F380] =	vst v63  }
0x14e: {  	_ =	swait.ge [sflag:s9], $0x2800  }
0x14f: {  	[sflag:s9] =	ssyncset.done $0x0  }
0x150: {  	s17 =	simm.s32 $0x15000;
	s7 =	rddreg [dreg:$0xb];
	[sflag:s9] =	ssyncadd.s32 $0xFFFFD800  }
0x151: {  	[tilespmem:s17], [sflag:$0x5] =	stream.linear.gather [hbm4b:s7+s4], $0x190, $0x38;
	[tilespmem:$0x1F380] =	vst v63  }
0x152: {  	_ =	swait.ge [sflag:s9], $0x190  }
0x153: {  	[sflag:s9] =	ssyncset.done $0x0  }
0x154: {  	[sflag:s9] =	ssyncadd.s32 $0xFFFFFE70  }
0x155: {  	v1 =	vld [tilespmem:$0x15000]  }
0x156: {  	v2 =	vld [tilespmem:$0x15010]  }
0x157: {  	v3 =	vld [tilespmem:$0x15020]  }
0x158: {  	v54 =	vld [tilespmem:$0x15030]  }
0x159: {  	v55 =	vld [tilespmem:$0x15040]  }
0x15a: {  	[tilespmem:$0x17780] =	vst v1  }
0x15b: {  	[tilespmem:$0x17790] =	vst v2  }
0x15c: {  	[tilespmem:$0x177A0] =	vst v3  }
0x15d: {  	[tilespmem:$0x177B0] =	vst v54  }
0x15e: {  	s8 =	rddreg [dreg:$0xc];
	[tilespmem:$0x177C0] =	vst v55  }
0x15f: {  	[tilespmem:s10], [sflag:$0x1] =	stream.linear.gather [hbm4b:s8+s4], $0x50, $0x38;
	[tilespmem:$0x1F380] =	vst v63  }
0x160: {  	_ = 	snop  }
0x161: {  	[tilespmem:s15], [sflag:$0x1] =	stream.indirect.gather [hbm4b:s5+s11], $0x80, s13, s11, $0xb8;
	[tilespmem:$0x1F380] =	vst v63  }
0x162: {  	v1 =	vld [tilespmem:$0x15050]  }
0x163: {  	v2 =	vld [tilespmem:$0x15060]  }
0x164: {  	v3 =	vld [tilespmem:$0x15070]  }
0x165: {  	v56 =	vld [tilespmem:$0x15080]  }
0x166: {  	v57 =	vld [tilespmem:$0x15090]  }
0x167: {  	[tilespmem:$0x17800] =	vst v1  }
0x168: {  	[tilespmem:$0x17810] =	vst v2  }
0x169: {  	[tilespmem:$0x17820] =	vst v3  }
0x16a: {  	[tilespmem:$0x17830] =	vst v56  }
0x16b: {  	s12 =	rddreg [dreg:$0x19];
	[tilespmem:$0x17840] =	vst v57  }
0x16c: {  	[tilespmem:s16], [sflag:$0x2] =	stream.linear.gather [hbm4b:s12+s4], $0x50, $0x38;
	[tilespmem:$0x1F380] =	vst v63  }
0x16d: {  	_ = 	snop  }
0x16e: {  	[tilespmem:s19], [sflag:$0x2] =	stream.indirect.gather [hbm4b:s5+s11], $0x80, s18, s11, $0xb8;
	[tilespmem:$0x1F380] =	vst v63  }
0x16f: {  	v1 =	vld [tilespmem:$0x150A0]  }
0x170: {  	v2 =	vld [tilespmem:$0x150B0]  }
0x171: {  	v3 =	vld [tilespmem:$0x150C0]  }
0x172: {  	v58 =	vld [tilespmem:$0x150D0]  }
0x173: {  	v59 =	vld [tilespmem:$0x150E0]  }
0x174: {  	[tilespmem:$0x17880] =	vst v1  }
0x175: {  	[tilespmem:$0x17890] =	vst v2  }
0x176: {  	[tilespmem:$0x178A0] =	vst v3  }
0x177: {  	[tilespmem:$0x178B0] =	vst v58  }
0x178: {  	s24 =	rddreg [dreg:$0x1a];
	[tilespmem:$0x178C0] =	vst v59  }
0x179: {  	[tilespmem:s20], [sflag:$0x3] =	stream.linear.gather [hbm4b:s24+s4], $0x50, $0x38;
	[tilespmem:$0x1F380] =	vst v63  }
0x17a: {  	_ = 	snop  }
0x17b: {  	[tilespmem:s22], [sflag:$0x3] =	stream.indirect.gather [hbm4b:s5+s11], $0x80, s21, s11, $0xb8;
	[tilespmem:$0x1F380] =	vst v63  }
0x17c: {  	_ =	swait.ge [sflag:s26], $0x2800  }
0x17d: {  	[sflag:s26] =	ssyncset.done $0x0  }
0x17e: {  	[sflag:s26] =	ssyncadd.s32 $0xFFFFD800  }
0x17f: {  	_ =	swait.ge [sflag:s26], $0x50  }
0x180: {  	[sflag:s26] =	ssyncset.done $0x0  }
0x181: {  	[sflag:s26] =	ssyncadd.s32 $0xFFFFFFB0  }
0x182: {  	[spmem:s3] =	stream.indirect.scatter.add.f32 [tilespmem:s15], [sflag:$0x5], $0x80, s10, s11, $0xb8;
	[tilespmem:$0x1F380] =	vst v63  }
0x183: {  	_ =	swait.ge [sflag:s9], $0x2800  }
0x184: {  	[sflag:s9] =	ssyncset.done $0x0  }
0x185: {  	[sflag:s9] =	ssyncadd.s32 $0xFFFFD800  }
0x186: {  	v1 =	vld [tilespmem:$0x150F0]  }
0x187: {  	v2 =	vld [tilespmem:$0x15100]  }
0x188: {  	v3 =	vld [tilespmem:$0x15110]  }
0x189: {  	v60 =	vld [tilespmem:$0x15120]  }
0x18a: {  	v61 =	vld [tilespmem:$0x15130]  }
0x18b: {  	[tilespmem:$0x17780] =	vst v1  }
0x18c: {  	[tilespmem:$0x17790] =	vst v2  }
0x18d: {  	[tilespmem:$0x177A0] =	vst v3  }
0x18e: {  	[tilespmem:$0x177B0] =	vst v60  }
0x18f: {  	s7 =	rddreg [dreg:$0x1b];
	[tilespmem:$0x177C0] =	vst v61  }
0x190: {  	[tilespmem:s10], [sflag:$0x1] =	stream.linear.gather [hbm4b:s7+s4], $0x50, $0x38;
	[tilespmem:$0x1F380] =	vst v63  }
0x191: {  	_ = 	snop  }
0x192: {  	[tilespmem:s15], [sflag:$0x1] =	stream.indirect.gather [hbm4b:s5+s11], $0x80, s13, s11, $0xb8;
	[tilespmem:$0x1F380] =	vst v63  }
0x193: {  	_ =	swait.ge [sflag:s28], $0x2800  }
0x194: {  	[sflag:s28] =	ssyncset.done $0x0  }
0x195: {  	[sflag:s28] =	ssyncadd.s32 $0xFFFFD800  }
0x196: {  	_ =	swait.ge [sflag:s28], $0x50  }
0x197: {  	[sflag:s28] =	ssyncset.done $0x0  }
0x198: {  	[sflag:s28] =	ssyncadd.s32 $0xFFFFFFB0  }
0x199: {  	[spmem:s3] =	stream.indirect.scatter.add.f32 [tilespmem:s19], [sflag:$0x5], $0x80, s16, s11, $0xb8;
	[tilespmem:$0x1F380] =	vst v63  }
0x19a: {  	_ =	swait.ge [sflag:s9], $0x2800  }
0x19b: {  	[sflag:s9] =	ssyncset.done $0x0  }
0x19c: {  	[sflag:s9] =	ssyncadd.s32 $0xFFFFD800  }
0x19d: {  	v1 =	vld [tilespmem:$0x15140]  }
0x19e: {  	v2 =	vld [tilespmem:$0x15150]  }
0x19f: {  	v3 =	vld [tilespmem:$0x15160]  }
0x1a0: {  	v62 =	vld [tilespmem:$0x15170]  }
0x1a1: {  	v63 =	vld [tilespmem:$0x15180]  }
0x1a2: {  	[tilespmem:$0x17800] =	vst v1  }
0x1a3: {  	[tilespmem:$0x17810] =	vst v2  }
0x1a4: {  	[tilespmem:$0x17820] =	vst v3  }
0x1a5: {  	[tilespmem:$0x17830] =	vst v62  }
0x1a6: {  	s8 =	rddreg [dreg:$0x1c];
	[tilespmem:$0x17840] =	vst v63  }
0x1a7: {  	[tilespmem:s16], [sflag:$0x2] =	stream.linear.gather [hbm4b:s8+s4], $0x50, $0x38;
	[tilespmem:$0x1F380] =	vst v63  }
0x1a8: {  	_ = 	snop  }
0x1a9: {  	[tilespmem:s19], [sflag:$0x2] =	stream.indirect.gather [hbm4b:s5+s11], $0x80, s18, s11, $0xb8;
	[tilespmem:$0x1F380] =	vst v63  }
0x1aa: {  	_ =	swait.ge [sflag:s29], $0x2800  }
0x1ab: {  	[sflag:s29] =	ssyncset.done $0x0  }
0x1ac: {  	[sflag:s29] =	ssyncadd.s32 $0xFFFFD800  }
0x1ad: {  	_ =	swait.ge [sflag:s29], $0x50  }
0x1ae: {  	[sflag:s29] =	ssyncset.done $0x0  }
0x1af: {  	[sflag:s29] =	ssyncadd.s32 $0xFFFFFFB0  }
0x1b0: {  	[spmem:s3] =	stream.indirect.scatter.add.f32 [tilespmem:s22], [sflag:$0x5], $0x80, s20, s11, $0xb8;
	[tilespmem:$0x1F380] =	vst v63  }
0x1b1: {  	_ =	swait.ge [sflag:s9], $0x2800  }
0x1b2: {  	[sflag:s9] =	ssyncset.done $0x0  }
0x1b3: {  	[sflag:s9] =	ssyncadd.s32 $0xFFFFD800  }
0x1b4: {  	_ =	swait.ge [sflag:s26], $0x2800  }
0x1b5: {  	[sflag:s26] =	ssyncset.done $0x0  }
0x1b6: {  	[sflag:s26] =	ssyncadd.s32 $0xFFFFD800  }
0x1b7: {  	_ =	swait.ge [sflag:s26], $0x50  }
0x1b8: {  	[sflag:s26] =	ssyncset.done $0x0  }
0x1b9: {  	[sflag:s26] =	ssyncadd.s32 $0xFFFFFFB0  }
0x1ba: {  	[spmem:s3] =	stream.indirect.scatter.add.f32 [tilespmem:s15], [sflag:$0x5], $0x80, s10, s11, $0xb8;
	[tilespmem:$0x1F380] =	vst v63  }
0x1bb: {  	_ =	swait.ge [sflag:s9], $0x2800  }
0x1bc: {  	[sflag:s9] =	ssyncset.done $0x0  }
0x1bd: {  	[sflag:s9] =	ssyncadd.s32 $0xFFFFD800  }
0x1be: {  	_ =	swait.ge [sflag:s28], $0x2800  }
0x1bf: {  	[sflag:s28] =	ssyncset.done $0x0  }
0x1c0: {  	[sflag:s28] =	ssyncadd.s32 $0xFFFFD800  }
0x1c1: {  	_ =	swait.ge [sflag:s28], $0x50  }
0x1c2: {  	[sflag:s28] =	ssyncset.done $0x0  }
0x1c3: {  	[sflag:s28] =	ssyncadd.s32 $0xFFFFFFB0  }
0x1c4: {  	[spmem:s3] =	stream.indirect.scatter.add.f32 [tilespmem:s19], [sflag:$0x5], $0x80, s16, s11, $0xb8;
	[tilespmem:$0x1F380] =	vst v63  }
0x1c5: {  	_ =	swait.ge [sflag:s9], $0x2800  }
0x1c6: {  	[sflag:s9] =	ssyncset.done $0x0  }
0x1c7: {  	s7 =	simm.s32 $0x1F280;
	s12 =	rddreg [dreg:$0xe];
	[sflag:s9] =	ssyncadd.s32 $0xFFFFD800  }
0x1c8: {  	[tilespmem:s7], [sflag:$0x5] =	stream.linear.gather [hbm4b:s12+s4], $0x8, $0x38;
	[tilespmem:$0x1F380] =	vst v63  }
0x1c9: {  	_ =	swait.ge [sflag:s9], $0x8  }
0x1ca: {  	[sflag:s9] =	ssyncset.done $0x0  }
0x1cb: {  	s24 =	simm.s32 $0x8;
	[sflag:s9] =	ssyncadd.s32 $0xFFFFFFF8  }
0x1cc: {  	[tilespmem:s19], [sflag:$0x4] =	stream.indirect.gather [hbm4b:s5+s24], $0x80, s7, s24, $0xb8;
	[tilespmem:$0x1F380] =	vst v63  }
0x1cd: {  	_ =	swait.ge [sflag:s31], $0x400  }
0x1ce: {  	[sflag:s31] =	ssyncset.done $0x0  }
0x1cf: {  	s7 =	rddreg [dreg:$0x10];
	[sflag:s31] =	ssyncadd.s32 $0xFFFFFC00  }
0x1d0: {  	[hbm4b:s7+s4] =	stream.linear.scatter [tilespmem:s19], [sflag:$0x5], $0x400, $0x38;
	[tilespmem:$0x1F380] =	vst v63  }
0x1d1: {  	_ =	swait.ge [sflag:s9], $0x400  }
0x1d2: {  	[sflag:s9] =	ssyncset.done $0x0  }
0x1d3: {  	s8 =	stileid.u32;
	[sflag:s9] =	ssyncadd.s32 $0xFFFFFC00  }
0x1d4: {  	s1 =	sshll.u32 s8, $0x6;
	[bflag:$0x0] =	sbarrier.arrive $0xFFFF  }
0x1d5: {  	s1 =	sor.u32 $0x1C05, s1;
	s12 =	sshrl.u32 s14, $0x3;
	s8 =	rddreg [dreg:$0x12]  }
0x1d6: {  	[hbm:s8], [sflag:s1] =	dma.local [spmem:s12], $0x2800  }
0x1d7: {  	_ =	swait.ge [sflag:s9], $0x2800  }
0x1d8: {  	s24 =	sshrl.u32 s25, $0x3;
	[sflag:s9] =	ssyncset.done $0x0  }
0x1d9: {  	s12 =	smov.u32 s25;
	s25 =	rddreg [dreg:$0x13];
	[sflag:s9] =	ssyncadd.s32 $0xFFFFD800  }
0x1da: {  	[hbm:s25], [sflag:s1] =	dma.local [spmem:s24], $0x100  }
0x1db: {  	_ =	swait.ge [sflag:s9], $0x100  }
0x1dc: {  	[sflag:s9] =	ssyncset.done $0x0  }
0x1dd: {  	[sflag:s9] =	ssyncadd.s32 $0xFFFFFF00  }
0x1de: {  	[bflag:$0x0] =	sbarrier.arrive $0xFFFF  }
0x1df: {  	s8 =	simm.s32 $0x1F300;
	s7 =	rddreg [dreg:$0xf]  }
0x1e0: {  	[tilespmem:s8], [sflag:$0x5] =	stream.linear.gather [hbm4b:s7+s4], $0x10, $0x38;
	[tilespmem:$0x1F380] =	vst v63  }
0x1e1: {  	_ =	swait.ge [sflag:s9], $0x10  }
0x1e2: {  	[sflag:s9] =	ssyncset.done $0x0  }
0x1e3: {  	s25 =	simm.s32 $0x10;
	s24 =	rddreg [dreg:$0x7];
	[sflag:s9] =	ssyncadd.s32 $0xFFFFFFF0  }
0x1e4: {  	[tilespmem:s22], [sflag:$0x4] =	stream.indirect.gather [hbm4b:s24+s25], $0x80, s8, s25, $0xb8;
	[tilespmem:$0x1F380] =	vst v63  }
0x1e5: {  	_ =	swait.ge [sflag:s31], $0x800  }
0x1e6: {  	[sflag:s31] =	ssyncset.done $0x0  }
0x1e7: {  	s24 =	rddreg [dreg:$0x14];
	[sflag:s31] =	ssyncadd.s32 $0xFFFFF800  }
0x1e8: {  	[hbm4b:s24+s4] =	stream.linear.scatter [tilespmem:s22], [sflag:$0x5], $0x800, $0x38;
	[tilespmem:$0x1F380] =	vst v63  }
0x1e9: {  	_ =	swait.ge [sflag:s9], $0x800  }
0x1ea: {  	s30 =	sadd.s32 $0x1, s30;
	s25 =	rddreg [dreg:$0x11]  }
0x1eb: {  	p0 =	sne.s32 s30, s25  }
.Ltmp3:
0x1ec: {  	_ = 	snop;
	(pc) =	sbr.rel @p0 .LBB2_1-.Ltmp3, $3  }
0x1ed: {  	_ =	sdelay $0x1  }
0x1ee: {  	[sflag:s9] =	ssyncset.done $0x0  }
0x1ef: {  	[sflag:s9] =	ssyncadd.s32 $0xFFFFF800  }
0x1f0: {  	_ =	sfence.sel $0x180000  }
0x1f1: {  	[bflag:$0x0] =	sbarrier.arrive $0xFFFF  }
0x1f2: {  	_ =	strace $0x90000047  }
0x1f3: {  	s0 =	stileid.u32;
	[bflag:$0x2] =	sbarrier.arrive $0xFFFF  }
0x1f4: {  	p0 =	sne.s32 s0, $0x0;
	s0 =	rddreg [dreg:$0x6]  }
0x1f5: {  	s0 =	sadd.s32 @!p0 $0x100000, s0  }
0x1f6: {  	[sflag:s0] =	ssyncadd.tile.s32 @!p0 $0x1;
	_ =	shalt  }
.Lfunc_end2:
_tile_overlayer_lowered:
.L_overlay_start_2:
0x1f7: {  	(tag) =	ssettag $0x2  }
0x1f8: {  	s0 =	rddreg [dreg:$0x0];
	s2 =	stileid.u32  }
0x1f9: {  	s1 =	rddreg [dreg:$0x1];
	p0 =	sne.s32 s2, $0x0  }
0x1fa: {  	s3 =	rddreg [dreg:$0x2];
	[bflag:$0x3] =	sbarrier.arrive $0xFFFF;
	s2 =	simm.s32 @!p0 $0x1C05  }
0x1fb: {  	[timem:s3], [sflag:s2] =	dma.local @!p0 [hbm:s0], s1  }
0x1fc: {  	s0 =	simm.s32 @!p0 $0x5  }
0x1fd: {  	_ =	swait.ge @!p0 [sflag:s0], s1  }
0x1fe: {  	s1 =	ssub.s32 @!p0 $0x0, s1;
	[sflag:s0] =	ssyncset.done @!p0 $0x0  }
0x1ff: {  	[sflag:s0] =	ssyncadd.s32 @!p0 s1  }
0x200: {  	[bflag:$0x3] =	sbarrier.arrive $0xFFFF  }
0x201: {  	_ =	shalt  }

</sc_bundles>
